<compile_context>
chip_gen: v7x
topology: tpu7x:2x2x1
jax: 0.10.2.dev20260603
libtpu: 0.0.44.dev20260713+nightly
codegen_flags: <defaults>
</compile_context>

<pallas_src>
import functools

import jax
import jax.numpy as jnp
from jax import lax
from jax.experimental import pallas as pl
from jax.experimental.pallas import tpu as pltpu
from jax.experimental.pallas import tpu_sc as plsc

EPS_LN = 1e-12
L = 16
SP = 16
TG = 8


def _rsqrt_newton(x):
    i = lax.bitcast_convert_type(x, jnp.int32)
    i = jnp.full((L,), 0x5F3759DF, dtype=jnp.int32) - (i >> 1)
    y = lax.bitcast_convert_type(i, jnp.float32)
    half = 0.5 * x
    for _ in range(2):
        y = y * (1.5 - half * y * y)
    return y


def kernel(input_ids, token_type_ids, word_emb, pos_emb, type_emb, ln_weight, ln_bias):
    B, S = input_ids.shape
    H = word_emb.shape[1]
    NJ = H // L
    mesh = plsc.VectorSubcoreMesh(core_axis_name="c", subcore_axis_name="s")
    NW = 32
    assert S % NW == 0 and S // NW == SP

    ids_w = input_ids.reshape(B, NW, SP).transpose(1, 0, 2).reshape(-1).astype(jnp.int32)
    tt_w = token_type_ids.reshape(B, NW, SP).transpose(1, 0, 2).reshape(-1).astype(jnp.int32)

    @functools.partial(
        pl.kernel,
        out_type=jax.ShapeDtypeStruct((B, S, H), jnp.float32),
        mesh=mesh,
        compiler_params=pltpu.CompilerParams(needs_layout_passes=False),
        scratch_types=dict(
            ids_v=pltpu.VMEM((B * SP,), jnp.int32),
            tt_v=pltpu.VMEM((B * SP,), jnp.int32),
            pos_v=pltpu.VMEM((SP, H), jnp.float32),
            ty_v=pltpu.VMEM((2, H), jnp.float32),
            delta_v=pltpu.VMEM((H,), jnp.float32),
            fstage=pltpu.VMEM((2 * L,), jnp.float32),
            wln_v=pltpu.VMEM((H,), jnp.float32),
            bln_v=pltpu.VMEM((H,), jnp.float32),
            wbuf0=pltpu.VMEM((SP, H), jnp.float32),
            wbuf1=pltpu.VMEM((SP, H), jnp.float32),
            obuf0=pltpu.VMEM((SP, H), jnp.float32),
            obuf1=pltpu.VMEM((SP, H), jnp.float32),
            wsem0=pltpu.SemaphoreType.DMA,
            wsem1=pltpu.SemaphoreType.DMA,
            osem0=pltpu.SemaphoreType.DMA,
            osem1=pltpu.SemaphoreType.DMA,
        ),
    )
    def run(ids_hbm, tt_hbm, word_hbm, pos_hbm, type_hbm, w_hbm, b_hbm, out_hbm,
            ids_v, tt_v, pos_v, ty_v, delta_v, fstage, wln_v, bln_v,
            wbuf0, wbuf1, obuf0, obuf1,
            wsem0, wsem1, osem0, osem1):
        wid = lax.axis_index("s") * 2 + lax.axis_index("c")
        s0 = wid * SP

        pltpu.sync_copy(pos_hbm.at[pl.ds(s0, SP)], pos_v)
        pltpu.sync_copy(type_hbm, ty_v)
        pltpu.sync_copy(w_hbm, wln_v)
        pltpu.sync_copy(b_hbm, bln_v)
        pltpu.sync_copy(ids_hbm.at[pl.ds(wid * B * SP, B * SP)], ids_v)
        pltpu.sync_copy(tt_hbm.at[pl.ds(wid * B * SP, B * SP)], tt_v)

        @pl.loop(0, NJ)
        def _build(j):
            col = pl.ds(j * L, L)
            t0 = ty_v[0, col]
            delta_v[col] = ty_v[1, col] - t0
            for i in range(SP):
                pos_v[i, col] = pos_v[i, col] + t0

        wbufs = (wbuf0, wbuf1)
        obufs = (obuf0, obuf1)
        wsems = (wsem0, wsem1)
        osems = (osem0, osem1)

        def start_gather(b, p):
            pltpu.async_copy(
                word_hbm.at[ids_v.at[pl.ds(b * SP, TG)]],
                wbufs[p].at[pl.ds(0, TG)], wsems[p])
            pltpu.async_copy(
                word_hbm.at[ids_v.at[pl.ds(b * SP + TG, TG)]],
                wbufs[p].at[pl.ds(TG, TG)], wsems[p])

        def wait_gather_half(b, p, half):
            pltpu.make_async_copy(
                word_hbm.at[ids_v.at[pl.ds(b * SP + half * TG, TG)]],
                wbufs[p].at[pl.ds(half * TG, TG)], wsems[p]).wait()

        start_gather(0, 0)
        start_gather(1, 1)

        def pass1_group(wbuf, obuf, tbase):
            fb = tuple(
                plsc.load_gather(fstage, [jnp.full((L,), L + tbase + t, jnp.int32)])
                for t in range(TG)
            )

            def pass1(j, carry):
                accs = list(carry[:TG])
                acc2s = list(carry[TG : 2 * TG])
                fbs = carry[2 * TG :]
                col = pl.ds(j * L, L)
                dv = delta_v[col]
                for t in range(TG):
                    v = wbuf[tbase + t, col] + (pos_v[tbase + t, col] + fbs[t] * dv)
                    obuf[tbase + t, col] = v
                    accs[t] = accs[t] + v
                    acc2s[t] = acc2s[t] + v * v
                return tuple(accs) + tuple(acc2s) + fbs

            zeros = jnp.zeros((L,), jnp.float32)
            carry = plsc.parallel_loop(
                0, NJ, carry=(zeros,) * (2 * TG) + fb)(lambda j, c: pass1(j, c))
            inv_h = 1.0 / H
            means = []
            varis = []
            for t in range(TG):
                mean = jnp.sum(carry[t]) * inv_h
                varis.append(jnp.sum(carry[TG + t]) * inv_h - mean * mean)
                means.append(mean)
            return means, varis

        def pass2_group(obuf, tbase, stats):
            means, varis = stats
            ms = tuple(jnp.full((L,), m, jnp.float32) for m in means)
            rs = tuple(
                _rsqrt_newton(jnp.full((L,), v + EPS_LN, jnp.float32)) for v in varis
            )

            def pass2(j, carry):
                mss = carry[:TG]
                rss = carry[TG:]
                col = pl.ds(j * L, L)
                wv = wln_v[col]
                bv = bln_v[col]
                for t in range(TG):
                    rw = rss[t] * wv
                    obuf[tbase + t, col] = (obuf[tbase + t, col] - mss[t]) * rw + bv
                return carry

            plsc.parallel_loop(0, NJ, carry=ms + rs)(lambda j, c: pass2(j, c))

        @pl.loop(0, B, step=2)
        def _bloop(b):
            for q in range(2):
                bb = b + q
                po = q
                ttv = tt_v[pl.ds(bb * SP, SP)]
                fstage[pl.ds(L, L)] = ttv.astype(jnp.float32)

                @pl.when(bb >= 2)
                def _():
                    pltpu.make_async_copy(
                        obufs[po], out_hbm.at[bb, pl.ds(s0, SP)], osems[po]).wait()

                wait_gather_half(bb, q, 0)
                stats0 = pass1_group(wbufs[q], obufs[po], 0)
                wait_gather_half(bb, q, 1)
                stats1 = pass1_group(wbufs[q], obufs[po], TG)

                @pl.when(bb + 2 < B)
                def _():
                    start_gather(bb + 2, q)

                pass2_group(obufs[po], 0, stats0)
                pltpu.async_copy(
                    obufs[po].at[pl.ds(0, TG)],
                    out_hbm.at[bb, pl.ds(s0, TG)], osems[po])
                pass2_group(obufs[po], TG, stats1)
                pltpu.async_copy(
                    obufs[po].at[pl.ds(TG, TG)],
                    out_hbm.at[bb, pl.ds(s0 + TG, TG)], osems[po])

        pltpu.make_async_copy(obufs[0], out_hbm.at[B - 2, pl.ds(s0, SP)], osems[0]).wait()
        pltpu.make_async_copy(obufs[1], out_hbm.at[B - 1, pl.ds(s0, SP)], osems[1]).wait()

    return run(ids_w, tt_w, word_emb, pos_emb, type_emb, ln_weight, ln_bias)

# --- scband reference (transcript-rebuilt; emitter-appended) ---
"""Pipeline reference for scband-sparse-bert-embeddings-72206990180783 (READ-ONLY COPY).

The authoritative reference and input builder live on the scoring server;
editing this copy changes nothing except your own understanding.
"""

import jax, jax.numpy as jnp
import numpy as np

VOCAB = 30522
HIDDEN = 768
MAX_POS = 512
TYPE_VOCAB = 2
BATCH = 128
SEQ = 512
EPS = 1e-12


def setup_inputs(seed: int = 0) -> dict:
    key = jax.random.key(seed)
    k1, k2, k3, k4, k5 = jax.random.split(key, 5)
    input_ids = jax.random.randint(k1, (BATCH, SEQ), 0, VOCAB)
    token_type_ids = jax.random.randint(k2, (BATCH, SEQ), 0, TYPE_VOCAB)
    word_emb = jax.random.normal(k3, (VOCAB, HIDDEN), dtype=jnp.float32) * 0.02
    pos_emb = jax.random.normal(k4, (MAX_POS, HIDDEN), dtype=jnp.float32) * 0.02
    type_emb = jax.random.normal(k5, (TYPE_VOCAB, HIDDEN), dtype=jnp.float32) * 0.02
    ln_weight = jnp.ones((HIDDEN,), dtype=jnp.float32)
    ln_bias = jnp.zeros((HIDDEN,), dtype=jnp.float32)
    return {
        "input_ids": input_ids,
        "token_type_ids": token_type_ids,
        "word_emb": word_emb,
        "pos_emb": pos_emb,
        "type_emb": type_emb,
        "ln_weight": ln_weight,
        "ln_bias": ln_bias,
    }


def reference(input_ids, token_type_ids, word_emb, pos_emb, type_emb, ln_weight, ln_bias):
    seq_length = input_ids.shape[1]
    inputs_embeds = jnp.take(word_emb, input_ids, axis=0)
    token_type_embeddings = jnp.take(type_emb, token_type_ids, axis=0)
    embeddings = inputs_embeds + token_type_embeddings
    position_ids = jnp.arange(seq_length)
    position_embeddings = jnp.take(pos_emb, position_ids, axis=0)[None, :, :]
    embeddings = embeddings + position_embeddings
    # LayerNorm over last dim
    mean = jnp.mean(embeddings, axis=-1, keepdims=True)
    var = jnp.mean(jnp.square(embeddings - mean), axis=-1, keepdims=True)
    normed = (embeddings - mean) / jnp.sqrt(var + EPS)
    out = normed * ln_weight + ln_bias
    # dropout is identity in eval mode
    return out

if __name__ == "__main__":
    import jax
    _d = setup_inputs()
    print(jax.jit(kernel)(*tuple(_d.values())))

</pallas_src>

<mosaic_0001>
#map = affine_map<(d0, d1) -> (0)>
#map1 = affine_map<(d0, d1) -> (0, 0)>
#map2 = affine_map<(d0, d1) -> (0, 0, 0)>
module attributes {stable_mosaic.version = 14 : i64} {
  func.func @run(%arg0: i32, %arg1: i32, %arg2: memref<65536xi32, #tpu.memory_space<hbm>>, %arg3: memref<65536xi32, #tpu.memory_space<hbm>>, %arg4: memref<30522x768xf32, #tpu.memory_space<hbm>>, %arg5: memref<512x768xf32, #tpu.memory_space<hbm>>, %arg6: memref<2x768xf32, #tpu.memory_space<hbm>>, %arg7: memref<768xf32, #tpu.memory_space<hbm>>, %arg8: memref<768xf32, #tpu.memory_space<hbm>>, %arg9: memref<128x512x768xf32, #tpu.memory_space<hbm>>, %arg10: memref<768xf32, #tpu.memory_space<vmem>>, %arg11: memref<768xf32, #tpu.memory_space<vmem>>, %arg12: memref<32xf32, #tpu.memory_space<vmem>>, %arg13: memref<2048xi32, #tpu.memory_space<vmem>>, %arg14: memref<16x768xf32, #tpu.memory_space<vmem>>, %arg15: memref<16x768xf32, #tpu.memory_space<vmem>>, %arg16: memref<!tpu.dma_semaphore, #tpu.memory_space<semaphore_mem>>, %arg17: memref<!tpu.dma_semaphore, #tpu.memory_space<semaphore_mem>>, %arg18: memref<16x768xf32, #tpu.memory_space<vmem>>, %arg19: memref<2048xi32, #tpu.memory_space<vmem>>, %arg20: memref<2x768xf32, #tpu.memory_space<vmem>>, %arg21: memref<16x768xf32, #tpu.memory_space<vmem>>, %arg22: memref<16x768xf32, #tpu.memory_space<vmem>>, %arg23: memref<768xf32, #tpu.memory_space<vmem>>, %arg24: memref<!tpu.dma_semaphore, #tpu.memory_space<semaphore_mem>>, %arg25: memref<!tpu.dma_semaphore, #tpu.memory_space<semaphore_mem>>) attributes {dimension_semantics = [#tpu.dimension_semantics<core_parallel>, #tpu.dimension_semantics<subcore_parallel>], iteration_bounds = array<i64: 2, 16>, scalar_prefetch = 0 : i64, scratch_operands = 16 : i64, tpu.core_type = #tpu.core_type<sc_vector_subcore>, window_params = [{transform_indices = #map}, {transform_indices = #map}, {transform_indices = #map1}, {transform_indices = #map1}, {transform_indices = #map1}, {transform_indices = #map}, {transform_indices = #map}, {transform_indices = #map2}]} {
    %mul3A = arith.constant 2 : i32
    %mul3A_0 = arith.muli %arg1, %mul3A : i32
    %add3A = arith.addi %mul3A_0, %arg0 : i32
    %mul3A_1 = arith.constant 16 : i32
    %mul3A_2 = arith.muli %add3A, %mul3A_1 : i32
    "tpu.region"() ({
      %run_scoped3A = tpu.sem_alloc : memref<!tpu.dma_semaphore, #tpu.memory_space<semaphore_mem>>
      %dma_start3A_64 = arith.constant 0 : i32
      %dma_start3A_65 = tpu.memref_slice %arg5[%mul3A_2, %dma_start3A_64] : memref<512x768xf32, #tpu.memory_space<hbm>> -> memref<16x768xf32, #tpu.memory_space<hbm>>
      %dma_start3A_66 = arith.constant 0 : i32
      %dma_start3A_67 = tpu.memref_slice %arg5[%mul3A_2, %dma_start3A_66] : memref<512x768xf32, #tpu.memory_space<hbm>> -> memref<16x768xf32, #tpu.memory_space<hbm>>
      tpu.enqueue_dma source(%dma_start3A_67 : memref<16x768xf32, #tpu.memory_space<hbm>>) target(%arg18 : memref<16x768xf32, #tpu.memory_space<vmem>>) target_semaphore(%run_scoped3A : memref<!tpu.dma_semaphore, #tpu.memory_space<semaphore_mem>>)
      %dma_wait3A_68 = arith.constant 0 : i32
      %dma_wait3A_69 = tpu.memref_slice %arg5[%mul3A_2, %dma_wait3A_68] : memref<512x768xf32, #tpu.memory_space<hbm>> -> memref<16x768xf32, #tpu.memory_space<hbm>>
      %dma_wait3A_70 = arith.constant 0 : i32
      %dma_wait3A_71 = tpu.memref_slice %arg5[%mul3A_2, %dma_wait3A_70] : memref<512x768xf32, #tpu.memory_space<hbm>> -> memref<16x768xf32, #tpu.memory_space<hbm>>
      tpu.wait_dma2 semaphore(%run_scoped3A : memref<!tpu.dma_semaphore, #tpu.memory_space<semaphore_mem>>) src(%dma_wait3A_71 : memref<16x768xf32, #tpu.memory_space<hbm>>) dst(%arg18 : memref<16x768xf32, #tpu.memory_space<vmem>>)
      tpu.yield
    }) : () -> ()
    "tpu.region"() ({
      %run_scoped3A = tpu.sem_alloc : memref<!tpu.dma_semaphore, #tpu.memory_space<semaphore_mem>>
      tpu.enqueue_dma source(%arg6 : memref<2x768xf32, #tpu.memory_space<hbm>>) target(%arg20 : memref<2x768xf32, #tpu.memory_space<vmem>>) target_semaphore(%run_scoped3A : memref<!tpu.dma_semaphore, #tpu.memory_space<semaphore_mem>>)
      tpu.wait_dma2 semaphore(%run_scoped3A : memref<!tpu.dma_semaphore, #tpu.memory_space<semaphore_mem>>) src(%arg6 : memref<2x768xf32, #tpu.memory_space<hbm>>) dst(%arg20 : memref<2x768xf32, #tpu.memory_space<vmem>>)
      tpu.yield
    }) : () -> ()
    "tpu.region"() ({
      %run_scoped3A = tpu.sem_alloc : memref<!tpu.dma_semaphore, #tpu.memory_space<semaphore_mem>>
      tpu.enqueue_dma source(%arg7 : memref<768xf32, #tpu.memory_space<hbm>>) target(%arg23 : memref<768xf32, #tpu.memory_space<vmem>>) target_semaphore(%run_scoped3A : memref<!tpu.dma_semaphore, #tpu.memory_space<semaphore_mem>>)
      tpu.wait_dma2 semaphore(%run_scoped3A : memref<!tpu.dma_semaphore, #tpu.memory_space<semaphore_mem>>) src(%arg7 : memref<768xf32, #tpu.memory_space<hbm>>) dst(%arg23 : memref<768xf32, #tpu.memory_space<vmem>>)
      tpu.yield
    }) : () -> ()
    "tpu.region"() ({
      %run_scoped3A = tpu.sem_alloc : memref<!tpu.dma_semaphore, #tpu.memory_space<semaphore_mem>>
      tpu.enqueue_dma source(%arg8 : memref<768xf32, #tpu.memory_space<hbm>>) target(%arg10 : memref<768xf32, #tpu.memory_space<vmem>>) target_semaphore(%run_scoped3A : memref<!tpu.dma_semaphore, #tpu.memory_space<semaphore_mem>>)
      tpu.wait_dma2 semaphore(%run_scoped3A : memref<!tpu.dma_semaphore, #tpu.memory_space<semaphore_mem>>) src(%arg8 : memref<768xf32, #tpu.memory_space<hbm>>) dst(%arg10 : memref<768xf32, #tpu.memory_space<vmem>>)
      tpu.yield
    }) : () -> ()
    %mul3A_3 = arith.constant 128 : i32
    %mul3A_4 = arith.muli %add3A, %mul3A_3 : i32
    %mul3A_5 = arith.constant 16 : i32
    %mul3A_6 = arith.muli %mul3A_4, %mul3A_5 : i32
    "tpu.region"() ({
      %run_scoped3A = tpu.sem_alloc : memref<!tpu.dma_semaphore, #tpu.memory_space<semaphore_mem>>
      %dma_start3A_64 = tpu.memref_slice %arg2[%mul3A_6] : memref<65536xi32, #tpu.memory_space<hbm>> -> memref<2048xi32, #tpu.memory_space<hbm>>
      %dma_start3A_65 = tpu.memref_slice %arg2[%mul3A_6] : memref<65536xi32, #tpu.memory_space<hbm>> -> memref<2048xi32, #tpu.memory_space<hbm>>
      tpu.enqueue_dma source(%dma_start3A_65 : memref<2048xi32, #tpu.memory_space<hbm>>) target(%arg13 : memref<2048xi32, #tpu.memory_space<vmem>>) target_semaphore(%run_scoped3A : memref<!tpu.dma_semaphore, #tpu.memory_space<semaphore_mem>>)
      %dma_wait3A_66 = tpu.memref_slice %arg2[%mul3A_6] : memref<65536xi32, #tpu.memory_space<hbm>> -> memref<2048xi32, #tpu.memory_space<hbm>>
      %dma_wait3A_67 = tpu.memref_slice %arg2[%mul3A_6] : memref<65536xi32, #tpu.memory_space<hbm>> -> memref<2048xi32, #tpu.memory_space<hbm>>
      tpu.wait_dma2 semaphore(%run_scoped3A : memref<!tpu.dma_semaphore, #tpu.memory_space<semaphore_mem>>) src(%dma_wait3A_67 : memref<2048xi32, #tpu.memory_space<hbm>>) dst(%arg13 : memref<2048xi32, #tpu.memory_space<vmem>>)
      tpu.yield
    }) : () -> ()
    %mul3A_7 = arith.constant 128 : i32
    %mul3A_8 = arith.muli %add3A, %mul3A_7 : i32
    %mul3A_9 = arith.constant 16 : i32
    %mul3A_10 = arith.muli %mul3A_8, %mul3A_9 : i32
    "tpu.region"() ({
      %run_scoped3A = tpu.sem_alloc : memref<!tpu.dma_semaphore, #tpu.memory_space<semaphore_mem>>
      %dma_start3A_64 = tpu.memref_slice %arg3[%mul3A_10] : memref<65536xi32, #tpu.memory_space<hbm>> -> memref<2048xi32, #tpu.memory_space<hbm>>
      %dma_start3A_65 = tpu.memref_slice %arg3[%mul3A_10] : memref<65536xi32, #tpu.memory_space<hbm>> -> memref<2048xi32, #tpu.memory_space<hbm>>
      tpu.enqueue_dma source(%dma_start3A_65 : memref<2048xi32, #tpu.memory_space<hbm>>) target(%arg19 : memref<2048xi32, #tpu.memory_space<vmem>>) target_semaphore(%run_scoped3A : memref<!tpu.dma_semaphore, #tpu.memory_space<semaphore_mem>>)
      %dma_wait3A_66 = tpu.memref_slice %arg3[%mul3A_10] : memref<65536xi32, #tpu.memory_space<hbm>> -> memref<2048xi32, #tpu.memory_space<hbm>>
      %dma_wait3A_67 = tpu.memref_slice %arg3[%mul3A_10] : memref<65536xi32, #tpu.memory_space<hbm>> -> memref<2048xi32, #tpu.memory_space<hbm>>
      tpu.wait_dma2 semaphore(%run_scoped3A : memref<!tpu.dma_semaphore, #tpu.memory_space<semaphore_mem>>) src(%dma_wait3A_67 : memref<2048xi32, #tpu.memory_space<hbm>>) dst(%arg19 : memref<2048xi32, #tpu.memory_space<vmem>>)
      tpu.yield
    }) : () -> ()
    %scan3A = arith.constant 0 : i32
    %scan3A_11 = arith.constant 48 : i32
    %scan3A_12 = arith.addi %scan3A, %scan3A_11 : i32
    %scan3A_13 = arith.constant 1 : i32
    scf.for %scan3A_64 = %scan3A to %scan3A_12 step %scan3A_13  : i32 {
      %mul3A_65 = arith.constant 1 : i32
      %mul3A_66 = arith.muli %scan3A_64, %mul3A_65 : i32
      %add3A_67 = arith.constant 0 : i32
      %add3A_68 = arith.addi %add3A_67, %mul3A_66 : i32
      %mul3A_69 = arith.constant 16 : i32
      %mul3A_70 = arith.muli %add3A_68, %mul3A_69 : i32
      %get3A = arith.constant 0 : i32
      %get3A_71 = arith.index_cast %get3A : i32 to index
      %get3A_72 = arith.index_cast %mul3A_70 : i32 to index
      %get3A_73 = tpu.vector_load %arg20[%get3A_71, %get3A_72] {strides = array<i32>} : memref<2x768xf32, #tpu.memory_space<vmem>>, vector<16xf32>,
      %get3A_74 = arith.constant 1 : i32
      %get3A_75 = arith.index_cast %get3A_74 : i32 to index
      %get3A_76 = arith.index_cast %mul3A_70 : i32 to index
      %get3A_77 = tpu.vector_load %arg20[%get3A_75, %get3A_76] {strides = array<i32>} : memref<2x768xf32, #tpu.memory_space<vmem>>, vector<16xf32>,
      %sub3A = arith.subf %get3A_77, %get3A_73 : vector<16xf32>
      %swap3A = arith.index_cast %mul3A_70 : i32 to index
      %swap3A_78 = tpu.vector_load %arg11[%swap3A] {strides = array<i32>} : memref<768xf32, #tpu.memory_space<vmem>>, vector<16xf32>,
      tpu.vector_store %arg11[%swap3A], %sub3A {strides = array<i32>} : memref<768xf32, #tpu.memory_space<vmem>>, vector<16xf32>,
      %get3A_79 = arith.constant 0 : i32
      %get3A_80 = arith.index_cast %get3A_79 : i32 to index
      %get3A_81 = arith.index_cast %mul3A_70 : i32 to index
      %get3A_82 = tpu.vector_load %arg18[%get3A_80, %get3A_81] {strides = array<i32>} : memref<16x768xf32, #tpu.memory_space<vmem>>, vector<16xf32>,
      %add3A_83 = arith.addf %get3A_82, %get3A_73 : vector<16xf32>
      %swap3A_84 = arith.constant 0 : i32
      %swap3A_85 = arith.index_cast %swap3A_84 : i32 to index
      %swap3A_86 = arith.index_cast %mul3A_70 : i32 to index
      %swap3A_87 = tpu.vector_load %arg18[%swap3A_85, %swap3A_86] {strides = array<i32>} : memref<16x768xf32, #tpu.memory_space<vmem>>, vector<16xf32>,
      tpu.vector_store %arg18[%swap3A_85, %swap3A_86], %add3A_83 {strides = array<i32>} : memref<16x768xf32, #tpu.memory_space<vmem>>, vector<16xf32>,
      %get3A_88 = arith.constant 1 : i32
      %get3A_89 = arith.index_cast %get3A_88 : i32 to index
      %get3A_90 = arith.index_cast %mul3A_70 : i32 to index
      %get3A_91 = tpu.vector_load %arg18[%get3A_89, %get3A_90] {strides = array<i32>} : memref<16x768xf32, #tpu.memory_space<vmem>>, vector<16xf32>,
      %add3A_92 = arith.addf %get3A_91, %get3A_73 : vector<16xf32>
      %swap3A_93 = arith.constant 1 : i32
      %swap3A_94 = arith.index_cast %swap3A_93 : i32 to index
      %swap3A_95 = arith.index_cast %mul3A_70 : i32 to index
      %swap3A_96 = tpu.vector_load %arg18[%swap3A_94, %swap3A_95] {strides = array<i32>} : memref<16x768xf32, #tpu.memory_space<vmem>>, vector<16xf32>,
      tpu.vector_store %arg18[%swap3A_94, %swap3A_95], %add3A_92 {strides = array<i32>} : memref<16x768xf32, #tpu.memory_space<vmem>>, vector<16xf32>,
      %get3A_97 = arith.constant 2 : i32
      %get3A_98 = arith.index_cast %get3A_97 : i32 to index
      %get3A_99 = arith.index_cast %mul3A_70 : i32 to index
      %get3A_100 = tpu.vector_load %arg18[%get3A_98, %get3A_99] {strides = array<i32>} : memref<16x768xf32, #tpu.memory_space<vmem>>, vector<16xf32>,
      %add3A_101 = arith.addf %get3A_100, %get3A_73 : vector<16xf32>
      %swap3A_102 = arith.constant 2 : i32
      %swap3A_103 = arith.index_cast %swap3A_102 : i32 to index
      %swap3A_104 = arith.index_cast %mul3A_70 : i32 to index
      %swap3A_105 = tpu.vector_load %arg18[%swap3A_103, %swap3A_104] {strides = array<i32>} : memref<16x768xf32, #tpu.memory_space<vmem>>, vector<16xf32>,
      tpu.vector_store %arg18[%swap3A_103, %swap3A_104], %add3A_101 {strides = array<i32>} : memref<16x768xf32, #tpu.memory_space<vmem>>, vector<16xf32>,
      %get3A_106 = arith.constant 3 : i32
      %get3A_107 = arith.index_cast %get3A_106 : i32 to index
      %get3A_108 = arith.index_cast %mul3A_70 : i32 to index
      %get3A_109 = tpu.vector_load %arg18[%get3A_107, %get3A_108] {strides = array<i32>} : memref<16x768xf32, #tpu.memory_space<vmem>>, vector<16xf32>,
      %add3A_110 = arith.addf %get3A_109, %get3A_73 : vector<16xf32>
      %swap3A_111 = arith.constant 3 : i32
      %swap3A_112 = arith.index_cast %swap3A_111 : i32 to index
      %swap3A_113 = arith.index_cast %mul3A_70 : i32 to index
      %swap3A_114 = tpu.vector_load %arg18[%swap3A_112, %swap3A_113] {strides = array<i32>} : memref<16x768xf32, #tpu.memory_space<vmem>>, vector<16xf32>,
      tpu.vector_store %arg18[%swap3A_112, %swap3A_113], %add3A_110 {strides = array<i32>} : memref<16x768xf32, #tpu.memory_space<vmem>>, vector<16xf32>,
      %get3A_115 = arith.constant 4 : i32
      %get3A_116 = arith.index_cast %get3A_115 : i32 to index
      %get3A_117 = arith.index_cast %mul3A_70 : i32 to index
      %get3A_118 = tpu.vector_load %arg18[%get3A_116, %get3A_117] {strides = array<i32>} : memref<16x768xf32, #tpu.memory_space<vmem>>, vector<16xf32>,
      %add3A_119 = arith.addf %get3A_118, %get3A_73 : vector<16xf32>
      %swap3A_120 = arith.constant 4 : i32
      %swap3A_121 = arith.index_cast %swap3A_120 : i32 to index
      %swap3A_122 = arith.index_cast %mul3A_70 : i32 to index
      %swap3A_123 = tpu.vector_load %arg18[%swap3A_121, %swap3A_122] {strides = array<i32>} : memref<16x768xf32, #tpu.memory_space<vmem>>, vector<16xf32>,
      tpu.vector_store %arg18[%swap3A_121, %swap3A_122], %add3A_119 {strides = array<i32>} : memref<16x768xf32, #tpu.memory_space<vmem>>, vector<16xf32>,
      %get3A_124 = arith.constant 5 : i32
      %get3A_125 = arith.index_cast %get3A_124 : i32 to index
      %get3A_126 = arith.index_cast %mul3A_70 : i32 to index
      %get3A_127 = tpu.vector_load %arg18[%get3A_125, %get3A_126] {strides = array<i32>} : memref<16x768xf32, #tpu.memory_space<vmem>>, vector<16xf32>,
      %add3A_128 = arith.addf %get3A_127, %get3A_73 : vector<16xf32>
      %swap3A_129 = arith.constant 5 : i32
      %swap3A_130 = arith.index_cast %swap3A_129 : i32 to index
      %swap3A_131 = arith.index_cast %mul3A_70 : i32 to index
      %swap3A_132 = tpu.vector_load %arg18[%swap3A_130, %swap3A_131] {strides = array<i32>} : memref<16x768xf32, #tpu.memory_space<vmem>>, vector<16xf32>,
      tpu.vector_store %arg18[%swap3A_130, %swap3A_131], %add3A_128 {strides = array<i32>} : memref<16x768xf32, #tpu.memory_space<vmem>>, vector<16xf32>,
      %get3A_133 = arith.constant 6 : i32
      %get3A_134 = arith.index_cast %get3A_133 : i32 to index
      %get3A_135 = arith.index_cast %mul3A_70 : i32 to index
      %get3A_136 = tpu.vector_load %arg18[%get3A_134, %get3A_135] {strides = array<i32>} : memref<16x768xf32, #tpu.memory_space<vmem>>, vector<16xf32>,
      %add3A_137 = arith.addf %get3A_136, %get3A_73 : vector<16xf32>
      %swap3A_138 = arith.constant 6 : i32
      %swap3A_139 = arith.index_cast %swap3A_138 : i32 to index
      %swap3A_140 = arith.index_cast %mul3A_70 : i32 to index
      %swap3A_141 = tpu.vector_load %arg18[%swap3A_139, %swap3A_140] {strides = array<i32>} : memref<16x768xf32, #tpu.memory_space<vmem>>, vector<16xf32>,
      tpu.vector_store %arg18[%swap3A_139, %swap3A_140], %add3A_137 {strides = array<i32>} : memref<16x768xf32, #tpu.memory_space<vmem>>, vector<16xf32>,
      %get3A_142 = arith.constant 7 : i32
      %get3A_143 = arith.index_cast %get3A_142 : i32 to index
      %get3A_144 = arith.index_cast %mul3A_70 : i32 to index
      %get3A_145 = tpu.vector_load %arg18[%get3A_143, %get3A_144] {strides = array<i32>} : memref<16x768xf32, #tpu.memory_space<vmem>>, vector<16xf32>,
      %add3A_146 = arith.addf %get3A_145, %get3A_73 : vector<16xf32>
      %swap3A_147 = arith.constant 7 : i32
      %swap3A_148 = arith.index_cast %swap3A_147 : i32 to index
      %swap3A_149 = arith.index_cast %mul3A_70 : i32 to index
      %swap3A_150 = tpu.vector_load %arg18[%swap3A_148, %swap3A_149] {strides = array<i32>} : memref<16x768xf32, #tpu.memory_space<vmem>>, vector<16xf32>,
      tpu.vector_store %arg18[%swap3A_148, %swap3A_149], %add3A_146 {strides = array<i32>} : memref<16x768xf32, #tpu.memory_space<vmem>>, vector<16xf32>,
      %get3A_151 = arith.constant 8 : i32
      %get3A_152 = arith.index_cast %get3A_151 : i32 to index
      %get3A_153 = arith.index_cast %mul3A_70 : i32 to index
      %get3A_154 = tpu.vector_load %arg18[%get3A_152, %get3A_153] {strides = array<i32>} : memref<16x768xf32, #tpu.memory_space<vmem>>, vector<16xf32>,
      %add3A_155 = arith.addf %get3A_154, %get3A_73 : vector<16xf32>
      %swap3A_156 = arith.constant 8 : i32
      %swap3A_157 = arith.index_cast %swap3A_156 : i32 to index
      %swap3A_158 = arith.index_cast %mul3A_70 : i32 to index
      %swap3A_159 = tpu.vector_load %arg18[%swap3A_157, %swap3A_158] {strides = array<i32>} : memref<16x768xf32, #tpu.memory_space<vmem>>, vector<16xf32>,
      tpu.vector_store %arg18[%swap3A_157, %swap3A_158], %add3A_155 {strides = array<i32>} : memref<16x768xf32, #tpu.memory_space<vmem>>, vector<16xf32>,
      %get3A_160 = arith.constant 9 : i32
      %get3A_161 = arith.index_cast %get3A_160 : i32 to index
      %get3A_162 = arith.index_cast %mul3A_70 : i32 to index
      %get3A_163 = tpu.vector_load %arg18[%get3A_161, %get3A_162] {strides = array<i32>} : memref<16x768xf32, #tpu.memory_space<vmem>>, vector<16xf32>,
      %add3A_164 = arith.addf %get3A_163, %get3A_73 : vector<16xf32>
      %swap3A_165 = arith.constant 9 : i32
      %swap3A_166 = arith.index_cast %swap3A_165 : i32 to index
      %swap3A_167 = arith.index_cast %mul3A_70 : i32 to index
      %swap3A_168 = tpu.vector_load %arg18[%swap3A_166, %swap3A_167] {strides = array<i32>} : memref<16x768xf32, #tpu.memory_space<vmem>>, vector<16xf32>,
      tpu.vector_store %arg18[%swap3A_166, %swap3A_167], %add3A_164 {strides = array<i32>} : memref<16x768xf32, #tpu.memory_space<vmem>>, vector<16xf32>,
      %get3A_169 = arith.constant 10 : i32
      %get3A_170 = arith.index_cast %get3A_169 : i32 to index
      %get3A_171 = arith.index_cast %mul3A_70 : i32 to index
      %get3A_172 = tpu.vector_load %arg18[%get3A_170, %get3A_171] {strides = array<i32>} : memref<16x768xf32, #tpu.memory_space<vmem>>, vector<16xf32>,
      %add3A_173 = arith.addf %get3A_172, %get3A_73 : vector<16xf32>
      %swap3A_174 = arith.constant 10 : i32
      %swap3A_175 = arith.index_cast %swap3A_174 : i32 to index
      %swap3A_176 = arith.index_cast %mul3A_70 : i32 to index
      %swap3A_177 = tpu.vector_load %arg18[%swap3A_175, %swap3A_176] {strides = array<i32>} : memref<16x768xf32, #tpu.memory_space<vmem>>, vector<16xf32>,
      tpu.vector_store %arg18[%swap3A_175, %swap3A_176], %add3A_173 {strides = array<i32>} : memref<16x768xf32, #tpu.memory_space<vmem>>, vector<16xf32>,
      %get3A_178 = arith.constant 11 : i32
      %get3A_179 = arith.index_cast %get3A_178 : i32 to index
      %get3A_180 = arith.index_cast %mul3A_70 : i32 to index
      %get3A_181 = tpu.vector_load %arg18[%get3A_179, %get3A_180] {strides = array<i32>} : memref<16x768xf32, #tpu.memory_space<vmem>>, vector<16xf32>,
      %add3A_182 = arith.addf %get3A_181, %get3A_73 : vector<16xf32>
      %swap3A_183 = arith.constant 11 : i32
      %swap3A_184 = arith.index_cast %swap3A_183 : i32 to index
      %swap3A_185 = arith.index_cast %mul3A_70 : i32 to index
      %swap3A_186 = tpu.vector_load %arg18[%swap3A_184, %swap3A_185] {strides = array<i32>} : memref<16x768xf32, #tpu.memory_space<vmem>>, vector<16xf32>,
      tpu.vector_store %arg18[%swap3A_184, %swap3A_185], %add3A_182 {strides = array<i32>} : memref<16x768xf32, #tpu.memory_space<vmem>>, vector<16xf32>,
      %get3A_187 = arith.constant 12 : i32
      %get3A_188 = arith.index_cast %get3A_187 : i32 to index
      %get3A_189 = arith.index_cast %mul3A_70 : i32 to index
      %get3A_190 = tpu.vector_load %arg18[%get3A_188, %get3A_189] {strides = array<i32>} : memref<16x768xf32, #tpu.memory_space<vmem>>, vector<16xf32>,
      %add3A_191 = arith.addf %get3A_190, %get3A_73 : vector<16xf32>
      %swap3A_192 = arith.constant 12 : i32
      %swap3A_193 = arith.index_cast %swap3A_192 : i32 to index
      %swap3A_194 = arith.index_cast %mul3A_70 : i32 to index
      %swap3A_195 = tpu.vector_load %arg18[%swap3A_193, %swap3A_194] {strides = array<i32>} : memref<16x768xf32, #tpu.memory_space<vmem>>, vector<16xf32>,
      tpu.vector_store %arg18[%swap3A_193, %swap3A_194], %add3A_191 {strides = array<i32>} : memref<16x768xf32, #tpu.memory_space<vmem>>, vector<16xf32>,
      %get3A_196 = arith.constant 13 : i32
      %get3A_197 = arith.index_cast %get3A_196 : i32 to index
      %get3A_198 = arith.index_cast %mul3A_70 : i32 to index
      %get3A_199 = tpu.vector_load %arg18[%get3A_197, %get3A_198] {strides = array<i32>} : memref<16x768xf32, #tpu.memory_space<vmem>>, vector<16xf32>,
      %add3A_200 = arith.addf %get3A_199, %get3A_73 : vector<16xf32>
      %swap3A_201 = arith.constant 13 : i32
      %swap3A_202 = arith.index_cast %swap3A_201 : i32 to index
      %swap3A_203 = arith.index_cast %mul3A_70 : i32 to index
      %swap3A_204 = tpu.vector_load %arg18[%swap3A_202, %swap3A_203] {strides = array<i32>} : memref<16x768xf32, #tpu.memory_space<vmem>>, vector<16xf32>,
      tpu.vector_store %arg18[%swap3A_202, %swap3A_203], %add3A_200 {strides = array<i32>} : memref<16x768xf32, #tpu.memory_space<vmem>>, vector<16xf32>,
      %get3A_205 = arith.constant 14 : i32
      %get3A_206 = arith.index_cast %get3A_205 : i32 to index
      %get3A_207 = arith.index_cast %mul3A_70 : i32 to index
      %get3A_208 = tpu.vector_load %arg18[%get3A_206, %get3A_207] {strides = array<i32>} : memref<16x768xf32, #tpu.memory_space<vmem>>, vector<16xf32>,
      %add3A_209 = arith.addf %get3A_208, %get3A_73 : vector<16xf32>
      %swap3A_210 = arith.constant 14 : i32
      %swap3A_211 = arith.index_cast %swap3A_210 : i32 to index
      %swap3A_212 = arith.index_cast %mul3A_70 : i32 to index
      %swap3A_213 = tpu.vector_load %arg18[%swap3A_211, %swap3A_212] {strides = array<i32>} : memref<16x768xf32, #tpu.memory_space<vmem>>, vector<16xf32>,
      tpu.vector_store %arg18[%swap3A_211, %swap3A_212], %add3A_209 {strides = array<i32>} : memref<16x768xf32, #tpu.memory_space<vmem>>, vector<16xf32>,
      %get3A_214 = arith.constant 15 : i32
      %get3A_215 = arith.index_cast %get3A_214 : i32 to index
      %get3A_216 = arith.index_cast %mul3A_70 : i32 to index
      %get3A_217 = tpu.vector_load %arg18[%get3A_215, %get3A_216] {strides = array<i32>} : memref<16x768xf32, #tpu.memory_space<vmem>>, vector<16xf32>,
      %add3A_218 = arith.addf %get3A_217, %get3A_73 : vector<16xf32>
      %swap3A_219 = arith.constant 15 : i32
      %swap3A_220 = arith.index_cast %swap3A_219 : i32 to index
      %swap3A_221 = arith.index_cast %mul3A_70 : i32 to index
      %swap3A_222 = tpu.vector_load %arg18[%swap3A_220, %swap3A_221] {strides = array<i32>} : memref<16x768xf32, #tpu.memory_space<vmem>>, vector<16xf32>,
      tpu.vector_store %arg18[%swap3A_220, %swap3A_221], %add3A_218 {strides = array<i32>} : memref<16x768xf32, #tpu.memory_space<vmem>>, vector<16xf32>,
    }
    %scan3A_14 = arith.constant 48 : i32
    %dma_start3A = arith.constant 0 : i32
    %dma_start3A_15 = arith.constant 0 : i32
    %dma_start3A_16 = tpu.memref_slice %arg21[%dma_start3A, %dma_start3A_15] : memref<16x768xf32, #tpu.memory_space<vmem>> -> memref<8x768xf32, #tpu.memory_space<vmem>>
    %dma_start3A_17 = arith.constant 0 : i32
    %dma_start3A_18 = tpu.memref_slice %arg13[%dma_start3A_17] : memref<2048xi32, #tpu.memory_space<vmem>> -> memref<8xi32, #tpu.memory_space<vmem>>
    %dma_start3A_19 = arith.constant 0 : i32
    %dma_start3A_20 = arith.constant 0 : i32
    %dma_start3A_21 = tpu.memref_slice %arg4[%dma_start3A_19, %dma_start3A_20] : memref<30522x768xf32, #tpu.memory_space<hbm>> -> memref<30522x768xf32, #tpu.memory_space<hbm>>
    tpu.enqueue_indirect_dma source(%dma_start3A_21 : memref<30522x768xf32, #tpu.memory_space<hbm>>) target(%dma_start3A_16 : memref<8x768xf32, #tpu.memory_space<vmem>>) offsets(%dma_start3A_18 : memref<8xi32, #tpu.memory_space<vmem>>) semaphore(%arg24 : memref<!tpu.dma_semaphore, #tpu.memory_space<semaphore_mem>>)
    %dma_start3A_22 = arith.constant 8 : i32
    %dma_start3A_23 = arith.constant 0 : i32
    %dma_start3A_24 = tpu.memref_slice %arg21[%dma_start3A_22, %dma_start3A_23] : memref<16x768xf32, #tpu.memory_space<vmem>> -> memref<8x768xf32, #tpu.memory_space<vmem>>
    %dma_start3A_25 = arith.constant 8 : i32
    %dma_start3A_26 = tpu.memref_slice %arg13[%dma_start3A_25] : memref<2048xi32, #tpu.memory_space<vmem>> -> memref<8xi32, #tpu.memory_space<vmem>>
    %dma_start3A_27 = arith.constant 0 : i32
    %dma_start3A_28 = arith.constant 0 : i32
    %dma_start3A_29 = tpu.memref_slice %arg4[%dma_start3A_27, %dma_start3A_28] : memref<30522x768xf32, #tpu.memory_space<hbm>> -> memref<30522x768xf32, #tpu.memory_space<hbm>>
    tpu.enqueue_indirect_dma source(%dma_start3A_29 : memref<30522x768xf32, #tpu.memory_space<hbm>>) target(%dma_start3A_24 : memref<8x768xf32, #tpu.memory_space<vmem>>) offsets(%dma_start3A_26 : memref<8xi32, #tpu.memory_space<vmem>>) semaphore(%arg24 : memref<!tpu.dma_semaphore, #tpu.memory_space<semaphore_mem>>)
    %dma_start3A_30 = arith.constant 0 : i32
    %dma_start3A_31 = arith.constant 0 : i32
    %dma_start3A_32 = tpu.memref_slice %arg22[%dma_start3A_30, %dma_start3A_31] : memref<16x768xf32, #tpu.memory_space<vmem>> -> memref<8x768xf32, #tpu.memory_space<vmem>>
    %dma_start3A_33 = arith.constant 16 : i32
    %dma_start3A_34 = tpu.memref_slice %arg13[%dma_start3A_33] : memref<2048xi32, #tpu.memory_space<vmem>> -> memref<8xi32, #tpu.memory_space<vmem>>
    %dma_start3A_35 = arith.constant 0 : i32
    %dma_start3A_36 = arith.constant 0 : i32
    %dma_start3A_37 = tpu.memref_slice %arg4[%dma_start3A_35, %dma_start3A_36] : memref<30522x768xf32, #tpu.memory_space<hbm>> -> memref<30522x768xf32, #tpu.memory_space<hbm>>
    tpu.enqueue_indirect_dma source(%dma_start3A_37 : memref<30522x768xf32, #tpu.memory_space<hbm>>) target(%dma_start3A_32 : memref<8x768xf32, #tpu.memory_space<vmem>>) offsets(%dma_start3A_34 : memref<8xi32, #tpu.memory_space<vmem>>) semaphore(%arg25 : memref<!tpu.dma_semaphore, #tpu.memory_space<semaphore_mem>>)
    %dma_start3A_38 = arith.constant 8 : i32
    %dma_start3A_39 = arith.constant 0 : i32
    %dma_start3A_40 = tpu.memref_slice %arg22[%dma_start3A_38, %dma_start3A_39] : memref<16x768xf32, #tpu.memory_space<vmem>> -> memref<8x768xf32, #tpu.memory_space<vmem>>
    %dma_start3A_41 = arith.constant 24 : i32
    %dma_start3A_42 = tpu.memref_slice %arg13[%dma_start3A_41] : memref<2048xi32, #tpu.memory_space<vmem>> -> memref<8xi32, #tpu.memory_space<vmem>>
    %dma_start3A_43 = arith.constant 0 : i32
    %dma_start3A_44 = arith.constant 0 : i32
    %dma_start3A_45 = tpu.memref_slice %arg4[%dma_start3A_43, %dma_start3A_44] : memref<30522x768xf32, #tpu.memory_space<hbm>> -> memref<30522x768xf32, #tpu.memory_space<hbm>>
    tpu.enqueue_indirect_dma source(%dma_start3A_45 : memref<30522x768xf32, #tpu.memory_space<hbm>>) target(%dma_start3A_40 : memref<8x768xf32, #tpu.memory_space<vmem>>) offsets(%dma_start3A_42 : memref<8xi32, #tpu.memory_space<vmem>>) semaphore(%arg25 : memref<!tpu.dma_semaphore, #tpu.memory_space<semaphore_mem>>)
    %scan3A_46 = arith.constant 0 : i32
    %scan3A_47 = arith.constant 64 : i32
    %scan3A_48 = arith.addi %scan3A_46, %scan3A_47 : i32
    %scan3A_49 = arith.constant 1 : i32
    scf.for %scan3A_64 = %scan3A_46 to %scan3A_48 step %scan3A_49  : i32 {
      %mul3A_65 = arith.constant 2 : i32
      %mul3A_66 = arith.muli %scan3A_64, %mul3A_65 : i32
      %add3A_67 = arith.constant 0 : i32
      %add3A_68 = arith.addi %add3A_67, %mul3A_66 : i32
      %add3A_69 = arith.constant 0 : i32
      %add3A_70 = arith.addi %add3A_68, %add3A_69 : i32
      %mul3A_71 = arith.constant 16 : i32
      %mul3A_72 = arith.muli %add3A_70, %mul3A_71 : i32
      %get3A = arith.index_cast %mul3A_72 : i32 to index
      %get3A_73 = tpu.vector_load %arg19[%get3A] {strides = array<i32>} : memref<2048xi32, #tpu.memory_space<vmem>>, vector<16xi32>,
      %convert_element_type3A = arith.sitofp %get3A_73 : vector<16xi32> to vector<16xf32>
      %swap3A = arith.constant 16 : index
      %swap3A_74 = tpu.vector_load %arg12[%swap3A] {strides = array<i32>} : memref<32xf32, #tpu.memory_space<vmem>>, vector<16xf32>,
      tpu.vector_store %arg12[%swap3A], %convert_element_type3A {strides = array<i32>} : memref<32xf32, #tpu.memory_space<vmem>>, vector<16xf32>,
      %ge3A = arith.constant 2 : i32
      %ge3A_75 = arith.cmpi sge, %add3A_70, %ge3A : i32
      %convert_element_type3A_76 = arith.extui %ge3A_75 : i1 to i32
      %cond3A = arith.constant 0 : i32
      %cond3A_77 = arith.cmpi ne, %convert_element_type3A_76, %cond3A : i32
      scf.if %cond3A_77 {
        %dma_wait3A_1642 = arith.constant 0 : i32
        %dma_wait3A_1643 = tpu.memref_slice %arg9[%add3A_70, %mul3A_2, %dma_wait3A_1642] : memref<128x512x768xf32, #tpu.memory_space<hbm>> -> memref<1x16x768xf32, #tpu.memory_space<hbm>>
        %dma_wait3A_1644 = tpu.memref_squeeze %dma_wait3A_1643 : memref<1x16x768xf32, #tpu.memory_space<hbm>> -> memref<16x768xf32, #tpu.memory_space<hbm>>
        %dma_wait3A_1645 = arith.constant 0 : i32
        %dma_wait3A_1646 = tpu.memref_slice %arg9[%add3A_70, %mul3A_2, %dma_wait3A_1645] : memref<128x512x768xf32, #tpu.memory_space<hbm>> -> memref<1x16x768xf32, #tpu.memory_space<hbm>>
        %dma_wait3A_1647 = tpu.memref_squeeze %dma_wait3A_1646 : memref<1x16x768xf32, #tpu.memory_space<hbm>> -> memref<16x768xf32, #tpu.memory_space<hbm>>
        tpu.wait_dma2 semaphore(%arg16 : memref<!tpu.dma_semaphore, #tpu.memory_space<semaphore_mem>>) src(%arg14 : memref<16x768xf32, #tpu.memory_space<vmem>>) dst(%dma_wait3A_1647 : memref<16x768xf32, #tpu.memory_space<hbm>>)
      } else {
      }
      %mul3A_78 = arith.constant 16 : i32
      %mul3A_79 = arith.muli %add3A_70, %mul3A_78 : i32
      %add3A_80 = arith.constant 0 : i32
      %add3A_81 = arith.addi %mul3A_79, %add3A_80 : i32
      %dma_wait3A_82 = arith.constant 0 : i32
      %dma_wait3A_83 = arith.constant 0 : i32
      %dma_wait3A_84 = tpu.memref_slice %arg21[%dma_wait3A_82, %dma_wait3A_83] : memref<16x768xf32, #tpu.memory_space<vmem>> -> memref<8x768xf32, #tpu.memory_space<vmem>>
      %dma_wait3A_85 = tpu.memref_slice %arg13[%add3A_81] : memref<2048xi32, #tpu.memory_space<vmem>> -> memref<8xi32, #tpu.memory_space<vmem>>
      %dma_wait3A_86 = arith.constant 0 : i32
      %dma_wait3A_87 = arith.constant 0 : i32
      %dma_wait3A_88 = tpu.memref_slice %arg4[%dma_wait3A_86, %dma_wait3A_87] : memref<30522x768xf32, #tpu.memory_space<hbm>> -> memref<30522x768xf32, #tpu.memory_space<hbm>>
      tpu.wait_indirect_dma semaphore(%arg24 : memref<!tpu.dma_semaphore, #tpu.memory_space<semaphore_mem>>) src(%dma_wait3A_88 : memref<30522x768xf32, #tpu.memory_space<hbm>>) dst(%dma_wait3A_84 : memref<8x768xf32, #tpu.memory_space<vmem>>)
      %broadcast_in_dim3A = arith.constant 16 : i32
      %broadcast_in_dim3A_89 = vector.broadcast %broadcast_in_dim3A : i32 to vector<16xi32>
      %gather3A = tpu.vector_load_idx %arg12[%broadcast_in_dim3A_89] : memref<32xf32, #tpu.memory_space<vmem>>[vector<16xi32>], vector<16xf32>,
      %broadcast_in_dim3A_90 = arith.constant 17 : i32
      %broadcast_in_dim3A_91 = vector.broadcast %broadcast_in_dim3A_90 : i32 to vector<16xi32>
      %gather3A_92 = tpu.vector_load_idx %arg12[%broadcast_in_dim3A_91] : memref<32xf32, #tpu.memory_space<vmem>>[vector<16xi32>], vector<16xf32>,
      %broadcast_in_dim3A_93 = arith.constant 18 : i32
      %broadcast_in_dim3A_94 = vector.broadcast %broadcast_in_dim3A_93 : i32 to vector<16xi32>
      %gather3A_95 = tpu.vector_load_idx %arg12[%broadcast_in_dim3A_94] : memref<32xf32, #tpu.memory_space<vmem>>[vector<16xi32>], vector<16xf32>,
      %broadcast_in_dim3A_96 = arith.constant 19 : i32
      %broadcast_in_dim3A_97 = vector.broadcast %broadcast_in_dim3A_96 : i32 to vector<16xi32>
      %gather3A_98 = tpu.vector_load_idx %arg12[%broadcast_in_dim3A_97] : memref<32xf32, #tpu.memory_space<vmem>>[vector<16xi32>], vector<16xf32>,
      %broadcast_in_dim3A_99 = arith.constant 20 : i32
      %broadcast_in_dim3A_100 = vector.broadcast %broadcast_in_dim3A_99 : i32 to vector<16xi32>
      %gather3A_101 = tpu.vector_load_idx %arg12[%broadcast_in_dim3A_100] : memref<32xf32, #tpu.memory_space<vmem>>[vector<16xi32>], vector<16xf32>,
      %broadcast_in_dim3A_102 = arith.constant 21 : i32
      %broadcast_in_dim3A_103 = vector.broadcast %broadcast_in_dim3A_102 : i32 to vector<16xi32>
      %gather3A_104 = tpu.vector_load_idx %arg12[%broadcast_in_dim3A_103] : memref<32xf32, #tpu.memory_space<vmem>>[vector<16xi32>], vector<16xf32>,
      %broadcast_in_dim3A_105 = arith.constant 22 : i32
      %broadcast_in_dim3A_106 = vector.broadcast %broadcast_in_dim3A_105 : i32 to vector<16xi32>
      %gather3A_107 = tpu.vector_load_idx %arg12[%broadcast_in_dim3A_106] : memref<32xf32, #tpu.memory_space<vmem>>[vector<16xi32>], vector<16xf32>,
      %broadcast_in_dim3A_108 = arith.constant 23 : i32
      %broadcast_in_dim3A_109 = vector.broadcast %broadcast_in_dim3A_108 : i32 to vector<16xi32>
      %gather3A_110 = tpu.vector_load_idx %arg12[%broadcast_in_dim3A_109] : memref<32xf32, #tpu.memory_space<vmem>>[vector<16xi32>], vector<16xf32>,
      %broadcast_in_dim3A_111 = arith.constant 0.000000e+00 : f32
      %broadcast_in_dim3A_112 = vector.broadcast %broadcast_in_dim3A_111 : f32 to vector<16xf32>
      %parallel_loop3A = arith.constant 0 : i32
      %parallel_loop3A_113 = arith.constant 48 : i32
      %parallel_loop3A_114 = arith.constant 1 : i32
      %parallel_loop3A_115:24 = scf.for %parallel_loop3A_1642 = %parallel_loop3A to %parallel_loop3A_113 step %parallel_loop3A_114 iter_args(%parallel_loop3A_1643 = %broadcast_in_dim3A_112, %parallel_loop3A_1644 = %broadcast_in_dim3A_112, %parallel_loop3A_1645 = %broadcast_in_dim3A_112, %parallel_loop3A_1646 = %broadcast_in_dim3A_112, %parallel_loop3A_1647 = %broadcast_in_dim3A_112, %parallel_loop3A_1648 = %broadcast_in_dim3A_112, %parallel_loop3A_1649 = %broadcast_in_dim3A_112, %parallel_loop3A_1650 = %broadcast_in_dim3A_112, %parallel_loop3A_1651 = %broadcast_in_dim3A_112, %parallel_loop3A_1652 = %broadcast_in_dim3A_112, %parallel_loop3A_1653 = %broadcast_in_dim3A_112, %parallel_loop3A_1654 = %broadcast_in_dim3A_112, %parallel_loop3A_1655 = %broadcast_in_dim3A_112, %parallel_loop3A_1656 = %broadcast_in_dim3A_112, %parallel_loop3A_1657 = %broadcast_in_dim3A_112, %parallel_loop3A_1658 = %broadcast_in_dim3A_112, %parallel_loop3A_1659 = %gather3A, %parallel_loop3A_1660 = %gather3A_92, %parallel_loop3A_1661 = %gather3A_95, %parallel_loop3A_1662 = %gather3A_98, %parallel_loop3A_1663 = %gather3A_101, %parallel_loop3A_1664 = %gather3A_104, %parallel_loop3A_1665 = %gather3A_107, %parallel_loop3A_1666 = %gather3A_110) -> (vector<16xf32>, vector<16xf32>, vector<16xf32>, vector<16xf32>, vector<16xf32>, vector<16xf32>, vector<16xf32>, vector<16xf32>, vector<16xf32>, vector<16xf32>, vector<16xf32>, vector<16xf32>, vector<16xf32>, vector<16xf32>, vector<16xf32>, vector<16xf32>, vector<16xf32>, vector<16xf32>, vector<16xf32>, vector<16xf32>, vector<16xf32>, vector<16xf32>, vector<16xf32>, vector<16xf32>)  : i32 {
        %parallel_loop3A_1667 = arith.constant 16 : i32
        %parallel_loop3A_1668 = arith.muli %parallel_loop3A_1642, %parallel_loop3A_1667 : i32
        %parallel_loop3A_1669 = arith.index_cast %parallel_loop3A_1668 : i32 to index
        %parallel_loop3A_1670 = tpu.vector_load %arg11[%parallel_loop3A_1669] {strides = array<i32>} : memref<768xf32, #tpu.memory_space<vmem>>, vector<16xf32>,
        %parallel_loop3A_1671 = arith.constant 0 : i32
        %parallel_loop3A_1672 = arith.index_cast %parallel_loop3A_1671 : i32 to index
        %parallel_loop3A_1673 = arith.index_cast %parallel_loop3A_1668 : i32 to index
        %parallel_loop3A_1674 = tpu.vector_load %arg21[%parallel_loop3A_1672, %parallel_loop3A_1673] {strides = array<i32>} : memref<16x768xf32, #tpu.memory_space<vmem>>, vector<16xf32>,
        %parallel_loop3A_1675 = arith.constant 0 : i32
        %parallel_loop3A_1676 = arith.index_cast %parallel_loop3A_1675 : i32 to index
        %parallel_loop3A_1677 = arith.index_cast %parallel_loop3A_1668 : i32 to index
        %parallel_loop3A_1678 = tpu.vector_load %arg18[%parallel_loop3A_1676, %parallel_loop3A_1677] {strides = array<i32>} : memref<16x768xf32, #tpu.memory_space<vmem>>, vector<16xf32>,
        %parallel_loop3A_1679 = arith.mulf %parallel_loop3A_1659, %parallel_loop3A_1670 : vector<16xf32>
        %parallel_loop3A_1680 = arith.addf %parallel_loop3A_1678, %parallel_loop3A_1679 : vector<16xf32>
        %parallel_loop3A_1681 = arith.addf %parallel_loop3A_1674, %parallel_loop3A_1680 : vector<16xf32>
        %parallel_loop3A_1682 = arith.constant 0 : i32
        %parallel_loop3A_1683 = arith.index_cast %parallel_loop3A_1682 : i32 to index
        %parallel_loop3A_1684 = arith.index_cast %parallel_loop3A_1668 : i32 to index
        %parallel_loop3A_1685 = tpu.vector_load %arg14[%parallel_loop3A_1683, %parallel_loop3A_1684] {strides = array<i32>} : memref<16x768xf32, #tpu.memory_space<vmem>>, vector<16xf32>,
        tpu.vector_store %arg14[%parallel_loop3A_1683, %parallel_loop3A_1684], %parallel_loop3A_1681 {strides = array<i32>} : memref<16x768xf32, #tpu.memory_space<vmem>>, vector<16xf32>,
        %parallel_loop3A_1686 = arith.addf %parallel_loop3A_1643, %parallel_loop3A_1681 : vector<16xf32>
        %parallel_loop3A_1687 = arith.mulf %parallel_loop3A_1681, %parallel_loop3A_1681 : vector<16xf32>
        %parallel_loop3A_1688 = arith.addf %parallel_loop3A_1651, %parallel_loop3A_1687 : vector<16xf32>
        %parallel_loop3A_1689 = arith.constant 1 : i32
        %parallel_loop3A_1690 = arith.index_cast %parallel_loop3A_1689 : i32 to index
        %parallel_loop3A_1691 = arith.index_cast %parallel_loop3A_1668 : i32 to index
        %parallel_loop3A_1692 = tpu.vector_load %arg21[%parallel_loop3A_1690, %parallel_loop3A_1691] {strides = array<i32>} : memref<16x768xf32, #tpu.memory_space<vmem>>, vector<16xf32>,
        %parallel_loop3A_1693 = arith.constant 1 : i32
        %parallel_loop3A_1694 = arith.index_cast %parallel_loop3A_1693 : i32 to index
        %parallel_loop3A_1695 = arith.index_cast %parallel_loop3A_1668 : i32 to index
        %parallel_loop3A_1696 = tpu.vector_load %arg18[%parallel_loop3A_1694, %parallel_loop3A_1695] {strides = array<i32>} : memref<16x768xf32, #tpu.memory_space<vmem>>, vector<16xf32>,
        %parallel_loop3A_1697 = arith.mulf %parallel_loop3A_1660, %parallel_loop3A_1670 : vector<16xf32>
        %parallel_loop3A_1698 = arith.addf %parallel_loop3A_1696, %parallel_loop3A_1697 : vector<16xf32>
        %parallel_loop3A_1699 = arith.addf %parallel_loop3A_1692, %parallel_loop3A_1698 : vector<16xf32>
        %parallel_loop3A_1700 = arith.constant 1 : i32
        %parallel_loop3A_1701 = arith.index_cast %parallel_loop3A_1700 : i32 to index
        %parallel_loop3A_1702 = arith.index_cast %parallel_loop3A_1668 : i32 to index
        %parallel_loop3A_1703 = tpu.vector_load %arg14[%parallel_loop3A_1701, %parallel_loop3A_1702] {strides = array<i32>} : memref<16x768xf32, #tpu.memory_space<vmem>>, vector<16xf32>,
        tpu.vector_store %arg14[%parallel_loop3A_1701, %parallel_loop3A_1702], %parallel_loop3A_1699 {strides = array<i32>} : memref<16x768xf32, #tpu.memory_space<vmem>>, vector<16xf32>,
        %parallel_loop3A_1704 = arith.addf %parallel_loop3A_1644, %parallel_loop3A_1699 : vector<16xf32>
        %parallel_loop3A_1705 = arith.mulf %parallel_loop3A_1699, %parallel_loop3A_1699 : vector<16xf32>
        %parallel_loop3A_1706 = arith.addf %parallel_loop3A_1652, %parallel_loop3A_1705 : vector<16xf32>
        %parallel_loop3A_1707 = arith.constant 2 : i32
        %parallel_loop3A_1708 = arith.index_cast %parallel_loop3A_1707 : i32 to index
        %parallel_loop3A_1709 = arith.index_cast %parallel_loop3A_1668 : i32 to index
        %parallel_loop3A_1710 = tpu.vector_load %arg21[%parallel_loop3A_1708, %parallel_loop3A_1709] {strides = array<i32>} : memref<16x768xf32, #tpu.memory_space<vmem>>, vector<16xf32>,
        %parallel_loop3A_1711 = arith.constant 2 : i32
        %parallel_loop3A_1712 = arith.index_cast %parallel_loop3A_1711 : i32 to index
        %parallel_loop3A_1713 = arith.index_cast %parallel_loop3A_1668 : i32 to index
        %parallel_loop3A_1714 = tpu.vector_load %arg18[%parallel_loop3A_1712, %parallel_loop3A_1713] {strides = array<i32>} : memref<16x768xf32, #tpu.memory_space<vmem>>, vector<16xf32>,
        %parallel_loop3A_1715 = arith.mulf %parallel_loop3A_1661, %parallel_loop3A_1670 : vector<16xf32>
        %parallel_loop3A_1716 = arith.addf %parallel_loop3A_1714, %parallel_loop3A_1715 : vector<16xf32>
        %parallel_loop3A_1717 = arith.addf %parallel_loop3A_1710, %parallel_loop3A_1716 : vector<16xf32>
        %parallel_loop3A_1718 = arith.constant 2 : i32
        %parallel_loop3A_1719 = arith.index_cast %parallel_loop3A_1718 : i32 to index
        %parallel_loop3A_1720 = arith.index_cast %parallel_loop3A_1668 : i32 to index
        %parallel_loop3A_1721 = tpu.vector_load %arg14[%parallel_loop3A_1719, %parallel_loop3A_1720] {strides = array<i32>} : memref<16x768xf32, #tpu.memory_space<vmem>>, vector<16xf32>,
        tpu.vector_store %arg14[%parallel_loop3A_1719, %parallel_loop3A_1720], %parallel_loop3A_1717 {strides = array<i32>} : memref<16x768xf32, #tpu.memory_space<vmem>>, vector<16xf32>,
        %parallel_loop3A_1722 = arith.addf %parallel_loop3A_1645, %parallel_loop3A_1717 : vector<16xf32>
        %parallel_loop3A_1723 = arith.mulf %parallel_loop3A_1717, %parallel_loop3A_1717 : vector<16xf32>
        %parallel_loop3A_1724 = arith.addf %parallel_loop3A_1653, %parallel_loop3A_1723 : vector<16xf32>
        %parallel_loop3A_1725 = arith.constant 3 : i32
        %parallel_loop3A_1726 = arith.index_cast %parallel_loop3A_1725 : i32 to index
        %parallel_loop3A_1727 = arith.index_cast %parallel_loop3A_1668 : i32 to index
        %parallel_loop3A_1728 = tpu.vector_load %arg21[%parallel_loop3A_1726, %parallel_loop3A_1727] {strides = array<i32>} : memref<16x768xf32, #tpu.memory_space<vmem>>, vector<16xf32>,
        %parallel_loop3A_1729 = arith.constant 3 : i32
        %parallel_loop3A_1730 = arith.index_cast %parallel_loop3A_1729 : i32 to index
        %parallel_loop3A_1731 = arith.index_cast %parallel_loop3A_1668 : i32 to index
        %parallel_loop3A_1732 = tpu.vector_load %arg18[%parallel_loop3A_1730, %parallel_loop3A_1731] {strides = array<i32>} : memref<16x768xf32, #tpu.memory_space<vmem>>, vector<16xf32>,
        %parallel_loop3A_1733 = arith.mulf %parallel_loop3A_1662, %parallel_loop3A_1670 : vector<16xf32>
        %parallel_loop3A_1734 = arith.addf %parallel_loop3A_1732, %parallel_loop3A_1733 : vector<16xf32>
        %parallel_loop3A_1735 = arith.addf %parallel_loop3A_1728, %parallel_loop3A_1734 : vector<16xf32>
        %parallel_loop3A_1736 = arith.constant 3 : i32
        %parallel_loop3A_1737 = arith.index_cast %parallel_loop3A_1736 : i32 to index
        %parallel_loop3A_1738 = arith.index_cast %parallel_loop3A_1668 : i32 to index
        %parallel_loop3A_1739 = tpu.vector_load %arg14[%parallel_loop3A_1737, %parallel_loop3A_1738] {strides = array<i32>} : memref<16x768xf32, #tpu.memory_space<vmem>>, vector<16xf32>,
        tpu.vector_store %arg14[%parallel_loop3A_1737, %parallel_loop3A_1738], %parallel_loop3A_1735 {strides = array<i32>} : memref<16x768xf32, #tpu.memory_space<vmem>>, vector<16xf32>,
        %parallel_loop3A_1740 = arith.addf %parallel_loop3A_1646, %parallel_loop3A_1735 : vector<16xf32>
        %parallel_loop3A_1741 = arith.mulf %parallel_loop3A_1735, %parallel_loop3A_1735 : vector<16xf32>
        %parallel_loop3A_1742 = arith.addf %parallel_loop3A_1654, %parallel_loop3A_1741 : vector<16xf32>
        %parallel_loop3A_1743 = arith.constant 4 : i32
        %parallel_loop3A_1744 = arith.index_cast %parallel_loop3A_1743 : i32 to index
        %parallel_loop3A_1745 = arith.index_cast %parallel_loop3A_1668 : i32 to index
        %parallel_loop3A_1746 = tpu.vector_load %arg21[%parallel_loop3A_1744, %parallel_loop3A_1745] {strides = array<i32>} : memref<16x768xf32, #tpu.memory_space<vmem>>, vector<16xf32>,
        %parallel_loop3A_1747 = arith.constant 4 : i32
        %parallel_loop3A_1748 = arith.index_cast %parallel_loop3A_1747 : i32 to index
        %parallel_loop3A_1749 = arith.index_cast %parallel_loop3A_1668 : i32 to index
        %parallel_loop3A_1750 = tpu.vector_load %arg18[%parallel_loop3A_1748, %parallel_loop3A_1749] {strides = array<i32>} : memref<16x768xf32, #tpu.memory_space<vmem>>, vector<16xf32>,
        %parallel_loop3A_1751 = arith.mulf %parallel_loop3A_1663, %parallel_loop3A_1670 : vector<16xf32>
        %parallel_loop3A_1752 = arith.addf %parallel_loop3A_1750, %parallel_loop3A_1751 : vector<16xf32>
        %parallel_loop3A_1753 = arith.addf %parallel_loop3A_1746, %parallel_loop3A_1752 : vector<16xf32>
        %parallel_loop3A_1754 = arith.constant 4 : i32
        %parallel_loop3A_1755 = arith.index_cast %parallel_loop3A_1754 : i32 to index
        %parallel_loop3A_1756 = arith.index_cast %parallel_loop3A_1668 : i32 to index
        %parallel_loop3A_1757 = tpu.vector_load %arg14[%parallel_loop3A_1755, %parallel_loop3A_1756] {strides = array<i32>} : memref<16x768xf32, #tpu.memory_space<vmem>>, vector<16xf32>,
        tpu.vector_store %arg14[%parallel_loop3A_1755, %parallel_loop3A_1756], %parallel_loop3A_1753 {strides = array<i32>} : memref<16x768xf32, #tpu.memory_space<vmem>>, vector<16xf32>,
        %parallel_loop3A_1758 = arith.addf %parallel_loop3A_1647, %parallel_loop3A_1753 : vector<16xf32>
        %parallel_loop3A_1759 = arith.mulf %parallel_loop3A_1753, %parallel_loop3A_1753 : vector<16xf32>
        %parallel_loop3A_1760 = arith.addf %parallel_loop3A_1655, %parallel_loop3A_1759 : vector<16xf32>
        %parallel_loop3A_1761 = arith.constant 5 : i32
        %parallel_loop3A_1762 = arith.index_cast %parallel_loop3A_1761 : i32 to index
        %parallel_loop3A_1763 = arith.index_cast %parallel_loop3A_1668 : i32 to index
        %parallel_loop3A_1764 = tpu.vector_load %arg21[%parallel_loop3A_1762, %parallel_loop3A_1763] {strides = array<i32>} : memref<16x768xf32, #tpu.memory_space<vmem>>, vector<16xf32>,
        %parallel_loop3A_1765 = arith.constant 5 : i32
        %parallel_loop3A_1766 = arith.index_cast %parallel_loop3A_1765 : i32 to index
        %parallel_loop3A_1767 = arith.index_cast %parallel_loop3A_1668 : i32 to index
        %parallel_loop3A_1768 = tpu.vector_load %arg18[%parallel_loop3A_1766, %parallel_loop3A_1767] {strides = array<i32>} : memref<16x768xf32, #tpu.memory_space<vmem>>, vector<16xf32>,
        %parallel_loop3A_1769 = arith.mulf %parallel_loop3A_1664, %parallel_loop3A_1670 : vector<16xf32>
        %parallel_loop3A_1770 = arith.addf %parallel_loop3A_1768, %parallel_loop3A_1769 : vector<16xf32>
        %parallel_loop3A_1771 = arith.addf %parallel_loop3A_1764, %parallel_loop3A_1770 : vector<16xf32>
        %parallel_loop3A_1772 = arith.constant 5 : i32
        %parallel_loop3A_1773 = arith.index_cast %parallel_loop3A_1772 : i32 to index
        %parallel_loop3A_1774 = arith.index_cast %parallel_loop3A_1668 : i32 to index
        %parallel_loop3A_1775 = tpu.vector_load %arg14[%parallel_loop3A_1773, %parallel_loop3A_1774] {strides = array<i32>} : memref<16x768xf32, #tpu.memory_space<vmem>>, vector<16xf32>,
        tpu.vector_store %arg14[%parallel_loop3A_1773, %parallel_loop3A_1774], %parallel_loop3A_1771 {strides = array<i32>} : memref<16x768xf32, #tpu.memory_space<vmem>>, vector<16xf32>,
        %parallel_loop3A_1776 = arith.addf %parallel_loop3A_1648, %parallel_loop3A_1771 : vector<16xf32>
        %parallel_loop3A_1777 = arith.mulf %parallel_loop3A_1771, %parallel_loop3A_1771 : vector<16xf32>
        %parallel_loop3A_1778 = arith.addf %parallel_loop3A_1656, %parallel_loop3A_1777 : vector<16xf32>
        %parallel_loop3A_1779 = arith.constant 6 : i32
        %parallel_loop3A_1780 = arith.index_cast %parallel_loop3A_1779 : i32 to index
        %parallel_loop3A_1781 = arith.index_cast %parallel_loop3A_1668 : i32 to index
        %parallel_loop3A_1782 = tpu.vector_load %arg21[%parallel_loop3A_1780, %parallel_loop3A_1781] {strides = array<i32>} : memref<16x768xf32, #tpu.memory_space<vmem>>, vector<16xf32>,
        %parallel_loop3A_1783 = arith.constant 6 : i32
        %parallel_loop3A_1784 = arith.index_cast %parallel_loop3A_1783 : i32 to index
        %parallel_loop3A_1785 = arith.index_cast %parallel_loop3A_1668 : i32 to index
        %parallel_loop3A_1786 = tpu.vector_load %arg18[%parallel_loop3A_1784, %parallel_loop3A_1785] {strides = array<i32>} : memref<16x768xf32, #tpu.memory_space<vmem>>, vector<16xf32>,
        %parallel_loop3A_1787 = arith.mulf %parallel_loop3A_1665, %parallel_loop3A_1670 : vector<16xf32>
        %parallel_loop3A_1788 = arith.addf %parallel_loop3A_1786, %parallel_loop3A_1787 : vector<16xf32>
        %parallel_loop3A_1789 = arith.addf %parallel_loop3A_1782, %parallel_loop3A_1788 : vector<16xf32>
        %parallel_loop3A_1790 = arith.constant 6 : i32
        %parallel_loop3A_1791 = arith.index_cast %parallel_loop3A_1790 : i32 to index
        %parallel_loop3A_1792 = arith.index_cast %parallel_loop3A_1668 : i32 to index
        %parallel_loop3A_1793 = tpu.vector_load %arg14[%parallel_loop3A_1791, %parallel_loop3A_1792] {strides = array<i32>} : memref<16x768xf32, #tpu.memory_space<vmem>>, vector<16xf32>,
        tpu.vector_store %arg14[%parallel_loop3A_1791, %parallel_loop3A_1792], %parallel_loop3A_1789 {strides = array<i32>} : memref<16x768xf32, #tpu.memory_space<vmem>>, vector<16xf32>,
        %parallel_loop3A_1794 = arith.addf %parallel_loop3A_1649, %parallel_loop3A_1789 : vector<16xf32>
        %parallel_loop3A_1795 = arith.mulf %parallel_loop3A_1789, %parallel_loop3A_1789 : vector<16xf32>
        %parallel_loop3A_1796 = arith.addf %parallel_loop3A_1657, %parallel_loop3A_1795 : vector<16xf32>
        %parallel_loop3A_1797 = arith.constant 7 : i32
        %parallel_loop3A_1798 = arith.index_cast %parallel_loop3A_1797 : i32 to index
        %parallel_loop3A_1799 = arith.index_cast %parallel_loop3A_1668 : i32 to index
        %parallel_loop3A_1800 = tpu.vector_load %arg21[%parallel_loop3A_1798, %parallel_loop3A_1799] {strides = array<i32>} : memref<16x768xf32, #tpu.memory_space<vmem>>, vector<16xf32>,
        %parallel_loop3A_1801 = arith.constant 7 : i32
        %parallel_loop3A_1802 = arith.index_cast %parallel_loop3A_1801 : i32 to index
        %parallel_loop3A_1803 = arith.index_cast %parallel_loop3A_1668 : i32 to index
        %parallel_loop3A_1804 = tpu.vector_load %arg18[%parallel_loop3A_1802, %parallel_loop3A_1803] {strides = array<i32>} : memref<16x768xf32, #tpu.memory_space<vmem>>, vector<16xf32>,
        %parallel_loop3A_1805 = arith.mulf %parallel_loop3A_1666, %parallel_loop3A_1670 : vector<16xf32>
        %parallel_loop3A_1806 = arith.addf %parallel_loop3A_1804, %parallel_loop3A_1805 : vector<16xf32>
        %parallel_loop3A_1807 = arith.addf %parallel_loop3A_1800, %parallel_loop3A_1806 : vector<16xf32>
        %parallel_loop3A_1808 = arith.constant 7 : i32
        %parallel_loop3A_1809 = arith.index_cast %parallel_loop3A_1808 : i32 to index
        %parallel_loop3A_1810 = arith.index_cast %parallel_loop3A_1668 : i32 to index
        %parallel_loop3A_1811 = tpu.vector_load %arg14[%parallel_loop3A_1809, %parallel_loop3A_1810] {strides = array<i32>} : memref<16x768xf32, #tpu.memory_space<vmem>>, vector<16xf32>,
        tpu.vector_store %arg14[%parallel_loop3A_1809, %parallel_loop3A_1810], %parallel_loop3A_1807 {strides = array<i32>} : memref<16x768xf32, #tpu.memory_space<vmem>>, vector<16xf32>,
        %parallel_loop3A_1812 = arith.addf %parallel_loop3A_1650, %parallel_loop3A_1807 : vector<16xf32>
        %parallel_loop3A_1813 = arith.mulf %parallel_loop3A_1807, %parallel_loop3A_1807 : vector<16xf32>
        %parallel_loop3A_1814 = arith.addf %parallel_loop3A_1658, %parallel_loop3A_1813 : vector<16xf32>
        scf.yield %parallel_loop3A_1686, %parallel_loop3A_1704, %parallel_loop3A_1722, %parallel_loop3A_1740, %parallel_loop3A_1758, %parallel_loop3A_1776, %parallel_loop3A_1794, %parallel_loop3A_1812, %parallel_loop3A_1688, %parallel_loop3A_1706, %parallel_loop3A_1724, %parallel_loop3A_1742, %parallel_loop3A_1760, %parallel_loop3A_1778, %parallel_loop3A_1796, %parallel_loop3A_1814, %parallel_loop3A_1659, %parallel_loop3A_1660, %parallel_loop3A_1661, %parallel_loop3A_1662, %parallel_loop3A_1663, %parallel_loop3A_1664, %parallel_loop3A_1665, %parallel_loop3A_1666 : vector<16xf32>, vector<16xf32>, vector<16xf32>, vector<16xf32>, vector<16xf32>, vector<16xf32>, vector<16xf32>, vector<16xf32>, vector<16xf32>, vector<16xf32>, vector<16xf32>, vector<16xf32>, vector<16xf32>, vector<16xf32>, vector<16xf32>, vector<16xf32>, vector<16xf32>, vector<16xf32>, vector<16xf32>, vector<16xf32>, vector<16xf32>, vector<16xf32>, vector<16xf32>, vector<16xf32>
      } {sc.loop_unroll_factor = 1 : i64, sc.parallel_access}
      %reduce_sum3A = arith.constant true
      %reduce_sum3A_116 = vector.broadcast %reduce_sum3A : i1 to vector<16xi1>
      %reduce_sum3A_117 = tpu.scan <sum>, %parallel_loop3A_115#0 masked %reduce_sum3A_116 : vector<16xf32>, vector<16xi1> -> vector<16xf32>
      %reduce_sum3A_118 = vector.extract %reduce_sum3A_117[15] : f32 from vector<16xf32>
      %mul3A_119 = arith.constant 0.00130208337 : f32
      %mul3A_120 = arith.mulf %reduce_sum3A_118, %mul3A_119 : f32
      %reduce_sum3A_121 = arith.constant true
      %reduce_sum3A_122 = vector.broadcast %reduce_sum3A_121 : i1 to vector<16xi1>
      %reduce_sum3A_123 = tpu.scan <sum>, %parallel_loop3A_115#8 masked %reduce_sum3A_122 : vector<16xf32>, vector<16xi1> -> vector<16xf32>
      %reduce_sum3A_124 = vector.extract %reduce_sum3A_123[15] : f32 from vector<16xf32>
      %mul3A_125 = arith.constant 0.00130208337 : f32
      %mul3A_126 = arith.mulf %reduce_sum3A_124, %mul3A_125 : f32
      %mul3A_127 = arith.mulf %mul3A_120, %mul3A_120 : f32
      %sub3A = arith.subf %mul3A_126, %mul3A_127 : f32
      %reduce_sum3A_128 = arith.constant true
      %reduce_sum3A_129 = vector.broadcast %reduce_sum3A_128 : i1 to vector<16xi1>
      %reduce_sum3A_130 = tpu.scan <sum>, %parallel_loop3A_115#1 masked %reduce_sum3A_129 : vector<16xf32>, vector<16xi1> -> vector<16xf32>
      %reduce_sum3A_131 = vector.extract %reduce_sum3A_130[15] : f32 from vector<16xf32>
      %mul3A_132 = arith.constant 0.00130208337 : f32
      %mul3A_133 = arith.mulf %reduce_sum3A_131, %mul3A_132 : f32
      %reduce_sum3A_134 = arith.constant true
      %reduce_sum3A_135 = vector.broadcast %reduce_sum3A_134 : i1 to vector<16xi1>
      %reduce_sum3A_136 = tpu.scan <sum>, %parallel_loop3A_115#9 masked %reduce_sum3A_135 : vector<16xf32>, vector<16xi1> -> vector<16xf32>
      %reduce_sum3A_137 = vector.extract %reduce_sum3A_136[15] : f32 from vector<16xf32>
      %mul3A_138 = arith.constant 0.00130208337 : f32
      %mul3A_139 = arith.mulf %reduce_sum3A_137, %mul3A_138 : f32
      %mul3A_140 = arith.mulf %mul3A_133, %mul3A_133 : f32
      %sub3A_141 = arith.subf %mul3A_139, %mul3A_140 : f32
      %reduce_sum3A_142 = arith.constant true
      %reduce_sum3A_143 = vector.broadcast %reduce_sum3A_142 : i1 to vector<16xi1>
      %reduce_sum3A_144 = tpu.scan <sum>, %parallel_loop3A_115#2 masked %reduce_sum3A_143 : vector<16xf32>, vector<16xi1> -> vector<16xf32>
      %reduce_sum3A_145 = vector.extract %reduce_sum3A_144[15] : f32 from vector<16xf32>
      %mul3A_146 = arith.constant 0.00130208337 : f32
      %mul3A_147 = arith.mulf %reduce_sum3A_145, %mul3A_146 : f32
      %reduce_sum3A_148 = arith.constant true
      %reduce_sum3A_149 = vector.broadcast %reduce_sum3A_148 : i1 to vector<16xi1>
      %reduce_sum3A_150 = tpu.scan <sum>, %parallel_loop3A_115#10 masked %reduce_sum3A_149 : vector<16xf32>, vector<16xi1> -> vector<16xf32>
      %reduce_sum3A_151 = vector.extract %reduce_sum3A_150[15] : f32 from vector<16xf32>
      %mul3A_152 = arith.constant 0.00130208337 : f32
      %mul3A_153 = arith.mulf %reduce_sum3A_151, %mul3A_152 : f32
      %mul3A_154 = arith.mulf %mul3A_147, %mul3A_147 : f32
      %sub3A_155 = arith.subf %mul3A_153, %mul3A_154 : f32
      %reduce_sum3A_156 = arith.constant true
      %reduce_sum3A_157 = vector.broadcast %reduce_sum3A_156 : i1 to vector<16xi1>
      %reduce_sum3A_158 = tpu.scan <sum>, %parallel_loop3A_115#3 masked %reduce_sum3A_157 : vector<16xf32>, vector<16xi1> -> vector<16xf32>
      %reduce_sum3A_159 = vector.extract %reduce_sum3A_158[15] : f32 from vector<16xf32>
      %mul3A_160 = arith.constant 0.00130208337 : f32
      %mul3A_161 = arith.mulf %reduce_sum3A_159, %mul3A_160 : f32
      %reduce_sum3A_162 = arith.constant true
      %reduce_sum3A_163 = vector.broadcast %reduce_sum3A_162 : i1 to vector<16xi1>
      %reduce_sum3A_164 = tpu.scan <sum>, %parallel_loop3A_115#11 masked %reduce_sum3A_163 : vector<16xf32>, vector<16xi1> -> vector<16xf32>
      %reduce_sum3A_165 = vector.extract %reduce_sum3A_164[15] : f32 from vector<16xf32>
      %mul3A_166 = arith.constant 0.00130208337 : f32
      %mul3A_167 = arith.mulf %reduce_sum3A_165, %mul3A_166 : f32
      %mul3A_168 = arith.mulf %mul3A_161, %mul3A_161 : f32
      %sub3A_169 = arith.subf %mul3A_167, %mul3A_168 : f32
      %reduce_sum3A_170 = arith.constant true
      %reduce_sum3A_171 = vector.broadcast %reduce_sum3A_170 : i1 to vector<16xi1>
      %reduce_sum3A_172 = tpu.scan <sum>, %parallel_loop3A_115#4 masked %reduce_sum3A_171 : vector<16xf32>, vector<16xi1> -> vector<16xf32>
      %reduce_sum3A_173 = vector.extract %reduce_sum3A_172[15] : f32 from vector<16xf32>
      %mul3A_174 = arith.constant 0.00130208337 : f32
      %mul3A_175 = arith.mulf %reduce_sum3A_173, %mul3A_174 : f32
      %reduce_sum3A_176 = arith.constant true
      %reduce_sum3A_177 = vector.broadcast %reduce_sum3A_176 : i1 to vector<16xi1>
      %reduce_sum3A_178 = tpu.scan <sum>, %parallel_loop3A_115#12 masked %reduce_sum3A_177 : vector<16xf32>, vector<16xi1> -> vector<16xf32>
      %reduce_sum3A_179 = vector.extract %reduce_sum3A_178[15] : f32 from vector<16xf32>
      %mul3A_180 = arith.constant 0.00130208337 : f32
      %mul3A_181 = arith.mulf %reduce_sum3A_179, %mul3A_180 : f32
      %mul3A_182 = arith.mulf %mul3A_175, %mul3A_175 : f32
      %sub3A_183 = arith.subf %mul3A_181, %mul3A_182 : f32
      %reduce_sum3A_184 = arith.constant true
      %reduce_sum3A_185 = vector.broadcast %reduce_sum3A_184 : i1 to vector<16xi1>
      %reduce_sum3A_186 = tpu.scan <sum>, %parallel_loop3A_115#5 masked %reduce_sum3A_185 : vector<16xf32>, vector<16xi1> -> vector<16xf32>
      %reduce_sum3A_187 = vector.extract %reduce_sum3A_186[15] : f32 from vector<16xf32>
      %mul3A_188 = arith.constant 0.00130208337 : f32
      %mul3A_189 = arith.mulf %reduce_sum3A_187, %mul3A_188 : f32
      %reduce_sum3A_190 = arith.constant true
      %reduce_sum3A_191 = vector.broadcast %reduce_sum3A_190 : i1 to vector<16xi1>
      %reduce_sum3A_192 = tpu.scan <sum>, %parallel_loop3A_115#13 masked %reduce_sum3A_191 : vector<16xf32>, vector<16xi1> -> vector<16xf32>
      %reduce_sum3A_193 = vector.extract %reduce_sum3A_192[15] : f32 from vector<16xf32>
      %mul3A_194 = arith.constant 0.00130208337 : f32
      %mul3A_195 = arith.mulf %reduce_sum3A_193, %mul3A_194 : f32
      %mul3A_196 = arith.mulf %mul3A_189, %mul3A_189 : f32
      %sub3A_197 = arith.subf %mul3A_195, %mul3A_196 : f32
      %reduce_sum3A_198 = arith.constant true
      %reduce_sum3A_199 = vector.broadcast %reduce_sum3A_198 : i1 to vector<16xi1>
      %reduce_sum3A_200 = tpu.scan <sum>, %parallel_loop3A_115#6 masked %reduce_sum3A_199 : vector<16xf32>, vector<16xi1> -> vector<16xf32>
      %reduce_sum3A_201 = vector.extract %reduce_sum3A_200[15] : f32 from vector<16xf32>
      %mul3A_202 = arith.constant 0.00130208337 : f32
      %mul3A_203 = arith.mulf %reduce_sum3A_201, %mul3A_202 : f32
      %reduce_sum3A_204 = arith.constant true
      %reduce_sum3A_205 = vector.broadcast %reduce_sum3A_204 : i1 to vector<16xi1>
      %reduce_sum3A_206 = tpu.scan <sum>, %parallel_loop3A_115#14 masked %reduce_sum3A_205 : vector<16xf32>, vector<16xi1> -> vector<16xf32>
      %reduce_sum3A_207 = vector.extract %reduce_sum3A_206[15] : f32 from vector<16xf32>
      %mul3A_208 = arith.constant 0.00130208337 : f32
      %mul3A_209 = arith.mulf %reduce_sum3A_207, %mul3A_208 : f32
      %mul3A_210 = arith.mulf %mul3A_203, %mul3A_203 : f32
      %sub3A_211 = arith.subf %mul3A_209, %mul3A_210 : f32
      %reduce_sum3A_212 = arith.constant true
      %reduce_sum3A_213 = vector.broadcast %reduce_sum3A_212 : i1 to vector<16xi1>
      %reduce_sum3A_214 = tpu.scan <sum>, %parallel_loop3A_115#7 masked %reduce_sum3A_213 : vector<16xf32>, vector<16xi1> -> vector<16xf32>
      %reduce_sum3A_215 = vector.extract %reduce_sum3A_214[15] : f32 from vector<16xf32>
      %mul3A_216 = arith.constant 0.00130208337 : f32
      %mul3A_217 = arith.mulf %reduce_sum3A_215, %mul3A_216 : f32
      %reduce_sum3A_218 = arith.constant true
      %reduce_sum3A_219 = vector.broadcast %reduce_sum3A_218 : i1 to vector<16xi1>
      %reduce_sum3A_220 = tpu.scan <sum>, %parallel_loop3A_115#15 masked %reduce_sum3A_219 : vector<16xf32>, vector<16xi1> -> vector<16xf32>
      %reduce_sum3A_221 = vector.extract %reduce_sum3A_220[15] : f32 from vector<16xf32>
      %mul3A_222 = arith.constant 0.00130208337 : f32
      %mul3A_223 = arith.mulf %reduce_sum3A_221, %mul3A_222 : f32
      %mul3A_224 = arith.mulf %mul3A_217, %mul3A_217 : f32
      %sub3A_225 = arith.subf %mul3A_223, %mul3A_224 : f32
      %mul3A_226 = arith.constant 16 : i32
      %mul3A_227 = arith.muli %add3A_70, %mul3A_226 : i32
      %add3A_228 = arith.constant 8 : i32
      %add3A_229 = arith.addi %mul3A_227, %add3A_228 : i32
      %dma_wait3A_230 = arith.constant 8 : i32
      %dma_wait3A_231 = arith.constant 0 : i32
      %dma_wait3A_232 = tpu.memref_slice %arg21[%dma_wait3A_230, %dma_wait3A_231] : memref<16x768xf32, #tpu.memory_space<vmem>> -> memref<8x768xf32, #tpu.memory_space<vmem>>
      %dma_wait3A_233 = tpu.memref_slice %arg13[%add3A_229] : memref<2048xi32, #tpu.memory_space<vmem>> -> memref<8xi32, #tpu.memory_space<vmem>>
      %dma_wait3A_234 = arith.constant 0 : i32
      %dma_wait3A_235 = arith.constant 0 : i32
      %dma_wait3A_236 = tpu.memref_slice %arg4[%dma_wait3A_234, %dma_wait3A_235] : memref<30522x768xf32, #tpu.memory_space<hbm>> -> memref<30522x768xf32, #tpu.memory_space<hbm>>
      tpu.wait_indirect_dma semaphore(%arg24 : memref<!tpu.dma_semaphore, #tpu.memory_space<semaphore_mem>>) src(%dma_wait3A_236 : memref<30522x768xf32, #tpu.memory_space<hbm>>) dst(%dma_wait3A_232 : memref<8x768xf32, #tpu.memory_space<vmem>>)
      %broadcast_in_dim3A_237 = arith.constant 24 : i32
      %broadcast_in_dim3A_238 = vector.broadcast %broadcast_in_dim3A_237 : i32 to vector<16xi32>
      %gather3A_239 = tpu.vector_load_idx %arg12[%broadcast_in_dim3A_238] : memref<32xf32, #tpu.memory_space<vmem>>[vector<16xi32>], vector<16xf32>,
      %broadcast_in_dim3A_240 = arith.constant 25 : i32
      %broadcast_in_dim3A_241 = vector.broadcast %broadcast_in_dim3A_240 : i32 to vector<16xi32>
      %gather3A_242 = tpu.vector_load_idx %arg12[%broadcast_in_dim3A_241] : memref<32xf32, #tpu.memory_space<vmem>>[vector<16xi32>], vector<16xf32>,
      %broadcast_in_dim3A_243 = arith.constant 26 : i32
      %broadcast_in_dim3A_244 = vector.broadcast %broadcast_in_dim3A_243 : i32 to vector<16xi32>
      %gather3A_245 = tpu.vector_load_idx %arg12[%broadcast_in_dim3A_244] : memref<32xf32, #tpu.memory_space<vmem>>[vector<16xi32>], vector<16xf32>,
      %broadcast_in_dim3A_246 = arith.constant 27 : i32
      %broadcast_in_dim3A_247 = vector.broadcast %broadcast_in_dim3A_246 : i32 to vector<16xi32>
      %gather3A_248 = tpu.vector_load_idx %arg12[%broadcast_in_dim3A_247] : memref<32xf32, #tpu.memory_space<vmem>>[vector<16xi32>], vector<16xf32>,
      %broadcast_in_dim3A_249 = arith.constant 28 : i32
      %broadcast_in_dim3A_250 = vector.broadcast %broadcast_in_dim3A_249 : i32 to vector<16xi32>
      %gather3A_251 = tpu.vector_load_idx %arg12[%broadcast_in_dim3A_250] : memref<32xf32, #tpu.memory_space<vmem>>[vector<16xi32>], vector<16xf32>,
      %broadcast_in_dim3A_252 = arith.constant 29 : i32
      %broadcast_in_dim3A_253 = vector.broadcast %broadcast_in_dim3A_252 : i32 to vector<16xi32>
      %gather3A_254 = tpu.vector_load_idx %arg12[%broadcast_in_dim3A_253] : memref<32xf32, #tpu.memory_space<vmem>>[vector<16xi32>], vector<16xf32>,
      %broadcast_in_dim3A_255 = arith.constant 30 : i32
      %broadcast_in_dim3A_256 = vector.broadcast %broadcast_in_dim3A_255 : i32 to vector<16xi32>
      %gather3A_257 = tpu.vector_load_idx %arg12[%broadcast_in_dim3A_256] : memref<32xf32, #tpu.memory_space<vmem>>[vector<16xi32>], vector<16xf32>,
      %broadcast_in_dim3A_258 = arith.constant 31 : i32
      %broadcast_in_dim3A_259 = vector.broadcast %broadcast_in_dim3A_258 : i32 to vector<16xi32>
      %gather3A_260 = tpu.vector_load_idx %arg12[%broadcast_in_dim3A_259] : memref<32xf32, #tpu.memory_space<vmem>>[vector<16xi32>], vector<16xf32>,
      %broadcast_in_dim3A_261 = arith.constant 0.000000e+00 : f32
      %broadcast_in_dim3A_262 = vector.broadcast %broadcast_in_dim3A_261 : f32 to vector<16xf32>
      %parallel_loop3A_263 = arith.constant 0 : i32
      %parallel_loop3A_264 = arith.constant 48 : i32
      %parallel_loop3A_265 = arith.constant 1 : i32
      %parallel_loop3A_266:24 = scf.for %parallel_loop3A_1642 = %parallel_loop3A_263 to %parallel_loop3A_264 step %parallel_loop3A_265 iter_args(%parallel_loop3A_1643 = %broadcast_in_dim3A_262, %parallel_loop3A_1644 = %broadcast_in_dim3A_262, %parallel_loop3A_1645 = %broadcast_in_dim3A_262, %parallel_loop3A_1646 = %broadcast_in_dim3A_262, %parallel_loop3A_1647 = %broadcast_in_dim3A_262, %parallel_loop3A_1648 = %broadcast_in_dim3A_262, %parallel_loop3A_1649 = %broadcast_in_dim3A_262, %parallel_loop3A_1650 = %broadcast_in_dim3A_262, %parallel_loop3A_1651 = %broadcast_in_dim3A_262, %parallel_loop3A_1652 = %broadcast_in_dim3A_262, %parallel_loop3A_1653 = %broadcast_in_dim3A_262, %parallel_loop3A_1654 = %broadcast_in_dim3A_262, %parallel_loop3A_1655 = %broadcast_in_dim3A_262, %parallel_loop3A_1656 = %broadcast_in_dim3A_262, %parallel_loop3A_1657 = %broadcast_in_dim3A_262, %parallel_loop3A_1658 = %broadcast_in_dim3A_262, %parallel_loop3A_1659 = %gather3A_239, %parallel_loop3A_1660 = %gather3A_242, %parallel_loop3A_1661 = %gather3A_245, %parallel_loop3A_1662 = %gather3A_248, %parallel_loop3A_1663 = %gather3A_251, %parallel_loop3A_1664 = %gather3A_254, %parallel_loop3A_1665 = %gather3A_257, %parallel_loop3A_1666 = %gather3A_260) -> (vector<16xf32>, vector<16xf32>, vector<16xf32>, vector<16xf32>, vector<16xf32>, vector<16xf32>, vector<16xf32>, vector<16xf32>, vector<16xf32>, vector<16xf32>, vector<16xf32>, vector<16xf32>, vector<16xf32>, vector<16xf32>, vector<16xf32>, vector<16xf32>, vector<16xf32>, vector<16xf32>, vector<16xf32>, vector<16xf32>, vector<16xf32>, vector<16xf32>, vector<16xf32>, vector<16xf32>)  : i32 {
        %parallel_loop3A_1667 = arith.constant 16 : i32
        %parallel_loop3A_1668 = arith.muli %parallel_loop3A_1642, %parallel_loop3A_1667 : i32
        %parallel_loop3A_1669 = arith.index_cast %parallel_loop3A_1668 : i32 to index
        %parallel_loop3A_1670 = tpu.vector_load %arg11[%parallel_loop3A_1669] {strides = array<i32>} : memref<768xf32, #tpu.memory_space<vmem>>, vector<16xf32>,
        %parallel_loop3A_1671 = arith.constant 8 : i32
        %parallel_loop3A_1672 = arith.index_cast %parallel_loop3A_1671 : i32 to index
        %parallel_loop3A_1673 = arith.index_cast %parallel_loop3A_1668 : i32 to index
        %parallel_loop3A_1674 = tpu.vector_load %arg21[%parallel_loop3A_1672, %parallel_loop3A_1673] {strides = array<i32>} : memref<16x768xf32, #tpu.memory_space<vmem>>, vector<16xf32>,
        %parallel_loop3A_1675 = arith.constant 8 : i32
        %parallel_loop3A_1676 = arith.index_cast %parallel_loop3A_1675 : i32 to index
        %parallel_loop3A_1677 = arith.index_cast %parallel_loop3A_1668 : i32 to index
        %parallel_loop3A_1678 = tpu.vector_load %arg18[%parallel_loop3A_1676, %parallel_loop3A_1677] {strides = array<i32>} : memref<16x768xf32, #tpu.memory_space<vmem>>, vector<16xf32>,
        %parallel_loop3A_1679 = arith.mulf %parallel_loop3A_1659, %parallel_loop3A_1670 : vector<16xf32>
        %parallel_loop3A_1680 = arith.addf %parallel_loop3A_1678, %parallel_loop3A_1679 : vector<16xf32>
        %parallel_loop3A_1681 = arith.addf %parallel_loop3A_1674, %parallel_loop3A_1680 : vector<16xf32>
        %parallel_loop3A_1682 = arith.constant 8 : i32
        %parallel_loop3A_1683 = arith.index_cast %parallel_loop3A_1682 : i32 to index
        %parallel_loop3A_1684 = arith.index_cast %parallel_loop3A_1668 : i32 to index
        %parallel_loop3A_1685 = tpu.vector_load %arg14[%parallel_loop3A_1683, %parallel_loop3A_1684] {strides = array<i32>} : memref<16x768xf32, #tpu.memory_space<vmem>>, vector<16xf32>,
        tpu.vector_store %arg14[%parallel_loop3A_1683, %parallel_loop3A_1684], %parallel_loop3A_1681 {strides = array<i32>} : memref<16x768xf32, #tpu.memory_space<vmem>>, vector<16xf32>,
        %parallel_loop3A_1686 = arith.addf %parallel_loop3A_1643, %parallel_loop3A_1681 : vector<16xf32>
        %parallel_loop3A_1687 = arith.mulf %parallel_loop3A_1681, %parallel_loop3A_1681 : vector<16xf32>
        %parallel_loop3A_1688 = arith.addf %parallel_loop3A_1651, %parallel_loop3A_1687 : vector<16xf32>
        %parallel_loop3A_1689 = arith.constant 9 : i32
        %parallel_loop3A_1690 = arith.index_cast %parallel_loop3A_1689 : i32 to index
        %parallel_loop3A_1691 = arith.index_cast %parallel_loop3A_1668 : i32 to index
        %parallel_loop3A_1692 = tpu.vector_load %arg21[%parallel_loop3A_1690, %parallel_loop3A_1691] {strides = array<i32>} : memref<16x768xf32, #tpu.memory_space<vmem>>, vector<16xf32>,
        %parallel_loop3A_1693 = arith.constant 9 : i32
        %parallel_loop3A_1694 = arith.index_cast %parallel_loop3A_1693 : i32 to index
        %parallel_loop3A_1695 = arith.index_cast %parallel_loop3A_1668 : i32 to index
        %parallel_loop3A_1696 = tpu.vector_load %arg18[%parallel_loop3A_1694, %parallel_loop3A_1695] {strides = array<i32>} : memref<16x768xf32, #tpu.memory_space<vmem>>, vector<16xf32>,
        %parallel_loop3A_1697 = arith.mulf %parallel_loop3A_1660, %parallel_loop3A_1670 : vector<16xf32>
        %parallel_loop3A_1698 = arith.addf %parallel_loop3A_1696, %parallel_loop3A_1697 : vector<16xf32>
        %parallel_loop3A_1699 = arith.addf %parallel_loop3A_1692, %parallel_loop3A_1698 : vector<16xf32>
        %parallel_loop3A_1700 = arith.constant 9 : i32
        %parallel_loop3A_1701 = arith.index_cast %parallel_loop3A_1700 : i32 to index
        %parallel_loop3A_1702 = arith.index_cast %parallel_loop3A_1668 : i32 to index
        %parallel_loop3A_1703 = tpu.vector_load %arg14[%parallel_loop3A_1701, %parallel_loop3A_1702] {strides = array<i32>} : memref<16x768xf32, #tpu.memory_space<vmem>>, vector<16xf32>,
        tpu.vector_store %arg14[%parallel_loop3A_1701, %parallel_loop3A_1702], %parallel_loop3A_1699 {strides = array<i32>} : memref<16x768xf32, #tpu.memory_space<vmem>>, vector<16xf32>,
        %parallel_loop3A_1704 = arith.addf %parallel_loop3A_1644, %parallel_loop3A_1699 : vector<16xf32>
        %parallel_loop3A_1705 = arith.mulf %parallel_loop3A_1699, %parallel_loop3A_1699 : vector<16xf32>
        %parallel_loop3A_1706 = arith.addf %parallel_loop3A_1652, %parallel_loop3A_1705 : vector<16xf32>
        %parallel_loop3A_1707 = arith.constant 10 : i32
        %parallel_loop3A_1708 = arith.index_cast %parallel_loop3A_1707 : i32 to index
        %parallel_loop3A_1709 = arith.index_cast %parallel_loop3A_1668 : i32 to index
        %parallel_loop3A_1710 = tpu.vector_load %arg21[%parallel_loop3A_1708, %parallel_loop3A_1709] {strides = array<i32>} : memref<16x768xf32, #tpu.memory_space<vmem>>, vector<16xf32>,
        %parallel_loop3A_1711 = arith.constant 10 : i32
        %parallel_loop3A_1712 = arith.index_cast %parallel_loop3A_1711 : i32 to index
        %parallel_loop3A_1713 = arith.index_cast %parallel_loop3A_1668 : i32 to index
        %parallel_loop3A_1714 = tpu.vector_load %arg18[%parallel_loop3A_1712, %parallel_loop3A_1713] {strides = array<i32>} : memref<16x768xf32, #tpu.memory_space<vmem>>, vector<16xf32>,
        %parallel_loop3A_1715 = arith.mulf %parallel_loop3A_1661, %parallel_loop3A_1670 : vector<16xf32>
        %parallel_loop3A_1716 = arith.addf %parallel_loop3A_1714, %parallel_loop3A_1715 : vector<16xf32>
        %parallel_loop3A_1717 = arith.addf %parallel_loop3A_1710, %parallel_loop3A_1716 : vector<16xf32>
        %parallel_loop3A_1718 = arith.constant 10 : i32
        %parallel_loop3A_1719 = arith.index_cast %parallel_loop3A_1718 : i32 to index
        %parallel_loop3A_1720 = arith.index_cast %parallel_loop3A_1668 : i32 to index
        %parallel_loop3A_1721 = tpu.vector_load %arg14[%parallel_loop3A_1719, %parallel_loop3A_1720] {strides = array<i32>} : memref<16x768xf32, #tpu.memory_space<vmem>>, vector<16xf32>,
        tpu.vector_store %arg14[%parallel_loop3A_1719, %parallel_loop3A_1720], %parallel_loop3A_1717 {strides = array<i32>} : memref<16x768xf32, #tpu.memory_space<vmem>>, vector<16xf32>,
        %parallel_loop3A_1722 = arith.addf %parallel_loop3A_1645, %parallel_loop3A_1717 : vector<16xf32>
        %parallel_loop3A_1723 = arith.mulf %parallel_loop3A_1717, %parallel_loop3A_1717 : vector<16xf32>
        %parallel_loop3A_1724 = arith.addf %parallel_loop3A_1653, %parallel_loop3A_1723 : vector<16xf32>
        %parallel_loop3A_1725 = arith.constant 11 : i32
        %parallel_loop3A_1726 = arith.index_cast %parallel_loop3A_1725 : i32 to index
        %parallel_loop3A_1727 = arith.index_cast %parallel_loop3A_1668 : i32 to index
        %parallel_loop3A_1728 = tpu.vector_load %arg21[%parallel_loop3A_1726, %parallel_loop3A_1727] {strides = array<i32>} : memref<16x768xf32, #tpu.memory_space<vmem>>, vector<16xf32>,
        %parallel_loop3A_1729 = arith.constant 11 : i32
        %parallel_loop3A_1730 = arith.index_cast %parallel_loop3A_1729 : i32 to index
        %parallel_loop3A_1731 = arith.index_cast %parallel_loop3A_1668 : i32 to index
        %parallel_loop3A_1732 = tpu.vector_load %arg18[%parallel_loop3A_1730, %parallel_loop3A_1731] {strides = array<i32>} : memref<16x768xf32, #tpu.memory_space<vmem>>, vector<16xf32>,
        %parallel_loop3A_1733 = arith.mulf %parallel_loop3A_1662, %parallel_loop3A_1670 : vector<16xf32>
        %parallel_loop3A_1734 = arith.addf %parallel_loop3A_1732, %parallel_loop3A_1733 : vector<16xf32>
        %parallel_loop3A_1735 = arith.addf %parallel_loop3A_1728, %parallel_loop3A_1734 : vector<16xf32>
        %parallel_loop3A_1736 = arith.constant 11 : i32
        %parallel_loop3A_1737 = arith.index_cast %parallel_loop3A_1736 : i32 to index
        %parallel_loop3A_1738 = arith.index_cast %parallel_loop3A_1668 : i32 to index
        %parallel_loop3A_1739 = tpu.vector_load %arg14[%parallel_loop3A_1737, %parallel_loop3A_1738] {strides = array<i32>} : memref<16x768xf32, #tpu.memory_space<vmem>>, vector<16xf32>,
        tpu.vector_store %arg14[%parallel_loop3A_1737, %parallel_loop3A_1738], %parallel_loop3A_1735 {strides = array<i32>} : memref<16x768xf32, #tpu.memory_space<vmem>>, vector<16xf32>,
        %parallel_loop3A_1740 = arith.addf %parallel_loop3A_1646, %parallel_loop3A_1735 : vector<16xf32>
        %parallel_loop3A_1741 = arith.mulf %parallel_loop3A_1735, %parallel_loop3A_1735 : vector<16xf32>
        %parallel_loop3A_1742 = arith.addf %parallel_loop3A_1654, %parallel_loop3A_1741 : vector<16xf32>
        %parallel_loop3A_1743 = arith.constant 12 : i32
        %parallel_loop3A_1744 = arith.index_cast %parallel_loop3A_1743 : i32 to index
        %parallel_loop3A_1745 = arith.index_cast %parallel_loop3A_1668 : i32 to index
        %parallel_loop3A_1746 = tpu.vector_load %arg21[%parallel_loop3A_1744, %parallel_loop3A_1745] {strides = array<i32>} : memref<16x768xf32, #tpu.memory_space<vmem>>, vector<16xf32>,
        %parallel_loop3A_1747 = arith.constant 12 : i32
        %parallel_loop3A_1748 = arith.index_cast %parallel_loop3A_1747 : i32 to index
        %parallel_loop3A_1749 = arith.index_cast %parallel_loop3A_1668 : i32 to index
        %parallel_loop3A_1750 = tpu.vector_load %arg18[%parallel_loop3A_1748, %parallel_loop3A_1749] {strides = array<i32>} : memref<16x768xf32, #tpu.memory_space<vmem>>, vector<16xf32>,
        %parallel_loop3A_1751 = arith.mulf %parallel_loop3A_1663, %parallel_loop3A_1670 : vector<16xf32>
        %parallel_loop3A_1752 = arith.addf %parallel_loop3A_1750, %parallel_loop3A_1751 : vector<16xf32>
        %parallel_loop3A_1753 = arith.addf %parallel_loop3A_1746, %parallel_loop3A_1752 : vector<16xf32>
        %parallel_loop3A_1754 = arith.constant 12 : i32
        %parallel_loop3A_1755 = arith.index_cast %parallel_loop3A_1754 : i32 to index
        %parallel_loop3A_1756 = arith.index_cast %parallel_loop3A_1668 : i32 to index
        %parallel_loop3A_1757 = tpu.vector_load %arg14[%parallel_loop3A_1755, %parallel_loop3A_1756] {strides = array<i32>} : memref<16x768xf32, #tpu.memory_space<vmem>>, vector<16xf32>,
        tpu.vector_store %arg14[%parallel_loop3A_1755, %parallel_loop3A_1756], %parallel_loop3A_1753 {strides = array<i32>} : memref<16x768xf32, #tpu.memory_space<vmem>>, vector<16xf32>,
        %parallel_loop3A_1758 = arith.addf %parallel_loop3A_1647, %parallel_loop3A_1753 : vector<16xf32>
        %parallel_loop3A_1759 = arith.mulf %parallel_loop3A_1753, %parallel_loop3A_1753 : vector<16xf32>
        %parallel_loop3A_1760 = arith.addf %parallel_loop3A_1655, %parallel_loop3A_1759 : vector<16xf32>
        %parallel_loop3A_1761 = arith.constant 13 : i32
        %parallel_loop3A_1762 = arith.index_cast %parallel_loop3A_1761 : i32 to index
        %parallel_loop3A_1763 = arith.index_cast %parallel_loop3A_1668 : i32 to index
        %parallel_loop3A_1764 = tpu.vector_load %arg21[%parallel_loop3A_1762, %parallel_loop3A_1763] {strides = array<i32>} : memref<16x768xf32, #tpu.memory_space<vmem>>, vector<16xf32>,
        %parallel_loop3A_1765 = arith.constant 13 : i32
        %parallel_loop3A_1766 = arith.index_cast %parallel_loop3A_1765 : i32 to index
        %parallel_loop3A_1767 = arith.index_cast %parallel_loop3A_1668 : i32 to index
        %parallel_loop3A_1768 = tpu.vector_load %arg18[%parallel_loop3A_1766, %parallel_loop3A_1767] {strides = array<i32>} : memref<16x768xf32, #tpu.memory_space<vmem>>, vector<16xf32>,
        %parallel_loop3A_1769 = arith.mulf %parallel_loop3A_1664, %parallel_loop3A_1670 : vector<16xf32>
        %parallel_loop3A_1770 = arith.addf %parallel_loop3A_1768, %parallel_loop3A_1769 : vector<16xf32>
        %parallel_loop3A_1771 = arith.addf %parallel_loop3A_1764, %parallel_loop3A_1770 : vector<16xf32>
        %parallel_loop3A_1772 = arith.constant 13 : i32
        %parallel_loop3A_1773 = arith.index_cast %parallel_loop3A_1772 : i32 to index
        %parallel_loop3A_1774 = arith.index_cast %parallel_loop3A_1668 : i32 to index
        %parallel_loop3A_1775 = tpu.vector_load %arg14[%parallel_loop3A_1773, %parallel_loop3A_1774] {strides = array<i32>} : memref<16x768xf32, #tpu.memory_space<vmem>>, vector<16xf32>,
        tpu.vector_store %arg14[%parallel_loop3A_1773, %parallel_loop3A_1774], %parallel_loop3A_1771 {strides = array<i32>} : memref<16x768xf32, #tpu.memory_space<vmem>>, vector<16xf32>,
        %parallel_loop3A_1776 = arith.addf %parallel_loop3A_1648, %parallel_loop3A_1771 : vector<16xf32>
        %parallel_loop3A_1777 = arith.mulf %parallel_loop3A_1771, %parallel_loop3A_1771 : vector<16xf32>
        %parallel_loop3A_1778 = arith.addf %parallel_loop3A_1656, %parallel_loop3A_1777 : vector<16xf32>
        %parallel_loop3A_1779 = arith.constant 14 : i32
        %parallel_loop3A_1780 = arith.index_cast %parallel_loop3A_1779 : i32 to index
        %parallel_loop3A_1781 = arith.index_cast %parallel_loop3A_1668 : i32 to index
        %parallel_loop3A_1782 = tpu.vector_load %arg21[%parallel_loop3A_1780, %parallel_loop3A_1781] {strides = array<i32>} : memref<16x768xf32, #tpu.memory_space<vmem>>, vector<16xf32>,
        %parallel_loop3A_1783 = arith.constant 14 : i32
        %parallel_loop3A_1784 = arith.index_cast %parallel_loop3A_1783 : i32 to index
        %parallel_loop3A_1785 = arith.index_cast %parallel_loop3A_1668 : i32 to index
        %parallel_loop3A_1786 = tpu.vector_load %arg18[%parallel_loop3A_1784, %parallel_loop3A_1785] {strides = array<i32>} : memref<16x768xf32, #tpu.memory_space<vmem>>, vector<16xf32>,
        %parallel_loop3A_1787 = arith.mulf %parallel_loop3A_1665, %parallel_loop3A_1670 : vector<16xf32>
        %parallel_loop3A_1788 = arith.addf %parallel_loop3A_1786, %parallel_loop3A_1787 : vector<16xf32>
        %parallel_loop3A_1789 = arith.addf %parallel_loop3A_1782, %parallel_loop3A_1788 : vector<16xf32>
        %parallel_loop3A_1790 = arith.constant 14 : i32
        %parallel_loop3A_1791 = arith.index_cast %parallel_loop3A_1790 : i32 to index
        %parallel_loop3A_1792 = arith.index_cast %parallel_loop3A_1668 : i32 to index
        %parallel_loop3A_1793 = tpu.vector_load %arg14[%parallel_loop3A_1791, %parallel_loop3A_1792] {strides = array<i32>} : memref<16x768xf32, #tpu.memory_space<vmem>>, vector<16xf32>,
        tpu.vector_store %arg14[%parallel_loop3A_1791, %parallel_loop3A_1792], %parallel_loop3A_1789 {strides = array<i32>} : memref<16x768xf32, #tpu.memory_space<vmem>>, vector<16xf32>,
        %parallel_loop3A_1794 = arith.addf %parallel_loop3A_1649, %parallel_loop3A_1789 : vector<16xf32>
        %parallel_loop3A_1795 = arith.mulf %parallel_loop3A_1789, %parallel_loop3A_1789 : vector<16xf32>
        %parallel_loop3A_1796 = arith.addf %parallel_loop3A_1657, %parallel_loop3A_1795 : vector<16xf32>
        %parallel_loop3A_1797 = arith.constant 15 : i32
        %parallel_loop3A_1798 = arith.index_cast %parallel_loop3A_1797 : i32 to index
        %parallel_loop3A_1799 = arith.index_cast %parallel_loop3A_1668 : i32 to index
        %parallel_loop3A_1800 = tpu.vector_load %arg21[%parallel_loop3A_1798, %parallel_loop3A_1799] {strides = array<i32>} : memref<16x768xf32, #tpu.memory_space<vmem>>, vector<16xf32>,
        %parallel_loop3A_1801 = arith.constant 15 : i32
        %parallel_loop3A_1802 = arith.index_cast %parallel_loop3A_1801 : i32 to index
        %parallel_loop3A_1803 = arith.index_cast %parallel_loop3A_1668 : i32 to index
        %parallel_loop3A_1804 = tpu.vector_load %arg18[%parallel_loop3A_1802, %parallel_loop3A_1803] {strides = array<i32>} : memref<16x768xf32, #tpu.memory_space<vmem>>, vector<16xf32>,
        %parallel_loop3A_1805 = arith.mulf %parallel_loop3A_1666, %parallel_loop3A_1670 : vector<16xf32>
        %parallel_loop3A_1806 = arith.addf %parallel_loop3A_1804, %parallel_loop3A_1805 : vector<16xf32>
        %parallel_loop3A_1807 = arith.addf %parallel_loop3A_1800, %parallel_loop3A_1806 : vector<16xf32>
        %parallel_loop3A_1808 = arith.constant 15 : i32
        %parallel_loop3A_1809 = arith.index_cast %parallel_loop3A_1808 : i32 to index
        %parallel_loop3A_1810 = arith.index_cast %parallel_loop3A_1668 : i32 to index
        %parallel_loop3A_1811 = tpu.vector_load %arg14[%parallel_loop3A_1809, %parallel_loop3A_1810] {strides = array<i32>} : memref<16x768xf32, #tpu.memory_space<vmem>>, vector<16xf32>,
        tpu.vector_store %arg14[%parallel_loop3A_1809, %parallel_loop3A_1810], %parallel_loop3A_1807 {strides = array<i32>} : memref<16x768xf32, #tpu.memory_space<vmem>>, vector<16xf32>,
        %parallel_loop3A_1812 = arith.addf %parallel_loop3A_1650, %parallel_loop3A_1807 : vector<16xf32>
        %parallel_loop3A_1813 = arith.mulf %parallel_loop3A_1807, %parallel_loop3A_1807 : vector<16xf32>
        %parallel_loop3A_1814 = arith.addf %parallel_loop3A_1658, %parallel_loop3A_1813 : vector<16xf32>
        scf.yield %parallel_loop3A_1686, %parallel_loop3A_1704, %parallel_loop3A_1722, %parallel_loop3A_1740, %parallel_loop3A_1758, %parallel_loop3A_1776, %parallel_loop3A_1794, %parallel_loop3A_1812, %parallel_loop3A_1688, %parallel_loop3A_1706, %parallel_loop3A_1724, %parallel_loop3A_1742, %parallel_loop3A_1760, %parallel_loop3A_1778, %parallel_loop3A_1796, %parallel_loop3A_1814, %parallel_loop3A_1659, %parallel_loop3A_1660, %parallel_loop3A_1661, %parallel_loop3A_1662, %parallel_loop3A_1663, %parallel_loop3A_1664, %parallel_loop3A_1665, %parallel_loop3A_1666 : vector<16xf32>, vector<16xf32>, vector<16xf32>, vector<16xf32>, vector<16xf32>, vector<16xf32>, vector<16xf32>, vector<16xf32>, vector<16xf32>, vector<16xf32>, vector<16xf32>, vector<16xf32>, vector<16xf32>, vector<16xf32>, vector<16xf32>, vector<16xf32>, vector<16xf32>, vector<16xf32>, vector<16xf32>, vector<16xf32>, vector<16xf32>, vector<16xf32>, vector<16xf32>, vector<16xf32>
      } {sc.loop_unroll_factor = 1 : i64, sc.parallel_access}
      %reduce_sum3A_267 = arith.constant true
      %reduce_sum3A_268 = vector.broadcast %reduce_sum3A_267 : i1 to vector<16xi1>
      %reduce_sum3A_269 = tpu.scan <sum>, %parallel_loop3A_266#0 masked %reduce_sum3A_268 : vector<16xf32>, vector<16xi1> -> vector<16xf32>
      %reduce_sum3A_270 = vector.extract %reduce_sum3A_269[15] : f32 from vector<16xf32>
      %mul3A_271 = arith.constant 0.00130208337 : f32
      %mul3A_272 = arith.mulf %reduce_sum3A_270, %mul3A_271 : f32
      %reduce_sum3A_273 = arith.constant true
      %reduce_sum3A_274 = vector.broadcast %reduce_sum3A_273 : i1 to vector<16xi1>
      %reduce_sum3A_275 = tpu.scan <sum>, %parallel_loop3A_266#8 masked %reduce_sum3A_274 : vector<16xf32>, vector<16xi1> -> vector<16xf32>
      %reduce_sum3A_276 = vector.extract %reduce_sum3A_275[15] : f32 from vector<16xf32>
      %mul3A_277 = arith.constant 0.00130208337 : f32
      %mul3A_278 = arith.mulf %reduce_sum3A_276, %mul3A_277 : f32
      %mul3A_279 = arith.mulf %mul3A_272, %mul3A_272 : f32
      %sub3A_280 = arith.subf %mul3A_278, %mul3A_279 : f32
      %reduce_sum3A_281 = arith.constant true
      %reduce_sum3A_282 = vector.broadcast %reduce_sum3A_281 : i1 to vector<16xi1>
      %reduce_sum3A_283 = tpu.scan <sum>, %parallel_loop3A_266#1 masked %reduce_sum3A_282 : vector<16xf32>, vector<16xi1> -> vector<16xf32>
      %reduce_sum3A_284 = vector.extract %reduce_sum3A_283[15] : f32 from vector<16xf32>
      %mul3A_285 = arith.constant 0.00130208337 : f32
      %mul3A_286 = arith.mulf %reduce_sum3A_284, %mul3A_285 : f32
      %reduce_sum3A_287 = arith.constant true
      %reduce_sum3A_288 = vector.broadcast %reduce_sum3A_287 : i1 to vector<16xi1>
      %reduce_sum3A_289 = tpu.scan <sum>, %parallel_loop3A_266#9 masked %reduce_sum3A_288 : vector<16xf32>, vector<16xi1> -> vector<16xf32>
      %reduce_sum3A_290 = vector.extract %reduce_sum3A_289[15] : f32 from vector<16xf32>
      %mul3A_291 = arith.constant 0.00130208337 : f32
      %mul3A_292 = arith.mulf %reduce_sum3A_290, %mul3A_291 : f32
      %mul3A_293 = arith.mulf %mul3A_286, %mul3A_286 : f32
      %sub3A_294 = arith.subf %mul3A_292, %mul3A_293 : f32
      %reduce_sum3A_295 = arith.constant true
      %reduce_sum3A_296 = vector.broadcast %reduce_sum3A_295 : i1 to vector<16xi1>
      %reduce_sum3A_297 = tpu.scan <sum>, %parallel_loop3A_266#2 masked %reduce_sum3A_296 : vector<16xf32>, vector<16xi1> -> vector<16xf32>
      %reduce_sum3A_298 = vector.extract %reduce_sum3A_297[15] : f32 from vector<16xf32>
      %mul3A_299 = arith.constant 0.00130208337 : f32
      %mul3A_300 = arith.mulf %reduce_sum3A_298, %mul3A_299 : f32
      %reduce_sum3A_301 = arith.constant true
      %reduce_sum3A_302 = vector.broadcast %reduce_sum3A_301 : i1 to vector<16xi1>
      %reduce_sum3A_303 = tpu.scan <sum>, %parallel_loop3A_266#10 masked %reduce_sum3A_302 : vector<16xf32>, vector<16xi1> -> vector<16xf32>
      %reduce_sum3A_304 = vector.extract %reduce_sum3A_303[15] : f32 from vector<16xf32>
      %mul3A_305 = arith.constant 0.00130208337 : f32
      %mul3A_306 = arith.mulf %reduce_sum3A_304, %mul3A_305 : f32
      %mul3A_307 = arith.mulf %mul3A_300, %mul3A_300 : f32
      %sub3A_308 = arith.subf %mul3A_306, %mul3A_307 : f32
      %reduce_sum3A_309 = arith.constant true
      %reduce_sum3A_310 = vector.broadcast %reduce_sum3A_309 : i1 to vector<16xi1>
      %reduce_sum3A_311 = tpu.scan <sum>, %parallel_loop3A_266#3 masked %reduce_sum3A_310 : vector<16xf32>, vector<16xi1> -> vector<16xf32>
      %reduce_sum3A_312 = vector.extract %reduce_sum3A_311[15] : f32 from vector<16xf32>
      %mul3A_313 = arith.constant 0.00130208337 : f32
      %mul3A_314 = arith.mulf %reduce_sum3A_312, %mul3A_313 : f32
      %reduce_sum3A_315 = arith.constant true
      %reduce_sum3A_316 = vector.broadcast %reduce_sum3A_315 : i1 to vector<16xi1>
      %reduce_sum3A_317 = tpu.scan <sum>, %parallel_loop3A_266#11 masked %reduce_sum3A_316 : vector<16xf32>, vector<16xi1> -> vector<16xf32>
      %reduce_sum3A_318 = vector.extract %reduce_sum3A_317[15] : f32 from vector<16xf32>
      %mul3A_319 = arith.constant 0.00130208337 : f32
      %mul3A_320 = arith.mulf %reduce_sum3A_318, %mul3A_319 : f32
      %mul3A_321 = arith.mulf %mul3A_314, %mul3A_314 : f32
      %sub3A_322 = arith.subf %mul3A_320, %mul3A_321 : f32
      %reduce_sum3A_323 = arith.constant true
      %reduce_sum3A_324 = vector.broadcast %reduce_sum3A_323 : i1 to vector<16xi1>
      %reduce_sum3A_325 = tpu.scan <sum>, %parallel_loop3A_266#4 masked %reduce_sum3A_324 : vector<16xf32>, vector<16xi1> -> vector<16xf32>
      %reduce_sum3A_326 = vector.extract %reduce_sum3A_325[15] : f32 from vector<16xf32>
      %mul3A_327 = arith.constant 0.00130208337 : f32
      %mul3A_328 = arith.mulf %reduce_sum3A_326, %mul3A_327 : f32
      %reduce_sum3A_329 = arith.constant true
      %reduce_sum3A_330 = vector.broadcast %reduce_sum3A_329 : i1 to vector<16xi1>
      %reduce_sum3A_331 = tpu.scan <sum>, %parallel_loop3A_266#12 masked %reduce_sum3A_330 : vector<16xf32>, vector<16xi1> -> vector<16xf32>
      %reduce_sum3A_332 = vector.extract %reduce_sum3A_331[15] : f32 from vector<16xf32>
      %mul3A_333 = arith.constant 0.00130208337 : f32
      %mul3A_334 = arith.mulf %reduce_sum3A_332, %mul3A_333 : f32
      %mul3A_335 = arith.mulf %mul3A_328, %mul3A_328 : f32
      %sub3A_336 = arith.subf %mul3A_334, %mul3A_335 : f32
      %reduce_sum3A_337 = arith.constant true
      %reduce_sum3A_338 = vector.broadcast %reduce_sum3A_337 : i1 to vector<16xi1>
      %reduce_sum3A_339 = tpu.scan <sum>, %parallel_loop3A_266#5 masked %reduce_sum3A_338 : vector<16xf32>, vector<16xi1> -> vector<16xf32>
      %reduce_sum3A_340 = vector.extract %reduce_sum3A_339[15] : f32 from vector<16xf32>
      %mul3A_341 = arith.constant 0.00130208337 : f32
      %mul3A_342 = arith.mulf %reduce_sum3A_340, %mul3A_341 : f32
      %reduce_sum3A_343 = arith.constant true
      %reduce_sum3A_344 = vector.broadcast %reduce_sum3A_343 : i1 to vector<16xi1>
      %reduce_sum3A_345 = tpu.scan <sum>, %parallel_loop3A_266#13 masked %reduce_sum3A_344 : vector<16xf32>, vector<16xi1> -> vector<16xf32>
      %reduce_sum3A_346 = vector.extract %reduce_sum3A_345[15] : f32 from vector<16xf32>
      %mul3A_347 = arith.constant 0.00130208337 : f32
      %mul3A_348 = arith.mulf %reduce_sum3A_346, %mul3A_347 : f32
      %mul3A_349 = arith.mulf %mul3A_342, %mul3A_342 : f32
      %sub3A_350 = arith.subf %mul3A_348, %mul3A_349 : f32
      %reduce_sum3A_351 = arith.constant true
      %reduce_sum3A_352 = vector.broadcast %reduce_sum3A_351 : i1 to vector<16xi1>
      %reduce_sum3A_353 = tpu.scan <sum>, %parallel_loop3A_266#6 masked %reduce_sum3A_352 : vector<16xf32>, vector<16xi1> -> vector<16xf32>
      %reduce_sum3A_354 = vector.extract %reduce_sum3A_353[15] : f32 from vector<16xf32>
      %mul3A_355 = arith.constant 0.00130208337 : f32
      %mul3A_356 = arith.mulf %reduce_sum3A_354, %mul3A_355 : f32
      %reduce_sum3A_357 = arith.constant true
      %reduce_sum3A_358 = vector.broadcast %reduce_sum3A_357 : i1 to vector<16xi1>
      %reduce_sum3A_359 = tpu.scan <sum>, %parallel_loop3A_266#14 masked %reduce_sum3A_358 : vector<16xf32>, vector<16xi1> -> vector<16xf32>
      %reduce_sum3A_360 = vector.extract %reduce_sum3A_359[15] : f32 from vector<16xf32>
      %mul3A_361 = arith.constant 0.00130208337 : f32
      %mul3A_362 = arith.mulf %reduce_sum3A_360, %mul3A_361 : f32
      %mul3A_363 = arith.mulf %mul3A_356, %mul3A_356 : f32
      %sub3A_364 = arith.subf %mul3A_362, %mul3A_363 : f32
      %reduce_sum3A_365 = arith.constant true
      %reduce_sum3A_366 = vector.broadcast %reduce_sum3A_365 : i1 to vector<16xi1>
      %reduce_sum3A_367 = tpu.scan <sum>, %parallel_loop3A_266#7 masked %reduce_sum3A_366 : vector<16xf32>, vector<16xi1> -> vector<16xf32>
      %reduce_sum3A_368 = vector.extract %reduce_sum3A_367[15] : f32 from vector<16xf32>
      %mul3A_369 = arith.constant 0.00130208337 : f32
      %mul3A_370 = arith.mulf %reduce_sum3A_368, %mul3A_369 : f32
      %reduce_sum3A_371 = arith.constant true
      %reduce_sum3A_372 = vector.broadcast %reduce_sum3A_371 : i1 to vector<16xi1>
      %reduce_sum3A_373 = tpu.scan <sum>, %parallel_loop3A_266#15 masked %reduce_sum3A_372 : vector<16xf32>, vector<16xi1> -> vector<16xf32>
      %reduce_sum3A_374 = vector.extract %reduce_sum3A_373[15] : f32 from vector<16xf32>
      %mul3A_375 = arith.constant 0.00130208337 : f32
      %mul3A_376 = arith.mulf %reduce_sum3A_374, %mul3A_375 : f32
      %mul3A_377 = arith.mulf %mul3A_370, %mul3A_370 : f32
      %sub3A_378 = arith.subf %mul3A_376, %mul3A_377 : f32
      %add3A_379 = arith.constant 2 : i32
      %add3A_380 = arith.addi %add3A_70, %add3A_379 : i32
      %lt3A = arith.constant 128 : i32
      %lt3A_381 = arith.cmpi slt, %add3A_380, %lt3A : i32
      %convert_element_type3A_382 = arith.extui %lt3A_381 : i1 to i32
      %cond3A_383 = arith.constant 0 : i32
      %cond3A_384 = arith.cmpi ne, %convert_element_type3A_382, %cond3A_383 : i32
      scf.if %cond3A_384 {
        %add3A_1642 = arith.constant 2 : i32
        %add3A_1643 = arith.addi %add3A_70, %add3A_1642 : i32
        %mul3A_1644 = arith.constant 16 : i32
        %mul3A_1645 = arith.muli %add3A_1643, %mul3A_1644 : i32
        %dma_start3A_1646 = arith.constant 0 : i32
        %dma_start3A_1647 = arith.constant 0 : i32
        %dma_start3A_1648 = tpu.memref_slice %arg21[%dma_start3A_1646, %dma_start3A_1647] : memref<16x768xf32, #tpu.memory_space<vmem>> -> memref<8x768xf32, #tpu.memory_space<vmem>>
        %dma_start3A_1649 = tpu.memref_slice %arg13[%mul3A_1645] : memref<2048xi32, #tpu.memory_space<vmem>> -> memref<8xi32, #tpu.memory_space<vmem>>
        %dma_start3A_1650 = arith.constant 0 : i32
        %dma_start3A_1651 = arith.constant 0 : i32
        %dma_start3A_1652 = tpu.memref_slice %arg4[%dma_start3A_1650, %dma_start3A_1651] : memref<30522x768xf32, #tpu.memory_space<hbm>> -> memref<30522x768xf32, #tpu.memory_space<hbm>>
        tpu.enqueue_indirect_dma source(%dma_start3A_1652 : memref<30522x768xf32, #tpu.memory_space<hbm>>) target(%dma_start3A_1648 : memref<8x768xf32, #tpu.memory_space<vmem>>) offsets(%dma_start3A_1649 : memref<8xi32, #tpu.memory_space<vmem>>) semaphore(%arg24 : memref<!tpu.dma_semaphore, #tpu.memory_space<semaphore_mem>>)
        %mul3A_1653 = arith.constant 16 : i32
        %mul3A_1654 = arith.muli %add3A_1643, %mul3A_1653 : i32
        %add3A_1655 = arith.constant 8 : i32
        %add3A_1656 = arith.addi %mul3A_1654, %add3A_1655 : i32
        %dma_start3A_1657 = arith.constant 8 : i32
        %dma_start3A_1658 = arith.constant 0 : i32
        %dma_start3A_1659 = tpu.memref_slice %arg21[%dma_start3A_1657, %dma_start3A_1658] : memref<16x768xf32, #tpu.memory_space<vmem>> -> memref<8x768xf32, #tpu.memory_space<vmem>>
        %dma_start3A_1660 = tpu.memref_slice %arg13[%add3A_1656] : memref<2048xi32, #tpu.memory_space<vmem>> -> memref<8xi32, #tpu.memory_space<vmem>>
        %dma_start3A_1661 = arith.constant 0 : i32
        %dma_start3A_1662 = arith.constant 0 : i32
        %dma_start3A_1663 = tpu.memref_slice %arg4[%dma_start3A_1661, %dma_start3A_1662] : memref<30522x768xf32, #tpu.memory_space<hbm>> -> memref<30522x768xf32, #tpu.memory_space<hbm>>
        tpu.enqueue_indirect_dma source(%dma_start3A_1663 : memref<30522x768xf32, #tpu.memory_space<hbm>>) target(%dma_start3A_1659 : memref<8x768xf32, #tpu.memory_space<vmem>>) offsets(%dma_start3A_1660 : memref<8xi32, #tpu.memory_space<vmem>>) semaphore(%arg24 : memref<!tpu.dma_semaphore, #tpu.memory_space<semaphore_mem>>)
      } else {
      }
      %broadcast_in_dim3A_385 = vector.broadcast %mul3A_120 : f32 to vector<16xf32>
      %broadcast_in_dim3A_386 = vector.broadcast %mul3A_133 : f32 to vector<16xf32>
      %broadcast_in_dim3A_387 = vector.broadcast %mul3A_147 : f32 to vector<16xf32>
      %broadcast_in_dim3A_388 = vector.broadcast %mul3A_161 : f32 to vector<16xf32>
      %broadcast_in_dim3A_389 = vector.broadcast %mul3A_175 : f32 to vector<16xf32>
      %broadcast_in_dim3A_390 = vector.broadcast %mul3A_189 : f32 to vector<16xf32>
      %broadcast_in_dim3A_391 = vector.broadcast %mul3A_203 : f32 to vector<16xf32>
      %broadcast_in_dim3A_392 = vector.broadcast %mul3A_217 : f32 to vector<16xf32>
      %add3A_393 = arith.constant 9.99999996E-13 : f32
      %add3A_394 = arith.addf %sub3A, %add3A_393 : f32
      %broadcast_in_dim3A_395 = vector.broadcast %add3A_394 : f32 to vector<16xf32>
      %bitcast_convert_type3A = tpu.bitcast %broadcast_in_dim3A_395 : vector<16xf32> -> vector<16xi32>
      %broadcast_in_dim3A_396 = arith.constant 1597463007 : i32
      %broadcast_in_dim3A_397 = vector.broadcast %broadcast_in_dim3A_396 : i32 to vector<16xi32>
      %shift_right_arithmetic3A = arith.constant 1 : i32
      %shift_right_arithmetic3A_398 = vector.broadcast %shift_right_arithmetic3A : i32 to vector<16xi32>
      %shift_right_arithmetic3A_399 = arith.shrsi %bitcast_convert_type3A, %shift_right_arithmetic3A_398 : vector<16xi32>
      %sub3A_400 = arith.subi %broadcast_in_dim3A_397, %shift_right_arithmetic3A_399 : vector<16xi32>
      %bitcast_convert_type3A_401 = tpu.bitcast %sub3A_400 : vector<16xi32> -> vector<16xf32>
      %mul3A_402 = arith.constant 5.000000e-01 : f32
      %mul3A_403 = vector.broadcast %mul3A_402 : f32 to vector<16xf32>
      %mul3A_404 = arith.mulf %mul3A_403, %broadcast_in_dim3A_395 : vector<16xf32>
      %mul3A_405 = arith.mulf %mul3A_404, %bitcast_convert_type3A_401 : vector<16xf32>
      %mul3A_406 = arith.mulf %mul3A_405, %bitcast_convert_type3A_401 : vector<16xf32>
      %sub3A_407 = arith.constant 1.500000e+00 : f32
      %sub3A_408 = vector.broadcast %sub3A_407 : f32 to vector<16xf32>
      %sub3A_409 = arith.subf %sub3A_408, %mul3A_406 : vector<16xf32>
      %mul3A_410 = arith.mulf %bitcast_convert_type3A_401, %sub3A_409 : vector<16xf32>
      %mul3A_411 = arith.mulf %mul3A_404, %mul3A_410 : vector<16xf32>
      %mul3A_412 = arith.mulf %mul3A_411, %mul3A_410 : vector<16xf32>
      %sub3A_413 = arith.constant 1.500000e+00 : f32
      %sub3A_414 = vector.broadcast %sub3A_413 : f32 to vector<16xf32>
      %sub3A_415 = arith.subf %sub3A_414, %mul3A_412 : vector<16xf32>
      %mul3A_416 = arith.mulf %mul3A_410, %sub3A_415 : vector<16xf32>
      %add3A_417 = arith.constant 9.99999996E-13 : f32
      %add3A_418 = arith.addf %sub3A_141, %add3A_417 : f32
      %broadcast_in_dim3A_419 = vector.broadcast %add3A_418 : f32 to vector<16xf32>
      %bitcast_convert_type3A_420 = tpu.bitcast %broadcast_in_dim3A_419 : vector<16xf32> -> vector<16xi32>
      %broadcast_in_dim3A_421 = arith.constant 1597463007 : i32
      %broadcast_in_dim3A_422 = vector.broadcast %broadcast_in_dim3A_421 : i32 to vector<16xi32>
      %shift_right_arithmetic3A_423 = arith.constant 1 : i32
      %shift_right_arithmetic3A_424 = vector.broadcast %shift_right_arithmetic3A_423 : i32 to vector<16xi32>
      %shift_right_arithmetic3A_425 = arith.shrsi %bitcast_convert_type3A_420, %shift_right_arithmetic3A_424 : vector<16xi32>
      %sub3A_426 = arith.subi %broadcast_in_dim3A_422, %shift_right_arithmetic3A_425 : vector<16xi32>
      %bitcast_convert_type3A_427 = tpu.bitcast %sub3A_426 : vector<16xi32> -> vector<16xf32>
      %mul3A_428 = arith.constant 5.000000e-01 : f32
      %mul3A_429 = vector.broadcast %mul3A_428 : f32 to vector<16xf32>
      %mul3A_430 = arith.mulf %mul3A_429, %broadcast_in_dim3A_419 : vector<16xf32>
      %mul3A_431 = arith.mulf %mul3A_430, %bitcast_convert_type3A_427 : vector<16xf32>
      %mul3A_432 = arith.mulf %mul3A_431, %bitcast_convert_type3A_427 : vector<16xf32>
      %sub3A_433 = arith.constant 1.500000e+00 : f32
      %sub3A_434 = vector.broadcast %sub3A_433 : f32 to vector<16xf32>
      %sub3A_435 = arith.subf %sub3A_434, %mul3A_432 : vector<16xf32>
      %mul3A_436 = arith.mulf %bitcast_convert_type3A_427, %sub3A_435 : vector<16xf32>
      %mul3A_437 = arith.mulf %mul3A_430, %mul3A_436 : vector<16xf32>
      %mul3A_438 = arith.mulf %mul3A_437, %mul3A_436 : vector<16xf32>
      %sub3A_439 = arith.constant 1.500000e+00 : f32
      %sub3A_440 = vector.broadcast %sub3A_439 : f32 to vector<16xf32>
      %sub3A_441 = arith.subf %sub3A_440, %mul3A_438 : vector<16xf32>
      %mul3A_442 = arith.mulf %mul3A_436, %sub3A_441 : vector<16xf32>
      %add3A_443 = arith.constant 9.99999996E-13 : f32
      %add3A_444 = arith.addf %sub3A_155, %add3A_443 : f32
      %broadcast_in_dim3A_445 = vector.broadcast %add3A_444 : f32 to vector<16xf32>
      %bitcast_convert_type3A_446 = tpu.bitcast %broadcast_in_dim3A_445 : vector<16xf32> -> vector<16xi32>
      %broadcast_in_dim3A_447 = arith.constant 1597463007 : i32
      %broadcast_in_dim3A_448 = vector.broadcast %broadcast_in_dim3A_447 : i32 to vector<16xi32>
      %shift_right_arithmetic3A_449 = arith.constant 1 : i32
      %shift_right_arithmetic3A_450 = vector.broadcast %shift_right_arithmetic3A_449 : i32 to vector<16xi32>
      %shift_right_arithmetic3A_451 = arith.shrsi %bitcast_convert_type3A_446, %shift_right_arithmetic3A_450 : vector<16xi32>
      %sub3A_452 = arith.subi %broadcast_in_dim3A_448, %shift_right_arithmetic3A_451 : vector<16xi32>
      %bitcast_convert_type3A_453 = tpu.bitcast %sub3A_452 : vector<16xi32> -> vector<16xf32>
      %mul3A_454 = arith.constant 5.000000e-01 : f32
      %mul3A_455 = vector.broadcast %mul3A_454 : f32 to vector<16xf32>
      %mul3A_456 = arith.mulf %mul3A_455, %broadcast_in_dim3A_445 : vector<16xf32>
      %mul3A_457 = arith.mulf %mul3A_456, %bitcast_convert_type3A_453 : vector<16xf32>
      %mul3A_458 = arith.mulf %mul3A_457, %bitcast_convert_type3A_453 : vector<16xf32>
      %sub3A_459 = arith.constant 1.500000e+00 : f32
      %sub3A_460 = vector.broadcast %sub3A_459 : f32 to vector<16xf32>
      %sub3A_461 = arith.subf %sub3A_460, %mul3A_458 : vector<16xf32>
      %mul3A_462 = arith.mulf %bitcast_convert_type3A_453, %sub3A_461 : vector<16xf32>
      %mul3A_463 = arith.mulf %mul3A_456, %mul3A_462 : vector<16xf32>
      %mul3A_464 = arith.mulf %mul3A_463, %mul3A_462 : vector<16xf32>
      %sub3A_465 = arith.constant 1.500000e+00 : f32
      %sub3A_466 = vector.broadcast %sub3A_465 : f32 to vector<16xf32>
      %sub3A_467 = arith.subf %sub3A_466, %mul3A_464 : vector<16xf32>
      %mul3A_468 = arith.mulf %mul3A_462, %sub3A_467 : vector<16xf32>
      %add3A_469 = arith.constant 9.99999996E-13 : f32
      %add3A_470 = arith.addf %sub3A_169, %add3A_469 : f32
      %broadcast_in_dim3A_471 = vector.broadcast %add3A_470 : f32 to vector<16xf32>
      %bitcast_convert_type3A_472 = tpu.bitcast %broadcast_in_dim3A_471 : vector<16xf32> -> vector<16xi32>
      %broadcast_in_dim3A_473 = arith.constant 1597463007 : i32
      %broadcast_in_dim3A_474 = vector.broadcast %broadcast_in_dim3A_473 : i32 to vector<16xi32>
      %shift_right_arithmetic3A_475 = arith.constant 1 : i32
      %shift_right_arithmetic3A_476 = vector.broadcast %shift_right_arithmetic3A_475 : i32 to vector<16xi32>
      %shift_right_arithmetic3A_477 = arith.shrsi %bitcast_convert_type3A_472, %shift_right_arithmetic3A_476 : vector<16xi32>
      %sub3A_478 = arith.subi %broadcast_in_dim3A_474, %shift_right_arithmetic3A_477 : vector<16xi32>
      %bitcast_convert_type3A_479 = tpu.bitcast %sub3A_478 : vector<16xi32> -> vector<16xf32>
      %mul3A_480 = arith.constant 5.000000e-01 : f32
      %mul3A_481 = vector.broadcast %mul3A_480 : f32 to vector<16xf32>
      %mul3A_482 = arith.mulf %mul3A_481, %broadcast_in_dim3A_471 : vector<16xf32>
      %mul3A_483 = arith.mulf %mul3A_482, %bitcast_convert_type3A_479 : vector<16xf32>
      %mul3A_484 = arith.mulf %mul3A_483, %bitcast_convert_type3A_479 : vector<16xf32>
      %sub3A_485 = arith.constant 1.500000e+00 : f32
      %sub3A_486 = vector.broadcast %sub3A_485 : f32 to vector<16xf32>
      %sub3A_487 = arith.subf %sub3A_486, %mul3A_484 : vector<16xf32>
      %mul3A_488 = arith.mulf %bitcast_convert_type3A_479, %sub3A_487 : vector<16xf32>
      %mul3A_489 = arith.mulf %mul3A_482, %mul3A_488 : vector<16xf32>
      %mul3A_490 = arith.mulf %mul3A_489, %mul3A_488 : vector<16xf32>
      %sub3A_491 = arith.constant 1.500000e+00 : f32
      %sub3A_492 = vector.broadcast %sub3A_491 : f32 to vector<16xf32>
      %sub3A_493 = arith.subf %sub3A_492, %mul3A_490 : vector<16xf32>
      %mul3A_494 = arith.mulf %mul3A_488, %sub3A_493 : vector<16xf32>
      %add3A_495 = arith.constant 9.99999996E-13 : f32
      %add3A_496 = arith.addf %sub3A_183, %add3A_495 : f32
      %broadcast_in_dim3A_497 = vector.broadcast %add3A_496 : f32 to vector<16xf32>
      %bitcast_convert_type3A_498 = tpu.bitcast %broadcast_in_dim3A_497 : vector<16xf32> -> vector<16xi32>
      %broadcast_in_dim3A_499 = arith.constant 1597463007 : i32
      %broadcast_in_dim3A_500 = vector.broadcast %broadcast_in_dim3A_499 : i32 to vector<16xi32>
      %shift_right_arithmetic3A_501 = arith.constant 1 : i32
      %shift_right_arithmetic3A_502 = vector.broadcast %shift_right_arithmetic3A_501 : i32 to vector<16xi32>
      %shift_right_arithmetic3A_503 = arith.shrsi %bitcast_convert_type3A_498, %shift_right_arithmetic3A_502 : vector<16xi32>
      %sub3A_504 = arith.subi %broadcast_in_dim3A_500, %shift_right_arithmetic3A_503 : vector<16xi32>
      %bitcast_convert_type3A_505 = tpu.bitcast %sub3A_504 : vector<16xi32> -> vector<16xf32>
      %mul3A_506 = arith.constant 5.000000e-01 : f32
      %mul3A_507 = vector.broadcast %mul3A_506 : f32 to vector<16xf32>
      %mul3A_508 = arith.mulf %mul3A_507, %broadcast_in_dim3A_497 : vector<16xf32>
      %mul3A_509 = arith.mulf %mul3A_508, %bitcast_convert_type3A_505 : vector<16xf32>
      %mul3A_510 = arith.mulf %mul3A_509, %bitcast_convert_type3A_505 : vector<16xf32>
      %sub3A_511 = arith.constant 1.500000e+00 : f32
      %sub3A_512 = vector.broadcast %sub3A_511 : f32 to vector<16xf32>
      %sub3A_513 = arith.subf %sub3A_512, %mul3A_510 : vector<16xf32>
      %mul3A_514 = arith.mulf %bitcast_convert_type3A_505, %sub3A_513 : vector<16xf32>
      %mul3A_515 = arith.mulf %mul3A_508, %mul3A_514 : vector<16xf32>
      %mul3A_516 = arith.mulf %mul3A_515, %mul3A_514 : vector<16xf32>
      %sub3A_517 = arith.constant 1.500000e+00 : f32
      %sub3A_518 = vector.broadcast %sub3A_517 : f32 to vector<16xf32>
      %sub3A_519 = arith.subf %sub3A_518, %mul3A_516 : vector<16xf32>
      %mul3A_520 = arith.mulf %mul3A_514, %sub3A_519 : vector<16xf32>
      %add3A_521 = arith.constant 9.99999996E-13 : f32
      %add3A_522 = arith.addf %sub3A_197, %add3A_521 : f32
      %broadcast_in_dim3A_523 = vector.broadcast %add3A_522 : f32 to vector<16xf32>
      %bitcast_convert_type3A_524 = tpu.bitcast %broadcast_in_dim3A_523 : vector<16xf32> -> vector<16xi32>
      %broadcast_in_dim3A_525 = arith.constant 1597463007 : i32
      %broadcast_in_dim3A_526 = vector.broadcast %broadcast_in_dim3A_525 : i32 to vector<16xi32>
      %shift_right_arithmetic3A_527 = arith.constant 1 : i32
      %shift_right_arithmetic3A_528 = vector.broadcast %shift_right_arithmetic3A_527 : i32 to vector<16xi32>
      %shift_right_arithmetic3A_529 = arith.shrsi %bitcast_convert_type3A_524, %shift_right_arithmetic3A_528 : vector<16xi32>
      %sub3A_530 = arith.subi %broadcast_in_dim3A_526, %shift_right_arithmetic3A_529 : vector<16xi32>
      %bitcast_convert_type3A_531 = tpu.bitcast %sub3A_530 : vector<16xi32> -> vector<16xf32>
      %mul3A_532 = arith.constant 5.000000e-01 : f32
      %mul3A_533 = vector.broadcast %mul3A_532 : f32 to vector<16xf32>
      %mul3A_534 = arith.mulf %mul3A_533, %broadcast_in_dim3A_523 : vector<16xf32>
      %mul3A_535 = arith.mulf %mul3A_534, %bitcast_convert_type3A_531 : vector<16xf32>
      %mul3A_536 = arith.mulf %mul3A_535, %bitcast_convert_type3A_531 : vector<16xf32>
      %sub3A_537 = arith.constant 1.500000e+00 : f32
      %sub3A_538 = vector.broadcast %sub3A_537 : f32 to vector<16xf32>
      %sub3A_539 = arith.subf %sub3A_538, %mul3A_536 : vector<16xf32>
      %mul3A_540 = arith.mulf %bitcast_convert_type3A_531, %sub3A_539 : vector<16xf32>
      %mul3A_541 = arith.mulf %mul3A_534, %mul3A_540 : vector<16xf32>
      %mul3A_542 = arith.mulf %mul3A_541, %mul3A_540 : vector<16xf32>
      %sub3A_543 = arith.constant 1.500000e+00 : f32
      %sub3A_544 = vector.broadcast %sub3A_543 : f32 to vector<16xf32>
      %sub3A_545 = arith.subf %sub3A_544, %mul3A_542 : vector<16xf32>
      %mul3A_546 = arith.mulf %mul3A_540, %sub3A_545 : vector<16xf32>
      %add3A_547 = arith.constant 9.99999996E-13 : f32
      %add3A_548 = arith.addf %sub3A_211, %add3A_547 : f32
      %broadcast_in_dim3A_549 = vector.broadcast %add3A_548 : f32 to vector<16xf32>
      %bitcast_convert_type3A_550 = tpu.bitcast %broadcast_in_dim3A_549 : vector<16xf32> -> vector<16xi32>
      %broadcast_in_dim3A_551 = arith.constant 1597463007 : i32
      %broadcast_in_dim3A_552 = vector.broadcast %broadcast_in_dim3A_551 : i32 to vector<16xi32>
      %shift_right_arithmetic3A_553 = arith.constant 1 : i32
      %shift_right_arithmetic3A_554 = vector.broadcast %shift_right_arithmetic3A_553 : i32 to vector<16xi32>
      %shift_right_arithmetic3A_555 = arith.shrsi %bitcast_convert_type3A_550, %shift_right_arithmetic3A_554 : vector<16xi32>
      %sub3A_556 = arith.subi %broadcast_in_dim3A_552, %shift_right_arithmetic3A_555 : vector<16xi32>
      %bitcast_convert_type3A_557 = tpu.bitcast %sub3A_556 : vector<16xi32> -> vector<16xf32>
      %mul3A_558 = arith.constant 5.000000e-01 : f32
      %mul3A_559 = vector.broadcast %mul3A_558 : f32 to vector<16xf32>
      %mul3A_560 = arith.mulf %mul3A_559, %broadcast_in_dim3A_549 : vector<16xf32>
      %mul3A_561 = arith.mulf %mul3A_560, %bitcast_convert_type3A_557 : vector<16xf32>
      %mul3A_562 = arith.mulf %mul3A_561, %bitcast_convert_type3A_557 : vector<16xf32>
      %sub3A_563 = arith.constant 1.500000e+00 : f32
      %sub3A_564 = vector.broadcast %sub3A_563 : f32 to vector<16xf32>
      %sub3A_565 = arith.subf %sub3A_564, %mul3A_562 : vector<16xf32>
      %mul3A_566 = arith.mulf %bitcast_convert_type3A_557, %sub3A_565 : vector<16xf32>
      %mul3A_567 = arith.mulf %mul3A_560, %mul3A_566 : vector<16xf32>
      %mul3A_568 = arith.mulf %mul3A_567, %mul3A_566 : vector<16xf32>
      %sub3A_569 = arith.constant 1.500000e+00 : f32
      %sub3A_570 = vector.broadcast %sub3A_569 : f32 to vector<16xf32>
      %sub3A_571 = arith.subf %sub3A_570, %mul3A_568 : vector<16xf32>
      %mul3A_572 = arith.mulf %mul3A_566, %sub3A_571 : vector<16xf32>
      %add3A_573 = arith.constant 9.99999996E-13 : f32
      %add3A_574 = arith.addf %sub3A_225, %add3A_573 : f32
      %broadcast_in_dim3A_575 = vector.broadcast %add3A_574 : f32 to vector<16xf32>
      %bitcast_convert_type3A_576 = tpu.bitcast %broadcast_in_dim3A_575 : vector<16xf32> -> vector<16xi32>
      %broadcast_in_dim3A_577 = arith.constant 1597463007 : i32
      %broadcast_in_dim3A_578 = vector.broadcast %broadcast_in_dim3A_577 : i32 to vector<16xi32>
      %shift_right_arithmetic3A_579 = arith.constant 1 : i32
      %shift_right_arithmetic3A_580 = vector.broadcast %shift_right_arithmetic3A_579 : i32 to vector<16xi32>
      %shift_right_arithmetic3A_581 = arith.shrsi %bitcast_convert_type3A_576, %shift_right_arithmetic3A_580 : vector<16xi32>
      %sub3A_582 = arith.subi %broadcast_in_dim3A_578, %shift_right_arithmetic3A_581 : vector<16xi32>
      %bitcast_convert_type3A_583 = tpu.bitcast %sub3A_582 : vector<16xi32> -> vector<16xf32>
      %mul3A_584 = arith.constant 5.000000e-01 : f32
      %mul3A_585 = vector.broadcast %mul3A_584 : f32 to vector<16xf32>
      %mul3A_586 = arith.mulf %mul3A_585, %broadcast_in_dim3A_575 : vector<16xf32>
      %mul3A_587 = arith.mulf %mul3A_586, %bitcast_convert_type3A_583 : vector<16xf32>
      %mul3A_588 = arith.mulf %mul3A_587, %bitcast_convert_type3A_583 : vector<16xf32>
      %sub3A_589 = arith.constant 1.500000e+00 : f32
      %sub3A_590 = vector.broadcast %sub3A_589 : f32 to vector<16xf32>
      %sub3A_591 = arith.subf %sub3A_590, %mul3A_588 : vector<16xf32>
      %mul3A_592 = arith.mulf %bitcast_convert_type3A_583, %sub3A_591 : vector<16xf32>
      %mul3A_593 = arith.mulf %mul3A_586, %mul3A_592 : vector<16xf32>
      %mul3A_594 = arith.mulf %mul3A_593, %mul3A_592 : vector<16xf32>
      %sub3A_595 = arith.constant 1.500000e+00 : f32
      %sub3A_596 = vector.broadcast %sub3A_595 : f32 to vector<16xf32>
      %sub3A_597 = arith.subf %sub3A_596, %mul3A_594 : vector<16xf32>
      %mul3A_598 = arith.mulf %mul3A_592, %sub3A_597 : vector<16xf32>
      %parallel_loop3A_599 = arith.constant 0 : i32
      %parallel_loop3A_600 = arith.constant 48 : i32
      %parallel_loop3A_601 = arith.constant 1 : i32
      %parallel_loop3A_602:16 = scf.for %parallel_loop3A_1642 = %parallel_loop3A_599 to %parallel_loop3A_600 step %parallel_loop3A_601 iter_args(%parallel_loop3A_1643 = %broadcast_in_dim3A_385, %parallel_loop3A_1644 = %broadcast_in_dim3A_386, %parallel_loop3A_1645 = %broadcast_in_dim3A_387, %parallel_loop3A_1646 = %broadcast_in_dim3A_388, %parallel_loop3A_1647 = %broadcast_in_dim3A_389, %parallel_loop3A_1648 = %broadcast_in_dim3A_390, %parallel_loop3A_1649 = %broadcast_in_dim3A_391, %parallel_loop3A_1650 = %broadcast_in_dim3A_392, %parallel_loop3A_1651 = %mul3A_416, %parallel_loop3A_1652 = %mul3A_442, %parallel_loop3A_1653 = %mul3A_468, %parallel_loop3A_1654 = %mul3A_494, %parallel_loop3A_1655 = %mul3A_520, %parallel_loop3A_1656 = %mul3A_546, %parallel_loop3A_1657 = %mul3A_572, %parallel_loop3A_1658 = %mul3A_598) -> (vector<16xf32>, vector<16xf32>, vector<16xf32>, vector<16xf32>, vector<16xf32>, vector<16xf32>, vector<16xf32>, vector<16xf32>, vector<16xf32>, vector<16xf32>, vector<16xf32>, vector<16xf32>, vector<16xf32>, vector<16xf32>, vector<16xf32>, vector<16xf32>)  : i32 {
        %parallel_loop3A_1659 = arith.constant 16 : i32
        %parallel_loop3A_1660 = arith.muli %parallel_loop3A_1642, %parallel_loop3A_1659 : i32
        %parallel_loop3A_1661 = arith.index_cast %parallel_loop3A_1660 : i32 to index
        %parallel_loop3A_1662 = tpu.vector_load %arg23[%parallel_loop3A_1661] {strides = array<i32>} : memref<768xf32, #tpu.memory_space<vmem>>, vector<16xf32>,
        %parallel_loop3A_1663 = arith.index_cast %parallel_loop3A_1660 : i32 to index
        %parallel_loop3A_1664 = tpu.vector_load %arg10[%parallel_loop3A_1663] {strides = array<i32>} : memref<768xf32, #tpu.memory_space<vmem>>, vector<16xf32>,
        %parallel_loop3A_1665 = arith.mulf %parallel_loop3A_1651, %parallel_loop3A_1662 : vector<16xf32>
        %parallel_loop3A_1666 = arith.constant 0 : i32
        %parallel_loop3A_1667 = arith.index_cast %parallel_loop3A_1666 : i32 to index
        %parallel_loop3A_1668 = arith.index_cast %parallel_loop3A_1660 : i32 to index
        %parallel_loop3A_1669 = tpu.vector_load %arg14[%parallel_loop3A_1667, %parallel_loop3A_1668] {strides = array<i32>} : memref<16x768xf32, #tpu.memory_space<vmem>>, vector<16xf32>,
        %parallel_loop3A_1670 = arith.subf %parallel_loop3A_1669, %parallel_loop3A_1643 : vector<16xf32>
        %parallel_loop3A_1671 = arith.mulf %parallel_loop3A_1670, %parallel_loop3A_1665 : vector<16xf32>
        %parallel_loop3A_1672 = arith.addf %parallel_loop3A_1671, %parallel_loop3A_1664 : vector<16xf32>
        %parallel_loop3A_1673 = arith.constant 0 : i32
        %parallel_loop3A_1674 = arith.index_cast %parallel_loop3A_1673 : i32 to index
        %parallel_loop3A_1675 = arith.index_cast %parallel_loop3A_1660 : i32 to index
        %parallel_loop3A_1676 = tpu.vector_load %arg14[%parallel_loop3A_1674, %parallel_loop3A_1675] {strides = array<i32>} : memref<16x768xf32, #tpu.memory_space<vmem>>, vector<16xf32>,
        tpu.vector_store %arg14[%parallel_loop3A_1674, %parallel_loop3A_1675], %parallel_loop3A_1672 {strides = array<i32>} : memref<16x768xf32, #tpu.memory_space<vmem>>, vector<16xf32>,
        %parallel_loop3A_1677 = arith.mulf %parallel_loop3A_1652, %parallel_loop3A_1662 : vector<16xf32>
        %parallel_loop3A_1678 = arith.constant 1 : i32
        %parallel_loop3A_1679 = arith.index_cast %parallel_loop3A_1678 : i32 to index
        %parallel_loop3A_1680 = arith.index_cast %parallel_loop3A_1660 : i32 to index
        %parallel_loop3A_1681 = tpu.vector_load %arg14[%parallel_loop3A_1679, %parallel_loop3A_1680] {strides = array<i32>} : memref<16x768xf32, #tpu.memory_space<vmem>>, vector<16xf32>,
        %parallel_loop3A_1682 = arith.subf %parallel_loop3A_1681, %parallel_loop3A_1644 : vector<16xf32>
        %parallel_loop3A_1683 = arith.mulf %parallel_loop3A_1682, %parallel_loop3A_1677 : vector<16xf32>
        %parallel_loop3A_1684 = arith.addf %parallel_loop3A_1683, %parallel_loop3A_1664 : vector<16xf32>
        %parallel_loop3A_1685 = arith.constant 1 : i32
        %parallel_loop3A_1686 = arith.index_cast %parallel_loop3A_1685 : i32 to index
        %parallel_loop3A_1687 = arith.index_cast %parallel_loop3A_1660 : i32 to index
        %parallel_loop3A_1688 = tpu.vector_load %arg14[%parallel_loop3A_1686, %parallel_loop3A_1687] {strides = array<i32>} : memref<16x768xf32, #tpu.memory_space<vmem>>, vector<16xf32>,
        tpu.vector_store %arg14[%parallel_loop3A_1686, %parallel_loop3A_1687], %parallel_loop3A_1684 {strides = array<i32>} : memref<16x768xf32, #tpu.memory_space<vmem>>, vector<16xf32>,
        %parallel_loop3A_1689 = arith.mulf %parallel_loop3A_1653, %parallel_loop3A_1662 : vector<16xf32>
        %parallel_loop3A_1690 = arith.constant 2 : i32
        %parallel_loop3A_1691 = arith.index_cast %parallel_loop3A_1690 : i32 to index
        %parallel_loop3A_1692 = arith.index_cast %parallel_loop3A_1660 : i32 to index
        %parallel_loop3A_1693 = tpu.vector_load %arg14[%parallel_loop3A_1691, %parallel_loop3A_1692] {strides = array<i32>} : memref<16x768xf32, #tpu.memory_space<vmem>>, vector<16xf32>,
        %parallel_loop3A_1694 = arith.subf %parallel_loop3A_1693, %parallel_loop3A_1645 : vector<16xf32>
        %parallel_loop3A_1695 = arith.mulf %parallel_loop3A_1694, %parallel_loop3A_1689 : vector<16xf32>
        %parallel_loop3A_1696 = arith.addf %parallel_loop3A_1695, %parallel_loop3A_1664 : vector<16xf32>
        %parallel_loop3A_1697 = arith.constant 2 : i32
        %parallel_loop3A_1698 = arith.index_cast %parallel_loop3A_1697 : i32 to index
        %parallel_loop3A_1699 = arith.index_cast %parallel_loop3A_1660 : i32 to index
        %parallel_loop3A_1700 = tpu.vector_load %arg14[%parallel_loop3A_1698, %parallel_loop3A_1699] {strides = array<i32>} : memref<16x768xf32, #tpu.memory_space<vmem>>, vector<16xf32>,
        tpu.vector_store %arg14[%parallel_loop3A_1698, %parallel_loop3A_1699], %parallel_loop3A_1696 {strides = array<i32>} : memref<16x768xf32, #tpu.memory_space<vmem>>, vector<16xf32>,
        %parallel_loop3A_1701 = arith.mulf %parallel_loop3A_1654, %parallel_loop3A_1662 : vector<16xf32>
        %parallel_loop3A_1702 = arith.constant 3 : i32
        %parallel_loop3A_1703 = arith.index_cast %parallel_loop3A_1702 : i32 to index
        %parallel_loop3A_1704 = arith.index_cast %parallel_loop3A_1660 : i32 to index
        %parallel_loop3A_1705 = tpu.vector_load %arg14[%parallel_loop3A_1703, %parallel_loop3A_1704] {strides = array<i32>} : memref<16x768xf32, #tpu.memory_space<vmem>>, vector<16xf32>,
        %parallel_loop3A_1706 = arith.subf %parallel_loop3A_1705, %parallel_loop3A_1646 : vector<16xf32>
        %parallel_loop3A_1707 = arith.mulf %parallel_loop3A_1706, %parallel_loop3A_1701 : vector<16xf32>
        %parallel_loop3A_1708 = arith.addf %parallel_loop3A_1707, %parallel_loop3A_1664 : vector<16xf32>
        %parallel_loop3A_1709 = arith.constant 3 : i32
        %parallel_loop3A_1710 = arith.index_cast %parallel_loop3A_1709 : i32 to index
        %parallel_loop3A_1711 = arith.index_cast %parallel_loop3A_1660 : i32 to index
        %parallel_loop3A_1712 = tpu.vector_load %arg14[%parallel_loop3A_1710, %parallel_loop3A_1711] {strides = array<i32>} : memref<16x768xf32, #tpu.memory_space<vmem>>, vector<16xf32>,
        tpu.vector_store %arg14[%parallel_loop3A_1710, %parallel_loop3A_1711], %parallel_loop3A_1708 {strides = array<i32>} : memref<16x768xf32, #tpu.memory_space<vmem>>, vector<16xf32>,
        %parallel_loop3A_1713 = arith.mulf %parallel_loop3A_1655, %parallel_loop3A_1662 : vector<16xf32>
        %parallel_loop3A_1714 = arith.constant 4 : i32
        %parallel_loop3A_1715 = arith.index_cast %parallel_loop3A_1714 : i32 to index
        %parallel_loop3A_1716 = arith.index_cast %parallel_loop3A_1660 : i32 to index
        %parallel_loop3A_1717 = tpu.vector_load %arg14[%parallel_loop3A_1715, %parallel_loop3A_1716] {strides = array<i32>} : memref<16x768xf32, #tpu.memory_space<vmem>>, vector<16xf32>,
        %parallel_loop3A_1718 = arith.subf %parallel_loop3A_1717, %parallel_loop3A_1647 : vector<16xf32>
        %parallel_loop3A_1719 = arith.mulf %parallel_loop3A_1718, %parallel_loop3A_1713 : vector<16xf32>
        %parallel_loop3A_1720 = arith.addf %parallel_loop3A_1719, %parallel_loop3A_1664 : vector<16xf32>
        %parallel_loop3A_1721 = arith.constant 4 : i32
        %parallel_loop3A_1722 = arith.index_cast %parallel_loop3A_1721 : i32 to index
        %parallel_loop3A_1723 = arith.index_cast %parallel_loop3A_1660 : i32 to index
        %parallel_loop3A_1724 = tpu.vector_load %arg14[%parallel_loop3A_1722, %parallel_loop3A_1723] {strides = array<i32>} : memref<16x768xf32, #tpu.memory_space<vmem>>, vector<16xf32>,
        tpu.vector_store %arg14[%parallel_loop3A_1722, %parallel_loop3A_1723], %parallel_loop3A_1720 {strides = array<i32>} : memref<16x768xf32, #tpu.memory_space<vmem>>, vector<16xf32>,
        %parallel_loop3A_1725 = arith.mulf %parallel_loop3A_1656, %parallel_loop3A_1662 : vector<16xf32>
        %parallel_loop3A_1726 = arith.constant 5 : i32
        %parallel_loop3A_1727 = arith.index_cast %parallel_loop3A_1726 : i32 to index
        %parallel_loop3A_1728 = arith.index_cast %parallel_loop3A_1660 : i32 to index
        %parallel_loop3A_1729 = tpu.vector_load %arg14[%parallel_loop3A_1727, %parallel_loop3A_1728] {strides = array<i32>} : memref<16x768xf32, #tpu.memory_space<vmem>>, vector<16xf32>,
        %parallel_loop3A_1730 = arith.subf %parallel_loop3A_1729, %parallel_loop3A_1648 : vector<16xf32>
        %parallel_loop3A_1731 = arith.mulf %parallel_loop3A_1730, %parallel_loop3A_1725 : vector<16xf32>
        %parallel_loop3A_1732 = arith.addf %parallel_loop3A_1731, %parallel_loop3A_1664 : vector<16xf32>
        %parallel_loop3A_1733 = arith.constant 5 : i32
        %parallel_loop3A_1734 = arith.index_cast %parallel_loop3A_1733 : i32 to index
        %parallel_loop3A_1735 = arith.index_cast %parallel_loop3A_1660 : i32 to index
        %parallel_loop3A_1736 = tpu.vector_load %arg14[%parallel_loop3A_1734, %parallel_loop3A_1735] {strides = array<i32>} : memref<16x768xf32, #tpu.memory_space<vmem>>, vector<16xf32>,
        tpu.vector_store %arg14[%parallel_loop3A_1734, %parallel_loop3A_1735], %parallel_loop3A_1732 {strides = array<i32>} : memref<16x768xf32, #tpu.memory_space<vmem>>, vector<16xf32>,
        %parallel_loop3A_1737 = arith.mulf %parallel_loop3A_1657, %parallel_loop3A_1662 : vector<16xf32>
        %parallel_loop3A_1738 = arith.constant 6 : i32
        %parallel_loop3A_1739 = arith.index_cast %parallel_loop3A_1738 : i32 to index
        %parallel_loop3A_1740 = arith.index_cast %parallel_loop3A_1660 : i32 to index
        %parallel_loop3A_1741 = tpu.vector_load %arg14[%parallel_loop3A_1739, %parallel_loop3A_1740] {strides = array<i32>} : memref<16x768xf32, #tpu.memory_space<vmem>>, vector<16xf32>,
        %parallel_loop3A_1742 = arith.subf %parallel_loop3A_1741, %parallel_loop3A_1649 : vector<16xf32>
        %parallel_loop3A_1743 = arith.mulf %parallel_loop3A_1742, %parallel_loop3A_1737 : vector<16xf32>
        %parallel_loop3A_1744 = arith.addf %parallel_loop3A_1743, %parallel_loop3A_1664 : vector<16xf32>
        %parallel_loop3A_1745 = arith.constant 6 : i32
        %parallel_loop3A_1746 = arith.index_cast %parallel_loop3A_1745 : i32 to index
        %parallel_loop3A_1747 = arith.index_cast %parallel_loop3A_1660 : i32 to index
        %parallel_loop3A_1748 = tpu.vector_load %arg14[%parallel_loop3A_1746, %parallel_loop3A_1747] {strides = array<i32>} : memref<16x768xf32, #tpu.memory_space<vmem>>, vector<16xf32>,
        tpu.vector_store %arg14[%parallel_loop3A_1746, %parallel_loop3A_1747], %parallel_loop3A_1744 {strides = array<i32>} : memref<16x768xf32, #tpu.memory_space<vmem>>, vector<16xf32>,
        %parallel_loop3A_1749 = arith.mulf %parallel_loop3A_1658, %parallel_loop3A_1662 : vector<16xf32>
        %parallel_loop3A_1750 = arith.constant 7 : i32
        %parallel_loop3A_1751 = arith.index_cast %parallel_loop3A_1750 : i32 to index
        %parallel_loop3A_1752 = arith.index_cast %parallel_loop3A_1660 : i32 to index
        %parallel_loop3A_1753 = tpu.vector_load %arg14[%parallel_loop3A_1751, %parallel_loop3A_1752] {strides = array<i32>} : memref<16x768xf32, #tpu.memory_space<vmem>>, vector<16xf32>,
        %parallel_loop3A_1754 = arith.subf %parallel_loop3A_1753, %parallel_loop3A_1650 : vector<16xf32>
        %parallel_loop3A_1755 = arith.mulf %parallel_loop3A_1754, %parallel_loop3A_1749 : vector<16xf32>
        %parallel_loop3A_1756 = arith.addf %parallel_loop3A_1755, %parallel_loop3A_1664 : vector<16xf32>
        %parallel_loop3A_1757 = arith.constant 7 : i32
        %parallel_loop3A_1758 = arith.index_cast %parallel_loop3A_1757 : i32 to index
        %parallel_loop3A_1759 = arith.index_cast %parallel_loop3A_1660 : i32 to index
        %parallel_loop3A_1760 = tpu.vector_load %arg14[%parallel_loop3A_1758, %parallel_loop3A_1759] {strides = array<i32>} : memref<16x768xf32, #tpu.memory_space<vmem>>, vector<16xf32>,
        tpu.vector_store %arg14[%parallel_loop3A_1758, %parallel_loop3A_1759], %parallel_loop3A_1756 {strides = array<i32>} : memref<16x768xf32, #tpu.memory_space<vmem>>, vector<16xf32>,
        scf.yield %parallel_loop3A_1643, %parallel_loop3A_1644, %parallel_loop3A_1645, %parallel_loop3A_1646, %parallel_loop3A_1647, %parallel_loop3A_1648, %parallel_loop3A_1649, %parallel_loop3A_1650, %parallel_loop3A_1651, %parallel_loop3A_1652, %parallel_loop3A_1653, %parallel_loop3A_1654, %parallel_loop3A_1655, %parallel_loop3A_1656, %parallel_loop3A_1657, %parallel_loop3A_1658 : vector<16xf32>, vector<16xf32>, vector<16xf32>, vector<16xf32>, vector<16xf32>, vector<16xf32>, vector<16xf32>, vector<16xf32>, vector<16xf32>, vector<16xf32>, vector<16xf32>, vector<16xf32>, vector<16xf32>, vector<16xf32>, vector<16xf32>, vector<16xf32>
      } {sc.loop_unroll_factor = 1 : i64, sc.parallel_access}
      %dma_start3A_603 = arith.constant 0 : i32
      %dma_start3A_604 = arith.constant 0 : i32
      %dma_start3A_605 = tpu.memref_slice %arg14[%dma_start3A_603, %dma_start3A_604] : memref<16x768xf32, #tpu.memory_space<vmem>> -> memref<8x768xf32, #tpu.memory_space<vmem>>
      %dma_start3A_606 = arith.constant 0 : i32
      %dma_start3A_607 = tpu.memref_slice %arg9[%add3A_70, %mul3A_2, %dma_start3A_606] : memref<128x512x768xf32, #tpu.memory_space<hbm>> -> memref<1x8x768xf32, #tpu.memory_space<hbm>>
      %dma_start3A_608 = tpu.memref_squeeze %dma_start3A_607 : memref<1x8x768xf32, #tpu.memory_space<hbm>> -> memref<8x768xf32, #tpu.memory_space<hbm>>
      %dma_start3A_609 = arith.constant 0 : i32
      %dma_start3A_610 = tpu.memref_slice %arg9[%add3A_70, %mul3A_2, %dma_start3A_609] : memref<128x512x768xf32, #tpu.memory_space<hbm>> -> memref<1x8x768xf32, #tpu.memory_space<hbm>>
      %dma_start3A_611 = tpu.memref_squeeze %dma_start3A_610 : memref<1x8x768xf32, #tpu.memory_space<hbm>> -> memref<8x768xf32, #tpu.memory_space<hbm>>
      %dma_start3A_612 = arith.constant 0 : i32
      %dma_start3A_613 = arith.constant 0 : i32
      %dma_start3A_614 = tpu.memref_slice %arg14[%dma_start3A_612, %dma_start3A_613] : memref<16x768xf32, #tpu.memory_space<vmem>> -> memref<8x768xf32, #tpu.memory_space<vmem>>
      tpu.enqueue_dma source(%dma_start3A_614 : memref<8x768xf32, #tpu.memory_space<vmem>>) target(%dma_start3A_611 : memref<8x768xf32, #tpu.memory_space<hbm>>) target_semaphore(%arg16 : memref<!tpu.dma_semaphore, #tpu.memory_space<semaphore_mem>>)
      %broadcast_in_dim3A_615 = vector.broadcast %mul3A_272 : f32 to vector<16xf32>
      %broadcast_in_dim3A_616 = vector.broadcast %mul3A_286 : f32 to vector<16xf32>
      %broadcast_in_dim3A_617 = vector.broadcast %mul3A_300 : f32 to vector<16xf32>
      %broadcast_in_dim3A_618 = vector.broadcast %mul3A_314 : f32 to vector<16xf32>
      %broadcast_in_dim3A_619 = vector.broadcast %mul3A_328 : f32 to vector<16xf32>
      %broadcast_in_dim3A_620 = vector.broadcast %mul3A_342 : f32 to vector<16xf32>
      %broadcast_in_dim3A_621 = vector.broadcast %mul3A_356 : f32 to vector<16xf32>
      %broadcast_in_dim3A_622 = vector.broadcast %mul3A_370 : f32 to vector<16xf32>
      %add3A_623 = arith.constant 9.99999996E-13 : f32
      %add3A_624 = arith.addf %sub3A_280, %add3A_623 : f32
      %broadcast_in_dim3A_625 = vector.broadcast %add3A_624 : f32 to vector<16xf32>
      %bitcast_convert_type3A_626 = tpu.bitcast %broadcast_in_dim3A_625 : vector<16xf32> -> vector<16xi32>
      %broadcast_in_dim3A_627 = arith.constant 1597463007 : i32
      %broadcast_in_dim3A_628 = vector.broadcast %broadcast_in_dim3A_627 : i32 to vector<16xi32>
      %shift_right_arithmetic3A_629 = arith.constant 1 : i32
      %shift_right_arithmetic3A_630 = vector.broadcast %shift_right_arithmetic3A_629 : i32 to vector<16xi32>
      %shift_right_arithmetic3A_631 = arith.shrsi %bitcast_convert_type3A_626, %shift_right_arithmetic3A_630 : vector<16xi32>
      %sub3A_632 = arith.subi %broadcast_in_dim3A_628, %shift_right_arithmetic3A_631 : vector<16xi32>
      %bitcast_convert_type3A_633 = tpu.bitcast %sub3A_632 : vector<16xi32> -> vector<16xf32>
      %mul3A_634 = arith.constant 5.000000e-01 : f32
      %mul3A_635 = vector.broadcast %mul3A_634 : f32 to vector<16xf32>
      %mul3A_636 = arith.mulf %mul3A_635, %broadcast_in_dim3A_625 : vector<16xf32>
      %mul3A_637 = arith.mulf %mul3A_636, %bitcast_convert_type3A_633 : vector<16xf32>
      %mul3A_638 = arith.mulf %mul3A_637, %bitcast_convert_type3A_633 : vector<16xf32>
      %sub3A_639 = arith.constant 1.500000e+00 : f32
      %sub3A_640 = vector.broadcast %sub3A_639 : f32 to vector<16xf32>
      %sub3A_641 = arith.subf %sub3A_640, %mul3A_638 : vector<16xf32>
      %mul3A_642 = arith.mulf %bitcast_convert_type3A_633, %sub3A_641 : vector<16xf32>
      %mul3A_643 = arith.mulf %mul3A_636, %mul3A_642 : vector<16xf32>
      %mul3A_644 = arith.mulf %mul3A_643, %mul3A_642 : vector<16xf32>
      %sub3A_645 = arith.constant 1.500000e+00 : f32
      %sub3A_646 = vector.broadcast %sub3A_645 : f32 to vector<16xf32>
      %sub3A_647 = arith.subf %sub3A_646, %mul3A_644 : vector<16xf32>
      %mul3A_648 = arith.mulf %mul3A_642, %sub3A_647 : vector<16xf32>
      %add3A_649 = arith.constant 9.99999996E-13 : f32
      %add3A_650 = arith.addf %sub3A_294, %add3A_649 : f32
      %broadcast_in_dim3A_651 = vector.broadcast %add3A_650 : f32 to vector<16xf32>
      %bitcast_convert_type3A_652 = tpu.bitcast %broadcast_in_dim3A_651 : vector<16xf32> -> vector<16xi32>
      %broadcast_in_dim3A_653 = arith.constant 1597463007 : i32
      %broadcast_in_dim3A_654 = vector.broadcast %broadcast_in_dim3A_653 : i32 to vector<16xi32>
      %shift_right_arithmetic3A_655 = arith.constant 1 : i32
      %shift_right_arithmetic3A_656 = vector.broadcast %shift_right_arithmetic3A_655 : i32 to vector<16xi32>
      %shift_right_arithmetic3A_657 = arith.shrsi %bitcast_convert_type3A_652, %shift_right_arithmetic3A_656 : vector<16xi32>
      %sub3A_658 = arith.subi %broadcast_in_dim3A_654, %shift_right_arithmetic3A_657 : vector<16xi32>
      %bitcast_convert_type3A_659 = tpu.bitcast %sub3A_658 : vector<16xi32> -> vector<16xf32>
      %mul3A_660 = arith.constant 5.000000e-01 : f32
      %mul3A_661 = vector.broadcast %mul3A_660 : f32 to vector<16xf32>
      %mul3A_662 = arith.mulf %mul3A_661, %broadcast_in_dim3A_651 : vector<16xf32>
      %mul3A_663 = arith.mulf %mul3A_662, %bitcast_convert_type3A_659 : vector<16xf32>
      %mul3A_664 = arith.mulf %mul3A_663, %bitcast_convert_type3A_659 : vector<16xf32>
      %sub3A_665 = arith.constant 1.500000e+00 : f32
      %sub3A_666 = vector.broadcast %sub3A_665 : f32 to vector<16xf32>
      %sub3A_667 = arith.subf %sub3A_666, %mul3A_664 : vector<16xf32>
      %mul3A_668 = arith.mulf %bitcast_convert_type3A_659, %sub3A_667 : vector<16xf32>
      %mul3A_669 = arith.mulf %mul3A_662, %mul3A_668 : vector<16xf32>
      %mul3A_670 = arith.mulf %mul3A_669, %mul3A_668 : vector<16xf32>
      %sub3A_671 = arith.constant 1.500000e+00 : f32
      %sub3A_672 = vector.broadcast %sub3A_671 : f32 to vector<16xf32>
      %sub3A_673 = arith.subf %sub3A_672, %mul3A_670 : vector<16xf32>
      %mul3A_674 = arith.mulf %mul3A_668, %sub3A_673 : vector<16xf32>
      %add3A_675 = arith.constant 9.99999996E-13 : f32
      %add3A_676 = arith.addf %sub3A_308, %add3A_675 : f32
      %broadcast_in_dim3A_677 = vector.broadcast %add3A_676 : f32 to vector<16xf32>
      %bitcast_convert_type3A_678 = tpu.bitcast %broadcast_in_dim3A_677 : vector<16xf32> -> vector<16xi32>
      %broadcast_in_dim3A_679 = arith.constant 1597463007 : i32
      %broadcast_in_dim3A_680 = vector.broadcast %broadcast_in_dim3A_679 : i32 to vector<16xi32>
      %shift_right_arithmetic3A_681 = arith.constant 1 : i32
      %shift_right_arithmetic3A_682 = vector.broadcast %shift_right_arithmetic3A_681 : i32 to vector<16xi32>
      %shift_right_arithmetic3A_683 = arith.shrsi %bitcast_convert_type3A_678, %shift_right_arithmetic3A_682 : vector<16xi32>
      %sub3A_684 = arith.subi %broadcast_in_dim3A_680, %shift_right_arithmetic3A_683 : vector<16xi32>
      %bitcast_convert_type3A_685 = tpu.bitcast %sub3A_684 : vector<16xi32> -> vector<16xf32>
      %mul3A_686 = arith.constant 5.000000e-01 : f32
      %mul3A_687 = vector.broadcast %mul3A_686 : f32 to vector<16xf32>
      %mul3A_688 = arith.mulf %mul3A_687, %broadcast_in_dim3A_677 : vector<16xf32>
      %mul3A_689 = arith.mulf %mul3A_688, %bitcast_convert_type3A_685 : vector<16xf32>
      %mul3A_690 = arith.mulf %mul3A_689, %bitcast_convert_type3A_685 : vector<16xf32>
      %sub3A_691 = arith.constant 1.500000e+00 : f32
      %sub3A_692 = vector.broadcast %sub3A_691 : f32 to vector<16xf32>
      %sub3A_693 = arith.subf %sub3A_692, %mul3A_690 : vector<16xf32>
      %mul3A_694 = arith.mulf %bitcast_convert_type3A_685, %sub3A_693 : vector<16xf32>
      %mul3A_695 = arith.mulf %mul3A_688, %mul3A_694 : vector<16xf32>
      %mul3A_696 = arith.mulf %mul3A_695, %mul3A_694 : vector<16xf32>
      %sub3A_697 = arith.constant 1.500000e+00 : f32
      %sub3A_698 = vector.broadcast %sub3A_697 : f32 to vector<16xf32>
      %sub3A_699 = arith.subf %sub3A_698, %mul3A_696 : vector<16xf32>
      %mul3A_700 = arith.mulf %mul3A_694, %sub3A_699 : vector<16xf32>
      %add3A_701 = arith.constant 9.99999996E-13 : f32
      %add3A_702 = arith.addf %sub3A_322, %add3A_701 : f32
      %broadcast_in_dim3A_703 = vector.broadcast %add3A_702 : f32 to vector<16xf32>
      %bitcast_convert_type3A_704 = tpu.bitcast %broadcast_in_dim3A_703 : vector<16xf32> -> vector<16xi32>
      %broadcast_in_dim3A_705 = arith.constant 1597463007 : i32
      %broadcast_in_dim3A_706 = vector.broadcast %broadcast_in_dim3A_705 : i32 to vector<16xi32>
      %shift_right_arithmetic3A_707 = arith.constant 1 : i32
      %shift_right_arithmetic3A_708 = vector.broadcast %shift_right_arithmetic3A_707 : i32 to vector<16xi32>
      %shift_right_arithmetic3A_709 = arith.shrsi %bitcast_convert_type3A_704, %shift_right_arithmetic3A_708 : vector<16xi32>
      %sub3A_710 = arith.subi %broadcast_in_dim3A_706, %shift_right_arithmetic3A_709 : vector<16xi32>
      %bitcast_convert_type3A_711 = tpu.bitcast %sub3A_710 : vector<16xi32> -> vector<16xf32>
      %mul3A_712 = arith.constant 5.000000e-01 : f32
      %mul3A_713 = vector.broadcast %mul3A_712 : f32 to vector<16xf32>
      %mul3A_714 = arith.mulf %mul3A_713, %broadcast_in_dim3A_703 : vector<16xf32>
      %mul3A_715 = arith.mulf %mul3A_714, %bitcast_convert_type3A_711 : vector<16xf32>
      %mul3A_716 = arith.mulf %mul3A_715, %bitcast_convert_type3A_711 : vector<16xf32>
      %sub3A_717 = arith.constant 1.500000e+00 : f32
      %sub3A_718 = vector.broadcast %sub3A_717 : f32 to vector<16xf32>
      %sub3A_719 = arith.subf %sub3A_718, %mul3A_716 : vector<16xf32>
      %mul3A_720 = arith.mulf %bitcast_convert_type3A_711, %sub3A_719 : vector<16xf32>
      %mul3A_721 = arith.mulf %mul3A_714, %mul3A_720 : vector<16xf32>
      %mul3A_722 = arith.mulf %mul3A_721, %mul3A_720 : vector<16xf32>
      %sub3A_723 = arith.constant 1.500000e+00 : f32
      %sub3A_724 = vector.broadcast %sub3A_723 : f32 to vector<16xf32>
      %sub3A_725 = arith.subf %sub3A_724, %mul3A_722 : vector<16xf32>
      %mul3A_726 = arith.mulf %mul3A_720, %sub3A_725 : vector<16xf32>
      %add3A_727 = arith.constant 9.99999996E-13 : f32
      %add3A_728 = arith.addf %sub3A_336, %add3A_727 : f32
      %broadcast_in_dim3A_729 = vector.broadcast %add3A_728 : f32 to vector<16xf32>
      %bitcast_convert_type3A_730 = tpu.bitcast %broadcast_in_dim3A_729 : vector<16xf32> -> vector<16xi32>
      %broadcast_in_dim3A_731 = arith.constant 1597463007 : i32
      %broadcast_in_dim3A_732 = vector.broadcast %broadcast_in_dim3A_731 : i32 to vector<16xi32>
      %shift_right_arithmetic3A_733 = arith.constant 1 : i32
      %shift_right_arithmetic3A_734 = vector.broadcast %shift_right_arithmetic3A_733 : i32 to vector<16xi32>
      %shift_right_arithmetic3A_735 = arith.shrsi %bitcast_convert_type3A_730, %shift_right_arithmetic3A_734 : vector<16xi32>
      %sub3A_736 = arith.subi %broadcast_in_dim3A_732, %shift_right_arithmetic3A_735 : vector<16xi32>
      %bitcast_convert_type3A_737 = tpu.bitcast %sub3A_736 : vector<16xi32> -> vector<16xf32>
      %mul3A_738 = arith.constant 5.000000e-01 : f32
      %mul3A_739 = vector.broadcast %mul3A_738 : f32 to vector<16xf32>
      %mul3A_740 = arith.mulf %mul3A_739, %broadcast_in_dim3A_729 : vector<16xf32>
      %mul3A_741 = arith.mulf %mul3A_740, %bitcast_convert_type3A_737 : vector<16xf32>
      %mul3A_742 = arith.mulf %mul3A_741, %bitcast_convert_type3A_737 : vector<16xf32>
      %sub3A_743 = arith.constant 1.500000e+00 : f32
      %sub3A_744 = vector.broadcast %sub3A_743 : f32 to vector<16xf32>
      %sub3A_745 = arith.subf %sub3A_744, %mul3A_742 : vector<16xf32>
      %mul3A_746 = arith.mulf %bitcast_convert_type3A_737, %sub3A_745 : vector<16xf32>
      %mul3A_747 = arith.mulf %mul3A_740, %mul3A_746 : vector<16xf32>
      %mul3A_748 = arith.mulf %mul3A_747, %mul3A_746 : vector<16xf32>
      %sub3A_749 = arith.constant 1.500000e+00 : f32
      %sub3A_750 = vector.broadcast %sub3A_749 : f32 to vector<16xf32>
      %sub3A_751 = arith.subf %sub3A_750, %mul3A_748 : vector<16xf32>
      %mul3A_752 = arith.mulf %mul3A_746, %sub3A_751 : vector<16xf32>
      %add3A_753 = arith.constant 9.99999996E-13 : f32
      %add3A_754 = arith.addf %sub3A_350, %add3A_753 : f32
      %broadcast_in_dim3A_755 = vector.broadcast %add3A_754 : f32 to vector<16xf32>
      %bitcast_convert_type3A_756 = tpu.bitcast %broadcast_in_dim3A_755 : vector<16xf32> -> vector<16xi32>
      %broadcast_in_dim3A_757 = arith.constant 1597463007 : i32
      %broadcast_in_dim3A_758 = vector.broadcast %broadcast_in_dim3A_757 : i32 to vector<16xi32>
      %shift_right_arithmetic3A_759 = arith.constant 1 : i32
      %shift_right_arithmetic3A_760 = vector.broadcast %shift_right_arithmetic3A_759 : i32 to vector<16xi32>
      %shift_right_arithmetic3A_761 = arith.shrsi %bitcast_convert_type3A_756, %shift_right_arithmetic3A_760 : vector<16xi32>
      %sub3A_762 = arith.subi %broadcast_in_dim3A_758, %shift_right_arithmetic3A_761 : vector<16xi32>
      %bitcast_convert_type3A_763 = tpu.bitcast %sub3A_762 : vector<16xi32> -> vector<16xf32>
      %mul3A_764 = arith.constant 5.000000e-01 : f32
      %mul3A_765 = vector.broadcast %mul3A_764 : f32 to vector<16xf32>
      %mul3A_766 = arith.mulf %mul3A_765, %broadcast_in_dim3A_755 : vector<16xf32>
      %mul3A_767 = arith.mulf %mul3A_766, %bitcast_convert_type3A_763 : vector<16xf32>
      %mul3A_768 = arith.mulf %mul3A_767, %bitcast_convert_type3A_763 : vector<16xf32>
      %sub3A_769 = arith.constant 1.500000e+00 : f32
      %sub3A_770 = vector.broadcast %sub3A_769 : f32 to vector<16xf32>
      %sub3A_771 = arith.subf %sub3A_770, %mul3A_768 : vector<16xf32>
      %mul3A_772 = arith.mulf %bitcast_convert_type3A_763, %sub3A_771 : vector<16xf32>
      %mul3A_773 = arith.mulf %mul3A_766, %mul3A_772 : vector<16xf32>
      %mul3A_774 = arith.mulf %mul3A_773, %mul3A_772 : vector<16xf32>
      %sub3A_775 = arith.constant 1.500000e+00 : f32
      %sub3A_776 = vector.broadcast %sub3A_775 : f32 to vector<16xf32>
      %sub3A_777 = arith.subf %sub3A_776, %mul3A_774 : vector<16xf32>
      %mul3A_778 = arith.mulf %mul3A_772, %sub3A_777 : vector<16xf32>
      %add3A_779 = arith.constant 9.99999996E-13 : f32
      %add3A_780 = arith.addf %sub3A_364, %add3A_779 : f32
      %broadcast_in_dim3A_781 = vector.broadcast %add3A_780 : f32 to vector<16xf32>
      %bitcast_convert_type3A_782 = tpu.bitcast %broadcast_in_dim3A_781 : vector<16xf32> -> vector<16xi32>
      %broadcast_in_dim3A_783 = arith.constant 1597463007 : i32
      %broadcast_in_dim3A_784 = vector.broadcast %broadcast_in_dim3A_783 : i32 to vector<16xi32>
      %shift_right_arithmetic3A_785 = arith.constant 1 : i32
      %shift_right_arithmetic3A_786 = vector.broadcast %shift_right_arithmetic3A_785 : i32 to vector<16xi32>
      %shift_right_arithmetic3A_787 = arith.shrsi %bitcast_convert_type3A_782, %shift_right_arithmetic3A_786 : vector<16xi32>
      %sub3A_788 = arith.subi %broadcast_in_dim3A_784, %shift_right_arithmetic3A_787 : vector<16xi32>
      %bitcast_convert_type3A_789 = tpu.bitcast %sub3A_788 : vector<16xi32> -> vector<16xf32>
      %mul3A_790 = arith.constant 5.000000e-01 : f32
      %mul3A_791 = vector.broadcast %mul3A_790 : f32 to vector<16xf32>
      %mul3A_792 = arith.mulf %mul3A_791, %broadcast_in_dim3A_781 : vector<16xf32>
      %mul3A_793 = arith.mulf %mul3A_792, %bitcast_convert_type3A_789 : vector<16xf32>
      %mul3A_794 = arith.mulf %mul3A_793, %bitcast_convert_type3A_789 : vector<16xf32>
      %sub3A_795 = arith.constant 1.500000e+00 : f32
      %sub3A_796 = vector.broadcast %sub3A_795 : f32 to vector<16xf32>
      %sub3A_797 = arith.subf %sub3A_796, %mul3A_794 : vector<16xf32>
      %mul3A_798 = arith.mulf %bitcast_convert_type3A_789, %sub3A_797 : vector<16xf32>
      %mul3A_799 = arith.mulf %mul3A_792, %mul3A_798 : vector<16xf32>
      %mul3A_800 = arith.mulf %mul3A_799, %mul3A_798 : vector<16xf32>
      %sub3A_801 = arith.constant 1.500000e+00 : f32
      %sub3A_802 = vector.broadcast %sub3A_801 : f32 to vector<16xf32>
      %sub3A_803 = arith.subf %sub3A_802, %mul3A_800 : vector<16xf32>
      %mul3A_804 = arith.mulf %mul3A_798, %sub3A_803 : vector<16xf32>
      %add3A_805 = arith.constant 9.99999996E-13 : f32
      %add3A_806 = arith.addf %sub3A_378, %add3A_805 : f32
      %broadcast_in_dim3A_807 = vector.broadcast %add3A_806 : f32 to vector<16xf32>
      %bitcast_convert_type3A_808 = tpu.bitcast %broadcast_in_dim3A_807 : vector<16xf32> -> vector<16xi32>
      %broadcast_in_dim3A_809 = arith.constant 1597463007 : i32
      %broadcast_in_dim3A_810 = vector.broadcast %broadcast_in_dim3A_809 : i32 to vector<16xi32>
      %shift_right_arithmetic3A_811 = arith.constant 1 : i32
      %shift_right_arithmetic3A_812 = vector.broadcast %shift_right_arithmetic3A_811 : i32 to vector<16xi32>
      %shift_right_arithmetic3A_813 = arith.shrsi %bitcast_convert_type3A_808, %shift_right_arithmetic3A_812 : vector<16xi32>
      %sub3A_814 = arith.subi %broadcast_in_dim3A_810, %shift_right_arithmetic3A_813 : vector<16xi32>
      %bitcast_convert_type3A_815 = tpu.bitcast %sub3A_814 : vector<16xi32> -> vector<16xf32>
      %mul3A_816 = arith.constant 5.000000e-01 : f32
      %mul3A_817 = vector.broadcast %mul3A_816 : f32 to vector<16xf32>
      %mul3A_818 = arith.mulf %mul3A_817, %broadcast_in_dim3A_807 : vector<16xf32>
      %mul3A_819 = arith.mulf %mul3A_818, %bitcast_convert_type3A_815 : vector<16xf32>
      %mul3A_820 = arith.mulf %mul3A_819, %bitcast_convert_type3A_815 : vector<16xf32>
      %sub3A_821 = arith.constant 1.500000e+00 : f32
      %sub3A_822 = vector.broadcast %sub3A_821 : f32 to vector<16xf32>
      %sub3A_823 = arith.subf %sub3A_822, %mul3A_820 : vector<16xf32>
      %mul3A_824 = arith.mulf %bitcast_convert_type3A_815, %sub3A_823 : vector<16xf32>
      %mul3A_825 = arith.mulf %mul3A_818, %mul3A_824 : vector<16xf32>
      %mul3A_826 = arith.mulf %mul3A_825, %mul3A_824 : vector<16xf32>
      %sub3A_827 = arith.constant 1.500000e+00 : f32
      %sub3A_828 = vector.broadcast %sub3A_827 : f32 to vector<16xf32>
      %sub3A_829 = arith.subf %sub3A_828, %mul3A_826 : vector<16xf32>
      %mul3A_830 = arith.mulf %mul3A_824, %sub3A_829 : vector<16xf32>
      %parallel_loop3A_831 = arith.constant 0 : i32
      %parallel_loop3A_832 = arith.constant 48 : i32
      %parallel_loop3A_833 = arith.constant 1 : i32
      %parallel_loop3A_834:16 = scf.for %parallel_loop3A_1642 = %parallel_loop3A_831 to %parallel_loop3A_832 step %parallel_loop3A_833 iter_args(%parallel_loop3A_1643 = %broadcast_in_dim3A_615, %parallel_loop3A_1644 = %broadcast_in_dim3A_616, %parallel_loop3A_1645 = %broadcast_in_dim3A_617, %parallel_loop3A_1646 = %broadcast_in_dim3A_618, %parallel_loop3A_1647 = %broadcast_in_dim3A_619, %parallel_loop3A_1648 = %broadcast_in_dim3A_620, %parallel_loop3A_1649 = %broadcast_in_dim3A_621, %parallel_loop3A_1650 = %broadcast_in_dim3A_622, %parallel_loop3A_1651 = %mul3A_648, %parallel_loop3A_1652 = %mul3A_674, %parallel_loop3A_1653 = %mul3A_700, %parallel_loop3A_1654 = %mul3A_726, %parallel_loop3A_1655 = %mul3A_752, %parallel_loop3A_1656 = %mul3A_778, %parallel_loop3A_1657 = %mul3A_804, %parallel_loop3A_1658 = %mul3A_830) -> (vector<16xf32>, vector<16xf32>, vector<16xf32>, vector<16xf32>, vector<16xf32>, vector<16xf32>, vector<16xf32>, vector<16xf32>, vector<16xf32>, vector<16xf32>, vector<16xf32>, vector<16xf32>, vector<16xf32>, vector<16xf32>, vector<16xf32>, vector<16xf32>)  : i32 {
        %parallel_loop3A_1659 = arith.constant 16 : i32
        %parallel_loop3A_1660 = arith.muli %parallel_loop3A_1642, %parallel_loop3A_1659 : i32
        %parallel_loop3A_1661 = arith.index_cast %parallel_loop3A_1660 : i32 to index
        %parallel_loop3A_1662 = tpu.vector_load %arg23[%parallel_loop3A_1661] {strides = array<i32>} : memref<768xf32, #tpu.memory_space<vmem>>, vector<16xf32>,
        %parallel_loop3A_1663 = arith.index_cast %parallel_loop3A_1660 : i32 to index
        %parallel_loop3A_1664 = tpu.vector_load %arg10[%parallel_loop3A_1663] {strides = array<i32>} : memref<768xf32, #tpu.memory_space<vmem>>, vector<16xf32>,
        %parallel_loop3A_1665 = arith.mulf %parallel_loop3A_1651, %parallel_loop3A_1662 : vector<16xf32>
        %parallel_loop3A_1666 = arith.constant 8 : i32
        %parallel_loop3A_1667 = arith.index_cast %parallel_loop3A_1666 : i32 to index
        %parallel_loop3A_1668 = arith.index_cast %parallel_loop3A_1660 : i32 to index
        %parallel_loop3A_1669 = tpu.vector_load %arg14[%parallel_loop3A_1667, %parallel_loop3A_1668] {strides = array<i32>} : memref<16x768xf32, #tpu.memory_space<vmem>>, vector<16xf32>,
        %parallel_loop3A_1670 = arith.subf %parallel_loop3A_1669, %parallel_loop3A_1643 : vector<16xf32>
        %parallel_loop3A_1671 = arith.mulf %parallel_loop3A_1670, %parallel_loop3A_1665 : vector<16xf32>
        %parallel_loop3A_1672 = arith.addf %parallel_loop3A_1671, %parallel_loop3A_1664 : vector<16xf32>
        %parallel_loop3A_1673 = arith.constant 8 : i32
        %parallel_loop3A_1674 = arith.index_cast %parallel_loop3A_1673 : i32 to index
        %parallel_loop3A_1675 = arith.index_cast %parallel_loop3A_1660 : i32 to index
        %parallel_loop3A_1676 = tpu.vector_load %arg14[%parallel_loop3A_1674, %parallel_loop3A_1675] {strides = array<i32>} : memref<16x768xf32, #tpu.memory_space<vmem>>, vector<16xf32>,
        tpu.vector_store %arg14[%parallel_loop3A_1674, %parallel_loop3A_1675], %parallel_loop3A_1672 {strides = array<i32>} : memref<16x768xf32, #tpu.memory_space<vmem>>, vector<16xf32>,
        %parallel_loop3A_1677 = arith.mulf %parallel_loop3A_1652, %parallel_loop3A_1662 : vector<16xf32>
        %parallel_loop3A_1678 = arith.constant 9 : i32
        %parallel_loop3A_1679 = arith.index_cast %parallel_loop3A_1678 : i32 to index
        %parallel_loop3A_1680 = arith.index_cast %parallel_loop3A_1660 : i32 to index
        %parallel_loop3A_1681 = tpu.vector_load %arg14[%parallel_loop3A_1679, %parallel_loop3A_1680] {strides = array<i32>} : memref<16x768xf32, #tpu.memory_space<vmem>>, vector<16xf32>,
        %parallel_loop3A_1682 = arith.subf %parallel_loop3A_1681, %parallel_loop3A_1644 : vector<16xf32>
        %parallel_loop3A_1683 = arith.mulf %parallel_loop3A_1682, %parallel_loop3A_1677 : vector<16xf32>
        %parallel_loop3A_1684 = arith.addf %parallel_loop3A_1683, %parallel_loop3A_1664 : vector<16xf32>
        %parallel_loop3A_1685 = arith.constant 9 : i32
        %parallel_loop3A_1686 = arith.index_cast %parallel_loop3A_1685 : i32 to index
        %parallel_loop3A_1687 = arith.index_cast %parallel_loop3A_1660 : i32 to index
        %parallel_loop3A_1688 = tpu.vector_load %arg14[%parallel_loop3A_1686, %parallel_loop3A_1687] {strides = array<i32>} : memref<16x768xf32, #tpu.memory_space<vmem>>, vector<16xf32>,
        tpu.vector_store %arg14[%parallel_loop3A_1686, %parallel_loop3A_1687], %parallel_loop3A_1684 {strides = array<i32>} : memref<16x768xf32, #tpu.memory_space<vmem>>, vector<16xf32>,
        %parallel_loop3A_1689 = arith.mulf %parallel_loop3A_1653, %parallel_loop3A_1662 : vector<16xf32>
        %parallel_loop3A_1690 = arith.constant 10 : i32
        %parallel_loop3A_1691 = arith.index_cast %parallel_loop3A_1690 : i32 to index
        %parallel_loop3A_1692 = arith.index_cast %parallel_loop3A_1660 : i32 to index
        %parallel_loop3A_1693 = tpu.vector_load %arg14[%parallel_loop3A_1691, %parallel_loop3A_1692] {strides = array<i32>} : memref<16x768xf32, #tpu.memory_space<vmem>>, vector<16xf32>,
        %parallel_loop3A_1694 = arith.subf %parallel_loop3A_1693, %parallel_loop3A_1645 : vector<16xf32>
        %parallel_loop3A_1695 = arith.mulf %parallel_loop3A_1694, %parallel_loop3A_1689 : vector<16xf32>
        %parallel_loop3A_1696 = arith.addf %parallel_loop3A_1695, %parallel_loop3A_1664 : vector<16xf32>
        %parallel_loop3A_1697 = arith.constant 10 : i32
        %parallel_loop3A_1698 = arith.index_cast %parallel_loop3A_1697 : i32 to index
        %parallel_loop3A_1699 = arith.index_cast %parallel_loop3A_1660 : i32 to index
        %parallel_loop3A_1700 = tpu.vector_load %arg14[%parallel_loop3A_1698, %parallel_loop3A_1699] {strides = array<i32>} : memref<16x768xf32, #tpu.memory_space<vmem>>, vector<16xf32>,
        tpu.vector_store %arg14[%parallel_loop3A_1698, %parallel_loop3A_1699], %parallel_loop3A_1696 {strides = array<i32>} : memref<16x768xf32, #tpu.memory_space<vmem>>, vector<16xf32>,
        %parallel_loop3A_1701 = arith.mulf %parallel_loop3A_1654, %parallel_loop3A_1662 : vector<16xf32>
        %parallel_loop3A_1702 = arith.constant 11 : i32
        %parallel_loop3A_1703 = arith.index_cast %parallel_loop3A_1702 : i32 to index
        %parallel_loop3A_1704 = arith.index_cast %parallel_loop3A_1660 : i32 to index
        %parallel_loop3A_1705 = tpu.vector_load %arg14[%parallel_loop3A_1703, %parallel_loop3A_1704] {strides = array<i32>} : memref<16x768xf32, #tpu.memory_space<vmem>>, vector<16xf32>,
        %parallel_loop3A_1706 = arith.subf %parallel_loop3A_1705, %parallel_loop3A_1646 : vector<16xf32>
        %parallel_loop3A_1707 = arith.mulf %parallel_loop3A_1706, %parallel_loop3A_1701 : vector<16xf32>
        %parallel_loop3A_1708 = arith.addf %parallel_loop3A_1707, %parallel_loop3A_1664 : vector<16xf32>
        %parallel_loop3A_1709 = arith.constant 11 : i32
        %parallel_loop3A_1710 = arith.index_cast %parallel_loop3A_1709 : i32 to index
        %parallel_loop3A_1711 = arith.index_cast %parallel_loop3A_1660 : i32 to index
        %parallel_loop3A_1712 = tpu.vector_load %arg14[%parallel_loop3A_1710, %parallel_loop3A_1711] {strides = array<i32>} : memref<16x768xf32, #tpu.memory_space<vmem>>, vector<16xf32>,
        tpu.vector_store %arg14[%parallel_loop3A_1710, %parallel_loop3A_1711], %parallel_loop3A_1708 {strides = array<i32>} : memref<16x768xf32, #tpu.memory_space<vmem>>, vector<16xf32>,
        %parallel_loop3A_1713 = arith.mulf %parallel_loop3A_1655, %parallel_loop3A_1662 : vector<16xf32>
        %parallel_loop3A_1714 = arith.constant 12 : i32
        %parallel_loop3A_1715 = arith.index_cast %parallel_loop3A_1714 : i32 to index
        %parallel_loop3A_1716 = arith.index_cast %parallel_loop3A_1660 : i32 to index
        %parallel_loop3A_1717 = tpu.vector_load %arg14[%parallel_loop3A_1715, %parallel_loop3A_1716] {strides = array<i32>} : memref<16x768xf32, #tpu.memory_space<vmem>>, vector<16xf32>,
        %parallel_loop3A_1718 = arith.subf %parallel_loop3A_1717, %parallel_loop3A_1647 : vector<16xf32>
        %parallel_loop3A_1719 = arith.mulf %parallel_loop3A_1718, %parallel_loop3A_1713 : vector<16xf32>
        %parallel_loop3A_1720 = arith.addf %parallel_loop3A_1719, %parallel_loop3A_1664 : vector<16xf32>
        %parallel_loop3A_1721 = arith.constant 12 : i32
        %parallel_loop3A_1722 = arith.index_cast %parallel_loop3A_1721 : i32 to index
        %parallel_loop3A_1723 = arith.index_cast %parallel_loop3A_1660 : i32 to index
        %parallel_loop3A_1724 = tpu.vector_load %arg14[%parallel_loop3A_1722, %parallel_loop3A_1723] {strides = array<i32>} : memref<16x768xf32, #tpu.memory_space<vmem>>, vector<16xf32>,
        tpu.vector_store %arg14[%parallel_loop3A_1722, %parallel_loop3A_1723], %parallel_loop3A_1720 {strides = array<i32>} : memref<16x768xf32, #tpu.memory_space<vmem>>, vector<16xf32>,
        %parallel_loop3A_1725 = arith.mulf %parallel_loop3A_1656, %parallel_loop3A_1662 : vector<16xf32>
        %parallel_loop3A_1726 = arith.constant 13 : i32
        %parallel_loop3A_1727 = arith.index_cast %parallel_loop3A_1726 : i32 to index
        %parallel_loop3A_1728 = arith.index_cast %parallel_loop3A_1660 : i32 to index
        %parallel_loop3A_1729 = tpu.vector_load %arg14[%parallel_loop3A_1727, %parallel_loop3A_1728] {strides = array<i32>} : memref<16x768xf32, #tpu.memory_space<vmem>>, vector<16xf32>,
        %parallel_loop3A_1730 = arith.subf %parallel_loop3A_1729, %parallel_loop3A_1648 : vector<16xf32>
        %parallel_loop3A_1731 = arith.mulf %parallel_loop3A_1730, %parallel_loop3A_1725 : vector<16xf32>
        %parallel_loop3A_1732 = arith.addf %parallel_loop3A_1731, %parallel_loop3A_1664 : vector<16xf32>
        %parallel_loop3A_1733 = arith.constant 13 : i32
        %parallel_loop3A_1734 = arith.index_cast %parallel_loop3A_1733 : i32 to index
        %parallel_loop3A_1735 = arith.index_cast %parallel_loop3A_1660 : i32 to index
        %parallel_loop3A_1736 = tpu.vector_load %arg14[%parallel_loop3A_1734, %parallel_loop3A_1735] {strides = array<i32>} : memref<16x768xf32, #tpu.memory_space<vmem>>, vector<16xf32>,
        tpu.vector_store %arg14[%parallel_loop3A_1734, %parallel_loop3A_1735], %parallel_loop3A_1732 {strides = array<i32>} : memref<16x768xf32, #tpu.memory_space<vmem>>, vector<16xf32>,
        %parallel_loop3A_1737 = arith.mulf %parallel_loop3A_1657, %parallel_loop3A_1662 : vector<16xf32>
        %parallel_loop3A_1738 = arith.constant 14 : i32
        %parallel_loop3A_1739 = arith.index_cast %parallel_loop3A_1738 : i32 to index
        %parallel_loop3A_1740 = arith.index_cast %parallel_loop3A_1660 : i32 to index
        %parallel_loop3A_1741 = tpu.vector_load %arg14[%parallel_loop3A_1739, %parallel_loop3A_1740] {strides = array<i32>} : memref<16x768xf32, #tpu.memory_space<vmem>>, vector<16xf32>,
        %parallel_loop3A_1742 = arith.subf %parallel_loop3A_1741, %parallel_loop3A_1649 : vector<16xf32>
        %parallel_loop3A_1743 = arith.mulf %parallel_loop3A_1742, %parallel_loop3A_1737 : vector<16xf32>
        %parallel_loop3A_1744 = arith.addf %parallel_loop3A_1743, %parallel_loop3A_1664 : vector<16xf32>
        %parallel_loop3A_1745 = arith.constant 14 : i32
        %parallel_loop3A_1746 = arith.index_cast %parallel_loop3A_1745 : i32 to index
        %parallel_loop3A_1747 = arith.index_cast %parallel_loop3A_1660 : i32 to index
        %parallel_loop3A_1748 = tpu.vector_load %arg14[%parallel_loop3A_1746, %parallel_loop3A_1747] {strides = array<i32>} : memref<16x768xf32, #tpu.memory_space<vmem>>, vector<16xf32>,
        tpu.vector_store %arg14[%parallel_loop3A_1746, %parallel_loop3A_1747], %parallel_loop3A_1744 {strides = array<i32>} : memref<16x768xf32, #tpu.memory_space<vmem>>, vector<16xf32>,
        %parallel_loop3A_1749 = arith.mulf %parallel_loop3A_1658, %parallel_loop3A_1662 : vector<16xf32>
        %parallel_loop3A_1750 = arith.constant 15 : i32
        %parallel_loop3A_1751 = arith.index_cast %parallel_loop3A_1750 : i32 to index
        %parallel_loop3A_1752 = arith.index_cast %parallel_loop3A_1660 : i32 to index
        %parallel_loop3A_1753 = tpu.vector_load %arg14[%parallel_loop3A_1751, %parallel_loop3A_1752] {strides = array<i32>} : memref<16x768xf32, #tpu.memory_space<vmem>>, vector<16xf32>,
        %parallel_loop3A_1754 = arith.subf %parallel_loop3A_1753, %parallel_loop3A_1650 : vector<16xf32>
        %parallel_loop3A_1755 = arith.mulf %parallel_loop3A_1754, %parallel_loop3A_1749 : vector<16xf32>
        %parallel_loop3A_1756 = arith.addf %parallel_loop3A_1755, %parallel_loop3A_1664 : vector<16xf32>
        %parallel_loop3A_1757 = arith.constant 15 : i32
        %parallel_loop3A_1758 = arith.index_cast %parallel_loop3A_1757 : i32 to index
        %parallel_loop3A_1759 = arith.index_cast %parallel_loop3A_1660 : i32 to index
        %parallel_loop3A_1760 = tpu.vector_load %arg14[%parallel_loop3A_1758, %parallel_loop3A_1759] {strides = array<i32>} : memref<16x768xf32, #tpu.memory_space<vmem>>, vector<16xf32>,
        tpu.vector_store %arg14[%parallel_loop3A_1758, %parallel_loop3A_1759], %parallel_loop3A_1756 {strides = array<i32>} : memref<16x768xf32, #tpu.memory_space<vmem>>, vector<16xf32>,
        scf.yield %parallel_loop3A_1643, %parallel_loop3A_1644, %parallel_loop3A_1645, %parallel_loop3A_1646, %parallel_loop3A_1647, %parallel_loop3A_1648, %parallel_loop3A_1649, %parallel_loop3A_1650, %parallel_loop3A_1651, %parallel_loop3A_1652, %parallel_loop3A_1653, %parallel_loop3A_1654, %parallel_loop3A_1655, %parallel_loop3A_1656, %parallel_loop3A_1657, %parallel_loop3A_1658 : vector<16xf32>, vector<16xf32>, vector<16xf32>, vector<16xf32>, vector<16xf32>, vector<16xf32>, vector<16xf32>, vector<16xf32>, vector<16xf32>, vector<16xf32>, vector<16xf32>, vector<16xf32>, vector<16xf32>, vector<16xf32>, vector<16xf32>, vector<16xf32>
      } {sc.loop_unroll_factor = 1 : i64, sc.parallel_access}
      %add3A_835 = arith.constant 8 : i32
      %add3A_836 = arith.addi %mul3A_2, %add3A_835 : i32
      %dma_start3A_837 = arith.constant 8 : i32
      %dma_start3A_838 = arith.constant 0 : i32
      %dma_start3A_839 = tpu.memref_slice %arg14[%dma_start3A_837, %dma_start3A_838] : memref<16x768xf32, #tpu.memory_space<vmem>> -> memref<8x768xf32, #tpu.memory_space<vmem>>
      %dma_start3A_840 = arith.constant 0 : i32
      %dma_start3A_841 = tpu.memref_slice %arg9[%add3A_70, %add3A_836, %dma_start3A_840] : memref<128x512x768xf32, #tpu.memory_space<hbm>> -> memref<1x8x768xf32, #tpu.memory_space<hbm>>
      %dma_start3A_842 = tpu.memref_squeeze %dma_start3A_841 : memref<1x8x768xf32, #tpu.memory_space<hbm>> -> memref<8x768xf32, #tpu.memory_space<hbm>>
      %dma_start3A_843 = arith.constant 0 : i32
      %dma_start3A_844 = tpu.memref_slice %arg9[%add3A_70, %add3A_836, %dma_start3A_843] : memref<128x512x768xf32, #tpu.memory_space<hbm>> -> memref<1x8x768xf32, #tpu.memory_space<hbm>>
      %dma_start3A_845 = tpu.memref_squeeze %dma_start3A_844 : memref<1x8x768xf32, #tpu.memory_space<hbm>> -> memref<8x768xf32, #tpu.memory_space<hbm>>
      %dma_start3A_846 = arith.constant 8 : i32
      %dma_start3A_847 = arith.constant 0 : i32
      %dma_start3A_848 = tpu.memref_slice %arg14[%dma_start3A_846, %dma_start3A_847] : memref<16x768xf32, #tpu.memory_space<vmem>> -> memref<8x768xf32, #tpu.memory_space<vmem>>
      tpu.enqueue_dma source(%dma_start3A_848 : memref<8x768xf32, #tpu.memory_space<vmem>>) target(%dma_start3A_845 : memref<8x768xf32, #tpu.memory_space<hbm>>) target_semaphore(%arg16 : memref<!tpu.dma_semaphore, #tpu.memory_space<semaphore_mem>>)
      %add3A_849 = arith.constant 1 : i32
      %add3A_850 = arith.addi %add3A_68, %add3A_849 : i32
      %mul3A_851 = arith.constant 16 : i32
      %mul3A_852 = arith.muli %add3A_850, %mul3A_851 : i32
      %get3A_853 = arith.index_cast %mul3A_852 : i32 to index
      %get3A_854 = tpu.vector_load %arg19[%get3A_853] {strides = array<i32>} : memref<2048xi32, #tpu.memory_space<vmem>>, vector<16xi32>,
      %convert_element_type3A_855 = arith.sitofp %get3A_854 : vector<16xi32> to vector<16xf32>
      %swap3A_856 = arith.constant 16 : index
      %swap3A_857 = tpu.vector_load %arg12[%swap3A_856] {strides = array<i32>} : memref<32xf32, #tpu.memory_space<vmem>>, vector<16xf32>,
      tpu.vector_store %arg12[%swap3A_856], %convert_element_type3A_855 {strides = array<i32>} : memref<32xf32, #tpu.memory_space<vmem>>, vector<16xf32>,
      %ge3A_858 = arith.constant 2 : i32
      %ge3A_859 = arith.cmpi sge, %add3A_850, %ge3A_858 : i32
      %convert_element_type3A_860 = arith.extui %ge3A_859 : i1 to i32
      %cond3A_861 = arith.constant 0 : i32
      %cond3A_862 = arith.cmpi ne, %convert_element_type3A_860, %cond3A_861 : i32
      scf.if %cond3A_862 {
        %dma_wait3A_1642 = arith.constant 0 : i32
        %dma_wait3A_1643 = tpu.memref_slice %arg9[%add3A_850, %mul3A_2, %dma_wait3A_1642] : memref<128x512x768xf32, #tpu.memory_space<hbm>> -> memref<1x16x768xf32, #tpu.memory_space<hbm>>
        %dma_wait3A_1644 = tpu.memref_squeeze %dma_wait3A_1643 : memref<1x16x768xf32, #tpu.memory_space<hbm>> -> memref<16x768xf32, #tpu.memory_space<hbm>>
        %dma_wait3A_1645 = arith.constant 0 : i32
        %dma_wait3A_1646 = tpu.memref_slice %arg9[%add3A_850, %mul3A_2, %dma_wait3A_1645] : memref<128x512x768xf32, #tpu.memory_space<hbm>> -> memref<1x16x768xf32, #tpu.memory_space<hbm>>
        %dma_wait3A_1647 = tpu.memref_squeeze %dma_wait3A_1646 : memref<1x16x768xf32, #tpu.memory_space<hbm>> -> memref<16x768xf32, #tpu.memory_space<hbm>>
        tpu.wait_dma2 semaphore(%arg17 : memref<!tpu.dma_semaphore, #tpu.memory_space<semaphore_mem>>) src(%arg15 : memref<16x768xf32, #tpu.memory_space<vmem>>) dst(%dma_wait3A_1647 : memref<16x768xf32, #tpu.memory_space<hbm>>)
      } else {
      }
      %mul3A_863 = arith.constant 16 : i32
      %mul3A_864 = arith.muli %add3A_850, %mul3A_863 : i32
      %add3A_865 = arith.constant 0 : i32
      %add3A_866 = arith.addi %mul3A_864, %add3A_865 : i32
      %dma_wait3A_867 = arith.constant 0 : i32
      %dma_wait3A_868 = arith.constant 0 : i32
      %dma_wait3A_869 = tpu.memref_slice %arg22[%dma_wait3A_867, %dma_wait3A_868] : memref<16x768xf32, #tpu.memory_space<vmem>> -> memref<8x768xf32, #tpu.memory_space<vmem>>
      %dma_wait3A_870 = tpu.memref_slice %arg13[%add3A_866] : memref<2048xi32, #tpu.memory_space<vmem>> -> memref<8xi32, #tpu.memory_space<vmem>>
      %dma_wait3A_871 = arith.constant 0 : i32
      %dma_wait3A_872 = arith.constant 0 : i32
      %dma_wait3A_873 = tpu.memref_slice %arg4[%dma_wait3A_871, %dma_wait3A_872] : memref<30522x768xf32, #tpu.memory_space<hbm>> -> memref<30522x768xf32, #tpu.memory_space<hbm>>
      tpu.wait_indirect_dma semaphore(%arg25 : memref<!tpu.dma_semaphore, #tpu.memory_space<semaphore_mem>>) src(%dma_wait3A_873 : memref<30522x768xf32, #tpu.memory_space<hbm>>) dst(%dma_wait3A_869 : memref<8x768xf32, #tpu.memory_space<vmem>>)
      %broadcast_in_dim3A_874 = arith.constant 16 : i32
      %broadcast_in_dim3A_875 = vector.broadcast %broadcast_in_dim3A_874 : i32 to vector<16xi32>
      %gather3A_876 = tpu.vector_load_idx %arg12[%broadcast_in_dim3A_875] : memref<32xf32, #tpu.memory_space<vmem>>[vector<16xi32>], vector<16xf32>,
      %broadcast_in_dim3A_877 = arith.constant 17 : i32
      %broadcast_in_dim3A_878 = vector.broadcast %broadcast_in_dim3A_877 : i32 to vector<16xi32>
      %gather3A_879 = tpu.vector_load_idx %arg12[%broadcast_in_dim3A_878] : memref<32xf32, #tpu.memory_space<vmem>>[vector<16xi32>], vector<16xf32>,
      %broadcast_in_dim3A_880 = arith.constant 18 : i32
      %broadcast_in_dim3A_881 = vector.broadcast %broadcast_in_dim3A_880 : i32 to vector<16xi32>
      %gather3A_882 = tpu.vector_load_idx %arg12[%broadcast_in_dim3A_881] : memref<32xf32, #tpu.memory_space<vmem>>[vector<16xi32>], vector<16xf32>,
      %broadcast_in_dim3A_883 = arith.constant 19 : i32
      %broadcast_in_dim3A_884 = vector.broadcast %broadcast_in_dim3A_883 : i32 to vector<16xi32>
      %gather3A_885 = tpu.vector_load_idx %arg12[%broadcast_in_dim3A_884] : memref<32xf32, #tpu.memory_space<vmem>>[vector<16xi32>], vector<16xf32>,
      %broadcast_in_dim3A_886 = arith.constant 20 : i32
      %broadcast_in_dim3A_887 = vector.broadcast %broadcast_in_dim3A_886 : i32 to vector<16xi32>
      %gather3A_888 = tpu.vector_load_idx %arg12[%broadcast_in_dim3A_887] : memref<32xf32, #tpu.memory_space<vmem>>[vector<16xi32>], vector<16xf32>,
      %broadcast_in_dim3A_889 = arith.constant 21 : i32
      %broadcast_in_dim3A_890 = vector.broadcast %broadcast_in_dim3A_889 : i32 to vector<16xi32>
      %gather3A_891 = tpu.vector_load_idx %arg12[%broadcast_in_dim3A_890] : memref<32xf32, #tpu.memory_space<vmem>>[vector<16xi32>], vector<16xf32>,
      %broadcast_in_dim3A_892 = arith.constant 22 : i32
      %broadcast_in_dim3A_893 = vector.broadcast %broadcast_in_dim3A_892 : i32 to vector<16xi32>
      %gather3A_894 = tpu.vector_load_idx %arg12[%broadcast_in_dim3A_893] : memref<32xf32, #tpu.memory_space<vmem>>[vector<16xi32>], vector<16xf32>,
      %broadcast_in_dim3A_895 = arith.constant 23 : i32
      %broadcast_in_dim3A_896 = vector.broadcast %broadcast_in_dim3A_895 : i32 to vector<16xi32>
      %gather3A_897 = tpu.vector_load_idx %arg12[%broadcast_in_dim3A_896] : memref<32xf32, #tpu.memory_space<vmem>>[vector<16xi32>], vector<16xf32>,
      %broadcast_in_dim3A_898 = arith.constant 0.000000e+00 : f32
      %broadcast_in_dim3A_899 = vector.broadcast %broadcast_in_dim3A_898 : f32 to vector<16xf32>
      %parallel_loop3A_900 = arith.constant 0 : i32
      %parallel_loop3A_901 = arith.constant 48 : i32
      %parallel_loop3A_902 = arith.constant 1 : i32
      %parallel_loop3A_903:24 = scf.for %parallel_loop3A_1642 = %parallel_loop3A_900 to %parallel_loop3A_901 step %parallel_loop3A_902 iter_args(%parallel_loop3A_1643 = %broadcast_in_dim3A_899, %parallel_loop3A_1644 = %broadcast_in_dim3A_899, %parallel_loop3A_1645 = %broadcast_in_dim3A_899, %parallel_loop3A_1646 = %broadcast_in_dim3A_899, %parallel_loop3A_1647 = %broadcast_in_dim3A_899, %parallel_loop3A_1648 = %broadcast_in_dim3A_899, %parallel_loop3A_1649 = %broadcast_in_dim3A_899, %parallel_loop3A_1650 = %broadcast_in_dim3A_899, %parallel_loop3A_1651 = %broadcast_in_dim3A_899, %parallel_loop3A_1652 = %broadcast_in_dim3A_899, %parallel_loop3A_1653 = %broadcast_in_dim3A_899, %parallel_loop3A_1654 = %broadcast_in_dim3A_899, %parallel_loop3A_1655 = %broadcast_in_dim3A_899, %parallel_loop3A_1656 = %broadcast_in_dim3A_899, %parallel_loop3A_1657 = %broadcast_in_dim3A_899, %parallel_loop3A_1658 = %broadcast_in_dim3A_899, %parallel_loop3A_1659 = %gather3A_876, %parallel_loop3A_1660 = %gather3A_879, %parallel_loop3A_1661 = %gather3A_882, %parallel_loop3A_1662 = %gather3A_885, %parallel_loop3A_1663 = %gather3A_888, %parallel_loop3A_1664 = %gather3A_891, %parallel_loop3A_1665 = %gather3A_894, %parallel_loop3A_1666 = %gather3A_897) -> (vector<16xf32>, vector<16xf32>, vector<16xf32>, vector<16xf32>, vector<16xf32>, vector<16xf32>, vector<16xf32>, vector<16xf32>, vector<16xf32>, vector<16xf32>, vector<16xf32>, vector<16xf32>, vector<16xf32>, vector<16xf32>, vector<16xf32>, vector<16xf32>, vector<16xf32>, vector<16xf32>, vector<16xf32>, vector<16xf32>, vector<16xf32>, vector<16xf32>, vector<16xf32>, vector<16xf32>)  : i32 {
        %parallel_loop3A_1667 = arith.constant 16 : i32
        %parallel_loop3A_1668 = arith.muli %parallel_loop3A_1642, %parallel_loop3A_1667 : i32
        %parallel_loop3A_1669 = arith.index_cast %parallel_loop3A_1668 : i32 to index
        %parallel_loop3A_1670 = tpu.vector_load %arg11[%parallel_loop3A_1669] {strides = array<i32>} : memref<768xf32, #tpu.memory_space<vmem>>, vector<16xf32>,
        %parallel_loop3A_1671 = arith.constant 0 : i32
        %parallel_loop3A_1672 = arith.index_cast %parallel_loop3A_1671 : i32 to index
        %parallel_loop3A_1673 = arith.index_cast %parallel_loop3A_1668 : i32 to index
        %parallel_loop3A_1674 = tpu.vector_load %arg22[%parallel_loop3A_1672, %parallel_loop3A_1673] {strides = array<i32>} : memref<16x768xf32, #tpu.memory_space<vmem>>, vector<16xf32>,
        %parallel_loop3A_1675 = arith.constant 0 : i32
        %parallel_loop3A_1676 = arith.index_cast %parallel_loop3A_1675 : i32 to index
        %parallel_loop3A_1677 = arith.index_cast %parallel_loop3A_1668 : i32 to index
        %parallel_loop3A_1678 = tpu.vector_load %arg18[%parallel_loop3A_1676, %parallel_loop3A_1677] {strides = array<i32>} : memref<16x768xf32, #tpu.memory_space<vmem>>, vector<16xf32>,
        %parallel_loop3A_1679 = arith.mulf %parallel_loop3A_1659, %parallel_loop3A_1670 : vector<16xf32>
        %parallel_loop3A_1680 = arith.addf %parallel_loop3A_1678, %parallel_loop3A_1679 : vector<16xf32>
        %parallel_loop3A_1681 = arith.addf %parallel_loop3A_1674, %parallel_loop3A_1680 : vector<16xf32>
        %parallel_loop3A_1682 = arith.constant 0 : i32
        %parallel_loop3A_1683 = arith.index_cast %parallel_loop3A_1682 : i32 to index
        %parallel_loop3A_1684 = arith.index_cast %parallel_loop3A_1668 : i32 to index
        %parallel_loop3A_1685 = tpu.vector_load %arg15[%parallel_loop3A_1683, %parallel_loop3A_1684] {strides = array<i32>} : memref<16x768xf32, #tpu.memory_space<vmem>>, vector<16xf32>,
        tpu.vector_store %arg15[%parallel_loop3A_1683, %parallel_loop3A_1684], %parallel_loop3A_1681 {strides = array<i32>} : memref<16x768xf32, #tpu.memory_space<vmem>>, vector<16xf32>,
        %parallel_loop3A_1686 = arith.addf %parallel_loop3A_1643, %parallel_loop3A_1681 : vector<16xf32>
        %parallel_loop3A_1687 = arith.mulf %parallel_loop3A_1681, %parallel_loop3A_1681 : vector<16xf32>
        %parallel_loop3A_1688 = arith.addf %parallel_loop3A_1651, %parallel_loop3A_1687 : vector<16xf32>
        %parallel_loop3A_1689 = arith.constant 1 : i32
        %parallel_loop3A_1690 = arith.index_cast %parallel_loop3A_1689 : i32 to index
        %parallel_loop3A_1691 = arith.index_cast %parallel_loop3A_1668 : i32 to index
        %parallel_loop3A_1692 = tpu.vector_load %arg22[%parallel_loop3A_1690, %parallel_loop3A_1691] {strides = array<i32>} : memref<16x768xf32, #tpu.memory_space<vmem>>, vector<16xf32>,
        %parallel_loop3A_1693 = arith.constant 1 : i32
        %parallel_loop3A_1694 = arith.index_cast %parallel_loop3A_1693 : i32 to index
        %parallel_loop3A_1695 = arith.index_cast %parallel_loop3A_1668 : i32 to index
        %parallel_loop3A_1696 = tpu.vector_load %arg18[%parallel_loop3A_1694, %parallel_loop3A_1695] {strides = array<i32>} : memref<16x768xf32, #tpu.memory_space<vmem>>, vector<16xf32>,
        %parallel_loop3A_1697 = arith.mulf %parallel_loop3A_1660, %parallel_loop3A_1670 : vector<16xf32>
        %parallel_loop3A_1698 = arith.addf %parallel_loop3A_1696, %parallel_loop3A_1697 : vector<16xf32>
        %parallel_loop3A_1699 = arith.addf %parallel_loop3A_1692, %parallel_loop3A_1698 : vector<16xf32>
        %parallel_loop3A_1700 = arith.constant 1 : i32
        %parallel_loop3A_1701 = arith.index_cast %parallel_loop3A_1700 : i32 to index
        %parallel_loop3A_1702 = arith.index_cast %parallel_loop3A_1668 : i32 to index
        %parallel_loop3A_1703 = tpu.vector_load %arg15[%parallel_loop3A_1701, %parallel_loop3A_1702] {strides = array<i32>} : memref<16x768xf32, #tpu.memory_space<vmem>>, vector<16xf32>,
        tpu.vector_store %arg15[%parallel_loop3A_1701, %parallel_loop3A_1702], %parallel_loop3A_1699 {strides = array<i32>} : memref<16x768xf32, #tpu.memory_space<vmem>>, vector<16xf32>,
        %parallel_loop3A_1704 = arith.addf %parallel_loop3A_1644, %parallel_loop3A_1699 : vector<16xf32>
        %parallel_loop3A_1705 = arith.mulf %parallel_loop3A_1699, %parallel_loop3A_1699 : vector<16xf32>
        %parallel_loop3A_1706 = arith.addf %parallel_loop3A_1652, %parallel_loop3A_1705 : vector<16xf32>
        %parallel_loop3A_1707 = arith.constant 2 : i32
        %parallel_loop3A_1708 = arith.index_cast %parallel_loop3A_1707 : i32 to index
        %parallel_loop3A_1709 = arith.index_cast %parallel_loop3A_1668 : i32 to index
        %parallel_loop3A_1710 = tpu.vector_load %arg22[%parallel_loop3A_1708, %parallel_loop3A_1709] {strides = array<i32>} : memref<16x768xf32, #tpu.memory_space<vmem>>, vector<16xf32>,
        %parallel_loop3A_1711 = arith.constant 2 : i32
        %parallel_loop3A_1712 = arith.index_cast %parallel_loop3A_1711 : i32 to index
        %parallel_loop3A_1713 = arith.index_cast %parallel_loop3A_1668 : i32 to index
        %parallel_loop3A_1714 = tpu.vector_load %arg18[%parallel_loop3A_1712, %parallel_loop3A_1713] {strides = array<i32>} : memref<16x768xf32, #tpu.memory_space<vmem>>, vector<16xf32>,
        %parallel_loop3A_1715 = arith.mulf %parallel_loop3A_1661, %parallel_loop3A_1670 : vector<16xf32>
        %parallel_loop3A_1716 = arith.addf %parallel_loop3A_1714, %parallel_loop3A_1715 : vector<16xf32>
        %parallel_loop3A_1717 = arith.addf %parallel_loop3A_1710, %parallel_loop3A_1716 : vector<16xf32>
        %parallel_loop3A_1718 = arith.constant 2 : i32
        %parallel_loop3A_1719 = arith.index_cast %parallel_loop3A_1718 : i32 to index
        %parallel_loop3A_1720 = arith.index_cast %parallel_loop3A_1668 : i32 to index
        %parallel_loop3A_1721 = tpu.vector_load %arg15[%parallel_loop3A_1719, %parallel_loop3A_1720] {strides = array<i32>} : memref<16x768xf32, #tpu.memory_space<vmem>>, vector<16xf32>,
        tpu.vector_store %arg15[%parallel_loop3A_1719, %parallel_loop3A_1720], %parallel_loop3A_1717 {strides = array<i32>} : memref<16x768xf32, #tpu.memory_space<vmem>>, vector<16xf32>,
        %parallel_loop3A_1722 = arith.addf %parallel_loop3A_1645, %parallel_loop3A_1717 : vector<16xf32>
        %parallel_loop3A_1723 = arith.mulf %parallel_loop3A_1717, %parallel_loop3A_1717 : vector<16xf32>
        %parallel_loop3A_1724 = arith.addf %parallel_loop3A_1653, %parallel_loop3A_1723 : vector<16xf32>
        %parallel_loop3A_1725 = arith.constant 3 : i32
        %parallel_loop3A_1726 = arith.index_cast %parallel_loop3A_1725 : i32 to index
        %parallel_loop3A_1727 = arith.index_cast %parallel_loop3A_1668 : i32 to index
        %parallel_loop3A_1728 = tpu.vector_load %arg22[%parallel_loop3A_1726, %parallel_loop3A_1727] {strides = array<i32>} : memref<16x768xf32, #tpu.memory_space<vmem>>, vector<16xf32>,
        %parallel_loop3A_1729 = arith.constant 3 : i32
        %parallel_loop3A_1730 = arith.index_cast %parallel_loop3A_1729 : i32 to index
        %parallel_loop3A_1731 = arith.index_cast %parallel_loop3A_1668 : i32 to index
        %parallel_loop3A_1732 = tpu.vector_load %arg18[%parallel_loop3A_1730, %parallel_loop3A_1731] {strides = array<i32>} : memref<16x768xf32, #tpu.memory_space<vmem>>, vector<16xf32>,
        %parallel_loop3A_1733 = arith.mulf %parallel_loop3A_1662, %parallel_loop3A_1670 : vector<16xf32>
        %parallel_loop3A_1734 = arith.addf %parallel_loop3A_1732, %parallel_loop3A_1733 : vector<16xf32>
        %parallel_loop3A_1735 = arith.addf %parallel_loop3A_1728, %parallel_loop3A_1734 : vector<16xf32>
        %parallel_loop3A_1736 = arith.constant 3 : i32
        %parallel_loop3A_1737 = arith.index_cast %parallel_loop3A_1736 : i32 to index
        %parallel_loop3A_1738 = arith.index_cast %parallel_loop3A_1668 : i32 to index
        %parallel_loop3A_1739 = tpu.vector_load %arg15[%parallel_loop3A_1737, %parallel_loop3A_1738] {strides = array<i32>} : memref<16x768xf32, #tpu.memory_space<vmem>>, vector<16xf32>,
        tpu.vector_store %arg15[%parallel_loop3A_1737, %parallel_loop3A_1738], %parallel_loop3A_1735 {strides = array<i32>} : memref<16x768xf32, #tpu.memory_space<vmem>>, vector<16xf32>,
        %parallel_loop3A_1740 = arith.addf %parallel_loop3A_1646, %parallel_loop3A_1735 : vector<16xf32>
        %parallel_loop3A_1741 = arith.mulf %parallel_loop3A_1735, %parallel_loop3A_1735 : vector<16xf32>
        %parallel_loop3A_1742 = arith.addf %parallel_loop3A_1654, %parallel_loop3A_1741 : vector<16xf32>
        %parallel_loop3A_1743 = arith.constant 4 : i32
        %parallel_loop3A_1744 = arith.index_cast %parallel_loop3A_1743 : i32 to index
        %parallel_loop3A_1745 = arith.index_cast %parallel_loop3A_1668 : i32 to index
        %parallel_loop3A_1746 = tpu.vector_load %arg22[%parallel_loop3A_1744, %parallel_loop3A_1745] {strides = array<i32>} : memref<16x768xf32, #tpu.memory_space<vmem>>, vector<16xf32>,
        %parallel_loop3A_1747 = arith.constant 4 : i32
        %parallel_loop3A_1748 = arith.index_cast %parallel_loop3A_1747 : i32 to index
        %parallel_loop3A_1749 = arith.index_cast %parallel_loop3A_1668 : i32 to index
        %parallel_loop3A_1750 = tpu.vector_load %arg18[%parallel_loop3A_1748, %parallel_loop3A_1749] {strides = array<i32>} : memref<16x768xf32, #tpu.memory_space<vmem>>, vector<16xf32>,
        %parallel_loop3A_1751 = arith.mulf %parallel_loop3A_1663, %parallel_loop3A_1670 : vector<16xf32>
        %parallel_loop3A_1752 = arith.addf %parallel_loop3A_1750, %parallel_loop3A_1751 : vector<16xf32>
        %parallel_loop3A_1753 = arith.addf %parallel_loop3A_1746, %parallel_loop3A_1752 : vector<16xf32>
        %parallel_loop3A_1754 = arith.constant 4 : i32
        %parallel_loop3A_1755 = arith.index_cast %parallel_loop3A_1754 : i32 to index
        %parallel_loop3A_1756 = arith.index_cast %parallel_loop3A_1668 : i32 to index
        %parallel_loop3A_1757 = tpu.vector_load %arg15[%parallel_loop3A_1755, %parallel_loop3A_1756] {strides = array<i32>} : memref<16x768xf32, #tpu.memory_space<vmem>>, vector<16xf32>,
        tpu.vector_store %arg15[%parallel_loop3A_1755, %parallel_loop3A_1756], %parallel_loop3A_1753 {strides = array<i32>} : memref<16x768xf32, #tpu.memory_space<vmem>>, vector<16xf32>,
        %parallel_loop3A_1758 = arith.addf %parallel_loop3A_1647, %parallel_loop3A_1753 : vector<16xf32>
        %parallel_loop3A_1759 = arith.mulf %parallel_loop3A_1753, %parallel_loop3A_1753 : vector<16xf32>
        %parallel_loop3A_1760 = arith.addf %parallel_loop3A_1655, %parallel_loop3A_1759 : vector<16xf32>
        %parallel_loop3A_1761 = arith.constant 5 : i32
        %parallel_loop3A_1762 = arith.index_cast %parallel_loop3A_1761 : i32 to index
        %parallel_loop3A_1763 = arith.index_cast %parallel_loop3A_1668 : i32 to index
        %parallel_loop3A_1764 = tpu.vector_load %arg22[%parallel_loop3A_1762, %parallel_loop3A_1763] {strides = array<i32>} : memref<16x768xf32, #tpu.memory_space<vmem>>, vector<16xf32>,
        %parallel_loop3A_1765 = arith.constant 5 : i32
        %parallel_loop3A_1766 = arith.index_cast %parallel_loop3A_1765 : i32 to index
        %parallel_loop3A_1767 = arith.index_cast %parallel_loop3A_1668 : i32 to index
        %parallel_loop3A_1768 = tpu.vector_load %arg18[%parallel_loop3A_1766, %parallel_loop3A_1767] {strides = array<i32>} : memref<16x768xf32, #tpu.memory_space<vmem>>, vector<16xf32>,
        %parallel_loop3A_1769 = arith.mulf %parallel_loop3A_1664, %parallel_loop3A_1670 : vector<16xf32>
        %parallel_loop3A_1770 = arith.addf %parallel_loop3A_1768, %parallel_loop3A_1769 : vector<16xf32>
        %parallel_loop3A_1771 = arith.addf %parallel_loop3A_1764, %parallel_loop3A_1770 : vector<16xf32>
        %parallel_loop3A_1772 = arith.constant 5 : i32
        %parallel_loop3A_1773 = arith.index_cast %parallel_loop3A_1772 : i32 to index
        %parallel_loop3A_1774 = arith.index_cast %parallel_loop3A_1668 : i32 to index
        %parallel_loop3A_1775 = tpu.vector_load %arg15[%parallel_loop3A_1773, %parallel_loop3A_1774] {strides = array<i32>} : memref<16x768xf32, #tpu.memory_space<vmem>>, vector<16xf32>,
        tpu.vector_store %arg15[%parallel_loop3A_1773, %parallel_loop3A_1774], %parallel_loop3A_1771 {strides = array<i32>} : memref<16x768xf32, #tpu.memory_space<vmem>>, vector<16xf32>,
        %parallel_loop3A_1776 = arith.addf %parallel_loop3A_1648, %parallel_loop3A_1771 : vector<16xf32>
        %parallel_loop3A_1777 = arith.mulf %parallel_loop3A_1771, %parallel_loop3A_1771 : vector<16xf32>
        %parallel_loop3A_1778 = arith.addf %parallel_loop3A_1656, %parallel_loop3A_1777 : vector<16xf32>
        %parallel_loop3A_1779 = arith.constant 6 : i32
        %parallel_loop3A_1780 = arith.index_cast %parallel_loop3A_1779 : i32 to index
        %parallel_loop3A_1781 = arith.index_cast %parallel_loop3A_1668 : i32 to index
        %parallel_loop3A_1782 = tpu.vector_load %arg22[%parallel_loop3A_1780, %parallel_loop3A_1781] {strides = array<i32>} : memref<16x768xf32, #tpu.memory_space<vmem>>, vector<16xf32>,
        %parallel_loop3A_1783 = arith.constant 6 : i32
        %parallel_loop3A_1784 = arith.index_cast %parallel_loop3A_1783 : i32 to index
        %parallel_loop3A_1785 = arith.index_cast %parallel_loop3A_1668 : i32 to index
        %parallel_loop3A_1786 = tpu.vector_load %arg18[%parallel_loop3A_1784, %parallel_loop3A_1785] {strides = array<i32>} : memref<16x768xf32, #tpu.memory_space<vmem>>, vector<16xf32>,
        %parallel_loop3A_1787 = arith.mulf %parallel_loop3A_1665, %parallel_loop3A_1670 : vector<16xf32>
        %parallel_loop3A_1788 = arith.addf %parallel_loop3A_1786, %parallel_loop3A_1787 : vector<16xf32>
        %parallel_loop3A_1789 = arith.addf %parallel_loop3A_1782, %parallel_loop3A_1788 : vector<16xf32>
        %parallel_loop3A_1790 = arith.constant 6 : i32
        %parallel_loop3A_1791 = arith.index_cast %parallel_loop3A_1790 : i32 to index
        %parallel_loop3A_1792 = arith.index_cast %parallel_loop3A_1668 : i32 to index
        %parallel_loop3A_1793 = tpu.vector_load %arg15[%parallel_loop3A_1791, %parallel_loop3A_1792] {strides = array<i32>} : memref<16x768xf32, #tpu.memory_space<vmem>>, vector<16xf32>,
        tpu.vector_store %arg15[%parallel_loop3A_1791, %parallel_loop3A_1792], %parallel_loop3A_1789 {strides = array<i32>} : memref<16x768xf32, #tpu.memory_space<vmem>>, vector<16xf32>,
        %parallel_loop3A_1794 = arith.addf %parallel_loop3A_1649, %parallel_loop3A_1789 : vector<16xf32>
        %parallel_loop3A_1795 = arith.mulf %parallel_loop3A_1789, %parallel_loop3A_1789 : vector<16xf32>
        %parallel_loop3A_1796 = arith.addf %parallel_loop3A_1657, %parallel_loop3A_1795 : vector<16xf32>
        %parallel_loop3A_1797 = arith.constant 7 : i32
        %parallel_loop3A_1798 = arith.index_cast %parallel_loop3A_1797 : i32 to index
        %parallel_loop3A_1799 = arith.index_cast %parallel_loop3A_1668 : i32 to index
        %parallel_loop3A_1800 = tpu.vector_load %arg22[%parallel_loop3A_1798, %parallel_loop3A_1799] {strides = array<i32>} : memref<16x768xf32, #tpu.memory_space<vmem>>, vector<16xf32>,
        %parallel_loop3A_1801 = arith.constant 7 : i32
        %parallel_loop3A_1802 = arith.index_cast %parallel_loop3A_1801 : i32 to index
        %parallel_loop3A_1803 = arith.index_cast %parallel_loop3A_1668 : i32 to index
        %parallel_loop3A_1804 = tpu.vector_load %arg18[%parallel_loop3A_1802, %parallel_loop3A_1803] {strides = array<i32>} : memref<16x768xf32, #tpu.memory_space<vmem>>, vector<16xf32>,
        %parallel_loop3A_1805 = arith.mulf %parallel_loop3A_1666, %parallel_loop3A_1670 : vector<16xf32>
        %parallel_loop3A_1806 = arith.addf %parallel_loop3A_1804, %parallel_loop3A_1805 : vector<16xf32>
        %parallel_loop3A_1807 = arith.addf %parallel_loop3A_1800, %parallel_loop3A_1806 : vector<16xf32>
        %parallel_loop3A_1808 = arith.constant 7 : i32
        %parallel_loop3A_1809 = arith.index_cast %parallel_loop3A_1808 : i32 to index
        %parallel_loop3A_1810 = arith.index_cast %parallel_loop3A_1668 : i32 to index
        %parallel_loop3A_1811 = tpu.vector_load %arg15[%parallel_loop3A_1809, %parallel_loop3A_1810] {strides = array<i32>} : memref<16x768xf32, #tpu.memory_space<vmem>>, vector<16xf32>,
        tpu.vector_store %arg15[%parallel_loop3A_1809, %parallel_loop3A_1810], %parallel_loop3A_1807 {strides = array<i32>} : memref<16x768xf32, #tpu.memory_space<vmem>>, vector<16xf32>,
        %parallel_loop3A_1812 = arith.addf %parallel_loop3A_1650, %parallel_loop3A_1807 : vector<16xf32>
        %parallel_loop3A_1813 = arith.mulf %parallel_loop3A_1807, %parallel_loop3A_1807 : vector<16xf32>
        %parallel_loop3A_1814 = arith.addf %parallel_loop3A_1658, %parallel_loop3A_1813 : vector<16xf32>
        scf.yield %parallel_loop3A_1686, %parallel_loop3A_1704, %parallel_loop3A_1722, %parallel_loop3A_1740, %parallel_loop3A_1758, %parallel_loop3A_1776, %parallel_loop3A_1794, %parallel_loop3A_1812, %parallel_loop3A_1688, %parallel_loop3A_1706, %parallel_loop3A_1724, %parallel_loop3A_1742, %parallel_loop3A_1760, %parallel_loop3A_1778, %parallel_loop3A_1796, %parallel_loop3A_1814, %parallel_loop3A_1659, %parallel_loop3A_1660, %parallel_loop3A_1661, %parallel_loop3A_1662, %parallel_loop3A_1663, %parallel_loop3A_1664, %parallel_loop3A_1665, %parallel_loop3A_1666 : vector<16xf32>, vector<16xf32>, vector<16xf32>, vector<16xf32>, vector<16xf32>, vector<16xf32>, vector<16xf32>, vector<16xf32>, vector<16xf32>, vector<16xf32>, vector<16xf32>, vector<16xf32>, vector<16xf32>, vector<16xf32>, vector<16xf32>, vector<16xf32>, vector<16xf32>, vector<16xf32>, vector<16xf32>, vector<16xf32>, vector<16xf32>, vector<16xf32>, vector<16xf32>, vector<16xf32>
      } {sc.loop_unroll_factor = 1 : i64, sc.parallel_access}
      %reduce_sum3A_904 = arith.constant true
      %reduce_sum3A_905 = vector.broadcast %reduce_sum3A_904 : i1 to vector<16xi1>
      %reduce_sum3A_906 = tpu.scan <sum>, %parallel_loop3A_903#0 masked %reduce_sum3A_905 : vector<16xf32>, vector<16xi1> -> vector<16xf32>
      %reduce_sum3A_907 = vector.extract %reduce_sum3A_906[15] : f32 from vector<16xf32>
      %mul3A_908 = arith.constant 0.00130208337 : f32
      %mul3A_909 = arith.mulf %reduce_sum3A_907, %mul3A_908 : f32
      %reduce_sum3A_910 = arith.constant true
      %reduce_sum3A_911 = vector.broadcast %reduce_sum3A_910 : i1 to vector<16xi1>
      %reduce_sum3A_912 = tpu.scan <sum>, %parallel_loop3A_903#8 masked %reduce_sum3A_911 : vector<16xf32>, vector<16xi1> -> vector<16xf32>
      %reduce_sum3A_913 = vector.extract %reduce_sum3A_912[15] : f32 from vector<16xf32>
      %mul3A_914 = arith.constant 0.00130208337 : f32
      %mul3A_915 = arith.mulf %reduce_sum3A_913, %mul3A_914 : f32
      %mul3A_916 = arith.mulf %mul3A_909, %mul3A_909 : f32
      %sub3A_917 = arith.subf %mul3A_915, %mul3A_916 : f32
      %reduce_sum3A_918 = arith.constant true
      %reduce_sum3A_919 = vector.broadcast %reduce_sum3A_918 : i1 to vector<16xi1>
      %reduce_sum3A_920 = tpu.scan <sum>, %parallel_loop3A_903#1 masked %reduce_sum3A_919 : vector<16xf32>, vector<16xi1> -> vector<16xf32>
      %reduce_sum3A_921 = vector.extract %reduce_sum3A_920[15] : f32 from vector<16xf32>
      %mul3A_922 = arith.constant 0.00130208337 : f32
      %mul3A_923 = arith.mulf %reduce_sum3A_921, %mul3A_922 : f32
      %reduce_sum3A_924 = arith.constant true
      %reduce_sum3A_925 = vector.broadcast %reduce_sum3A_924 : i1 to vector<16xi1>
      %reduce_sum3A_926 = tpu.scan <sum>, %parallel_loop3A_903#9 masked %reduce_sum3A_925 : vector<16xf32>, vector<16xi1> -> vector<16xf32>
      %reduce_sum3A_927 = vector.extract %reduce_sum3A_926[15] : f32 from vector<16xf32>
      %mul3A_928 = arith.constant 0.00130208337 : f32
      %mul3A_929 = arith.mulf %reduce_sum3A_927, %mul3A_928 : f32
      %mul3A_930 = arith.mulf %mul3A_923, %mul3A_923 : f32
      %sub3A_931 = arith.subf %mul3A_929, %mul3A_930 : f32
      %reduce_sum3A_932 = arith.constant true
      %reduce_sum3A_933 = vector.broadcast %reduce_sum3A_932 : i1 to vector<16xi1>
      %reduce_sum3A_934 = tpu.scan <sum>, %parallel_loop3A_903#2 masked %reduce_sum3A_933 : vector<16xf32>, vector<16xi1> -> vector<16xf32>
      %reduce_sum3A_935 = vector.extract %reduce_sum3A_934[15] : f32 from vector<16xf32>
      %mul3A_936 = arith.constant 0.00130208337 : f32
      %mul3A_937 = arith.mulf %reduce_sum3A_935, %mul3A_936 : f32
      %reduce_sum3A_938 = arith.constant true
      %reduce_sum3A_939 = vector.broadcast %reduce_sum3A_938 : i1 to vector<16xi1>
      %reduce_sum3A_940 = tpu.scan <sum>, %parallel_loop3A_903#10 masked %reduce_sum3A_939 : vector<16xf32>, vector<16xi1> -> vector<16xf32>
      %reduce_sum3A_941 = vector.extract %reduce_sum3A_940[15] : f32 from vector<16xf32>
      %mul3A_942 = arith.constant 0.00130208337 : f32
      %mul3A_943 = arith.mulf %reduce_sum3A_941, %mul3A_942 : f32
      %mul3A_944 = arith.mulf %mul3A_937, %mul3A_937 : f32
      %sub3A_945 = arith.subf %mul3A_943, %mul3A_944 : f32
      %reduce_sum3A_946 = arith.constant true
      %reduce_sum3A_947 = vector.broadcast %reduce_sum3A_946 : i1 to vector<16xi1>
      %reduce_sum3A_948 = tpu.scan <sum>, %parallel_loop3A_903#3 masked %reduce_sum3A_947 : vector<16xf32>, vector<16xi1> -> vector<16xf32>
      %reduce_sum3A_949 = vector.extract %reduce_sum3A_948[15] : f32 from vector<16xf32>
      %mul3A_950 = arith.constant 0.00130208337 : f32
      %mul3A_951 = arith.mulf %reduce_sum3A_949, %mul3A_950 : f32
      %reduce_sum3A_952 = arith.constant true
      %reduce_sum3A_953 = vector.broadcast %reduce_sum3A_952 : i1 to vector<16xi1>
      %reduce_sum3A_954 = tpu.scan <sum>, %parallel_loop3A_903#11 masked %reduce_sum3A_953 : vector<16xf32>, vector<16xi1> -> vector<16xf32>
      %reduce_sum3A_955 = vector.extract %reduce_sum3A_954[15] : f32 from vector<16xf32>
      %mul3A_956 = arith.constant 0.00130208337 : f32
      %mul3A_957 = arith.mulf %reduce_sum3A_955, %mul3A_956 : f32
      %mul3A_958 = arith.mulf %mul3A_951, %mul3A_951 : f32
      %sub3A_959 = arith.subf %mul3A_957, %mul3A_958 : f32
      %reduce_sum3A_960 = arith.constant true
      %reduce_sum3A_961 = vector.broadcast %reduce_sum3A_960 : i1 to vector<16xi1>
      %reduce_sum3A_962 = tpu.scan <sum>, %parallel_loop3A_903#4 masked %reduce_sum3A_961 : vector<16xf32>, vector<16xi1> -> vector<16xf32>
      %reduce_sum3A_963 = vector.extract %reduce_sum3A_962[15] : f32 from vector<16xf32>
      %mul3A_964 = arith.constant 0.00130208337 : f32
      %mul3A_965 = arith.mulf %reduce_sum3A_963, %mul3A_964 : f32
      %reduce_sum3A_966 = arith.constant true
      %reduce_sum3A_967 = vector.broadcast %reduce_sum3A_966 : i1 to vector<16xi1>
      %reduce_sum3A_968 = tpu.scan <sum>, %parallel_loop3A_903#12 masked %reduce_sum3A_967 : vector<16xf32>, vector<16xi1> -> vector<16xf32>
      %reduce_sum3A_969 = vector.extract %reduce_sum3A_968[15] : f32 from vector<16xf32>
      %mul3A_970 = arith.constant 0.00130208337 : f32
      %mul3A_971 = arith.mulf %reduce_sum3A_969, %mul3A_970 : f32
      %mul3A_972 = arith.mulf %mul3A_965, %mul3A_965 : f32
      %sub3A_973 = arith.subf %mul3A_971, %mul3A_972 : f32
      %reduce_sum3A_974 = arith.constant true
      %reduce_sum3A_975 = vector.broadcast %reduce_sum3A_974 : i1 to vector<16xi1>
      %reduce_sum3A_976 = tpu.scan <sum>, %parallel_loop3A_903#5 masked %reduce_sum3A_975 : vector<16xf32>, vector<16xi1> -> vector<16xf32>
      %reduce_sum3A_977 = vector.extract %reduce_sum3A_976[15] : f32 from vector<16xf32>
      %mul3A_978 = arith.constant 0.00130208337 : f32
      %mul3A_979 = arith.mulf %reduce_sum3A_977, %mul3A_978 : f32
      %reduce_sum3A_980 = arith.constant true
      %reduce_sum3A_981 = vector.broadcast %reduce_sum3A_980 : i1 to vector<16xi1>
      %reduce_sum3A_982 = tpu.scan <sum>, %parallel_loop3A_903#13 masked %reduce_sum3A_981 : vector<16xf32>, vector<16xi1> -> vector<16xf32>
      %reduce_sum3A_983 = vector.extract %reduce_sum3A_982[15] : f32 from vector<16xf32>
      %mul3A_984 = arith.constant 0.00130208337 : f32
      %mul3A_985 = arith.mulf %reduce_sum3A_983, %mul3A_984 : f32
      %mul3A_986 = arith.mulf %mul3A_979, %mul3A_979 : f32
      %sub3A_987 = arith.subf %mul3A_985, %mul3A_986 : f32
      %reduce_sum3A_988 = arith.constant true
      %reduce_sum3A_989 = vector.broadcast %reduce_sum3A_988 : i1 to vector<16xi1>
      %reduce_sum3A_990 = tpu.scan <sum>, %parallel_loop3A_903#6 masked %reduce_sum3A_989 : vector<16xf32>, vector<16xi1> -> vector<16xf32>
      %reduce_sum3A_991 = vector.extract %reduce_sum3A_990[15] : f32 from vector<16xf32>
      %mul3A_992 = arith.constant 0.00130208337 : f32
      %mul3A_993 = arith.mulf %reduce_sum3A_991, %mul3A_992 : f32
      %reduce_sum3A_994 = arith.constant true
      %reduce_sum3A_995 = vector.broadcast %reduce_sum3A_994 : i1 to vector<16xi1>
      %reduce_sum3A_996 = tpu.scan <sum>, %parallel_loop3A_903#14 masked %reduce_sum3A_995 : vector<16xf32>, vector<16xi1> -> vector<16xf32>
      %reduce_sum3A_997 = vector.extract %reduce_sum3A_996[15] : f32 from vector<16xf32>
      %mul3A_998 = arith.constant 0.00130208337 : f32
      %mul3A_999 = arith.mulf %reduce_sum3A_997, %mul3A_998 : f32
      %mul3A_1000 = arith.mulf %mul3A_993, %mul3A_993 : f32
      %sub3A_1001 = arith.subf %mul3A_999, %mul3A_1000 : f32
      %reduce_sum3A_1002 = arith.constant true
      %reduce_sum3A_1003 = vector.broadcast %reduce_sum3A_1002 : i1 to vector<16xi1>
      %reduce_sum3A_1004 = tpu.scan <sum>, %parallel_loop3A_903#7 masked %reduce_sum3A_1003 : vector<16xf32>, vector<16xi1> -> vector<16xf32>
      %reduce_sum3A_1005 = vector.extract %reduce_sum3A_1004[15] : f32 from vector<16xf32>
      %mul3A_1006 = arith.constant 0.00130208337 : f32
      %mul3A_1007 = arith.mulf %reduce_sum3A_1005, %mul3A_1006 : f32
      %reduce_sum3A_1008 = arith.constant true
      %reduce_sum3A_1009 = vector.broadcast %reduce_sum3A_1008 : i1 to vector<16xi1>
      %reduce_sum3A_1010 = tpu.scan <sum>, %parallel_loop3A_903#15 masked %reduce_sum3A_1009 : vector<16xf32>, vector<16xi1> -> vector<16xf32>
      %reduce_sum3A_1011 = vector.extract %reduce_sum3A_1010[15] : f32 from vector<16xf32>
      %mul3A_1012 = arith.constant 0.00130208337 : f32
      %mul3A_1013 = arith.mulf %reduce_sum3A_1011, %mul3A_1012 : f32
      %mul3A_1014 = arith.mulf %mul3A_1007, %mul3A_1007 : f32
      %sub3A_1015 = arith.subf %mul3A_1013, %mul3A_1014 : f32
      %mul3A_1016 = arith.constant 16 : i32
      %mul3A_1017 = arith.muli %add3A_850, %mul3A_1016 : i32
      %add3A_1018 = arith.constant 8 : i32
      %add3A_1019 = arith.addi %mul3A_1017, %add3A_1018 : i32
      %dma_wait3A_1020 = arith.constant 8 : i32
      %dma_wait3A_1021 = arith.constant 0 : i32
      %dma_wait3A_1022 = tpu.memref_slice %arg22[%dma_wait3A_1020, %dma_wait3A_1021] : memref<16x768xf32, #tpu.memory_space<vmem>> -> memref<8x768xf32, #tpu.memory_space<vmem>>
      %dma_wait3A_1023 = tpu.memref_slice %arg13[%add3A_1019] : memref<2048xi32, #tpu.memory_space<vmem>> -> memref<8xi32, #tpu.memory_space<vmem>>
      %dma_wait3A_1024 = arith.constant 0 : i32
      %dma_wait3A_1025 = arith.constant 0 : i32
      %dma_wait3A_1026 = tpu.memref_slice %arg4[%dma_wait3A_1024, %dma_wait3A_1025] : memref<30522x768xf32, #tpu.memory_space<hbm>> -> memref<30522x768xf32, #tpu.memory_space<hbm>>
      tpu.wait_indirect_dma semaphore(%arg25 : memref<!tpu.dma_semaphore, #tpu.memory_space<semaphore_mem>>) src(%dma_wait3A_1026 : memref<30522x768xf32, #tpu.memory_space<hbm>>) dst(%dma_wait3A_1022 : memref<8x768xf32, #tpu.memory_space<vmem>>)
      %broadcast_in_dim3A_1027 = arith.constant 24 : i32
      %broadcast_in_dim3A_1028 = vector.broadcast %broadcast_in_dim3A_1027 : i32 to vector<16xi32>
      %gather3A_1029 = tpu.vector_load_idx %arg12[%broadcast_in_dim3A_1028] : memref<32xf32, #tpu.memory_space<vmem>>[vector<16xi32>], vector<16xf32>,
      %broadcast_in_dim3A_1030 = arith.constant 25 : i32
      %broadcast_in_dim3A_1031 = vector.broadcast %broadcast_in_dim3A_1030 : i32 to vector<16xi32>
      %gather3A_1032 = tpu.vector_load_idx %arg12[%broadcast_in_dim3A_1031] : memref<32xf32, #tpu.memory_space<vmem>>[vector<16xi32>], vector<16xf32>,
      %broadcast_in_dim3A_1033 = arith.constant 26 : i32
      %broadcast_in_dim3A_1034 = vector.broadcast %broadcast_in_dim3A_1033 : i32 to vector<16xi32>
      %gather3A_1035 = tpu.vector_load_idx %arg12[%broadcast_in_dim3A_1034] : memref<32xf32, #tpu.memory_space<vmem>>[vector<16xi32>], vector<16xf32>,
      %broadcast_in_dim3A_1036 = arith.constant 27 : i32
      %broadcast_in_dim3A_1037 = vector.broadcast %broadcast_in_dim3A_1036 : i32 to vector<16xi32>
      %gather3A_1038 = tpu.vector_load_idx %arg12[%broadcast_in_dim3A_1037] : memref<32xf32, #tpu.memory_space<vmem>>[vector<16xi32>], vector<16xf32>,
      %broadcast_in_dim3A_1039 = arith.constant 28 : i32
      %broadcast_in_dim3A_1040 = vector.broadcast %broadcast_in_dim3A_1039 : i32 to vector<16xi32>
      %gather3A_1041 = tpu.vector_load_idx %arg12[%broadcast_in_dim3A_1040] : memref<32xf32, #tpu.memory_space<vmem>>[vector<16xi32>], vector<16xf32>,
      %broadcast_in_dim3A_1042 = arith.constant 29 : i32
      %broadcast_in_dim3A_1043 = vector.broadcast %broadcast_in_dim3A_1042 : i32 to vector<16xi32>
      %gather3A_1044 = tpu.vector_load_idx %arg12[%broadcast_in_dim3A_1043] : memref<32xf32, #tpu.memory_space<vmem>>[vector<16xi32>], vector<16xf32>,
      %broadcast_in_dim3A_1045 = arith.constant 30 : i32
      %broadcast_in_dim3A_1046 = vector.broadcast %broadcast_in_dim3A_1045 : i32 to vector<16xi32>
      %gather3A_1047 = tpu.vector_load_idx %arg12[%broadcast_in_dim3A_1046] : memref<32xf32, #tpu.memory_space<vmem>>[vector<16xi32>], vector<16xf32>,
      %broadcast_in_dim3A_1048 = arith.constant 31 : i32
      %broadcast_in_dim3A_1049 = vector.broadcast %broadcast_in_dim3A_1048 : i32 to vector<16xi32>
      %gather3A_1050 = tpu.vector_load_idx %arg12[%broadcast_in_dim3A_1049] : memref<32xf32, #tpu.memory_space<vmem>>[vector<16xi32>], vector<16xf32>,
      %broadcast_in_dim3A_1051 = arith.constant 0.000000e+00 : f32
      %broadcast_in_dim3A_1052 = vector.broadcast %broadcast_in_dim3A_1051 : f32 to vector<16xf32>
      %parallel_loop3A_1053 = arith.constant 0 : i32
      %parallel_loop3A_1054 = arith.constant 48 : i32
      %parallel_loop3A_1055 = arith.constant 1 : i32
      %parallel_loop3A_1056:24 = scf.for %parallel_loop3A_1642 = %parallel_loop3A_1053 to %parallel_loop3A_1054 step %parallel_loop3A_1055 iter_args(%parallel_loop3A_1643 = %broadcast_in_dim3A_1052, %parallel_loop3A_1644 = %broadcast_in_dim3A_1052, %parallel_loop3A_1645 = %broadcast_in_dim3A_1052, %parallel_loop3A_1646 = %broadcast_in_dim3A_1052, %parallel_loop3A_1647 = %broadcast_in_dim3A_1052, %parallel_loop3A_1648 = %broadcast_in_dim3A_1052, %parallel_loop3A_1649 = %broadcast_in_dim3A_1052, %parallel_loop3A_1650 = %broadcast_in_dim3A_1052, %parallel_loop3A_1651 = %broadcast_in_dim3A_1052, %parallel_loop3A_1652 = %broadcast_in_dim3A_1052, %parallel_loop3A_1653 = %broadcast_in_dim3A_1052, %parallel_loop3A_1654 = %broadcast_in_dim3A_1052, %parallel_loop3A_1655 = %broadcast_in_dim3A_1052, %parallel_loop3A_1656 = %broadcast_in_dim3A_1052, %parallel_loop3A_1657 = %broadcast_in_dim3A_1052, %parallel_loop3A_1658 = %broadcast_in_dim3A_1052, %parallel_loop3A_1659 = %gather3A_1029, %parallel_loop3A_1660 = %gather3A_1032, %parallel_loop3A_1661 = %gather3A_1035, %parallel_loop3A_1662 = %gather3A_1038, %parallel_loop3A_1663 = %gather3A_1041, %parallel_loop3A_1664 = %gather3A_1044, %parallel_loop3A_1665 = %gather3A_1047, %parallel_loop3A_1666 = %gather3A_1050) -> (vector<16xf32>, vector<16xf32>, vector<16xf32>, vector<16xf32>, vector<16xf32>, vector<16xf32>, vector<16xf32>, vector<16xf32>, vector<16xf32>, vector<16xf32>, vector<16xf32>, vector<16xf32>, vector<16xf32>, vector<16xf32>, vector<16xf32>, vector<16xf32>, vector<16xf32>, vector<16xf32>, vector<16xf32>, vector<16xf32>, vector<16xf32>, vector<16xf32>, vector<16xf32>, vector<16xf32>)  : i32 {
        %parallel_loop3A_1667 = arith.constant 16 : i32
        %parallel_loop3A_1668 = arith.muli %parallel_loop3A_1642, %parallel_loop3A_1667 : i32
        %parallel_loop3A_1669 = arith.index_cast %parallel_loop3A_1668 : i32 to index
        %parallel_loop3A_1670 = tpu.vector_load %arg11[%parallel_loop3A_1669] {strides = array<i32>} : memref<768xf32, #tpu.memory_space<vmem>>, vector<16xf32>,
        %parallel_loop3A_1671 = arith.constant 8 : i32
        %parallel_loop3A_1672 = arith.index_cast %parallel_loop3A_1671 : i32 to index
        %parallel_loop3A_1673 = arith.index_cast %parallel_loop3A_1668 : i32 to index
        %parallel_loop3A_1674 = tpu.vector_load %arg22[%parallel_loop3A_1672, %parallel_loop3A_1673] {strides = array<i32>} : memref<16x768xf32, #tpu.memory_space<vmem>>, vector<16xf32>,
        %parallel_loop3A_1675 = arith.constant 8 : i32
        %parallel_loop3A_1676 = arith.index_cast %parallel_loop3A_1675 : i32 to index
        %parallel_loop3A_1677 = arith.index_cast %parallel_loop3A_1668 : i32 to index
        %parallel_loop3A_1678 = tpu.vector_load %arg18[%parallel_loop3A_1676, %parallel_loop3A_1677] {strides = array<i32>} : memref<16x768xf32, #tpu.memory_space<vmem>>, vector<16xf32>,
        %parallel_loop3A_1679 = arith.mulf %parallel_loop3A_1659, %parallel_loop3A_1670 : vector<16xf32>
        %parallel_loop3A_1680 = arith.addf %parallel_loop3A_1678, %parallel_loop3A_1679 : vector<16xf32>
        %parallel_loop3A_1681 = arith.addf %parallel_loop3A_1674, %parallel_loop3A_1680 : vector<16xf32>
        %parallel_loop3A_1682 = arith.constant 8 : i32
        %parallel_loop3A_1683 = arith.index_cast %parallel_loop3A_1682 : i32 to index
        %parallel_loop3A_1684 = arith.index_cast %parallel_loop3A_1668 : i32 to index
        %parallel_loop3A_1685 = tpu.vector_load %arg15[%parallel_loop3A_1683, %parallel_loop3A_1684] {strides = array<i32>} : memref<16x768xf32, #tpu.memory_space<vmem>>, vector<16xf32>,
        tpu.vector_store %arg15[%parallel_loop3A_1683, %parallel_loop3A_1684], %parallel_loop3A_1681 {strides = array<i32>} : memref<16x768xf32, #tpu.memory_space<vmem>>, vector<16xf32>,
        %parallel_loop3A_1686 = arith.addf %parallel_loop3A_1643, %parallel_loop3A_1681 : vector<16xf32>
        %parallel_loop3A_1687 = arith.mulf %parallel_loop3A_1681, %parallel_loop3A_1681 : vector<16xf32>
        %parallel_loop3A_1688 = arith.addf %parallel_loop3A_1651, %parallel_loop3A_1687 : vector<16xf32>
        %parallel_loop3A_1689 = arith.constant 9 : i32
        %parallel_loop3A_1690 = arith.index_cast %parallel_loop3A_1689 : i32 to index
        %parallel_loop3A_1691 = arith.index_cast %parallel_loop3A_1668 : i32 to index
        %parallel_loop3A_1692 = tpu.vector_load %arg22[%parallel_loop3A_1690, %parallel_loop3A_1691] {strides = array<i32>} : memref<16x768xf32, #tpu.memory_space<vmem>>, vector<16xf32>,
        %parallel_loop3A_1693 = arith.constant 9 : i32
        %parallel_loop3A_1694 = arith.index_cast %parallel_loop3A_1693 : i32 to index
        %parallel_loop3A_1695 = arith.index_cast %parallel_loop3A_1668 : i32 to index
        %parallel_loop3A_1696 = tpu.vector_load %arg18[%parallel_loop3A_1694, %parallel_loop3A_1695] {strides = array<i32>} : memref<16x768xf32, #tpu.memory_space<vmem>>, vector<16xf32>,
        %parallel_loop3A_1697 = arith.mulf %parallel_loop3A_1660, %parallel_loop3A_1670 : vector<16xf32>
        %parallel_loop3A_1698 = arith.addf %parallel_loop3A_1696, %parallel_loop3A_1697 : vector<16xf32>
        %parallel_loop3A_1699 = arith.addf %parallel_loop3A_1692, %parallel_loop3A_1698 : vector<16xf32>
        %parallel_loop3A_1700 = arith.constant 9 : i32
        %parallel_loop3A_1701 = arith.index_cast %parallel_loop3A_1700 : i32 to index
        %parallel_loop3A_1702 = arith.index_cast %parallel_loop3A_1668 : i32 to index
        %parallel_loop3A_1703 = tpu.vector_load %arg15[%parallel_loop3A_1701, %parallel_loop3A_1702] {strides = array<i32>} : memref<16x768xf32, #tpu.memory_space<vmem>>, vector<16xf32>,
        tpu.vector_store %arg15[%parallel_loop3A_1701, %parallel_loop3A_1702], %parallel_loop3A_1699 {strides = array<i32>} : memref<16x768xf32, #tpu.memory_space<vmem>>, vector<16xf32>,
        %parallel_loop3A_1704 = arith.addf %parallel_loop3A_1644, %parallel_loop3A_1699 : vector<16xf32>
        %parallel_loop3A_1705 = arith.mulf %parallel_loop3A_1699, %parallel_loop3A_1699 : vector<16xf32>
        %parallel_loop3A_1706 = arith.addf %parallel_loop3A_1652, %parallel_loop3A_1705 : vector<16xf32>
        %parallel_loop3A_1707 = arith.constant 10 : i32
        %parallel_loop3A_1708 = arith.index_cast %parallel_loop3A_1707 : i32 to index
        %parallel_loop3A_1709 = arith.index_cast %parallel_loop3A_1668 : i32 to index
        %parallel_loop3A_1710 = tpu.vector_load %arg22[%parallel_loop3A_1708, %parallel_loop3A_1709] {strides = array<i32>} : memref<16x768xf32, #tpu.memory_space<vmem>>, vector<16xf32>,
        %parallel_loop3A_1711 = arith.constant 10 : i32
        %parallel_loop3A_1712 = arith.index_cast %parallel_loop3A_1711 : i32 to index
        %parallel_loop3A_1713 = arith.index_cast %parallel_loop3A_1668 : i32 to index
        %parallel_loop3A_1714 = tpu.vector_load %arg18[%parallel_loop3A_1712, %parallel_loop3A_1713] {strides = array<i32>} : memref<16x768xf32, #tpu.memory_space<vmem>>, vector<16xf32>,
        %parallel_loop3A_1715 = arith.mulf %parallel_loop3A_1661, %parallel_loop3A_1670 : vector<16xf32>
        %parallel_loop3A_1716 = arith.addf %parallel_loop3A_1714, %parallel_loop3A_1715 : vector<16xf32>
        %parallel_loop3A_1717 = arith.addf %parallel_loop3A_1710, %parallel_loop3A_1716 : vector<16xf32>
        %parallel_loop3A_1718 = arith.constant 10 : i32
        %parallel_loop3A_1719 = arith.index_cast %parallel_loop3A_1718 : i32 to index
        %parallel_loop3A_1720 = arith.index_cast %parallel_loop3A_1668 : i32 to index
        %parallel_loop3A_1721 = tpu.vector_load %arg15[%parallel_loop3A_1719, %parallel_loop3A_1720] {strides = array<i32>} : memref<16x768xf32, #tpu.memory_space<vmem>>, vector<16xf32>,
        tpu.vector_store %arg15[%parallel_loop3A_1719, %parallel_loop3A_1720], %parallel_loop3A_1717 {strides = array<i32>} : memref<16x768xf32, #tpu.memory_space<vmem>>, vector<16xf32>,
        %parallel_loop3A_1722 = arith.addf %parallel_loop3A_1645, %parallel_loop3A_1717 : vector<16xf32>
        %parallel_loop3A_1723 = arith.mulf %parallel_loop3A_1717, %parallel_loop3A_1717 : vector<16xf32>
        %parallel_loop3A_1724 = arith.addf %parallel_loop3A_1653, %parallel_loop3A_1723 : vector<16xf32>
        %parallel_loop3A_1725 = arith.constant 11 : i32
        %parallel_loop3A_1726 = arith.index_cast %parallel_loop3A_1725 : i32 to index
        %parallel_loop3A_1727 = arith.index_cast %parallel_loop3A_1668 : i32 to index
        %parallel_loop3A_1728 = tpu.vector_load %arg22[%parallel_loop3A_1726, %parallel_loop3A_1727] {strides = array<i32>} : memref<16x768xf32, #tpu.memory_space<vmem>>, vector<16xf32>,
        %parallel_loop3A_1729 = arith.constant 11 : i32
        %parallel_loop3A_1730 = arith.index_cast %parallel_loop3A_1729 : i32 to index
        %parallel_loop3A_1731 = arith.index_cast %parallel_loop3A_1668 : i32 to index
        %parallel_loop3A_1732 = tpu.vector_load %arg18[%parallel_loop3A_1730, %parallel_loop3A_1731] {strides = array<i32>} : memref<16x768xf32, #tpu.memory_space<vmem>>, vector<16xf32>,
        %parallel_loop3A_1733 = arith.mulf %parallel_loop3A_1662, %parallel_loop3A_1670 : vector<16xf32>
        %parallel_loop3A_1734 = arith.addf %parallel_loop3A_1732, %parallel_loop3A_1733 : vector<16xf32>
        %parallel_loop3A_1735 = arith.addf %parallel_loop3A_1728, %parallel_loop3A_1734 : vector<16xf32>
        %parallel_loop3A_1736 = arith.constant 11 : i32
        %parallel_loop3A_1737 = arith.index_cast %parallel_loop3A_1736 : i32 to index
        %parallel_loop3A_1738 = arith.index_cast %parallel_loop3A_1668 : i32 to index
        %parallel_loop3A_1739 = tpu.vector_load %arg15[%parallel_loop3A_1737, %parallel_loop3A_1738] {strides = array<i32>} : memref<16x768xf32, #tpu.memory_space<vmem>>, vector<16xf32>,
        tpu.vector_store %arg15[%parallel_loop3A_1737, %parallel_loop3A_1738], %parallel_loop3A_1735 {strides = array<i32>} : memref<16x768xf32, #tpu.memory_space<vmem>>, vector<16xf32>,
        %parallel_loop3A_1740 = arith.addf %parallel_loop3A_1646, %parallel_loop3A_1735 : vector<16xf32>
        %parallel_loop3A_1741 = arith.mulf %parallel_loop3A_1735, %parallel_loop3A_1735 : vector<16xf32>
        %parallel_loop3A_1742 = arith.addf %parallel_loop3A_1654, %parallel_loop3A_1741 : vector<16xf32>
        %parallel_loop3A_1743 = arith.constant 12 : i32
        %parallel_loop3A_1744 = arith.index_cast %parallel_loop3A_1743 : i32 to index
        %parallel_loop3A_1745 = arith.index_cast %parallel_loop3A_1668 : i32 to index
        %parallel_loop3A_1746 = tpu.vector_load %arg22[%parallel_loop3A_1744, %parallel_loop3A_1745] {strides = array<i32>} : memref<16x768xf32, #tpu.memory_space<vmem>>, vector<16xf32>,
        %parallel_loop3A_1747 = arith.constant 12 : i32
        %parallel_loop3A_1748 = arith.index_cast %parallel_loop3A_1747 : i32 to index
        %parallel_loop3A_1749 = arith.index_cast %parallel_loop3A_1668 : i32 to index
        %parallel_loop3A_1750 = tpu.vector_load %arg18[%parallel_loop3A_1748, %parallel_loop3A_1749] {strides = array<i32>} : memref<16x768xf32, #tpu.memory_space<vmem>>, vector<16xf32>,
        %parallel_loop3A_1751 = arith.mulf %parallel_loop3A_1663, %parallel_loop3A_1670 : vector<16xf32>
        %parallel_loop3A_1752 = arith.addf %parallel_loop3A_1750, %parallel_loop3A_1751 : vector<16xf32>
        %parallel_loop3A_1753 = arith.addf %parallel_loop3A_1746, %parallel_loop3A_1752 : vector<16xf32>
        %parallel_loop3A_1754 = arith.constant 12 : i32
        %parallel_loop3A_1755 = arith.index_cast %parallel_loop3A_1754 : i32 to index
        %parallel_loop3A_1756 = arith.index_cast %parallel_loop3A_1668 : i32 to index
        %parallel_loop3A_1757 = tpu.vector_load %arg15[%parallel_loop3A_1755, %parallel_loop3A_1756] {strides = array<i32>} : memref<16x768xf32, #tpu.memory_space<vmem>>, vector<16xf32>,
        tpu.vector_store %arg15[%parallel_loop3A_1755, %parallel_loop3A_1756], %parallel_loop3A_1753 {strides = array<i32>} : memref<16x768xf32, #tpu.memory_space<vmem>>, vector<16xf32>,
        %parallel_loop3A_1758 = arith.addf %parallel_loop3A_1647, %parallel_loop3A_1753 : vector<16xf32>
        %parallel_loop3A_1759 = arith.mulf %parallel_loop3A_1753, %parallel_loop3A_1753 : vector<16xf32>
        %parallel_loop3A_1760 = arith.addf %parallel_loop3A_1655, %parallel_loop3A_1759 : vector<16xf32>
        %parallel_loop3A_1761 = arith.constant 13 : i32
        %parallel_loop3A_1762 = arith.index_cast %parallel_loop3A_1761 : i32 to index
        %parallel_loop3A_1763 = arith.index_cast %parallel_loop3A_1668 : i32 to index
        %parallel_loop3A_1764 = tpu.vector_load %arg22[%parallel_loop3A_1762, %parallel_loop3A_1763] {strides = array<i32>} : memref<16x768xf32, #tpu.memory_space<vmem>>, vector<16xf32>,
        %parallel_loop3A_1765 = arith.constant 13 : i32
        %parallel_loop3A_1766 = arith.index_cast %parallel_loop3A_1765 : i32 to index
        %parallel_loop3A_1767 = arith.index_cast %parallel_loop3A_1668 : i32 to index
        %parallel_loop3A_1768 = tpu.vector_load %arg18[%parallel_loop3A_1766, %parallel_loop3A_1767] {strides = array<i32>} : memref<16x768xf32, #tpu.memory_space<vmem>>, vector<16xf32>,
        %parallel_loop3A_1769 = arith.mulf %parallel_loop3A_1664, %parallel_loop3A_1670 : vector<16xf32>
        %parallel_loop3A_1770 = arith.addf %parallel_loop3A_1768, %parallel_loop3A_1769 : vector<16xf32>
        %parallel_loop3A_1771 = arith.addf %parallel_loop3A_1764, %parallel_loop3A_1770 : vector<16xf32>
        %parallel_loop3A_1772 = arith.constant 13 : i32
        %parallel_loop3A_1773 = arith.index_cast %parallel_loop3A_1772 : i32 to index
        %parallel_loop3A_1774 = arith.index_cast %parallel_loop3A_1668 : i32 to index
        %parallel_loop3A_1775 = tpu.vector_load %arg15[%parallel_loop3A_1773, %parallel_loop3A_1774] {strides = array<i32>} : memref<16x768xf32, #tpu.memory_space<vmem>>, vector<16xf32>,
        tpu.vector_store %arg15[%parallel_loop3A_1773, %parallel_loop3A_1774], %parallel_loop3A_1771 {strides = array<i32>} : memref<16x768xf32, #tpu.memory_space<vmem>>, vector<16xf32>,
        %parallel_loop3A_1776 = arith.addf %parallel_loop3A_1648, %parallel_loop3A_1771 : vector<16xf32>
        %parallel_loop3A_1777 = arith.mulf %parallel_loop3A_1771, %parallel_loop3A_1771 : vector<16xf32>
        %parallel_loop3A_1778 = arith.addf %parallel_loop3A_1656, %parallel_loop3A_1777 : vector<16xf32>
        %parallel_loop3A_1779 = arith.constant 14 : i32
        %parallel_loop3A_1780 = arith.index_cast %parallel_loop3A_1779 : i32 to index
        %parallel_loop3A_1781 = arith.index_cast %parallel_loop3A_1668 : i32 to index
        %parallel_loop3A_1782 = tpu.vector_load %arg22[%parallel_loop3A_1780, %parallel_loop3A_1781] {strides = array<i32>} : memref<16x768xf32, #tpu.memory_space<vmem>>, vector<16xf32>,
        %parallel_loop3A_1783 = arith.constant 14 : i32
        %parallel_loop3A_1784 = arith.index_cast %parallel_loop3A_1783 : i32 to index
        %parallel_loop3A_1785 = arith.index_cast %parallel_loop3A_1668 : i32 to index
        %parallel_loop3A_1786 = tpu.vector_load %arg18[%parallel_loop3A_1784, %parallel_loop3A_1785] {strides = array<i32>} : memref<16x768xf32, #tpu.memory_space<vmem>>, vector<16xf32>,
        %parallel_loop3A_1787 = arith.mulf %parallel_loop3A_1665, %parallel_loop3A_1670 : vector<16xf32>
        %parallel_loop3A_1788 = arith.addf %parallel_loop3A_1786, %parallel_loop3A_1787 : vector<16xf32>
        %parallel_loop3A_1789 = arith.addf %parallel_loop3A_1782, %parallel_loop3A_1788 : vector<16xf32>
        %parallel_loop3A_1790 = arith.constant 14 : i32
        %parallel_loop3A_1791 = arith.index_cast %parallel_loop3A_1790 : i32 to index
        %parallel_loop3A_1792 = arith.index_cast %parallel_loop3A_1668 : i32 to index
        %parallel_loop3A_1793 = tpu.vector_load %arg15[%parallel_loop3A_1791, %parallel_loop3A_1792] {strides = array<i32>} : memref<16x768xf32, #tpu.memory_space<vmem>>, vector<16xf32>,
        tpu.vector_store %arg15[%parallel_loop3A_1791, %parallel_loop3A_1792], %parallel_loop3A_1789 {strides = array<i32>} : memref<16x768xf32, #tpu.memory_space<vmem>>, vector<16xf32>,
        %parallel_loop3A_1794 = arith.addf %parallel_loop3A_1649, %parallel_loop3A_1789 : vector<16xf32>
        %parallel_loop3A_1795 = arith.mulf %parallel_loop3A_1789, %parallel_loop3A_1789 : vector<16xf32>
        %parallel_loop3A_1796 = arith.addf %parallel_loop3A_1657, %parallel_loop3A_1795 : vector<16xf32>
        %parallel_loop3A_1797 = arith.constant 15 : i32
        %parallel_loop3A_1798 = arith.index_cast %parallel_loop3A_1797 : i32 to index
        %parallel_loop3A_1799 = arith.index_cast %parallel_loop3A_1668 : i32 to index
        %parallel_loop3A_1800 = tpu.vector_load %arg22[%parallel_loop3A_1798, %parallel_loop3A_1799] {strides = array<i32>} : memref<16x768xf32, #tpu.memory_space<vmem>>, vector<16xf32>,
        %parallel_loop3A_1801 = arith.constant 15 : i32
        %parallel_loop3A_1802 = arith.index_cast %parallel_loop3A_1801 : i32 to index
        %parallel_loop3A_1803 = arith.index_cast %parallel_loop3A_1668 : i32 to index
        %parallel_loop3A_1804 = tpu.vector_load %arg18[%parallel_loop3A_1802, %parallel_loop3A_1803] {strides = array<i32>} : memref<16x768xf32, #tpu.memory_space<vmem>>, vector<16xf32>,
        %parallel_loop3A_1805 = arith.mulf %parallel_loop3A_1666, %parallel_loop3A_1670 : vector<16xf32>
        %parallel_loop3A_1806 = arith.addf %parallel_loop3A_1804, %parallel_loop3A_1805 : vector<16xf32>
        %parallel_loop3A_1807 = arith.addf %parallel_loop3A_1800, %parallel_loop3A_1806 : vector<16xf32>
        %parallel_loop3A_1808 = arith.constant 15 : i32
        %parallel_loop3A_1809 = arith.index_cast %parallel_loop3A_1808 : i32 to index
        %parallel_loop3A_1810 = arith.index_cast %parallel_loop3A_1668 : i32 to index
        %parallel_loop3A_1811 = tpu.vector_load %arg15[%parallel_loop3A_1809, %parallel_loop3A_1810] {strides = array<i32>} : memref<16x768xf32, #tpu.memory_space<vmem>>, vector<16xf32>,
        tpu.vector_store %arg15[%parallel_loop3A_1809, %parallel_loop3A_1810], %parallel_loop3A_1807 {strides = array<i32>} : memref<16x768xf32, #tpu.memory_space<vmem>>, vector<16xf32>,
        %parallel_loop3A_1812 = arith.addf %parallel_loop3A_1650, %parallel_loop3A_1807 : vector<16xf32>
        %parallel_loop3A_1813 = arith.mulf %parallel_loop3A_1807, %parallel_loop3A_1807 : vector<16xf32>
        %parallel_loop3A_1814 = arith.addf %parallel_loop3A_1658, %parallel_loop3A_1813 : vector<16xf32>
        scf.yield %parallel_loop3A_1686, %parallel_loop3A_1704, %parallel_loop3A_1722, %parallel_loop3A_1740, %parallel_loop3A_1758, %parallel_loop3A_1776, %parallel_loop3A_1794, %parallel_loop3A_1812, %parallel_loop3A_1688, %parallel_loop3A_1706, %parallel_loop3A_1724, %parallel_loop3A_1742, %parallel_loop3A_1760, %parallel_loop3A_1778, %parallel_loop3A_1796, %parallel_loop3A_1814, %parallel_loop3A_1659, %parallel_loop3A_1660, %parallel_loop3A_1661, %parallel_loop3A_1662, %parallel_loop3A_1663, %parallel_loop3A_1664, %parallel_loop3A_1665, %parallel_loop3A_1666 : vector<16xf32>, vector<16xf32>, vector<16xf32>, vector<16xf32>, vector<16xf32>, vector<16xf32>, vector<16xf32>, vector<16xf32>, vector<16xf32>, vector<16xf32>, vector<16xf32>, vector<16xf32>, vector<16xf32>, vector<16xf32>, vector<16xf32>, vector<16xf32>, vector<16xf32>, vector<16xf32>, vector<16xf32>, vector<16xf32>, vector<16xf32>, vector<16xf32>, vector<16xf32>, vector<16xf32>
      } {sc.loop_unroll_factor = 1 : i64, sc.parallel_access}
      %reduce_sum3A_1057 = arith.constant true
      %reduce_sum3A_1058 = vector.broadcast %reduce_sum3A_1057 : i1 to vector<16xi1>
      %reduce_sum3A_1059 = tpu.scan <sum>, %parallel_loop3A_1056#0 masked %reduce_sum3A_1058 : vector<16xf32>, vector<16xi1> -> vector<16xf32>
      %reduce_sum3A_1060 = vector.extract %reduce_sum3A_1059[15] : f32 from vector<16xf32>
      %mul3A_1061 = arith.constant 0.00130208337 : f32
      %mul3A_1062 = arith.mulf %reduce_sum3A_1060, %mul3A_1061 : f32
      %reduce_sum3A_1063 = arith.constant true
      %reduce_sum3A_1064 = vector.broadcast %reduce_sum3A_1063 : i1 to vector<16xi1>
      %reduce_sum3A_1065 = tpu.scan <sum>, %parallel_loop3A_1056#8 masked %reduce_sum3A_1064 : vector<16xf32>, vector<16xi1> -> vector<16xf32>
      %reduce_sum3A_1066 = vector.extract %reduce_sum3A_1065[15] : f32 from vector<16xf32>
      %mul3A_1067 = arith.constant 0.00130208337 : f32
      %mul3A_1068 = arith.mulf %reduce_sum3A_1066, %mul3A_1067 : f32
      %mul3A_1069 = arith.mulf %mul3A_1062, %mul3A_1062 : f32
      %sub3A_1070 = arith.subf %mul3A_1068, %mul3A_1069 : f32
      %reduce_sum3A_1071 = arith.constant true
      %reduce_sum3A_1072 = vector.broadcast %reduce_sum3A_1071 : i1 to vector<16xi1>
      %reduce_sum3A_1073 = tpu.scan <sum>, %parallel_loop3A_1056#1 masked %reduce_sum3A_1072 : vector<16xf32>, vector<16xi1> -> vector<16xf32>
      %reduce_sum3A_1074 = vector.extract %reduce_sum3A_1073[15] : f32 from vector<16xf32>
      %mul3A_1075 = arith.constant 0.00130208337 : f32
      %mul3A_1076 = arith.mulf %reduce_sum3A_1074, %mul3A_1075 : f32
      %reduce_sum3A_1077 = arith.constant true
      %reduce_sum3A_1078 = vector.broadcast %reduce_sum3A_1077 : i1 to vector<16xi1>
      %reduce_sum3A_1079 = tpu.scan <sum>, %parallel_loop3A_1056#9 masked %reduce_sum3A_1078 : vector<16xf32>, vector<16xi1> -> vector<16xf32>
      %reduce_sum3A_1080 = vector.extract %reduce_sum3A_1079[15] : f32 from vector<16xf32>
      %mul3A_1081 = arith.constant 0.00130208337 : f32
      %mul3A_1082 = arith.mulf %reduce_sum3A_1080, %mul3A_1081 : f32
      %mul3A_1083 = arith.mulf %mul3A_1076, %mul3A_1076 : f32
      %sub3A_1084 = arith.subf %mul3A_1082, %mul3A_1083 : f32
      %reduce_sum3A_1085 = arith.constant true
      %reduce_sum3A_1086 = vector.broadcast %reduce_sum3A_1085 : i1 to vector<16xi1>
      %reduce_sum3A_1087 = tpu.scan <sum>, %parallel_loop3A_1056#2 masked %reduce_sum3A_1086 : vector<16xf32>, vector<16xi1> -> vector<16xf32>
      %reduce_sum3A_1088 = vector.extract %reduce_sum3A_1087[15] : f32 from vector<16xf32>
      %mul3A_1089 = arith.constant 0.00130208337 : f32
      %mul3A_1090 = arith.mulf %reduce_sum3A_1088, %mul3A_1089 : f32
      %reduce_sum3A_1091 = arith.constant true
      %reduce_sum3A_1092 = vector.broadcast %reduce_sum3A_1091 : i1 to vector<16xi1>
      %reduce_sum3A_1093 = tpu.scan <sum>, %parallel_loop3A_1056#10 masked %reduce_sum3A_1092 : vector<16xf32>, vector<16xi1> -> vector<16xf32>
      %reduce_sum3A_1094 = vector.extract %reduce_sum3A_1093[15] : f32 from vector<16xf32>
      %mul3A_1095 = arith.constant 0.00130208337 : f32
      %mul3A_1096 = arith.mulf %reduce_sum3A_1094, %mul3A_1095 : f32
      %mul3A_1097 = arith.mulf %mul3A_1090, %mul3A_1090 : f32
      %sub3A_1098 = arith.subf %mul3A_1096, %mul3A_1097 : f32
      %reduce_sum3A_1099 = arith.constant true
      %reduce_sum3A_1100 = vector.broadcast %reduce_sum3A_1099 : i1 to vector<16xi1>
      %reduce_sum3A_1101 = tpu.scan <sum>, %parallel_loop3A_1056#3 masked %reduce_sum3A_1100 : vector<16xf32>, vector<16xi1> -> vector<16xf32>
      %reduce_sum3A_1102 = vector.extract %reduce_sum3A_1101[15] : f32 from vector<16xf32>
      %mul3A_1103 = arith.constant 0.00130208337 : f32
      %mul3A_1104 = arith.mulf %reduce_sum3A_1102, %mul3A_1103 : f32
      %reduce_sum3A_1105 = arith.constant true
      %reduce_sum3A_1106 = vector.broadcast %reduce_sum3A_1105 : i1 to vector<16xi1>
      %reduce_sum3A_1107 = tpu.scan <sum>, %parallel_loop3A_1056#11 masked %reduce_sum3A_1106 : vector<16xf32>, vector<16xi1> -> vector<16xf32>
      %reduce_sum3A_1108 = vector.extract %reduce_sum3A_1107[15] : f32 from vector<16xf32>
      %mul3A_1109 = arith.constant 0.00130208337 : f32
      %mul3A_1110 = arith.mulf %reduce_sum3A_1108, %mul3A_1109 : f32
      %mul3A_1111 = arith.mulf %mul3A_1104, %mul3A_1104 : f32
      %sub3A_1112 = arith.subf %mul3A_1110, %mul3A_1111 : f32
      %reduce_sum3A_1113 = arith.constant true
      %reduce_sum3A_1114 = vector.broadcast %reduce_sum3A_1113 : i1 to vector<16xi1>
      %reduce_sum3A_1115 = tpu.scan <sum>, %parallel_loop3A_1056#4 masked %reduce_sum3A_1114 : vector<16xf32>, vector<16xi1> -> vector<16xf32>
      %reduce_sum3A_1116 = vector.extract %reduce_sum3A_1115[15] : f32 from vector<16xf32>
      %mul3A_1117 = arith.constant 0.00130208337 : f32
      %mul3A_1118 = arith.mulf %reduce_sum3A_1116, %mul3A_1117 : f32
      %reduce_sum3A_1119 = arith.constant true
      %reduce_sum3A_1120 = vector.broadcast %reduce_sum3A_1119 : i1 to vector<16xi1>
      %reduce_sum3A_1121 = tpu.scan <sum>, %parallel_loop3A_1056#12 masked %reduce_sum3A_1120 : vector<16xf32>, vector<16xi1> -> vector<16xf32>
      %reduce_sum3A_1122 = vector.extract %reduce_sum3A_1121[15] : f32 from vector<16xf32>
      %mul3A_1123 = arith.constant 0.00130208337 : f32
      %mul3A_1124 = arith.mulf %reduce_sum3A_1122, %mul3A_1123 : f32
      %mul3A_1125 = arith.mulf %mul3A_1118, %mul3A_1118 : f32
      %sub3A_1126 = arith.subf %mul3A_1124, %mul3A_1125 : f32
      %reduce_sum3A_1127 = arith.constant true
      %reduce_sum3A_1128 = vector.broadcast %reduce_sum3A_1127 : i1 to vector<16xi1>
      %reduce_sum3A_1129 = tpu.scan <sum>, %parallel_loop3A_1056#5 masked %reduce_sum3A_1128 : vector<16xf32>, vector<16xi1> -> vector<16xf32>
      %reduce_sum3A_1130 = vector.extract %reduce_sum3A_1129[15] : f32 from vector<16xf32>
      %mul3A_1131 = arith.constant 0.00130208337 : f32
      %mul3A_1132 = arith.mulf %reduce_sum3A_1130, %mul3A_1131 : f32
      %reduce_sum3A_1133 = arith.constant true
      %reduce_sum3A_1134 = vector.broadcast %reduce_sum3A_1133 : i1 to vector<16xi1>
      %reduce_sum3A_1135 = tpu.scan <sum>, %parallel_loop3A_1056#13 masked %reduce_sum3A_1134 : vector<16xf32>, vector<16xi1> -> vector<16xf32>
      %reduce_sum3A_1136 = vector.extract %reduce_sum3A_1135[15] : f32 from vector<16xf32>
      %mul3A_1137 = arith.constant 0.00130208337 : f32
      %mul3A_1138 = arith.mulf %reduce_sum3A_1136, %mul3A_1137 : f32
      %mul3A_1139 = arith.mulf %mul3A_1132, %mul3A_1132 : f32
      %sub3A_1140 = arith.subf %mul3A_1138, %mul3A_1139 : f32
      %reduce_sum3A_1141 = arith.constant true
      %reduce_sum3A_1142 = vector.broadcast %reduce_sum3A_1141 : i1 to vector<16xi1>
      %reduce_sum3A_1143 = tpu.scan <sum>, %parallel_loop3A_1056#6 masked %reduce_sum3A_1142 : vector<16xf32>, vector<16xi1> -> vector<16xf32>
      %reduce_sum3A_1144 = vector.extract %reduce_sum3A_1143[15] : f32 from vector<16xf32>
      %mul3A_1145 = arith.constant 0.00130208337 : f32
      %mul3A_1146 = arith.mulf %reduce_sum3A_1144, %mul3A_1145 : f32
      %reduce_sum3A_1147 = arith.constant true
      %reduce_sum3A_1148 = vector.broadcast %reduce_sum3A_1147 : i1 to vector<16xi1>
      %reduce_sum3A_1149 = tpu.scan <sum>, %parallel_loop3A_1056#14 masked %reduce_sum3A_1148 : vector<16xf32>, vector<16xi1> -> vector<16xf32>
      %reduce_sum3A_1150 = vector.extract %reduce_sum3A_1149[15] : f32 from vector<16xf32>
      %mul3A_1151 = arith.constant 0.00130208337 : f32
      %mul3A_1152 = arith.mulf %reduce_sum3A_1150, %mul3A_1151 : f32
      %mul3A_1153 = arith.mulf %mul3A_1146, %mul3A_1146 : f32
      %sub3A_1154 = arith.subf %mul3A_1152, %mul3A_1153 : f32
      %reduce_sum3A_1155 = arith.constant true
      %reduce_sum3A_1156 = vector.broadcast %reduce_sum3A_1155 : i1 to vector<16xi1>
      %reduce_sum3A_1157 = tpu.scan <sum>, %parallel_loop3A_1056#7 masked %reduce_sum3A_1156 : vector<16xf32>, vector<16xi1> -> vector<16xf32>
      %reduce_sum3A_1158 = vector.extract %reduce_sum3A_1157[15] : f32 from vector<16xf32>
      %mul3A_1159 = arith.constant 0.00130208337 : f32
      %mul3A_1160 = arith.mulf %reduce_sum3A_1158, %mul3A_1159 : f32
      %reduce_sum3A_1161 = arith.constant true
      %reduce_sum3A_1162 = vector.broadcast %reduce_sum3A_1161 : i1 to vector<16xi1>
      %reduce_sum3A_1163 = tpu.scan <sum>, %parallel_loop3A_1056#15 masked %reduce_sum3A_1162 : vector<16xf32>, vector<16xi1> -> vector<16xf32>
      %reduce_sum3A_1164 = vector.extract %reduce_sum3A_1163[15] : f32 from vector<16xf32>
      %mul3A_1165 = arith.constant 0.00130208337 : f32
      %mul3A_1166 = arith.mulf %reduce_sum3A_1164, %mul3A_1165 : f32
      %mul3A_1167 = arith.mulf %mul3A_1160, %mul3A_1160 : f32
      %sub3A_1168 = arith.subf %mul3A_1166, %mul3A_1167 : f32
      %add3A_1169 = arith.constant 2 : i32
      %add3A_1170 = arith.addi %add3A_850, %add3A_1169 : i32
      %lt3A_1171 = arith.constant 128 : i32
      %lt3A_1172 = arith.cmpi slt, %add3A_1170, %lt3A_1171 : i32
      %convert_element_type3A_1173 = arith.extui %lt3A_1172 : i1 to i32
      %cond3A_1174 = arith.constant 0 : i32
      %cond3A_1175 = arith.cmpi ne, %convert_element_type3A_1173, %cond3A_1174 : i32
      scf.if %cond3A_1175 {
        %add3A_1642 = arith.constant 2 : i32
        %add3A_1643 = arith.addi %add3A_850, %add3A_1642 : i32
        %mul3A_1644 = arith.constant 16 : i32
        %mul3A_1645 = arith.muli %add3A_1643, %mul3A_1644 : i32
        %dma_start3A_1646 = arith.constant 0 : i32
        %dma_start3A_1647 = arith.constant 0 : i32
        %dma_start3A_1648 = tpu.memref_slice %arg22[%dma_start3A_1646, %dma_start3A_1647] : memref<16x768xf32, #tpu.memory_space<vmem>> -> memref<8x768xf32, #tpu.memory_space<vmem>>
        %dma_start3A_1649 = tpu.memref_slice %arg13[%mul3A_1645] : memref<2048xi32, #tpu.memory_space<vmem>> -> memref<8xi32, #tpu.memory_space<vmem>>
        %dma_start3A_1650 = arith.constant 0 : i32
        %dma_start3A_1651 = arith.constant 0 : i32
        %dma_start3A_1652 = tpu.memref_slice %arg4[%dma_start3A_1650, %dma_start3A_1651] : memref<30522x768xf32, #tpu.memory_space<hbm>> -> memref<30522x768xf32, #tpu.memory_space<hbm>>
        tpu.enqueue_indirect_dma source(%dma_start3A_1652 : memref<30522x768xf32, #tpu.memory_space<hbm>>) target(%dma_start3A_1648 : memref<8x768xf32, #tpu.memory_space<vmem>>) offsets(%dma_start3A_1649 : memref<8xi32, #tpu.memory_space<vmem>>) semaphore(%arg25 : memref<!tpu.dma_semaphore, #tpu.memory_space<semaphore_mem>>)
        %mul3A_1653 = arith.constant 16 : i32
        %mul3A_1654 = arith.muli %add3A_1643, %mul3A_1653 : i32
        %add3A_1655 = arith.constant 8 : i32
        %add3A_1656 = arith.addi %mul3A_1654, %add3A_1655 : i32
        %dma_start3A_1657 = arith.constant 8 : i32
        %dma_start3A_1658 = arith.constant 0 : i32
        %dma_start3A_1659 = tpu.memref_slice %arg22[%dma_start3A_1657, %dma_start3A_1658] : memref<16x768xf32, #tpu.memory_space<vmem>> -> memref<8x768xf32, #tpu.memory_space<vmem>>
        %dma_start3A_1660 = tpu.memref_slice %arg13[%add3A_1656] : memref<2048xi32, #tpu.memory_space<vmem>> -> memref<8xi32, #tpu.memory_space<vmem>>
        %dma_start3A_1661 = arith.constant 0 : i32
        %dma_start3A_1662 = arith.constant 0 : i32
        %dma_start3A_1663 = tpu.memref_slice %arg4[%dma_start3A_1661, %dma_start3A_1662] : memref<30522x768xf32, #tpu.memory_space<hbm>> -> memref<30522x768xf32, #tpu.memory_space<hbm>>
        tpu.enqueue_indirect_dma source(%dma_start3A_1663 : memref<30522x768xf32, #tpu.memory_space<hbm>>) target(%dma_start3A_1659 : memref<8x768xf32, #tpu.memory_space<vmem>>) offsets(%dma_start3A_1660 : memref<8xi32, #tpu.memory_space<vmem>>) semaphore(%arg25 : memref<!tpu.dma_semaphore, #tpu.memory_space<semaphore_mem>>)
      } else {
      }
      %broadcast_in_dim3A_1176 = vector.broadcast %mul3A_909 : f32 to vector<16xf32>
      %broadcast_in_dim3A_1177 = vector.broadcast %mul3A_923 : f32 to vector<16xf32>
      %broadcast_in_dim3A_1178 = vector.broadcast %mul3A_937 : f32 to vector<16xf32>
      %broadcast_in_dim3A_1179 = vector.broadcast %mul3A_951 : f32 to vector<16xf32>
      %broadcast_in_dim3A_1180 = vector.broadcast %mul3A_965 : f32 to vector<16xf32>
      %broadcast_in_dim3A_1181 = vector.broadcast %mul3A_979 : f32 to vector<16xf32>
      %broadcast_in_dim3A_1182 = vector.broadcast %mul3A_993 : f32 to vector<16xf32>
      %broadcast_in_dim3A_1183 = vector.broadcast %mul3A_1007 : f32 to vector<16xf32>
      %add3A_1184 = arith.constant 9.99999996E-13 : f32
      %add3A_1185 = arith.addf %sub3A_917, %add3A_1184 : f32
      %broadcast_in_dim3A_1186 = vector.broadcast %add3A_1185 : f32 to vector<16xf32>
      %bitcast_convert_type3A_1187 = tpu.bitcast %broadcast_in_dim3A_1186 : vector<16xf32> -> vector<16xi32>
      %broadcast_in_dim3A_1188 = arith.constant 1597463007 : i32
      %broadcast_in_dim3A_1189 = vector.broadcast %broadcast_in_dim3A_1188 : i32 to vector<16xi32>
      %shift_right_arithmetic3A_1190 = arith.constant 1 : i32
      %shift_right_arithmetic3A_1191 = vector.broadcast %shift_right_arithmetic3A_1190 : i32 to vector<16xi32>
      %shift_right_arithmetic3A_1192 = arith.shrsi %bitcast_convert_type3A_1187, %shift_right_arithmetic3A_1191 : vector<16xi32>
      %sub3A_1193 = arith.subi %broadcast_in_dim3A_1189, %shift_right_arithmetic3A_1192 : vector<16xi32>
      %bitcast_convert_type3A_1194 = tpu.bitcast %sub3A_1193 : vector<16xi32> -> vector<16xf32>
      %mul3A_1195 = arith.constant 5.000000e-01 : f32
      %mul3A_1196 = vector.broadcast %mul3A_1195 : f32 to vector<16xf32>
      %mul3A_1197 = arith.mulf %mul3A_1196, %broadcast_in_dim3A_1186 : vector<16xf32>
      %mul3A_1198 = arith.mulf %mul3A_1197, %bitcast_convert_type3A_1194 : vector<16xf32>
      %mul3A_1199 = arith.mulf %mul3A_1198, %bitcast_convert_type3A_1194 : vector<16xf32>
      %sub3A_1200 = arith.constant 1.500000e+00 : f32
      %sub3A_1201 = vector.broadcast %sub3A_1200 : f32 to vector<16xf32>
      %sub3A_1202 = arith.subf %sub3A_1201, %mul3A_1199 : vector<16xf32>
      %mul3A_1203 = arith.mulf %bitcast_convert_type3A_1194, %sub3A_1202 : vector<16xf32>
      %mul3A_1204 = arith.mulf %mul3A_1197, %mul3A_1203 : vector<16xf32>
      %mul3A_1205 = arith.mulf %mul3A_1204, %mul3A_1203 : vector<16xf32>
      %sub3A_1206 = arith.constant 1.500000e+00 : f32
      %sub3A_1207 = vector.broadcast %sub3A_1206 : f32 to vector<16xf32>
      %sub3A_1208 = arith.subf %sub3A_1207, %mul3A_1205 : vector<16xf32>
      %mul3A_1209 = arith.mulf %mul3A_1203, %sub3A_1208 : vector<16xf32>
      %add3A_1210 = arith.constant 9.99999996E-13 : f32
      %add3A_1211 = arith.addf %sub3A_931, %add3A_1210 : f32
      %broadcast_in_dim3A_1212 = vector.broadcast %add3A_1211 : f32 to vector<16xf32>
      %bitcast_convert_type3A_1213 = tpu.bitcast %broadcast_in_dim3A_1212 : vector<16xf32> -> vector<16xi32>
      %broadcast_in_dim3A_1214 = arith.constant 1597463007 : i32
      %broadcast_in_dim3A_1215 = vector.broadcast %broadcast_in_dim3A_1214 : i32 to vector<16xi32>
      %shift_right_arithmetic3A_1216 = arith.constant 1 : i32
      %shift_right_arithmetic3A_1217 = vector.broadcast %shift_right_arithmetic3A_1216 : i32 to vector<16xi32>
      %shift_right_arithmetic3A_1218 = arith.shrsi %bitcast_convert_type3A_1213, %shift_right_arithmetic3A_1217 : vector<16xi32>
      %sub3A_1219 = arith.subi %broadcast_in_dim3A_1215, %shift_right_arithmetic3A_1218 : vector<16xi32>
      %bitcast_convert_type3A_1220 = tpu.bitcast %sub3A_1219 : vector<16xi32> -> vector<16xf32>
      %mul3A_1221 = arith.constant 5.000000e-01 : f32
      %mul3A_1222 = vector.broadcast %mul3A_1221 : f32 to vector<16xf32>
      %mul3A_1223 = arith.mulf %mul3A_1222, %broadcast_in_dim3A_1212 : vector<16xf32>
      %mul3A_1224 = arith.mulf %mul3A_1223, %bitcast_convert_type3A_1220 : vector<16xf32>
      %mul3A_1225 = arith.mulf %mul3A_1224, %bitcast_convert_type3A_1220 : vector<16xf32>
      %sub3A_1226 = arith.constant 1.500000e+00 : f32
      %sub3A_1227 = vector.broadcast %sub3A_1226 : f32 to vector<16xf32>
      %sub3A_1228 = arith.subf %sub3A_1227, %mul3A_1225 : vector<16xf32>
      %mul3A_1229 = arith.mulf %bitcast_convert_type3A_1220, %sub3A_1228 : vector<16xf32>
      %mul3A_1230 = arith.mulf %mul3A_1223, %mul3A_1229 : vector<16xf32>
      %mul3A_1231 = arith.mulf %mul3A_1230, %mul3A_1229 : vector<16xf32>
      %sub3A_1232 = arith.constant 1.500000e+00 : f32
      %sub3A_1233 = vector.broadcast %sub3A_1232 : f32 to vector<16xf32>
      %sub3A_1234 = arith.subf %sub3A_1233, %mul3A_1231 : vector<16xf32>
      %mul3A_1235 = arith.mulf %mul3A_1229, %sub3A_1234 : vector<16xf32>
      %add3A_1236 = arith.constant 9.99999996E-13 : f32
      %add3A_1237 = arith.addf %sub3A_945, %add3A_1236 : f32
      %broadcast_in_dim3A_1238 = vector.broadcast %add3A_1237 : f32 to vector<16xf32>
      %bitcast_convert_type3A_1239 = tpu.bitcast %broadcast_in_dim3A_1238 : vector<16xf32> -> vector<16xi32>
      %broadcast_in_dim3A_1240 = arith.constant 1597463007 : i32
      %broadcast_in_dim3A_1241 = vector.broadcast %broadcast_in_dim3A_1240 : i32 to vector<16xi32>
      %shift_right_arithmetic3A_1242 = arith.constant 1 : i32
      %shift_right_arithmetic3A_1243 = vector.broadcast %shift_right_arithmetic3A_1242 : i32 to vector<16xi32>
      %shift_right_arithmetic3A_1244 = arith.shrsi %bitcast_convert_type3A_1239, %shift_right_arithmetic3A_1243 : vector<16xi32>
      %sub3A_1245 = arith.subi %broadcast_in_dim3A_1241, %shift_right_arithmetic3A_1244 : vector<16xi32>
      %bitcast_convert_type3A_1246 = tpu.bitcast %sub3A_1245 : vector<16xi32> -> vector<16xf32>
      %mul3A_1247 = arith.constant 5.000000e-01 : f32
      %mul3A_1248 = vector.broadcast %mul3A_1247 : f32 to vector<16xf32>
      %mul3A_1249 = arith.mulf %mul3A_1248, %broadcast_in_dim3A_1238 : vector<16xf32>
      %mul3A_1250 = arith.mulf %mul3A_1249, %bitcast_convert_type3A_1246 : vector<16xf32>
      %mul3A_1251 = arith.mulf %mul3A_1250, %bitcast_convert_type3A_1246 : vector<16xf32>
      %sub3A_1252 = arith.constant 1.500000e+00 : f32
      %sub3A_1253 = vector.broadcast %sub3A_1252 : f32 to vector<16xf32>
      %sub3A_1254 = arith.subf %sub3A_1253, %mul3A_1251 : vector<16xf32>
      %mul3A_1255 = arith.mulf %bitcast_convert_type3A_1246, %sub3A_1254 : vector<16xf32>
      %mul3A_1256 = arith.mulf %mul3A_1249, %mul3A_1255 : vector<16xf32>
      %mul3A_1257 = arith.mulf %mul3A_1256, %mul3A_1255 : vector<16xf32>
      %sub3A_1258 = arith.constant 1.500000e+00 : f32
      %sub3A_1259 = vector.broadcast %sub3A_1258 : f32 to vector<16xf32>
      %sub3A_1260 = arith.subf %sub3A_1259, %mul3A_1257 : vector<16xf32>
      %mul3A_1261 = arith.mulf %mul3A_1255, %sub3A_1260 : vector<16xf32>
      %add3A_1262 = arith.constant 9.99999996E-13 : f32
      %add3A_1263 = arith.addf %sub3A_959, %add3A_1262 : f32
      %broadcast_in_dim3A_1264 = vector.broadcast %add3A_1263 : f32 to vector<16xf32>
      %bitcast_convert_type3A_1265 = tpu.bitcast %broadcast_in_dim3A_1264 : vector<16xf32> -> vector<16xi32>
      %broadcast_in_dim3A_1266 = arith.constant 1597463007 : i32
      %broadcast_in_dim3A_1267 = vector.broadcast %broadcast_in_dim3A_1266 : i32 to vector<16xi32>
      %shift_right_arithmetic3A_1268 = arith.constant 1 : i32
      %shift_right_arithmetic3A_1269 = vector.broadcast %shift_right_arithmetic3A_1268 : i32 to vector<16xi32>
      %shift_right_arithmetic3A_1270 = arith.shrsi %bitcast_convert_type3A_1265, %shift_right_arithmetic3A_1269 : vector<16xi32>
      %sub3A_1271 = arith.subi %broadcast_in_dim3A_1267, %shift_right_arithmetic3A_1270 : vector<16xi32>
      %bitcast_convert_type3A_1272 = tpu.bitcast %sub3A_1271 : vector<16xi32> -> vector<16xf32>
      %mul3A_1273 = arith.constant 5.000000e-01 : f32
      %mul3A_1274 = vector.broadcast %mul3A_1273 : f32 to vector<16xf32>
      %mul3A_1275 = arith.mulf %mul3A_1274, %broadcast_in_dim3A_1264 : vector<16xf32>
      %mul3A_1276 = arith.mulf %mul3A_1275, %bitcast_convert_type3A_1272 : vector<16xf32>
      %mul3A_1277 = arith.mulf %mul3A_1276, %bitcast_convert_type3A_1272 : vector<16xf32>
      %sub3A_1278 = arith.constant 1.500000e+00 : f32
      %sub3A_1279 = vector.broadcast %sub3A_1278 : f32 to vector<16xf32>
      %sub3A_1280 = arith.subf %sub3A_1279, %mul3A_1277 : vector<16xf32>
      %mul3A_1281 = arith.mulf %bitcast_convert_type3A_1272, %sub3A_1280 : vector<16xf32>
      %mul3A_1282 = arith.mulf %mul3A_1275, %mul3A_1281 : vector<16xf32>
      %mul3A_1283 = arith.mulf %mul3A_1282, %mul3A_1281 : vector<16xf32>
      %sub3A_1284 = arith.constant 1.500000e+00 : f32
      %sub3A_1285 = vector.broadcast %sub3A_1284 : f32 to vector<16xf32>
      %sub3A_1286 = arith.subf %sub3A_1285, %mul3A_1283 : vector<16xf32>
      %mul3A_1287 = arith.mulf %mul3A_1281, %sub3A_1286 : vector<16xf32>
      %add3A_1288 = arith.constant 9.99999996E-13 : f32
      %add3A_1289 = arith.addf %sub3A_973, %add3A_1288 : f32
      %broadcast_in_dim3A_1290 = vector.broadcast %add3A_1289 : f32 to vector<16xf32>
      %bitcast_convert_type3A_1291 = tpu.bitcast %broadcast_in_dim3A_1290 : vector<16xf32> -> vector<16xi32>
      %broadcast_in_dim3A_1292 = arith.constant 1597463007 : i32
      %broadcast_in_dim3A_1293 = vector.broadcast %broadcast_in_dim3A_1292 : i32 to vector<16xi32>
      %shift_right_arithmetic3A_1294 = arith.constant 1 : i32
      %shift_right_arithmetic3A_1295 = vector.broadcast %shift_right_arithmetic3A_1294 : i32 to vector<16xi32>
      %shift_right_arithmetic3A_1296 = arith.shrsi %bitcast_convert_type3A_1291, %shift_right_arithmetic3A_1295 : vector<16xi32>
      %sub3A_1297 = arith.subi %broadcast_in_dim3A_1293, %shift_right_arithmetic3A_1296 : vector<16xi32>
      %bitcast_convert_type3A_1298 = tpu.bitcast %sub3A_1297 : vector<16xi32> -> vector<16xf32>
      %mul3A_1299 = arith.constant 5.000000e-01 : f32
      %mul3A_1300 = vector.broadcast %mul3A_1299 : f32 to vector<16xf32>
      %mul3A_1301 = arith.mulf %mul3A_1300, %broadcast_in_dim3A_1290 : vector<16xf32>
      %mul3A_1302 = arith.mulf %mul3A_1301, %bitcast_convert_type3A_1298 : vector<16xf32>
      %mul3A_1303 = arith.mulf %mul3A_1302, %bitcast_convert_type3A_1298 : vector<16xf32>
      %sub3A_1304 = arith.constant 1.500000e+00 : f32
      %sub3A_1305 = vector.broadcast %sub3A_1304 : f32 to vector<16xf32>
      %sub3A_1306 = arith.subf %sub3A_1305, %mul3A_1303 : vector<16xf32>
      %mul3A_1307 = arith.mulf %bitcast_convert_type3A_1298, %sub3A_1306 : vector<16xf32>
      %mul3A_1308 = arith.mulf %mul3A_1301, %mul3A_1307 : vector<16xf32>
      %mul3A_1309 = arith.mulf %mul3A_1308, %mul3A_1307 : vector<16xf32>
      %sub3A_1310 = arith.constant 1.500000e+00 : f32
      %sub3A_1311 = vector.broadcast %sub3A_1310 : f32 to vector<16xf32>
      %sub3A_1312 = arith.subf %sub3A_1311, %mul3A_1309 : vector<16xf32>
      %mul3A_1313 = arith.mulf %mul3A_1307, %sub3A_1312 : vector<16xf32>
      %add3A_1314 = arith.constant 9.99999996E-13 : f32
      %add3A_1315 = arith.addf %sub3A_987, %add3A_1314 : f32
      %broadcast_in_dim3A_1316 = vector.broadcast %add3A_1315 : f32 to vector<16xf32>
      %bitcast_convert_type3A_1317 = tpu.bitcast %broadcast_in_dim3A_1316 : vector<16xf32> -> vector<16xi32>
      %broadcast_in_dim3A_1318 = arith.constant 1597463007 : i32
      %broadcast_in_dim3A_1319 = vector.broadcast %broadcast_in_dim3A_1318 : i32 to vector<16xi32>
      %shift_right_arithmetic3A_1320 = arith.constant 1 : i32
      %shift_right_arithmetic3A_1321 = vector.broadcast %shift_right_arithmetic3A_1320 : i32 to vector<16xi32>
      %shift_right_arithmetic3A_1322 = arith.shrsi %bitcast_convert_type3A_1317, %shift_right_arithmetic3A_1321 : vector<16xi32>
      %sub3A_1323 = arith.subi %broadcast_in_dim3A_1319, %shift_right_arithmetic3A_1322 : vector<16xi32>
      %bitcast_convert_type3A_1324 = tpu.bitcast %sub3A_1323 : vector<16xi32> -> vector<16xf32>
      %mul3A_1325 = arith.constant 5.000000e-01 : f32
      %mul3A_1326 = vector.broadcast %mul3A_1325 : f32 to vector<16xf32>
      %mul3A_1327 = arith.mulf %mul3A_1326, %broadcast_in_dim3A_1316 : vector<16xf32>
      %mul3A_1328 = arith.mulf %mul3A_1327, %bitcast_convert_type3A_1324 : vector<16xf32>
      %mul3A_1329 = arith.mulf %mul3A_1328, %bitcast_convert_type3A_1324 : vector<16xf32>
      %sub3A_1330 = arith.constant 1.500000e+00 : f32
      %sub3A_1331 = vector.broadcast %sub3A_1330 : f32 to vector<16xf32>
      %sub3A_1332 = arith.subf %sub3A_1331, %mul3A_1329 : vector<16xf32>
      %mul3A_1333 = arith.mulf %bitcast_convert_type3A_1324, %sub3A_1332 : vector<16xf32>
      %mul3A_1334 = arith.mulf %mul3A_1327, %mul3A_1333 : vector<16xf32>
      %mul3A_1335 = arith.mulf %mul3A_1334, %mul3A_1333 : vector<16xf32>
      %sub3A_1336 = arith.constant 1.500000e+00 : f32
      %sub3A_1337 = vector.broadcast %sub3A_1336 : f32 to vector<16xf32>
      %sub3A_1338 = arith.subf %sub3A_1337, %mul3A_1335 : vector<16xf32>
      %mul3A_1339 = arith.mulf %mul3A_1333, %sub3A_1338 : vector<16xf32>
      %add3A_1340 = arith.constant 9.99999996E-13 : f32
      %add3A_1341 = arith.addf %sub3A_1001, %add3A_1340 : f32
      %broadcast_in_dim3A_1342 = vector.broadcast %add3A_1341 : f32 to vector<16xf32>
      %bitcast_convert_type3A_1343 = tpu.bitcast %broadcast_in_dim3A_1342 : vector<16xf32> -> vector<16xi32>
      %broadcast_in_dim3A_1344 = arith.constant 1597463007 : i32
      %broadcast_in_dim3A_1345 = vector.broadcast %broadcast_in_dim3A_1344 : i32 to vector<16xi32>
      %shift_right_arithmetic3A_1346 = arith.constant 1 : i32
      %shift_right_arithmetic3A_1347 = vector.broadcast %shift_right_arithmetic3A_1346 : i32 to vector<16xi32>
      %shift_right_arithmetic3A_1348 = arith.shrsi %bitcast_convert_type3A_1343, %shift_right_arithmetic3A_1347 : vector<16xi32>
      %sub3A_1349 = arith.subi %broadcast_in_dim3A_1345, %shift_right_arithmetic3A_1348 : vector<16xi32>
      %bitcast_convert_type3A_1350 = tpu.bitcast %sub3A_1349 : vector<16xi32> -> vector<16xf32>
      %mul3A_1351 = arith.constant 5.000000e-01 : f32
      %mul3A_1352 = vector.broadcast %mul3A_1351 : f32 to vector<16xf32>
      %mul3A_1353 = arith.mulf %mul3A_1352, %broadcast_in_dim3A_1342 : vector<16xf32>
      %mul3A_1354 = arith.mulf %mul3A_1353, %bitcast_convert_type3A_1350 : vector<16xf32>
      %mul3A_1355 = arith.mulf %mul3A_1354, %bitcast_convert_type3A_1350 : vector<16xf32>
      %sub3A_1356 = arith.constant 1.500000e+00 : f32
      %sub3A_1357 = vector.broadcast %sub3A_1356 : f32 to vector<16xf32>
      %sub3A_1358 = arith.subf %sub3A_1357, %mul3A_1355 : vector<16xf32>
      %mul3A_1359 = arith.mulf %bitcast_convert_type3A_1350, %sub3A_1358 : vector<16xf32>
      %mul3A_1360 = arith.mulf %mul3A_1353, %mul3A_1359 : vector<16xf32>
      %mul3A_1361 = arith.mulf %mul3A_1360, %mul3A_1359 : vector<16xf32>
      %sub3A_1362 = arith.constant 1.500000e+00 : f32
      %sub3A_1363 = vector.broadcast %sub3A_1362 : f32 to vector<16xf32>
      %sub3A_1364 = arith.subf %sub3A_1363, %mul3A_1361 : vector<16xf32>
      %mul3A_1365 = arith.mulf %mul3A_1359, %sub3A_1364 : vector<16xf32>
      %add3A_1366 = arith.constant 9.99999996E-13 : f32
      %add3A_1367 = arith.addf %sub3A_1015, %add3A_1366 : f32
      %broadcast_in_dim3A_1368 = vector.broadcast %add3A_1367 : f32 to vector<16xf32>
      %bitcast_convert_type3A_1369 = tpu.bitcast %broadcast_in_dim3A_1368 : vector<16xf32> -> vector<16xi32>
      %broadcast_in_dim3A_1370 = arith.constant 1597463007 : i32
      %broadcast_in_dim3A_1371 = vector.broadcast %broadcast_in_dim3A_1370 : i32 to vector<16xi32>
      %shift_right_arithmetic3A_1372 = arith.constant 1 : i32
      %shift_right_arithmetic3A_1373 = vector.broadcast %shift_right_arithmetic3A_1372 : i32 to vector<16xi32>
      %shift_right_arithmetic3A_1374 = arith.shrsi %bitcast_convert_type3A_1369, %shift_right_arithmetic3A_1373 : vector<16xi32>
      %sub3A_1375 = arith.subi %broadcast_in_dim3A_1371, %shift_right_arithmetic3A_1374 : vector<16xi32>
      %bitcast_convert_type3A_1376 = tpu.bitcast %sub3A_1375 : vector<16xi32> -> vector<16xf32>
      %mul3A_1377 = arith.constant 5.000000e-01 : f32
      %mul3A_1378 = vector.broadcast %mul3A_1377 : f32 to vector<16xf32>
      %mul3A_1379 = arith.mulf %mul3A_1378, %broadcast_in_dim3A_1368 : vector<16xf32>
      %mul3A_1380 = arith.mulf %mul3A_1379, %bitcast_convert_type3A_1376 : vector<16xf32>
      %mul3A_1381 = arith.mulf %mul3A_1380, %bitcast_convert_type3A_1376 : vector<16xf32>
      %sub3A_1382 = arith.constant 1.500000e+00 : f32
      %sub3A_1383 = vector.broadcast %sub3A_1382 : f32 to vector<16xf32>
      %sub3A_1384 = arith.subf %sub3A_1383, %mul3A_1381 : vector<16xf32>
      %mul3A_1385 = arith.mulf %bitcast_convert_type3A_1376, %sub3A_1384 : vector<16xf32>
      %mul3A_1386 = arith.mulf %mul3A_1379, %mul3A_1385 : vector<16xf32>
      %mul3A_1387 = arith.mulf %mul3A_1386, %mul3A_1385 : vector<16xf32>
      %sub3A_1388 = arith.constant 1.500000e+00 : f32
      %sub3A_1389 = vector.broadcast %sub3A_1388 : f32 to vector<16xf32>
      %sub3A_1390 = arith.subf %sub3A_1389, %mul3A_1387 : vector<16xf32>
      %mul3A_1391 = arith.mulf %mul3A_1385, %sub3A_1390 : vector<16xf32>
      %parallel_loop3A_1392 = arith.constant 0 : i32
      %parallel_loop3A_1393 = arith.constant 48 : i32
      %parallel_loop3A_1394 = arith.constant 1 : i32
      %parallel_loop3A_1395:16 = scf.for %parallel_loop3A_1642 = %parallel_loop3A_1392 to %parallel_loop3A_1393 step %parallel_loop3A_1394 iter_args(%parallel_loop3A_1643 = %broadcast_in_dim3A_1176, %parallel_loop3A_1644 = %broadcast_in_dim3A_1177, %parallel_loop3A_1645 = %broadcast_in_dim3A_1178, %parallel_loop3A_1646 = %broadcast_in_dim3A_1179, %parallel_loop3A_1647 = %broadcast_in_dim3A_1180, %parallel_loop3A_1648 = %broadcast_in_dim3A_1181, %parallel_loop3A_1649 = %broadcast_in_dim3A_1182, %parallel_loop3A_1650 = %broadcast_in_dim3A_1183, %parallel_loop3A_1651 = %mul3A_1209, %parallel_loop3A_1652 = %mul3A_1235, %parallel_loop3A_1653 = %mul3A_1261, %parallel_loop3A_1654 = %mul3A_1287, %parallel_loop3A_1655 = %mul3A_1313, %parallel_loop3A_1656 = %mul3A_1339, %parallel_loop3A_1657 = %mul3A_1365, %parallel_loop3A_1658 = %mul3A_1391) -> (vector<16xf32>, vector<16xf32>, vector<16xf32>, vector<16xf32>, vector<16xf32>, vector<16xf32>, vector<16xf32>, vector<16xf32>, vector<16xf32>, vector<16xf32>, vector<16xf32>, vector<16xf32>, vector<16xf32>, vector<16xf32>, vector<16xf32>, vector<16xf32>)  : i32 {
        %parallel_loop3A_1659 = arith.constant 16 : i32
        %parallel_loop3A_1660 = arith.muli %parallel_loop3A_1642, %parallel_loop3A_1659 : i32
        %parallel_loop3A_1661 = arith.index_cast %parallel_loop3A_1660 : i32 to index
        %parallel_loop3A_1662 = tpu.vector_load %arg23[%parallel_loop3A_1661] {strides = array<i32>} : memref<768xf32, #tpu.memory_space<vmem>>, vector<16xf32>,
        %parallel_loop3A_1663 = arith.index_cast %parallel_loop3A_1660 : i32 to index
        %parallel_loop3A_1664 = tpu.vector_load %arg10[%parallel_loop3A_1663] {strides = array<i32>} : memref<768xf32, #tpu.memory_space<vmem>>, vector<16xf32>,
        %parallel_loop3A_1665 = arith.mulf %parallel_loop3A_1651, %parallel_loop3A_1662 : vector<16xf32>
        %parallel_loop3A_1666 = arith.constant 0 : i32
        %parallel_loop3A_1667 = arith.index_cast %parallel_loop3A_1666 : i32 to index
        %parallel_loop3A_1668 = arith.index_cast %parallel_loop3A_1660 : i32 to index
        %parallel_loop3A_1669 = tpu.vector_load %arg15[%parallel_loop3A_1667, %parallel_loop3A_1668] {strides = array<i32>} : memref<16x768xf32, #tpu.memory_space<vmem>>, vector<16xf32>,
        %parallel_loop3A_1670 = arith.subf %parallel_loop3A_1669, %parallel_loop3A_1643 : vector<16xf32>
        %parallel_loop3A_1671 = arith.mulf %parallel_loop3A_1670, %parallel_loop3A_1665 : vector<16xf32>
        %parallel_loop3A_1672 = arith.addf %parallel_loop3A_1671, %parallel_loop3A_1664 : vector<16xf32>
        %parallel_loop3A_1673 = arith.constant 0 : i32
        %parallel_loop3A_1674 = arith.index_cast %parallel_loop3A_1673 : i32 to index
        %parallel_loop3A_1675 = arith.index_cast %parallel_loop3A_1660 : i32 to index
        %parallel_loop3A_1676 = tpu.vector_load %arg15[%parallel_loop3A_1674, %parallel_loop3A_1675] {strides = array<i32>} : memref<16x768xf32, #tpu.memory_space<vmem>>, vector<16xf32>,
        tpu.vector_store %arg15[%parallel_loop3A_1674, %parallel_loop3A_1675], %parallel_loop3A_1672 {strides = array<i32>} : memref<16x768xf32, #tpu.memory_space<vmem>>, vector<16xf32>,
        %parallel_loop3A_1677 = arith.mulf %parallel_loop3A_1652, %parallel_loop3A_1662 : vector<16xf32>
        %parallel_loop3A_1678 = arith.constant 1 : i32
        %parallel_loop3A_1679 = arith.index_cast %parallel_loop3A_1678 : i32 to index
        %parallel_loop3A_1680 = arith.index_cast %parallel_loop3A_1660 : i32 to index
        %parallel_loop3A_1681 = tpu.vector_load %arg15[%parallel_loop3A_1679, %parallel_loop3A_1680] {strides = array<i32>} : memref<16x768xf32, #tpu.memory_space<vmem>>, vector<16xf32>,
        %parallel_loop3A_1682 = arith.subf %parallel_loop3A_1681, %parallel_loop3A_1644 : vector<16xf32>
        %parallel_loop3A_1683 = arith.mulf %parallel_loop3A_1682, %parallel_loop3A_1677 : vector<16xf32>
        %parallel_loop3A_1684 = arith.addf %parallel_loop3A_1683, %parallel_loop3A_1664 : vector<16xf32>
        %parallel_loop3A_1685 = arith.constant 1 : i32
        %parallel_loop3A_1686 = arith.index_cast %parallel_loop3A_1685 : i32 to index
        %parallel_loop3A_1687 = arith.index_cast %parallel_loop3A_1660 : i32 to index
        %parallel_loop3A_1688 = tpu.vector_load %arg15[%parallel_loop3A_1686, %parallel_loop3A_1687] {strides = array<i32>} : memref<16x768xf32, #tpu.memory_space<vmem>>, vector<16xf32>,
        tpu.vector_store %arg15[%parallel_loop3A_1686, %parallel_loop3A_1687], %parallel_loop3A_1684 {strides = array<i32>} : memref<16x768xf32, #tpu.memory_space<vmem>>, vector<16xf32>,
        %parallel_loop3A_1689 = arith.mulf %parallel_loop3A_1653, %parallel_loop3A_1662 : vector<16xf32>
        %parallel_loop3A_1690 = arith.constant 2 : i32
        %parallel_loop3A_1691 = arith.index_cast %parallel_loop3A_1690 : i32 to index
        %parallel_loop3A_1692 = arith.index_cast %parallel_loop3A_1660 : i32 to index
        %parallel_loop3A_1693 = tpu.vector_load %arg15[%parallel_loop3A_1691, %parallel_loop3A_1692] {strides = array<i32>} : memref<16x768xf32, #tpu.memory_space<vmem>>, vector<16xf32>,
        %parallel_loop3A_1694 = arith.subf %parallel_loop3A_1693, %parallel_loop3A_1645 : vector<16xf32>
        %parallel_loop3A_1695 = arith.mulf %parallel_loop3A_1694, %parallel_loop3A_1689 : vector<16xf32>
        %parallel_loop3A_1696 = arith.addf %parallel_loop3A_1695, %parallel_loop3A_1664 : vector<16xf32>
        %parallel_loop3A_1697 = arith.constant 2 : i32
        %parallel_loop3A_1698 = arith.index_cast %parallel_loop3A_1697 : i32 to index
        %parallel_loop3A_1699 = arith.index_cast %parallel_loop3A_1660 : i32 to index
        %parallel_loop3A_1700 = tpu.vector_load %arg15[%parallel_loop3A_1698, %parallel_loop3A_1699] {strides = array<i32>} : memref<16x768xf32, #tpu.memory_space<vmem>>, vector<16xf32>,
        tpu.vector_store %arg15[%parallel_loop3A_1698, %parallel_loop3A_1699], %parallel_loop3A_1696 {strides = array<i32>} : memref<16x768xf32, #tpu.memory_space<vmem>>, vector<16xf32>,
        %parallel_loop3A_1701 = arith.mulf %parallel_loop3A_1654, %parallel_loop3A_1662 : vector<16xf32>
        %parallel_loop3A_1702 = arith.constant 3 : i32
        %parallel_loop3A_1703 = arith.index_cast %parallel_loop3A_1702 : i32 to index
        %parallel_loop3A_1704 = arith.index_cast %parallel_loop3A_1660 : i32 to index
        %parallel_loop3A_1705 = tpu.vector_load %arg15[%parallel_loop3A_1703, %parallel_loop3A_1704] {strides = array<i32>} : memref<16x768xf32, #tpu.memory_space<vmem>>, vector<16xf32>,
        %parallel_loop3A_1706 = arith.subf %parallel_loop3A_1705, %parallel_loop3A_1646 : vector<16xf32>
        %parallel_loop3A_1707 = arith.mulf %parallel_loop3A_1706, %parallel_loop3A_1701 : vector<16xf32>
        %parallel_loop3A_1708 = arith.addf %parallel_loop3A_1707, %parallel_loop3A_1664 : vector<16xf32>
        %parallel_loop3A_1709 = arith.constant 3 : i32
        %parallel_loop3A_1710 = arith.index_cast %parallel_loop3A_1709 : i32 to index
        %parallel_loop3A_1711 = arith.index_cast %parallel_loop3A_1660 : i32 to index
        %parallel_loop3A_1712 = tpu.vector_load %arg15[%parallel_loop3A_1710, %parallel_loop3A_1711] {strides = array<i32>} : memref<16x768xf32, #tpu.memory_space<vmem>>, vector<16xf32>,
        tpu.vector_store %arg15[%parallel_loop3A_1710, %parallel_loop3A_1711], %parallel_loop3A_1708 {strides = array<i32>} : memref<16x768xf32, #tpu.memory_space<vmem>>, vector<16xf32>,
        %parallel_loop3A_1713 = arith.mulf %parallel_loop3A_1655, %parallel_loop3A_1662 : vector<16xf32>
        %parallel_loop3A_1714 = arith.constant 4 : i32
        %parallel_loop3A_1715 = arith.index_cast %parallel_loop3A_1714 : i32 to index
        %parallel_loop3A_1716 = arith.index_cast %parallel_loop3A_1660 : i32 to index
        %parallel_loop3A_1717 = tpu.vector_load %arg15[%parallel_loop3A_1715, %parallel_loop3A_1716] {strides = array<i32>} : memref<16x768xf32, #tpu.memory_space<vmem>>, vector<16xf32>,
        %parallel_loop3A_1718 = arith.subf %parallel_loop3A_1717, %parallel_loop3A_1647 : vector<16xf32>
        %parallel_loop3A_1719 = arith.mulf %parallel_loop3A_1718, %parallel_loop3A_1713 : vector<16xf32>
        %parallel_loop3A_1720 = arith.addf %parallel_loop3A_1719, %parallel_loop3A_1664 : vector<16xf32>
        %parallel_loop3A_1721 = arith.constant 4 : i32
        %parallel_loop3A_1722 = arith.index_cast %parallel_loop3A_1721 : i32 to index
        %parallel_loop3A_1723 = arith.index_cast %parallel_loop3A_1660 : i32 to index
        %parallel_loop3A_1724 = tpu.vector_load %arg15[%parallel_loop3A_1722, %parallel_loop3A_1723] {strides = array<i32>} : memref<16x768xf32, #tpu.memory_space<vmem>>, vector<16xf32>,
        tpu.vector_store %arg15[%parallel_loop3A_1722, %parallel_loop3A_1723], %parallel_loop3A_1720 {strides = array<i32>} : memref<16x768xf32, #tpu.memory_space<vmem>>, vector<16xf32>,
        %parallel_loop3A_1725 = arith.mulf %parallel_loop3A_1656, %parallel_loop3A_1662 : vector<16xf32>
        %parallel_loop3A_1726 = arith.constant 5 : i32
        %parallel_loop3A_1727 = arith.index_cast %parallel_loop3A_1726 : i32 to index
        %parallel_loop3A_1728 = arith.index_cast %parallel_loop3A_1660 : i32 to index
        %parallel_loop3A_1729 = tpu.vector_load %arg15[%parallel_loop3A_1727, %parallel_loop3A_1728] {strides = array<i32>} : memref<16x768xf32, #tpu.memory_space<vmem>>, vector<16xf32>,
        %parallel_loop3A_1730 = arith.subf %parallel_loop3A_1729, %parallel_loop3A_1648 : vector<16xf32>
        %parallel_loop3A_1731 = arith.mulf %parallel_loop3A_1730, %parallel_loop3A_1725 : vector<16xf32>
        %parallel_loop3A_1732 = arith.addf %parallel_loop3A_1731, %parallel_loop3A_1664 : vector<16xf32>
        %parallel_loop3A_1733 = arith.constant 5 : i32
        %parallel_loop3A_1734 = arith.index_cast %parallel_loop3A_1733 : i32 to index
        %parallel_loop3A_1735 = arith.index_cast %parallel_loop3A_1660 : i32 to index
        %parallel_loop3A_1736 = tpu.vector_load %arg15[%parallel_loop3A_1734, %parallel_loop3A_1735] {strides = array<i32>} : memref<16x768xf32, #tpu.memory_space<vmem>>, vector<16xf32>,
        tpu.vector_store %arg15[%parallel_loop3A_1734, %parallel_loop3A_1735], %parallel_loop3A_1732 {strides = array<i32>} : memref<16x768xf32, #tpu.memory_space<vmem>>, vector<16xf32>,
        %parallel_loop3A_1737 = arith.mulf %parallel_loop3A_1657, %parallel_loop3A_1662 : vector<16xf32>
        %parallel_loop3A_1738 = arith.constant 6 : i32
        %parallel_loop3A_1739 = arith.index_cast %parallel_loop3A_1738 : i32 to index
        %parallel_loop3A_1740 = arith.index_cast %parallel_loop3A_1660 : i32 to index
        %parallel_loop3A_1741 = tpu.vector_load %arg15[%parallel_loop3A_1739, %parallel_loop3A_1740] {strides = array<i32>} : memref<16x768xf32, #tpu.memory_space<vmem>>, vector<16xf32>,
        %parallel_loop3A_1742 = arith.subf %parallel_loop3A_1741, %parallel_loop3A_1649 : vector<16xf32>
        %parallel_loop3A_1743 = arith.mulf %parallel_loop3A_1742, %parallel_loop3A_1737 : vector<16xf32>
        %parallel_loop3A_1744 = arith.addf %parallel_loop3A_1743, %parallel_loop3A_1664 : vector<16xf32>
        %parallel_loop3A_1745 = arith.constant 6 : i32
        %parallel_loop3A_1746 = arith.index_cast %parallel_loop3A_1745 : i32 to index
        %parallel_loop3A_1747 = arith.index_cast %parallel_loop3A_1660 : i32 to index
        %parallel_loop3A_1748 = tpu.vector_load %arg15[%parallel_loop3A_1746, %parallel_loop3A_1747] {strides = array<i32>} : memref<16x768xf32, #tpu.memory_space<vmem>>, vector<16xf32>,
        tpu.vector_store %arg15[%parallel_loop3A_1746, %parallel_loop3A_1747], %parallel_loop3A_1744 {strides = array<i32>} : memref<16x768xf32, #tpu.memory_space<vmem>>, vector<16xf32>,
        %parallel_loop3A_1749 = arith.mulf %parallel_loop3A_1658, %parallel_loop3A_1662 : vector<16xf32>
        %parallel_loop3A_1750 = arith.constant 7 : i32
        %parallel_loop3A_1751 = arith.index_cast %parallel_loop3A_1750 : i32 to index
        %parallel_loop3A_1752 = arith.index_cast %parallel_loop3A_1660 : i32 to index
        %parallel_loop3A_1753 = tpu.vector_load %arg15[%parallel_loop3A_1751, %parallel_loop3A_1752] {strides = array<i32>} : memref<16x768xf32, #tpu.memory_space<vmem>>, vector<16xf32>,
        %parallel_loop3A_1754 = arith.subf %parallel_loop3A_1753, %parallel_loop3A_1650 : vector<16xf32>
        %parallel_loop3A_1755 = arith.mulf %parallel_loop3A_1754, %parallel_loop3A_1749 : vector<16xf32>
        %parallel_loop3A_1756 = arith.addf %parallel_loop3A_1755, %parallel_loop3A_1664 : vector<16xf32>
        %parallel_loop3A_1757 = arith.constant 7 : i32
        %parallel_loop3A_1758 = arith.index_cast %parallel_loop3A_1757 : i32 to index
        %parallel_loop3A_1759 = arith.index_cast %parallel_loop3A_1660 : i32 to index
        %parallel_loop3A_1760 = tpu.vector_load %arg15[%parallel_loop3A_1758, %parallel_loop3A_1759] {strides = array<i32>} : memref<16x768xf32, #tpu.memory_space<vmem>>, vector<16xf32>,
        tpu.vector_store %arg15[%parallel_loop3A_1758, %parallel_loop3A_1759], %parallel_loop3A_1756 {strides = array<i32>} : memref<16x768xf32, #tpu.memory_space<vmem>>, vector<16xf32>,
        scf.yield %parallel_loop3A_1643, %parallel_loop3A_1644, %parallel_loop3A_1645, %parallel_loop3A_1646, %parallel_loop3A_1647, %parallel_loop3A_1648, %parallel_loop3A_1649, %parallel_loop3A_1650, %parallel_loop3A_1651, %parallel_loop3A_1652, %parallel_loop3A_1653, %parallel_loop3A_1654, %parallel_loop3A_1655, %parallel_loop3A_1656, %parallel_loop3A_1657, %parallel_loop3A_1658 : vector<16xf32>, vector<16xf32>, vector<16xf32>, vector<16xf32>, vector<16xf32>, vector<16xf32>, vector<16xf32>, vector<16xf32>, vector<16xf32>, vector<16xf32>, vector<16xf32>, vector<16xf32>, vector<16xf32>, vector<16xf32>, vector<16xf32>, vector<16xf32>
      } {sc.loop_unroll_factor = 1 : i64, sc.parallel_access}
      %dma_start3A_1396 = arith.constant 0 : i32
      %dma_start3A_1397 = arith.constant 0 : i32
      %dma_start3A_1398 = tpu.memref_slice %arg15[%dma_start3A_1396, %dma_start3A_1397] : memref<16x768xf32, #tpu.memory_space<vmem>> -> memref<8x768xf32, #tpu.memory_space<vmem>>
      %dma_start3A_1399 = arith.constant 0 : i32
      %dma_start3A_1400 = tpu.memref_slice %arg9[%add3A_850, %mul3A_2, %dma_start3A_1399] : memref<128x512x768xf32, #tpu.memory_space<hbm>> -> memref<1x8x768xf32, #tpu.memory_space<hbm>>
      %dma_start3A_1401 = tpu.memref_squeeze %dma_start3A_1400 : memref<1x8x768xf32, #tpu.memory_space<hbm>> -> memref<8x768xf32, #tpu.memory_space<hbm>>
      %dma_start3A_1402 = arith.constant 0 : i32
      %dma_start3A_1403 = tpu.memref_slice %arg9[%add3A_850, %mul3A_2, %dma_start3A_1402] : memref<128x512x768xf32, #tpu.memory_space<hbm>> -> memref<1x8x768xf32, #tpu.memory_space<hbm>>
      %dma_start3A_1404 = tpu.memref_squeeze %dma_start3A_1403 : memref<1x8x768xf32, #tpu.memory_space<hbm>> -> memref<8x768xf32, #tpu.memory_space<hbm>>
      %dma_start3A_1405 = arith.constant 0 : i32
      %dma_start3A_1406 = arith.constant 0 : i32
      %dma_start3A_1407 = tpu.memref_slice %arg15[%dma_start3A_1405, %dma_start3A_1406] : memref<16x768xf32, #tpu.memory_space<vmem>> -> memref<8x768xf32, #tpu.memory_space<vmem>>
      tpu.enqueue_dma source(%dma_start3A_1407 : memref<8x768xf32, #tpu.memory_space<vmem>>) target(%dma_start3A_1404 : memref<8x768xf32, #tpu.memory_space<hbm>>) target_semaphore(%arg17 : memref<!tpu.dma_semaphore, #tpu.memory_space<semaphore_mem>>)
      %broadcast_in_dim3A_1408 = vector.broadcast %mul3A_1062 : f32 to vector<16xf32>
      %broadcast_in_dim3A_1409 = vector.broadcast %mul3A_1076 : f32 to vector<16xf32>
      %broadcast_in_dim3A_1410 = vector.broadcast %mul3A_1090 : f32 to vector<16xf32>
      %broadcast_in_dim3A_1411 = vector.broadcast %mul3A_1104 : f32 to vector<16xf32>
      %broadcast_in_dim3A_1412 = vector.broadcast %mul3A_1118 : f32 to vector<16xf32>
      %broadcast_in_dim3A_1413 = vector.broadcast %mul3A_1132 : f32 to vector<16xf32>
      %broadcast_in_dim3A_1414 = vector.broadcast %mul3A_1146 : f32 to vector<16xf32>
      %broadcast_in_dim3A_1415 = vector.broadcast %mul3A_1160 : f32 to vector<16xf32>
      %add3A_1416 = arith.constant 9.99999996E-13 : f32
      %add3A_1417 = arith.addf %sub3A_1070, %add3A_1416 : f32
      %broadcast_in_dim3A_1418 = vector.broadcast %add3A_1417 : f32 to vector<16xf32>
      %bitcast_convert_type3A_1419 = tpu.bitcast %broadcast_in_dim3A_1418 : vector<16xf32> -> vector<16xi32>
      %broadcast_in_dim3A_1420 = arith.constant 1597463007 : i32
      %broadcast_in_dim3A_1421 = vector.broadcast %broadcast_in_dim3A_1420 : i32 to vector<16xi32>
      %shift_right_arithmetic3A_1422 = arith.constant 1 : i32
      %shift_right_arithmetic3A_1423 = vector.broadcast %shift_right_arithmetic3A_1422 : i32 to vector<16xi32>
      %shift_right_arithmetic3A_1424 = arith.shrsi %bitcast_convert_type3A_1419, %shift_right_arithmetic3A_1423 : vector<16xi32>
      %sub3A_1425 = arith.subi %broadcast_in_dim3A_1421, %shift_right_arithmetic3A_1424 : vector<16xi32>
      %bitcast_convert_type3A_1426 = tpu.bitcast %sub3A_1425 : vector<16xi32> -> vector<16xf32>
      %mul3A_1427 = arith.constant 5.000000e-01 : f32
      %mul3A_1428 = vector.broadcast %mul3A_1427 : f32 to vector<16xf32>
      %mul3A_1429 = arith.mulf %mul3A_1428, %broadcast_in_dim3A_1418 : vector<16xf32>
      %mul3A_1430 = arith.mulf %mul3A_1429, %bitcast_convert_type3A_1426 : vector<16xf32>
      %mul3A_1431 = arith.mulf %mul3A_1430, %bitcast_convert_type3A_1426 : vector<16xf32>
      %sub3A_1432 = arith.constant 1.500000e+00 : f32
      %sub3A_1433 = vector.broadcast %sub3A_1432 : f32 to vector<16xf32>
      %sub3A_1434 = arith.subf %sub3A_1433, %mul3A_1431 : vector<16xf32>
      %mul3A_1435 = arith.mulf %bitcast_convert_type3A_1426, %sub3A_1434 : vector<16xf32>
      %mul3A_1436 = arith.mulf %mul3A_1429, %mul3A_1435 : vector<16xf32>
      %mul3A_1437 = arith.mulf %mul3A_1436, %mul3A_1435 : vector<16xf32>
      %sub3A_1438 = arith.constant 1.500000e+00 : f32
      %sub3A_1439 = vector.broadcast %sub3A_1438 : f32 to vector<16xf32>
      %sub3A_1440 = arith.subf %sub3A_1439, %mul3A_1437 : vector<16xf32>
      %mul3A_1441 = arith.mulf %mul3A_1435, %sub3A_1440 : vector<16xf32>
      %add3A_1442 = arith.constant 9.99999996E-13 : f32
      %add3A_1443 = arith.addf %sub3A_1084, %add3A_1442 : f32
      %broadcast_in_dim3A_1444 = vector.broadcast %add3A_1443 : f32 to vector<16xf32>
      %bitcast_convert_type3A_1445 = tpu.bitcast %broadcast_in_dim3A_1444 : vector<16xf32> -> vector<16xi32>
      %broadcast_in_dim3A_1446 = arith.constant 1597463007 : i32
      %broadcast_in_dim3A_1447 = vector.broadcast %broadcast_in_dim3A_1446 : i32 to vector<16xi32>
      %shift_right_arithmetic3A_1448 = arith.constant 1 : i32
      %shift_right_arithmetic3A_1449 = vector.broadcast %shift_right_arithmetic3A_1448 : i32 to vector<16xi32>
      %shift_right_arithmetic3A_1450 = arith.shrsi %bitcast_convert_type3A_1445, %shift_right_arithmetic3A_1449 : vector<16xi32>
      %sub3A_1451 = arith.subi %broadcast_in_dim3A_1447, %shift_right_arithmetic3A_1450 : vector<16xi32>
      %bitcast_convert_type3A_1452 = tpu.bitcast %sub3A_1451 : vector<16xi32> -> vector<16xf32>
      %mul3A_1453 = arith.constant 5.000000e-01 : f32
      %mul3A_1454 = vector.broadcast %mul3A_1453 : f32 to vector<16xf32>
      %mul3A_1455 = arith.mulf %mul3A_1454, %broadcast_in_dim3A_1444 : vector<16xf32>
      %mul3A_1456 = arith.mulf %mul3A_1455, %bitcast_convert_type3A_1452 : vector<16xf32>
      %mul3A_1457 = arith.mulf %mul3A_1456, %bitcast_convert_type3A_1452 : vector<16xf32>
      %sub3A_1458 = arith.constant 1.500000e+00 : f32
      %sub3A_1459 = vector.broadcast %sub3A_1458 : f32 to vector<16xf32>
      %sub3A_1460 = arith.subf %sub3A_1459, %mul3A_1457 : vector<16xf32>
      %mul3A_1461 = arith.mulf %bitcast_convert_type3A_1452, %sub3A_1460 : vector<16xf32>
      %mul3A_1462 = arith.mulf %mul3A_1455, %mul3A_1461 : vector<16xf32>
      %mul3A_1463 = arith.mulf %mul3A_1462, %mul3A_1461 : vector<16xf32>
      %sub3A_1464 = arith.constant 1.500000e+00 : f32
      %sub3A_1465 = vector.broadcast %sub3A_1464 : f32 to vector<16xf32>
      %sub3A_1466 = arith.subf %sub3A_1465, %mul3A_1463 : vector<16xf32>
      %mul3A_1467 = arith.mulf %mul3A_1461, %sub3A_1466 : vector<16xf32>
      %add3A_1468 = arith.constant 9.99999996E-13 : f32
      %add3A_1469 = arith.addf %sub3A_1098, %add3A_1468 : f32
      %broadcast_in_dim3A_1470 = vector.broadcast %add3A_1469 : f32 to vector<16xf32>
      %bitcast_convert_type3A_1471 = tpu.bitcast %broadcast_in_dim3A_1470 : vector<16xf32> -> vector<16xi32>
      %broadcast_in_dim3A_1472 = arith.constant 1597463007 : i32
      %broadcast_in_dim3A_1473 = vector.broadcast %broadcast_in_dim3A_1472 : i32 to vector<16xi32>
      %shift_right_arithmetic3A_1474 = arith.constant 1 : i32
      %shift_right_arithmetic3A_1475 = vector.broadcast %shift_right_arithmetic3A_1474 : i32 to vector<16xi32>
      %shift_right_arithmetic3A_1476 = arith.shrsi %bitcast_convert_type3A_1471, %shift_right_arithmetic3A_1475 : vector<16xi32>
      %sub3A_1477 = arith.subi %broadcast_in_dim3A_1473, %shift_right_arithmetic3A_1476 : vector<16xi32>
      %bitcast_convert_type3A_1478 = tpu.bitcast %sub3A_1477 : vector<16xi32> -> vector<16xf32>
      %mul3A_1479 = arith.constant 5.000000e-01 : f32
      %mul3A_1480 = vector.broadcast %mul3A_1479 : f32 to vector<16xf32>
      %mul3A_1481 = arith.mulf %mul3A_1480, %broadcast_in_dim3A_1470 : vector<16xf32>
      %mul3A_1482 = arith.mulf %mul3A_1481, %bitcast_convert_type3A_1478 : vector<16xf32>
      %mul3A_1483 = arith.mulf %mul3A_1482, %bitcast_convert_type3A_1478 : vector<16xf32>
      %sub3A_1484 = arith.constant 1.500000e+00 : f32
      %sub3A_1485 = vector.broadcast %sub3A_1484 : f32 to vector<16xf32>
      %sub3A_1486 = arith.subf %sub3A_1485, %mul3A_1483 : vector<16xf32>
      %mul3A_1487 = arith.mulf %bitcast_convert_type3A_1478, %sub3A_1486 : vector<16xf32>
      %mul3A_1488 = arith.mulf %mul3A_1481, %mul3A_1487 : vector<16xf32>
      %mul3A_1489 = arith.mulf %mul3A_1488, %mul3A_1487 : vector<16xf32>
      %sub3A_1490 = arith.constant 1.500000e+00 : f32
      %sub3A_1491 = vector.broadcast %sub3A_1490 : f32 to vector<16xf32>
      %sub3A_1492 = arith.subf %sub3A_1491, %mul3A_1489 : vector<16xf32>
      %mul3A_1493 = arith.mulf %mul3A_1487, %sub3A_1492 : vector<16xf32>
      %add3A_1494 = arith.constant 9.99999996E-13 : f32
      %add3A_1495 = arith.addf %sub3A_1112, %add3A_1494 : f32
      %broadcast_in_dim3A_1496 = vector.broadcast %add3A_1495 : f32 to vector<16xf32>
      %bitcast_convert_type3A_1497 = tpu.bitcast %broadcast_in_dim3A_1496 : vector<16xf32> -> vector<16xi32>
      %broadcast_in_dim3A_1498 = arith.constant 1597463007 : i32
      %broadcast_in_dim3A_1499 = vector.broadcast %broadcast_in_dim3A_1498 : i32 to vector<16xi32>
      %shift_right_arithmetic3A_1500 = arith.constant 1 : i32
      %shift_right_arithmetic3A_1501 = vector.broadcast %shift_right_arithmetic3A_1500 : i32 to vector<16xi32>
      %shift_right_arithmetic3A_1502 = arith.shrsi %bitcast_convert_type3A_1497, %shift_right_arithmetic3A_1501 : vector<16xi32>
      %sub3A_1503 = arith.subi %broadcast_in_dim3A_1499, %shift_right_arithmetic3A_1502 : vector<16xi32>
      %bitcast_convert_type3A_1504 = tpu.bitcast %sub3A_1503 : vector<16xi32> -> vector<16xf32>
      %mul3A_1505 = arith.constant 5.000000e-01 : f32
      %mul3A_1506 = vector.broadcast %mul3A_1505 : f32 to vector<16xf32>
      %mul3A_1507 = arith.mulf %mul3A_1506, %broadcast_in_dim3A_1496 : vector<16xf32>
      %mul3A_1508 = arith.mulf %mul3A_1507, %bitcast_convert_type3A_1504 : vector<16xf32>
      %mul3A_1509 = arith.mulf %mul3A_1508, %bitcast_convert_type3A_1504 : vector<16xf32>
      %sub3A_1510 = arith.constant 1.500000e+00 : f32
      %sub3A_1511 = vector.broadcast %sub3A_1510 : f32 to vector<16xf32>
      %sub3A_1512 = arith.subf %sub3A_1511, %mul3A_1509 : vector<16xf32>
      %mul3A_1513 = arith.mulf %bitcast_convert_type3A_1504, %sub3A_1512 : vector<16xf32>
      %mul3A_1514 = arith.mulf %mul3A_1507, %mul3A_1513 : vector<16xf32>
      %mul3A_1515 = arith.mulf %mul3A_1514, %mul3A_1513 : vector<16xf32>
      %sub3A_1516 = arith.constant 1.500000e+00 : f32
      %sub3A_1517 = vector.broadcast %sub3A_1516 : f32 to vector<16xf32>
      %sub3A_1518 = arith.subf %sub3A_1517, %mul3A_1515 : vector<16xf32>
      %mul3A_1519 = arith.mulf %mul3A_1513, %sub3A_1518 : vector<16xf32>
      %add3A_1520 = arith.constant 9.99999996E-13 : f32
      %add3A_1521 = arith.addf %sub3A_1126, %add3A_1520 : f32
      %broadcast_in_dim3A_1522 = vector.broadcast %add3A_1521 : f32 to vector<16xf32>
      %bitcast_convert_type3A_1523 = tpu.bitcast %broadcast_in_dim3A_1522 : vector<16xf32> -> vector<16xi32>
      %broadcast_in_dim3A_1524 = arith.constant 1597463007 : i32
      %broadcast_in_dim3A_1525 = vector.broadcast %broadcast_in_dim3A_1524 : i32 to vector<16xi32>
      %shift_right_arithmetic3A_1526 = arith.constant 1 : i32
      %shift_right_arithmetic3A_1527 = vector.broadcast %shift_right_arithmetic3A_1526 : i32 to vector<16xi32>
      %shift_right_arithmetic3A_1528 = arith.shrsi %bitcast_convert_type3A_1523, %shift_right_arithmetic3A_1527 : vector<16xi32>
      %sub3A_1529 = arith.subi %broadcast_in_dim3A_1525, %shift_right_arithmetic3A_1528 : vector<16xi32>
      %bitcast_convert_type3A_1530 = tpu.bitcast %sub3A_1529 : vector<16xi32> -> vector<16xf32>
      %mul3A_1531 = arith.constant 5.000000e-01 : f32
      %mul3A_1532 = vector.broadcast %mul3A_1531 : f32 to vector<16xf32>
      %mul3A_1533 = arith.mulf %mul3A_1532, %broadcast_in_dim3A_1522 : vector<16xf32>
      %mul3A_1534 = arith.mulf %mul3A_1533, %bitcast_convert_type3A_1530 : vector<16xf32>
      %mul3A_1535 = arith.mulf %mul3A_1534, %bitcast_convert_type3A_1530 : vector<16xf32>
      %sub3A_1536 = arith.constant 1.500000e+00 : f32
      %sub3A_1537 = vector.broadcast %sub3A_1536 : f32 to vector<16xf32>
      %sub3A_1538 = arith.subf %sub3A_1537, %mul3A_1535 : vector<16xf32>
      %mul3A_1539 = arith.mulf %bitcast_convert_type3A_1530, %sub3A_1538 : vector<16xf32>
      %mul3A_1540 = arith.mulf %mul3A_1533, %mul3A_1539 : vector<16xf32>
      %mul3A_1541 = arith.mulf %mul3A_1540, %mul3A_1539 : vector<16xf32>
      %sub3A_1542 = arith.constant 1.500000e+00 : f32
      %sub3A_1543 = vector.broadcast %sub3A_1542 : f32 to vector<16xf32>
      %sub3A_1544 = arith.subf %sub3A_1543, %mul3A_1541 : vector<16xf32>
      %mul3A_1545 = arith.mulf %mul3A_1539, %sub3A_1544 : vector<16xf32>
      %add3A_1546 = arith.constant 9.99999996E-13 : f32
      %add3A_1547 = arith.addf %sub3A_1140, %add3A_1546 : f32
      %broadcast_in_dim3A_1548 = vector.broadcast %add3A_1547 : f32 to vector<16xf32>
      %bitcast_convert_type3A_1549 = tpu.bitcast %broadcast_in_dim3A_1548 : vector<16xf32> -> vector<16xi32>
      %broadcast_in_dim3A_1550 = arith.constant 1597463007 : i32
      %broadcast_in_dim3A_1551 = vector.broadcast %broadcast_in_dim3A_1550 : i32 to vector<16xi32>
      %shift_right_arithmetic3A_1552 = arith.constant 1 : i32
      %shift_right_arithmetic3A_1553 = vector.broadcast %shift_right_arithmetic3A_1552 : i32 to vector<16xi32>
      %shift_right_arithmetic3A_1554 = arith.shrsi %bitcast_convert_type3A_1549, %shift_right_arithmetic3A_1553 : vector<16xi32>
      %sub3A_1555 = arith.subi %broadcast_in_dim3A_1551, %shift_right_arithmetic3A_1554 : vector<16xi32>
      %bitcast_convert_type3A_1556 = tpu.bitcast %sub3A_1555 : vector<16xi32> -> vector<16xf32>
      %mul3A_1557 = arith.constant 5.000000e-01 : f32
      %mul3A_1558 = vector.broadcast %mul3A_1557 : f32 to vector<16xf32>
      %mul3A_1559 = arith.mulf %mul3A_1558, %broadcast_in_dim3A_1548 : vector<16xf32>
      %mul3A_1560 = arith.mulf %mul3A_1559, %bitcast_convert_type3A_1556 : vector<16xf32>
      %mul3A_1561 = arith.mulf %mul3A_1560, %bitcast_convert_type3A_1556 : vector<16xf32>
      %sub3A_1562 = arith.constant 1.500000e+00 : f32
      %sub3A_1563 = vector.broadcast %sub3A_1562 : f32 to vector<16xf32>
      %sub3A_1564 = arith.subf %sub3A_1563, %mul3A_1561 : vector<16xf32>
      %mul3A_1565 = arith.mulf %bitcast_convert_type3A_1556, %sub3A_1564 : vector<16xf32>
      %mul3A_1566 = arith.mulf %mul3A_1559, %mul3A_1565 : vector<16xf32>
      %mul3A_1567 = arith.mulf %mul3A_1566, %mul3A_1565 : vector<16xf32>
      %sub3A_1568 = arith.constant 1.500000e+00 : f32
      %sub3A_1569 = vector.broadcast %sub3A_1568 : f32 to vector<16xf32>
      %sub3A_1570 = arith.subf %sub3A_1569, %mul3A_1567 : vector<16xf32>
      %mul3A_1571 = arith.mulf %mul3A_1565, %sub3A_1570 : vector<16xf32>
      %add3A_1572 = arith.constant 9.99999996E-13 : f32
      %add3A_1573 = arith.addf %sub3A_1154, %add3A_1572 : f32
      %broadcast_in_dim3A_1574 = vector.broadcast %add3A_1573 : f32 to vector<16xf32>
      %bitcast_convert_type3A_1575 = tpu.bitcast %broadcast_in_dim3A_1574 : vector<16xf32> -> vector<16xi32>
      %broadcast_in_dim3A_1576 = arith.constant 1597463007 : i32
      %broadcast_in_dim3A_1577 = vector.broadcast %broadcast_in_dim3A_1576 : i32 to vector<16xi32>
      %shift_right_arithmetic3A_1578 = arith.constant 1 : i32
      %shift_right_arithmetic3A_1579 = vector.broadcast %shift_right_arithmetic3A_1578 : i32 to vector<16xi32>
      %shift_right_arithmetic3A_1580 = arith.shrsi %bitcast_convert_type3A_1575, %shift_right_arithmetic3A_1579 : vector<16xi32>
      %sub3A_1581 = arith.subi %broadcast_in_dim3A_1577, %shift_right_arithmetic3A_1580 : vector<16xi32>
      %bitcast_convert_type3A_1582 = tpu.bitcast %sub3A_1581 : vector<16xi32> -> vector<16xf32>
      %mul3A_1583 = arith.constant 5.000000e-01 : f32
      %mul3A_1584 = vector.broadcast %mul3A_1583 : f32 to vector<16xf32>
      %mul3A_1585 = arith.mulf %mul3A_1584, %broadcast_in_dim3A_1574 : vector<16xf32>
      %mul3A_1586 = arith.mulf %mul3A_1585, %bitcast_convert_type3A_1582 : vector<16xf32>
      %mul3A_1587 = arith.mulf %mul3A_1586, %bitcast_convert_type3A_1582 : vector<16xf32>
      %sub3A_1588 = arith.constant 1.500000e+00 : f32
      %sub3A_1589 = vector.broadcast %sub3A_1588 : f32 to vector<16xf32>
      %sub3A_1590 = arith.subf %sub3A_1589, %mul3A_1587 : vector<16xf32>
      %mul3A_1591 = arith.mulf %bitcast_convert_type3A_1582, %sub3A_1590 : vector<16xf32>
      %mul3A_1592 = arith.mulf %mul3A_1585, %mul3A_1591 : vector<16xf32>
      %mul3A_1593 = arith.mulf %mul3A_1592, %mul3A_1591 : vector<16xf32>
      %sub3A_1594 = arith.constant 1.500000e+00 : f32
      %sub3A_1595 = vector.broadcast %sub3A_1594 : f32 to vector<16xf32>
      %sub3A_1596 = arith.subf %sub3A_1595, %mul3A_1593 : vector<16xf32>
      %mul3A_1597 = arith.mulf %mul3A_1591, %sub3A_1596 : vector<16xf32>
      %add3A_1598 = arith.constant 9.99999996E-13 : f32
      %add3A_1599 = arith.addf %sub3A_1168, %add3A_1598 : f32
      %broadcast_in_dim3A_1600 = vector.broadcast %add3A_1599 : f32 to vector<16xf32>
      %bitcast_convert_type3A_1601 = tpu.bitcast %broadcast_in_dim3A_1600 : vector<16xf32> -> vector<16xi32>
      %broadcast_in_dim3A_1602 = arith.constant 1597463007 : i32
      %broadcast_in_dim3A_1603 = vector.broadcast %broadcast_in_dim3A_1602 : i32 to vector<16xi32>
      %shift_right_arithmetic3A_1604 = arith.constant 1 : i32
      %shift_right_arithmetic3A_1605 = vector.broadcast %shift_right_arithmetic3A_1604 : i32 to vector<16xi32>
      %shift_right_arithmetic3A_1606 = arith.shrsi %bitcast_convert_type3A_1601, %shift_right_arithmetic3A_1605 : vector<16xi32>
      %sub3A_1607 = arith.subi %broadcast_in_dim3A_1603, %shift_right_arithmetic3A_1606 : vector<16xi32>
      %bitcast_convert_type3A_1608 = tpu.bitcast %sub3A_1607 : vector<16xi32> -> vector<16xf32>
      %mul3A_1609 = arith.constant 5.000000e-01 : f32
      %mul3A_1610 = vector.broadcast %mul3A_1609 : f32 to vector<16xf32>
      %mul3A_1611 = arith.mulf %mul3A_1610, %broadcast_in_dim3A_1600 : vector<16xf32>
      %mul3A_1612 = arith.mulf %mul3A_1611, %bitcast_convert_type3A_1608 : vector<16xf32>
      %mul3A_1613 = arith.mulf %mul3A_1612, %bitcast_convert_type3A_1608 : vector<16xf32>
      %sub3A_1614 = arith.constant 1.500000e+00 : f32
      %sub3A_1615 = vector.broadcast %sub3A_1614 : f32 to vector<16xf32>
      %sub3A_1616 = arith.subf %sub3A_1615, %mul3A_1613 : vector<16xf32>
      %mul3A_1617 = arith.mulf %bitcast_convert_type3A_1608, %sub3A_1616 : vector<16xf32>
      %mul3A_1618 = arith.mulf %mul3A_1611, %mul3A_1617 : vector<16xf32>
      %mul3A_1619 = arith.mulf %mul3A_1618, %mul3A_1617 : vector<16xf32>
      %sub3A_1620 = arith.constant 1.500000e+00 : f32
      %sub3A_1621 = vector.broadcast %sub3A_1620 : f32 to vector<16xf32>
      %sub3A_1622 = arith.subf %sub3A_1621, %mul3A_1619 : vector<16xf32>
      %mul3A_1623 = arith.mulf %mul3A_1617, %sub3A_1622 : vector<16xf32>
      %parallel_loop3A_1624 = arith.constant 0 : i32
      %parallel_loop3A_1625 = arith.constant 48 : i32
      %parallel_loop3A_1626 = arith.constant 1 : i32
      %parallel_loop3A_1627:16 = scf.for %parallel_loop3A_1642 = %parallel_loop3A_1624 to %parallel_loop3A_1625 step %parallel_loop3A_1626 iter_args(%parallel_loop3A_1643 = %broadcast_in_dim3A_1408, %parallel_loop3A_1644 = %broadcast_in_dim3A_1409, %parallel_loop3A_1645 = %broadcast_in_dim3A_1410, %parallel_loop3A_1646 = %broadcast_in_dim3A_1411, %parallel_loop3A_1647 = %broadcast_in_dim3A_1412, %parallel_loop3A_1648 = %broadcast_in_dim3A_1413, %parallel_loop3A_1649 = %broadcast_in_dim3A_1414, %parallel_loop3A_1650 = %broadcast_in_dim3A_1415, %parallel_loop3A_1651 = %mul3A_1441, %parallel_loop3A_1652 = %mul3A_1467, %parallel_loop3A_1653 = %mul3A_1493, %parallel_loop3A_1654 = %mul3A_1519, %parallel_loop3A_1655 = %mul3A_1545, %parallel_loop3A_1656 = %mul3A_1571, %parallel_loop3A_1657 = %mul3A_1597, %parallel_loop3A_1658 = %mul3A_1623) -> (vector<16xf32>, vector<16xf32>, vector<16xf32>, vector<16xf32>, vector<16xf32>, vector<16xf32>, vector<16xf32>, vector<16xf32>, vector<16xf32>, vector<16xf32>, vector<16xf32>, vector<16xf32>, vector<16xf32>, vector<16xf32>, vector<16xf32>, vector<16xf32>)  : i32 {
        %parallel_loop3A_1659 = arith.constant 16 : i32
        %parallel_loop3A_1660 = arith.muli %parallel_loop3A_1642, %parallel_loop3A_1659 : i32
        %parallel_loop3A_1661 = arith.index_cast %parallel_loop3A_1660 : i32 to index
        %parallel_loop3A_1662 = tpu.vector_load %arg23[%parallel_loop3A_1661] {strides = array<i32>} : memref<768xf32, #tpu.memory_space<vmem>>, vector<16xf32>,
        %parallel_loop3A_1663 = arith.index_cast %parallel_loop3A_1660 : i32 to index
        %parallel_loop3A_1664 = tpu.vector_load %arg10[%parallel_loop3A_1663] {strides = array<i32>} : memref<768xf32, #tpu.memory_space<vmem>>, vector<16xf32>,
        %parallel_loop3A_1665 = arith.mulf %parallel_loop3A_1651, %parallel_loop3A_1662 : vector<16xf32>
        %parallel_loop3A_1666 = arith.constant 8 : i32
        %parallel_loop3A_1667 = arith.index_cast %parallel_loop3A_1666 : i32 to index
        %parallel_loop3A_1668 = arith.index_cast %parallel_loop3A_1660 : i32 to index
        %parallel_loop3A_1669 = tpu.vector_load %arg15[%parallel_loop3A_1667, %parallel_loop3A_1668] {strides = array<i32>} : memref<16x768xf32, #tpu.memory_space<vmem>>, vector<16xf32>,
        %parallel_loop3A_1670 = arith.subf %parallel_loop3A_1669, %parallel_loop3A_1643 : vector<16xf32>
        %parallel_loop3A_1671 = arith.mulf %parallel_loop3A_1670, %parallel_loop3A_1665 : vector<16xf32>
        %parallel_loop3A_1672 = arith.addf %parallel_loop3A_1671, %parallel_loop3A_1664 : vector<16xf32>
        %parallel_loop3A_1673 = arith.constant 8 : i32
        %parallel_loop3A_1674 = arith.index_cast %parallel_loop3A_1673 : i32 to index
        %parallel_loop3A_1675 = arith.index_cast %parallel_loop3A_1660 : i32 to index
        %parallel_loop3A_1676 = tpu.vector_load %arg15[%parallel_loop3A_1674, %parallel_loop3A_1675] {strides = array<i32>} : memref<16x768xf32, #tpu.memory_space<vmem>>, vector<16xf32>,
        tpu.vector_store %arg15[%parallel_loop3A_1674, %parallel_loop3A_1675], %parallel_loop3A_1672 {strides = array<i32>} : memref<16x768xf32, #tpu.memory_space<vmem>>, vector<16xf32>,
        %parallel_loop3A_1677 = arith.mulf %parallel_loop3A_1652, %parallel_loop3A_1662 : vector<16xf32>
        %parallel_loop3A_1678 = arith.constant 9 : i32
        %parallel_loop3A_1679 = arith.index_cast %parallel_loop3A_1678 : i32 to index
        %parallel_loop3A_1680 = arith.index_cast %parallel_loop3A_1660 : i32 to index
        %parallel_loop3A_1681 = tpu.vector_load %arg15[%parallel_loop3A_1679, %parallel_loop3A_1680] {strides = array<i32>} : memref<16x768xf32, #tpu.memory_space<vmem>>, vector<16xf32>,
        %parallel_loop3A_1682 = arith.subf %parallel_loop3A_1681, %parallel_loop3A_1644 : vector<16xf32>
        %parallel_loop3A_1683 = arith.mulf %parallel_loop3A_1682, %parallel_loop3A_1677 : vector<16xf32>
        %parallel_loop3A_1684 = arith.addf %parallel_loop3A_1683, %parallel_loop3A_1664 : vector<16xf32>
        %parallel_loop3A_1685 = arith.constant 9 : i32
        %parallel_loop3A_1686 = arith.index_cast %parallel_loop3A_1685 : i32 to index
        %parallel_loop3A_1687 = arith.index_cast %parallel_loop3A_1660 : i32 to index
        %parallel_loop3A_1688 = tpu.vector_load %arg15[%parallel_loop3A_1686, %parallel_loop3A_1687] {strides = array<i32>} : memref<16x768xf32, #tpu.memory_space<vmem>>, vector<16xf32>,
        tpu.vector_store %arg15[%parallel_loop3A_1686, %parallel_loop3A_1687], %parallel_loop3A_1684 {strides = array<i32>} : memref<16x768xf32, #tpu.memory_space<vmem>>, vector<16xf32>,
        %parallel_loop3A_1689 = arith.mulf %parallel_loop3A_1653, %parallel_loop3A_1662 : vector<16xf32>
        %parallel_loop3A_1690 = arith.constant 10 : i32
        %parallel_loop3A_1691 = arith.index_cast %parallel_loop3A_1690 : i32 to index
        %parallel_loop3A_1692 = arith.index_cast %parallel_loop3A_1660 : i32 to index
        %parallel_loop3A_1693 = tpu.vector_load %arg15[%parallel_loop3A_1691, %parallel_loop3A_1692] {strides = array<i32>} : memref<16x768xf32, #tpu.memory_space<vmem>>, vector<16xf32>,
        %parallel_loop3A_1694 = arith.subf %parallel_loop3A_1693, %parallel_loop3A_1645 : vector<16xf32>
        %parallel_loop3A_1695 = arith.mulf %parallel_loop3A_1694, %parallel_loop3A_1689 : vector<16xf32>
        %parallel_loop3A_1696 = arith.addf %parallel_loop3A_1695, %parallel_loop3A_1664 : vector<16xf32>
        %parallel_loop3A_1697 = arith.constant 10 : i32
        %parallel_loop3A_1698 = arith.index_cast %parallel_loop3A_1697 : i32 to index
        %parallel_loop3A_1699 = arith.index_cast %parallel_loop3A_1660 : i32 to index
        %parallel_loop3A_1700 = tpu.vector_load %arg15[%parallel_loop3A_1698, %parallel_loop3A_1699] {strides = array<i32>} : memref<16x768xf32, #tpu.memory_space<vmem>>, vector<16xf32>,
        tpu.vector_store %arg15[%parallel_loop3A_1698, %parallel_loop3A_1699], %parallel_loop3A_1696 {strides = array<i32>} : memref<16x768xf32, #tpu.memory_space<vmem>>, vector<16xf32>,
        %parallel_loop3A_1701 = arith.mulf %parallel_loop3A_1654, %parallel_loop3A_1662 : vector<16xf32>
        %parallel_loop3A_1702 = arith.constant 11 : i32
        %parallel_loop3A_1703 = arith.index_cast %parallel_loop3A_1702 : i32 to index
        %parallel_loop3A_1704 = arith.index_cast %parallel_loop3A_1660 : i32 to index
        %parallel_loop3A_1705 = tpu.vector_load %arg15[%parallel_loop3A_1703, %parallel_loop3A_1704] {strides = array<i32>} : memref<16x768xf32, #tpu.memory_space<vmem>>, vector<16xf32>,
        %parallel_loop3A_1706 = arith.subf %parallel_loop3A_1705, %parallel_loop3A_1646 : vector<16xf32>
        %parallel_loop3A_1707 = arith.mulf %parallel_loop3A_1706, %parallel_loop3A_1701 : vector<16xf32>
        %parallel_loop3A_1708 = arith.addf %parallel_loop3A_1707, %parallel_loop3A_1664 : vector<16xf32>
        %parallel_loop3A_1709 = arith.constant 11 : i32
        %parallel_loop3A_1710 = arith.index_cast %parallel_loop3A_1709 : i32 to index
        %parallel_loop3A_1711 = arith.index_cast %parallel_loop3A_1660 : i32 to index
        %parallel_loop3A_1712 = tpu.vector_load %arg15[%parallel_loop3A_1710, %parallel_loop3A_1711] {strides = array<i32>} : memref<16x768xf32, #tpu.memory_space<vmem>>, vector<16xf32>,
        tpu.vector_store %arg15[%parallel_loop3A_1710, %parallel_loop3A_1711], %parallel_loop3A_1708 {strides = array<i32>} : memref<16x768xf32, #tpu.memory_space<vmem>>, vector<16xf32>,
        %parallel_loop3A_1713 = arith.mulf %parallel_loop3A_1655, %parallel_loop3A_1662 : vector<16xf32>
        %parallel_loop3A_1714 = arith.constant 12 : i32
        %parallel_loop3A_1715 = arith.index_cast %parallel_loop3A_1714 : i32 to index
        %parallel_loop3A_1716 = arith.index_cast %parallel_loop3A_1660 : i32 to index
        %parallel_loop3A_1717 = tpu.vector_load %arg15[%parallel_loop3A_1715, %parallel_loop3A_1716] {strides = array<i32>} : memref<16x768xf32, #tpu.memory_space<vmem>>, vector<16xf32>,
        %parallel_loop3A_1718 = arith.subf %parallel_loop3A_1717, %parallel_loop3A_1647 : vector<16xf32>
        %parallel_loop3A_1719 = arith.mulf %parallel_loop3A_1718, %parallel_loop3A_1713 : vector<16xf32>
        %parallel_loop3A_1720 = arith.addf %parallel_loop3A_1719, %parallel_loop3A_1664 : vector<16xf32>
        %parallel_loop3A_1721 = arith.constant 12 : i32
        %parallel_loop3A_1722 = arith.index_cast %parallel_loop3A_1721 : i32 to index
        %parallel_loop3A_1723 = arith.index_cast %parallel_loop3A_1660 : i32 to index
        %parallel_loop3A_1724 = tpu.vector_load %arg15[%parallel_loop3A_1722, %parallel_loop3A_1723] {strides = array<i32>} : memref<16x768xf32, #tpu.memory_space<vmem>>, vector<16xf32>,
        tpu.vector_store %arg15[%parallel_loop3A_1722, %parallel_loop3A_1723], %parallel_loop3A_1720 {strides = array<i32>} : memref<16x768xf32, #tpu.memory_space<vmem>>, vector<16xf32>,
        %parallel_loop3A_1725 = arith.mulf %parallel_loop3A_1656, %parallel_loop3A_1662 : vector<16xf32>
        %parallel_loop3A_1726 = arith.constant 13 : i32
        %parallel_loop3A_1727 = arith.index_cast %parallel_loop3A_1726 : i32 to index
        %parallel_loop3A_1728 = arith.index_cast %parallel_loop3A_1660 : i32 to index
        %parallel_loop3A_1729 = tpu.vector_load %arg15[%parallel_loop3A_1727, %parallel_loop3A_1728] {strides = array<i32>} : memref<16x768xf32, #tpu.memory_space<vmem>>, vector<16xf32>,
        %parallel_loop3A_1730 = arith.subf %parallel_loop3A_1729, %parallel_loop3A_1648 : vector<16xf32>
        %parallel_loop3A_1731 = arith.mulf %parallel_loop3A_1730, %parallel_loop3A_1725 : vector<16xf32>
        %parallel_loop3A_1732 = arith.addf %parallel_loop3A_1731, %parallel_loop3A_1664 : vector<16xf32>
        %parallel_loop3A_1733 = arith.constant 13 : i32
        %parallel_loop3A_1734 = arith.index_cast %parallel_loop3A_1733 : i32 to index
        %parallel_loop3A_1735 = arith.index_cast %parallel_loop3A_1660 : i32 to index
        %parallel_loop3A_1736 = tpu.vector_load %arg15[%parallel_loop3A_1734, %parallel_loop3A_1735] {strides = array<i32>} : memref<16x768xf32, #tpu.memory_space<vmem>>, vector<16xf32>,
        tpu.vector_store %arg15[%parallel_loop3A_1734, %parallel_loop3A_1735], %parallel_loop3A_1732 {strides = array<i32>} : memref<16x768xf32, #tpu.memory_space<vmem>>, vector<16xf32>,
        %parallel_loop3A_1737 = arith.mulf %parallel_loop3A_1657, %parallel_loop3A_1662 : vector<16xf32>
        %parallel_loop3A_1738 = arith.constant 14 : i32
        %parallel_loop3A_1739 = arith.index_cast %parallel_loop3A_1738 : i32 to index
        %parallel_loop3A_1740 = arith.index_cast %parallel_loop3A_1660 : i32 to index
        %parallel_loop3A_1741 = tpu.vector_load %arg15[%parallel_loop3A_1739, %parallel_loop3A_1740] {strides = array<i32>} : memref<16x768xf32, #tpu.memory_space<vmem>>, vector<16xf32>,
        %parallel_loop3A_1742 = arith.subf %parallel_loop3A_1741, %parallel_loop3A_1649 : vector<16xf32>
        %parallel_loop3A_1743 = arith.mulf %parallel_loop3A_1742, %parallel_loop3A_1737 : vector<16xf32>
        %parallel_loop3A_1744 = arith.addf %parallel_loop3A_1743, %parallel_loop3A_1664 : vector<16xf32>
        %parallel_loop3A_1745 = arith.constant 14 : i32
        %parallel_loop3A_1746 = arith.index_cast %parallel_loop3A_1745 : i32 to index
        %parallel_loop3A_1747 = arith.index_cast %parallel_loop3A_1660 : i32 to index
        %parallel_loop3A_1748 = tpu.vector_load %arg15[%parallel_loop3A_1746, %parallel_loop3A_1747] {strides = array<i32>} : memref<16x768xf32, #tpu.memory_space<vmem>>, vector<16xf32>,
        tpu.vector_store %arg15[%parallel_loop3A_1746, %parallel_loop3A_1747], %parallel_loop3A_1744 {strides = array<i32>} : memref<16x768xf32, #tpu.memory_space<vmem>>, vector<16xf32>,
        %parallel_loop3A_1749 = arith.mulf %parallel_loop3A_1658, %parallel_loop3A_1662 : vector<16xf32>
        %parallel_loop3A_1750 = arith.constant 15 : i32
        %parallel_loop3A_1751 = arith.index_cast %parallel_loop3A_1750 : i32 to index
        %parallel_loop3A_1752 = arith.index_cast %parallel_loop3A_1660 : i32 to index
        %parallel_loop3A_1753 = tpu.vector_load %arg15[%parallel_loop3A_1751, %parallel_loop3A_1752] {strides = array<i32>} : memref<16x768xf32, #tpu.memory_space<vmem>>, vector<16xf32>,
        %parallel_loop3A_1754 = arith.subf %parallel_loop3A_1753, %parallel_loop3A_1650 : vector<16xf32>
        %parallel_loop3A_1755 = arith.mulf %parallel_loop3A_1754, %parallel_loop3A_1749 : vector<16xf32>
        %parallel_loop3A_1756 = arith.addf %parallel_loop3A_1755, %parallel_loop3A_1664 : vector<16xf32>
        %parallel_loop3A_1757 = arith.constant 15 : i32
        %parallel_loop3A_1758 = arith.index_cast %parallel_loop3A_1757 : i32 to index
        %parallel_loop3A_1759 = arith.index_cast %parallel_loop3A_1660 : i32 to index
        %parallel_loop3A_1760 = tpu.vector_load %arg15[%parallel_loop3A_1758, %parallel_loop3A_1759] {strides = array<i32>} : memref<16x768xf32, #tpu.memory_space<vmem>>, vector<16xf32>,
        tpu.vector_store %arg15[%parallel_loop3A_1758, %parallel_loop3A_1759], %parallel_loop3A_1756 {strides = array<i32>} : memref<16x768xf32, #tpu.memory_space<vmem>>, vector<16xf32>,
        scf.yield %parallel_loop3A_1643, %parallel_loop3A_1644, %parallel_loop3A_1645, %parallel_loop3A_1646, %parallel_loop3A_1647, %parallel_loop3A_1648, %parallel_loop3A_1649, %parallel_loop3A_1650, %parallel_loop3A_1651, %parallel_loop3A_1652, %parallel_loop3A_1653, %parallel_loop3A_1654, %parallel_loop3A_1655, %parallel_loop3A_1656, %parallel_loop3A_1657, %parallel_loop3A_1658 : vector<16xf32>, vector<16xf32>, vector<16xf32>, vector<16xf32>, vector<16xf32>, vector<16xf32>, vector<16xf32>, vector<16xf32>, vector<16xf32>, vector<16xf32>, vector<16xf32>, vector<16xf32>, vector<16xf32>, vector<16xf32>, vector<16xf32>, vector<16xf32>
      } {sc.loop_unroll_factor = 1 : i64, sc.parallel_access}
      %add3A_1628 = arith.constant 8 : i32
      %add3A_1629 = arith.addi %mul3A_2, %add3A_1628 : i32
      %dma_start3A_1630 = arith.constant 8 : i32
      %dma_start3A_1631 = arith.constant 0 : i32
      %dma_start3A_1632 = tpu.memref_slice %arg15[%dma_start3A_1630, %dma_start3A_1631] : memref<16x768xf32, #tpu.memory_space<vmem>> -> memref<8x768xf32, #tpu.memory_space<vmem>>
      %dma_start3A_1633 = arith.constant 0 : i32
      %dma_start3A_1634 = tpu.memref_slice %arg9[%add3A_850, %add3A_1629, %dma_start3A_1633] : memref<128x512x768xf32, #tpu.memory_space<hbm>> -> memref<1x8x768xf32, #tpu.memory_space<hbm>>
      %dma_start3A_1635 = tpu.memref_squeeze %dma_start3A_1634 : memref<1x8x768xf32, #tpu.memory_space<hbm>> -> memref<8x768xf32, #tpu.memory_space<hbm>>
      %dma_start3A_1636 = arith.constant 0 : i32
      %dma_start3A_1637 = tpu.memref_slice %arg9[%add3A_850, %add3A_1629, %dma_start3A_1636] : memref<128x512x768xf32, #tpu.memory_space<hbm>> -> memref<1x8x768xf32, #tpu.memory_space<hbm>>
      %dma_start3A_1638 = tpu.memref_squeeze %dma_start3A_1637 : memref<1x8x768xf32, #tpu.memory_space<hbm>> -> memref<8x768xf32, #tpu.memory_space<hbm>>
      %dma_start3A_1639 = arith.constant 8 : i32
      %dma_start3A_1640 = arith.constant 0 : i32
      %dma_start3A_1641 = tpu.memref_slice %arg15[%dma_start3A_1639, %dma_start3A_1640] : memref<16x768xf32, #tpu.memory_space<vmem>> -> memref<8x768xf32, #tpu.memory_space<vmem>>
      tpu.enqueue_dma source(%dma_start3A_1641 : memref<8x768xf32, #tpu.memory_space<vmem>>) target(%dma_start3A_1638 : memref<8x768xf32, #tpu.memory_space<hbm>>) target_semaphore(%arg17 : memref<!tpu.dma_semaphore, #tpu.memory_space<semaphore_mem>>)
    }
    %scan3A_50 = arith.constant 64 : i32
    %dma_wait3A = arith.constant 126 : i32
    %dma_wait3A_51 = arith.constant 0 : i32
    %dma_wait3A_52 = tpu.memref_slice %arg9[%dma_wait3A, %mul3A_2, %dma_wait3A_51] : memref<128x512x768xf32, #tpu.memory_space<hbm>> -> memref<1x16x768xf32, #tpu.memory_space<hbm>>
    %dma_wait3A_53 = tpu.memref_squeeze %dma_wait3A_52 : memref<1x16x768xf32, #tpu.memory_space<hbm>> -> memref<16x768xf32, #tpu.memory_space<hbm>>
    %dma_wait3A_54 = arith.constant 0 : i32
    %dma_wait3A_55 = tpu.memref_slice %arg9[%dma_wait3A, %mul3A_2, %dma_wait3A_54] : memref<128x512x768xf32, #tpu.memory_space<hbm>> -> memref<1x16x768xf32, #tpu.memory_space<hbm>>
    %dma_wait3A_56 = tpu.memref_squeeze %dma_wait3A_55 : memref<1x16x768xf32, #tpu.memory_space<hbm>> -> memref<16x768xf32, #tpu.memory_space<hbm>>
    tpu.wait_dma2 semaphore(%arg16 : memref<!tpu.dma_semaphore, #tpu.memory_space<semaphore_mem>>) src(%arg14 : memref<16x768xf32, #tpu.memory_space<vmem>>) dst(%dma_wait3A_56 : memref<16x768xf32, #tpu.memory_space<hbm>>)
    %dma_wait3A_57 = arith.constant 127 : i32
    %dma_wait3A_58 = arith.constant 0 : i32
    %dma_wait3A_59 = tpu.memref_slice %arg9[%dma_wait3A_57, %mul3A_2, %dma_wait3A_58] : memref<128x512x768xf32, #tpu.memory_space<hbm>> -> memref<1x16x768xf32, #tpu.memory_space<hbm>>
    %dma_wait3A_60 = tpu.memref_squeeze %dma_wait3A_59 : memref<1x16x768xf32, #tpu.memory_space<hbm>> -> memref<16x768xf32, #tpu.memory_space<hbm>>
    %dma_wait3A_61 = arith.constant 0 : i32
    %dma_wait3A_62 = tpu.memref_slice %arg9[%dma_wait3A_57, %mul3A_2, %dma_wait3A_61] : memref<128x512x768xf32, #tpu.memory_space<hbm>> -> memref<1x16x768xf32, #tpu.memory_space<hbm>>
    %dma_wait3A_63 = tpu.memref_squeeze %dma_wait3A_62 : memref<1x16x768xf32, #tpu.memory_space<hbm>> -> memref<16x768xf32, #tpu.memory_space<hbm>>
    tpu.wait_dma2 semaphore(%arg17 : memref<!tpu.dma_semaphore, #tpu.memory_space<semaphore_mem>>) src(%arg15 : memref<16x768xf32, #tpu.memory_space<vmem>>) dst(%dma_wait3A_63 : memref<16x768xf32, #tpu.memory_space<hbm>>)
    return
  }
}

</mosaic_0001>

<sc_bundles>
// kernel: kernel.3.cloned.1.call-start
scs
__scs_entry_jumppad:
0x0: {  	(pc) =	sbr.rel $0x88, $3  }
0x1: {  	(tag) =	ssettag $0x0;
	lr =	simm.s32 $0x1  }
0x2: {  	[smem:$0x3F9A] =	sst lr;
	_ =	strace $0xD0000000  }
0x3: {  	_ = 	snop  }
0x4: {  	_ = 	snop  }
0x5: {  	_ = 	snop  }
0x6: {  	_ = 	snop  }
0x7: {  	_ = 	snop  }
__scs_overlays_trampoline_lowered:
0x8: {  	[smem:$0x3FA9] =	sst s0  }
0x9: {  	[smem:$0x3FAA] =	sst s1  }
0xa: {  	[smem:$0x3FAB] =	sst s2  }
0xb: {  	[smem:$0x3FAC] =	sst s3  }
0xc: {  	[smem:$0x3FAD] =	sst s4  }
0xd: {  	[smem:$0x3FAE] =	sst s5  }
0xe: {  	[smem:$0x3FAF] =	sst s6  }
0xf: {  	[smem:$0x3FB0] =	sst s7  }
0x10: {  	[smem:$0x3FB1] =	sst s8  }
0x11: {  	[smem:$0x3FB2] =	sst s9;
	s0 =	simm.s32 @!p0 $0x0  }
0x12: {  	s1 =	sld [smem:$0x3F98];
	s0 =	simm.s32 @p0 $0x1  }
0x13: {  	[smem:$0x3FB3] =	sst s0;
	s0 =	simm.s32 @!p1 $0x0  }
0x14: {  	s2 =	sld [smem:$0x3F97];
	s0 =	simm.s32 @p1 $0x1  }
0x15: {  	[smem:$0x3FB4] =	sst s0;
	s0 =	simm.s32 @!p2 $0x0  }
0x16: {  	s3 =	sld [smem:$0x3FDB];
	s0 =	simm.s32 @p2 $0x1  }
0x17: {  	s4 =	simm.s32 $0x1BF5;
	[smem:$0x3FB6] =	sst s0  }
0x18: {  	s0 =	sld [smem:$0x3F99];
	_ =	swait.ge [sflag:s4], $0x0  }
0x19: {  	s7 =	sld [smem:$0x3F9A]  }
0x1a: {  	s8 =	sadd.s32 $0xFFFFE003, lr  }
0x1b: {  	s9 =	sadd.s32 $0xFFFFFEF7, lr;
	s5 =	simm.s32 $0xFFFFFFFF;
	p2 =	slt.u32 s8, $0xFFFFF086  }
0x1c: {  	p1 =	slt.u32 s9, $0xF7A;
	s5 =	simm.s32 @!p2 $0x0  }
0x1d: {  	s5 =	simm.s32 @p1 $0x1;
	p0 =	seq.s32 s7, s2  }
0x1e: {  	s7 =	smul.u32 @!p0 $0xF7A, s2;
	p2 =	seq.s32 @!p0 s5, $0x0  }
0x1f: {  	s9 =	smul.u32 $0xF7A, s1;
	s8 =	simm.s32 @!p0 $0x1BF5;
	p2 =	por !p2, p0  }
0x20: {  	[sflag:s8] =	ssyncset.s32 @!p0 $0xFFFFF086;
	s6 =	sadd.s32 @!p0 s3, s7;
	s7 =	simm.s32 @!p0 $0x108  }
0x21: {  	s3 =	sadd.s32 s3, s9;
	s6 =	sadd.s32 @!p0 $0x88, s6;
	s7 =	simm.s32 @p2 $0x1082  }
0x22: {  	[simem:s7], [sflag:s8] =	dma.local @!p0 [hbm:s6], $0xF7A  }
0x23: {  	s9 =	sor.u32 $0xD0000000, s2;
	s6 =	simm.s32 $0x108;
	_ =	swait.ge @!p0 [sflag:s8], $0x0  }
0x24: {  	s3 =	sadd.s32 $0x88, s3;
	s6 =	simm.s32 @!p1 $0x1082;
	[sflag:s4] =	ssyncset.s32 $0xFFFFF086  }
0x25: {  	[simem:s6], [sflag:s4] =	dma.local [hbm:s3], $0xF7A  }
0x26: {  	[smem:$0x3F9A] =	sst s1;
	(tag) =	ssettag s2;
	_ =	strace s9  }
0x27: {  	s1 =	sld [smem:$0x3FAA]  }
0x28: {  	s2 =	sld [smem:$0x3FAB]  }
0x29: {  	s4 =	sld [smem:$0x3FAD]  }
0x2a: {  	p0 =	seq.s32 s5, $0x0;
	s5 =	sld [smem:$0x3FAE]  }
0x2b: {  	s6 =	sld [smem:$0x3FAF]  }
0x2c: {  	s7 =	sld [smem:$0x3FB0]  }
0x2d: {  	s3 =	simm.s32 $0x108;
	s8 =	sld [smem:$0x3FB1]  }
0x2e: {  	s3 =	simm.s32 @!p0 $0x1082;
	s9 =	sld [smem:$0x3FB2]  }
0x2f: {  	lr =	sadd.s32 s0, s3;
	s0 =	sld [smem:$0x3FA9]  }
0x30: {  	s3 =	sld [smem:$0x3FAC]  }
0x31: {  	[smem:$0x3FB5] =	sst s10  }
0x32: {  	s10 =	sld [smem:$0x3FB3];
	_ =	sdelay $0x3  }
0x33: {  	p0 =	seq.s32 s10, $0x1;
	s10 =	sld [smem:$0x3FB5];
	_ =	sdelay $0x3  }
0x34: {  	[smem:$0x3FB5] =	sst s10  }
0x35: {  	s10 =	sld [smem:$0x3FB4];
	_ =	sdelay $0x3  }
0x36: {  	p1 =	seq.s32 s10, $0x1;
	s10 =	sld [smem:$0x3FB5];
	_ =	sdelay $0x3  }
0x37: {  	[smem:$0x3FB5] =	sst s10  }
0x38: {  	s10 =	sld [smem:$0x3FB6]  }
0x39: {  	_ = 	snop;
	(pc) =	sbr.ind lr, $3  }
0x3a: {  	_ = 	snop  }
0x3b: {  	_ = 	snop  }
0x3c: {  	p2 =	seq.s32 s10, $0x1;
	s10 =	sld [smem:$0x3FB5]  }
0x3d: {  	_ =	shalt  }
0x3e: {  	_ =	shalt  }
0x3f: {  	_ =	shalt  }
0x40: {  	_ =	shalt  }
0x41: {  	_ =	shalt  }
0x42: {  	_ =	shalt  }
0x43: {  	_ =	shalt  }
0x44: {  	_ =	shalt  }
0x45: {  	_ =	shalt  }
0x46: {  	_ =	shalt  }
0x47: {  	_ =	shalt  }
0x48: {  	_ =	shalt  }
0x49: {  	_ =	shalt  }
0x4a: {  	_ =	shalt  }
0x4b: {  	_ =	shalt  }
0x4c: {  	_ =	shalt  }
0x4d: {  	_ =	shalt  }
0x4e: {  	_ =	shalt  }
0x4f: {  	_ =	shalt  }
0x50: {  	_ =	shalt  }
0x51: {  	_ =	shalt  }
0x52: {  	_ =	shalt  }
0x53: {  	_ =	shalt  }
0x54: {  	_ =	shalt  }
0x55: {  	_ =	shalt  }
0x56: {  	_ =	shalt  }
0x57: {  	_ =	shalt  }
0x58: {  	_ =	shalt  }
0x59: {  	_ =	shalt  }
0x5a: {  	_ =	shalt  }
0x5b: {  	_ =	shalt  }
0x5c: {  	_ =	shalt  }
0x5d: {  	_ =	shalt  }
0x5e: {  	_ =	shalt  }
0x5f: {  	_ =	shalt  }
0x60: {  	_ =	shalt  }
0x61: {  	_ =	shalt  }
0x62: {  	_ =	shalt  }
0x63: {  	_ =	shalt  }
0x64: {  	_ =	shalt  }
0x65: {  	_ =	shalt  }
0x66: {  	_ =	shalt  }
0x67: {  	_ =	shalt  }
0x68: {  	_ =	shalt  }
0x69: {  	_ =	shalt  }
0x6a: {  	_ =	shalt  }
0x6b: {  	_ =	shalt  }
0x6c: {  	_ =	shalt  }
0x6d: {  	_ =	shalt  }
0x6e: {  	_ =	shalt  }
0x6f: {  	_ =	shalt  }
0x70: {  	_ =	shalt  }
0x71: {  	_ =	shalt  }
0x72: {  	_ =	shalt  }
0x73: {  	_ =	shalt  }
0x74: {  	_ =	shalt  }
0x75: {  	_ =	shalt  }
0x76: {  	_ =	shalt  }
0x77: {  	_ =	shalt  }
0x78: {  	_ =	shalt  }
0x79: {  	_ =	shalt  }
0x7a: {  	_ =	shalt  }
0x7b: {  	_ =	shalt  }
0x7c: {  	_ =	shalt  }
0x7d: {  	_ =	shalt  }
0x7e: {  	_ =	shalt  }
0x7f: {  	_ =	shalt  }
0x80: {  	_ =	shalt  }
0x81: {  	_ =	shalt  }
0x82: {  	_ =	shalt  }
0x83: {  	_ =	shalt  }
0x84: {  	_ =	shalt  }
0x85: {  	_ =	shalt  }
0x86: {  	_ =	shalt  }
0x87: {  	_ =	shalt  }
.Lfunc_end0:
.L_simem_size_0:
called_computation_lowered:
.L_overlay_start_0:
0x88: {  	s2 =	sld [smem:$0x3FD9]  }
0x89: {  	s3 =	sld [smem:$0x3FFE];
	_ =	sdelay $0x1  }
0x8a: {  	s1 =	srdreg.scid  }
0x8b: {  	s0 =	sand.u32 $0x1, s1  }
0x8c: {  	s17 =	sshll.u32 s0, $0xA;
	s2 =	sadd.s32 s3, s2  }
0x8d: {  	s2 =	sadd.s32 s2, s17  }
0x8e: {  	[smem:$0x3FC1] =	sst s2  }
0x8f: {  	_ = 	snop  }
0x90: {  	s2 =	sld [smem:$0x3FC7]  }
0x91: {  	s18 =	sld [smem:$0x3FC6]  }
0x92: {  	s4 =	sld [smem:$0x3FC5]  }
0x93: {  	s5 =	sld [smem:$0x3FC4]  }
0x94: {  	s6 =	sld [smem:$0x3FC3]  }
0x95: {  	s7 =	sld [smem:$0x3FD0];
	(tm) =	ssettm $0x1  }
0x96: {  	s8 =	sld [smem:$0x3FFB];
	_ =	sdelay $0x3  }
0x97: {  	_ =	strace s8  }
0x98: {  	s8 =	sld [smem:$0x3FFC];
	_ =	sdelay $0x3  }
0x99: {  	_ =	strace s8  }
0x9a: {  	s8 =	sld [smem:$0x3FFD];
	_ =	sdelay $0x3  }
0x9b: {  	_ =	strace s8  }
0x9c: {  	_ =	strace $0x8FFFFFFF  }
0x9d: {  	s19 =	sld [smem:$0x3FDB];
	_ =	sdelay $0x1  }
0x9e: {  	s9 =	simm.s32 $_scs_section_size  }
0x9f: {  	s10 =	simm.s32 $_size__tile_overlayer_lowered;
	s11 =	simm.s32 $_tile_overlayer_lowered  }
0xa0: {  	s22 =	simm.s32 $0x1BFF;
	s21 =	sshll.u32 s11, $0x1;
	s8 =	sadd.s32 s9, s19  }
0xa1: {  	s12 =	simm.s32 $0x0;
	s20 =	sshll.u32 s10, $0x1;
	s10 =	sadd.s32 s21, s8  }
0xa2: {  	[timem:s12], [sflag:s22] =	dma.local [hbm:s10], s20  }
0xa3: {  	_ =	swait.ge [sflag:s22], s20  }
0xa4: {  	s9 =	ssub.s32 $0x0, s20;
	[sflag:s22] =	ssyncset.done $0x0  }
0xa5: {  	[sflag:s22] =	ssyncadd.s32 s9;
	_ =	sdelay $0x1  }
0xa6: {  	s23 =	simm.s32 $0x1B8B  }
0xa7: {  	_ =	swait.ge [sflag:s23], $0x1  }
0xa8: {  	[sflag:s23] =	ssyncset.done $0x0  }
0xa9: {  	s25 =	simm.s32 $0x1B8E;
	s24 =	sld [smem:$0x3FFE];
	[sflag:s23] =	ssyncadd.s32 $0xFFFFFFFF  }
0xaa: {  	s26 =	simm.s32 $execute0_lowered;
	[smem:$0x3FD2] =	sst s25  }
0xab: {  	s10 =	sshll.u32 s26, $0x1;
	_ =	strace $0x80000046;
	[dreg:$0x1] =	wrdreg $0xFFFFFFFF  }
0xac: {  	s28 =	simm.s32 $_size_execute0_lowered;
	s8 =	sadd.s32 s8, s10;
	[dreg:$0x0] =	wrdreg $0x0  }
0xad: {  	s10 =	sshll.u32 s28, $0x1;
	[dreg:$0x2] =	wrdreg s8  }
0xae: {  	[dreg:$0x3] =	wrdreg s10  }
0xaf: {  	[dreg:$0x4] =	wrdreg $0xC0  }
0xb0: {  	_ =	task [dreg:s12], $0x5FFFF  }
0xb1: {  	[dreg:$0x1] =	wrdreg $0xFFFFFFFF  }
0xb2: {  	[dreg:$0x0] =	wrdreg $0x60  }
0xb3: {  	[dreg:$0x2] =	wrdreg s24  }
0xb4: {  	[dreg:$0x3] =	wrdreg s2  }
0xb5: {  	[dreg:$0x4] =	wrdreg s18  }
0xb6: {  	[dreg:$0x5] =	wrdreg s4  }
0xb7: {  	[dreg:$0x6] =	wrdreg s5  }
0xb8: {  	[dreg:$0x7] =	wrdreg s6  }
0xb9: {  	[dreg:$0x8] =	wrdreg s7  }
0xba: {  	[dreg:$0x9] =	wrdreg $0x9  }
0xbb: {  	_ =	task.clear_ibuf [dreg:s12], $0xAFFFF;
	_ =	strace $0x90000046  }
0xbc: {  	s29 =	simm.s32 $0x9;
	_ =	strace $0x80000048  }
0xbd: {  	_ =	swait.ge [sflag:s29], $0x1  }
0xbe: {  	[sflag:s29] =	ssyncadd.s32 $0xFFFFFFFF  }
0xbf: {  	_ =	strace $0x90000048  }
0xc0: {  	_ =	sfence  }
0xc1: {  	s30 =	sld [smem:$0x0];
	_ =	sdelay $0x2  }
0xc2: {  	s31 =	sshll.u32 s1, $0xD;
	s1 =	sshrl.u32 s1, $0x2  }
0xc3: {  	s3 =	sand.u32 $0x4000, s31;
	s1 =	sadd.s32 s1, s30  }
0xc4: {  	s0 =	sor.u32 s3, s0;
	s1 =	sshll.u32 s1, $0x11  }
0xc5: {  	s0 =	sor.u32 s1, s0  }
0xc6: {  	s0 =	sadd.s32 $0x8F2B, s0  }
0xc7: {  	[sflag:s0] =	ssyncadd.remote.s32 $0x1  }
0xc8: {  	_ =	sfence.sel $0xFFFF  }
0xc9: {  	[dreg:$0x0] =	wrdreg $0xFFFFFFFF;
	(pc) =	sbr.abs _section_cstart, $3  }
0xca: {  	[dreg:$0x1] =	wrdreg $0xFFFFFFFF  }
0xcb: {  	_ =	task.clear_ibuf [dreg:s12], $0x2FFFF;
	_ =	strace $0x9FFFFFFF  }
0xcc: {  	(tm) =	ssettm $0x7FFFFFFF  }
0xcd: {  	_ =	shalt  }
tec
execute0_lowered:
.L_overlay_start_1:
0x0: {  	(tag) =	ssettag $0x1  }
0x1: {  	s0 =	rddreg [dreg:$0x0]  }
0x2: {  	s5 =	rddreg [dreg:$0x1]  }
0x3: {  	s1 =	rddreg [dreg:$0x2];
	s2 =	srdreg.scid  }
0x4: {  	s3 =	stileid.u32;
	s4 =	simm.s32 $0x0;
	s2 =	sand.u32 $0x1, s2  }
0x5: {  	s3 =	sshll.u32 s3, $0x1;
	[smem:$0x7FF] =	sst s4;
	s28 =	sadd.s32 $0x100, s5  }
0x6: {  	s29 =	sadd.s32 $0x200, s5;
	s3 =	sor.u32 s2, s3;
	_ =	strace $0x80000047  }
0x7: {  	[dreg:$0xc] =	wrdreg s28;
	s6 =	smul.u32 $0x3000, s3;
	s3 =	sshll.u32 s3, $0x8  }
0x8: {  	[dreg:$0xd] =	wrdreg s29;
	s0 =	sadd.s32 s3, s0  }
0x9: {  	s2 =	ssub.s32 $0x2, s2;
	s26 =	sadd.s32 $0x2400, s0;
	[dreg:$0x8] =	wrdreg s6  }
0xa: {  	v0 =	vlaneseq.u32;
	s24 =	sshrl.u32 s2, $0x1;
	s0 =	sadd.s32 $0x400, s0;
	[dreg:$0xa] =	wrdreg s26  }
0xb: {  	v1 =	vand.u32 $0x7, v0;
	v0 =	vshrl.u32 v0, $0x3;
	s2 =	ssub.s32 s2, s24;
	s30 =	sadd.s32 $0x1800, s6;
	[dreg:$0xb] =	wrdreg s0  }
0xc: {  	v0 =	vmul.u32 $0x8, v0;
	s25 =	sshrl.u32 s6, $0x3;
	s31 =	smax.u32 s2, $0x1;
	[dreg:$0xe] =	wrdreg s30  }
0xd: {  	vm0 =	vmmov $0xffff;
	s10 =	simm.s32 $0x3;
	v14 =	vimm.s32 $0x1C;
	[tilespmem:$0x1FFE0] =	vst v1;
	s1 =	sadd.s32 s1, s25;
	[dreg:$0xf] =	wrdreg s31  }
0xe: {  	v15 =	vimm.s32 $0x1D;
	v16 =	vimm.s32 $0x1E;
	v17 =	vimm.s32 $0x1F;
	s5 =	simm.s32 $0x600;
	[tilespmem:$0x1FFF0] =	vst v0;
	s2 =	simm.s32 $0x0;
	[dreg:$0x9] =	wrdreg s1  }
.LBB2_1:
0xf: {  	[dreg:$0x10] =	wrdreg s2;
	s1 =	simm.s32 $0x0  }
0x10: {  	s0 =	rddreg [dreg:$0x9];
	s18 =	simm.s32 $0x6E80;
	s3 =	simm.s32 $0x5  }
0x11: {  	[tilespmem:s18], [sflag:$0x5] =	stream.linear.gather [hbm4b:s0+s1], $0x3000, $0x38;
	[tilespmem:$0x10F80] =	vst v63  }
0x12: {  	_ =	swait.ge [sflag:s3], $0x3000  }
0x13: {  	[sflag:s3] =	ssyncset.done $0x0  }
0x14: {  	[sflag:s3] =	ssyncadd.s32 $0xFFFFD000  }
0x15: {  	s20 =	simm.s32 $0xA680;
	s19 =	rddreg [dreg:$0x3]  }
0x16: {  	[tilespmem:s20], [sflag:$0x5] =	stream.linear.gather [hbm4b:s19+s1], $0x600, $0x38;
	[tilespmem:$0x10F80] =	vst v63  }
0x17: {  	_ =	swait.ge [sflag:s3], $0x600  }
0x18: {  	[sflag:s3] =	ssyncset.done $0x0  }
0x19: {  	[sflag:s3] =	ssyncadd.s32 $0xFFFFFA00  }
0x1a: {  	s22 =	simm.s32 $0x10C80;
	s21 =	rddreg [dreg:$0x4]  }
0x1b: {  	[tilespmem:s22], [sflag:$0x5] =	stream.linear.gather [hbm4b:s21+s1], $0x300, $0x38;
	[tilespmem:$0x10F80] =	vst v63  }
0x1c: {  	_ =	swait.ge [sflag:s3], $0x300  }
0x1d: {  	[sflag:s3] =	ssyncset.done $0x0  }
0x1e: {  	[sflag:s3] =	ssyncadd.s32 $0xFFFFFD00  }
0x1f: {  	s23 =	rddreg [dreg:$0x5]  }
0x20: {  	[tilespmem:s1], [sflag:$0x5] =	stream.linear.gather [hbm4b:s23+s1], $0x300, $0x38;
	[tilespmem:$0x10F80] =	vst v63  }
0x21: {  	_ =	swait.ge [sflag:s3], $0x300  }
0x22: {  	[sflag:s3] =	ssyncset.done $0x0  }
0x23: {  	s25 =	simm.s32 $0x680;
	s24 =	rddreg [dreg:$0xa];
	[sflag:s3] =	ssyncadd.s32 $0xFFFFFD00  }
0x24: {  	[tilespmem:s25], [sflag:$0x5] =	stream.linear.gather [hbm4b:s24+s1], $0x800, $0x38;
	[tilespmem:$0x10F80] =	vst v63  }
0x25: {  	_ =	swait.ge [sflag:s3], $0x800  }
0x26: {  	[sflag:s3] =	ssyncset.done $0x0  }
0x27: {  	s28 =	simm.s32 $0x9E80;
	s26 =	rddreg [dreg:$0xb];
	[sflag:s3] =	ssyncadd.s32 $0xFFFFF800  }
0x28: {  	[tilespmem:s28], [sflag:$0x5] =	stream.linear.gather [hbm4b:s26+s1], $0x800, $0x38;
	[tilespmem:$0x10F80] =	vst v63  }
0x29: {  	s29 =	simm.s32 $0x0;
	_ =	swait.ge [sflag:s3], $0x800  }
0x2a: {  	s30 =	sand.u32 $0x70, s1;
	s0 =	sand.u32 $0xFFFFFF00, s29;
	[sflag:s3] =	ssyncset.done $0x0  }
0x2b: {  	s0 =	sor.u32 s30, s0;
	[sflag:s3] =	ssyncadd.s32 $0xFFFFF800  }
0x2c: {  	v18 =	vld [tilespmem:s0+$0xA680]  }
0x2d: {  	v0 =	vld [tilespmem:s0+$0xA700];
	_ =	sdelay $0x4  }
0x2e: {  	s31 =	simm.s32 $0x0;
	v0 =	vsub.f32 v0, v18  }
0x2f: {  	s1 =	simm.s32 $0x300;
	s0 =	sand.u32 $0x3FFFFC00, s31  }
0x30: {  	s0 =	sor.u32 s30, s0;
	[tilespmem:s1+$0x0] =	vst v0  }
0x31: {  	v3 =	vld [tilespmem:s0+$0x6E80]  }
0x32: {  	v2 =	vld [tilespmem:s0+$0x6F00]  }
0x33: {  	v1 =	vld [tilespmem:s0+$0x6F80]  }
0x34: {  	s2 =	simm.s32 $0x1;
	s3 =	simm.s32 $0x0;
	v0 =	vld [tilespmem:s0+$0x7000]  }
.LBB2_2:
0x35: {  	p0 =	sne.s32 s2, $0x2F;
	v4 =	vld [tilespmem:s0+$0x7080];
	s1 =	sadd.s32 $0x10, s1;
	s3 =	sadd.s32 $0x10, s3  }
0x36: {  	s4 =	smov.u32 s2;
	s2 =	sadd.s32 $0x1, s2;
	v3 =	vadd.f32 v3, v18;
	v5 =	vld [tilespmem:s0+$0x7100]  }
0x37: {  	v2 =	vadd.f32 v2, v18;
	v6 =	vld [tilespmem:s0+$0x7180]  }
0x38: {  	[tilespmem:s0+$0x6E80] =	vst v3;
	v1 =	vadd.f32 v1, v18;
	v3 =	vld [tilespmem:s0+$0x8780]  }
0x39: {  	[tilespmem:s0+$0x6F00] =	vst v2;
	v0 =	vadd.f32 v0, v18;
	v2 =	vld [tilespmem:s0+$0x8680]  }
0x3a: {  	[tilespmem:s0+$0x6F80] =	vst v1;
	v1 =	vadd.f32 v4, v18;
	v4 =	vld [tilespmem:s0+$0x7200]  }
0x3b: {  	[tilespmem:s0+$0x7000] =	vst v0;
	v0 =	vadd.f32 v5, v18;
	v5 =	vld [tilespmem:s0+$0x8700]  }
0x3c: {  	[tilespmem:s0+$0x7080] =	vst v1;
	v1 =	vadd.f32 v6, v18;
	v6 =	vld [tilespmem:s0+$0x8800]  }
0x3d: {  	[tilespmem:s0+$0x7100] =	vst v0;
	v0 =	vadd.f32 v3, v18;
	v3 =	vld [tilespmem:s0+$0x8880]  }
0x3e: {  	[tilespmem:s0+$0x7180] =	vst v1;
	v1 =	vadd.f32 v2, v18;
	v2 =	vld [tilespmem:s0+$0x8900]  }
0x3f: {  	v4 =	vadd.f32 v4, v18;
	[tilespmem:s0+$0x8780] =	vst v0;
	v0 =	vld [tilespmem:s0+$0x8980]  }
0x40: {  	[tilespmem:s0+$0x8680] =	vst v1;
	v1 =	vadd.f32 v5, v18;
	v5 =	vld [tilespmem:s0+$0x8A00]  }
0x41: {  	[tilespmem:s0+$0x7200] =	vst v4;
	v4 =	vadd.f32 v6, v18  }
0x42: {  	s4 =	sshll.u32 s4, $0x7;
	[tilespmem:s0+$0x8700] =	vst v1;
	v1 =	vadd.f32 v3, v18  }
0x43: {  	s6 =	sshra.s32 s4, $0x2;
	s4 =	sand.u32 $0x3FFFFC00, s4;
	[tilespmem:s0+$0x8800] =	vst v4;
	v2 =	vadd.f32 v2, v18  }
0x44: {  	s7 =	sand.u32 $0x70, s3;
	s6 =	sand.u32 $0xFFFFFF00, s6;
	[tilespmem:s0+$0x8880] =	vst v1;
	v0 =	vadd.f32 v0, v18  }
0x45: {  	s6 =	sor.u32 s7, s6;
	[tilespmem:s0+$0x8900] =	vst v2;
	v1 =	vadd.f32 v5, v18  }
0x46: {  	[tilespmem:s0+$0x8980] =	vst v0  }
0x47: {  	[tilespmem:s0+$0x8A00] =	vst v1  }
0x48: {  	v18 =	vld [tilespmem:s6+$0xA680]  }
0x49: {  	v0 =	vld [tilespmem:s6+$0xA700];
	_ =	sdelay $0x4  }
0x4a: {  	s0 =	sor.u32 s7, s4;
	v0 =	vsub.f32 v0, v18;
	_ =	sdelay $0x1  }
.Ltmp0:
0x4b: {  	[tilespmem:s1+$0x0] =	vst v0;
	(pc) =	sbr.rel @p0 .LBB2_2-.Ltmp0, $4  }
0x4c: {  	v3 =	vld [tilespmem:s0+$0x6E80]  }
0x4d: {  	v2 =	vld [tilespmem:s0+$0x6F00]  }
0x4e: {  	v1 =	vld [tilespmem:s0+$0x6F80]  }
0x4f: {  	v0 =	vld [tilespmem:s0+$0x7000]  }
0x50: {  	v4 =	vld [tilespmem:s0+$0x7080]  }
0x51: {  	v5 =	vld [tilespmem:s0+$0x7100];
	v3 =	vadd.f32 v3, v18  }
0x52: {  	v6 =	vld [tilespmem:s0+$0x7180];
	v2 =	vadd.f32 v2, v18  }
0x53: {  	v43 =	vld [tilespmem:s0+$0x8780];
	[tilespmem:s0+$0x6E80] =	vst v3;
	v1 =	vadd.f32 v1, v18  }
0x54: {  	v44 =	vld [tilespmem:s0+$0x8680];
	[tilespmem:s0+$0x6F00] =	vst v2;
	v0 =	vadd.f32 v0, v18  }
0x55: {  	v49 =	vld [tilespmem:s0+$0x7200];
	[tilespmem:s0+$0x6F80] =	vst v1;
	v45 =	vadd.f32 v4, v18  }
0x56: {  	v48 =	vld [tilespmem:s0+$0x8800];
	v47 =	vadd.f32 v5, v18;
	[tilespmem:s0+$0x7000] =	vst v0  }
0x57: {  	v50 =	vld [tilespmem:s0+$0x8880];
	v6 =	vadd.f32 v6, v18;
	[tilespmem:s0+$0x7080] =	vst v45  }
0x58: {  	v51 =	vld [tilespmem:s0+$0x8900];
	v3 =	vadd.f32 v43, v18;
	[tilespmem:s0+$0x7100] =	vst v47  }
0x59: {  	v52 =	vld [tilespmem:s0+$0x8980];
	v2 =	vadd.f32 v44, v18;
	[tilespmem:s0+$0x7180] =	vst v6  }
0x5a: {  	v53 =	vld [tilespmem:s0+$0x8A00];
	v5 =	vadd.f32 v49, v18;
	[tilespmem:s0+$0x8780] =	vst v3  }
0x5b: {  	v46 =	vld [tilespmem:s0+$0x8700];
	v1 =	vadd.f32 v48, v18;
	[tilespmem:s0+$0x8680] =	vst v2  }
0x5c: {  	v54 =	vadd.f32 v50, v18;
	[tilespmem:s0+$0x7200] =	vst v5  }
0x5d: {  	v55 =	vadd.f32 v51, v18;
	[tilespmem:s0+$0x8800] =	vst v1  }
0x5e: {  	v56 =	vadd.f32 v52, v18;
	[tilespmem:s0+$0x8880] =	vst v54  }
0x5f: {  	v57 =	vadd.f32 v53, v18;
	[tilespmem:s0+$0x8900] =	vst v55  }
0x60: {  	v0 =	vadd.f32 v46, v18;
	[tilespmem:s0+$0x8980] =	vst v56  }
0x61: {  	[tilespmem:s0+$0x8A00] =	vst v57  }
0x62: {  	[tilespmem:s0+$0x8700] =	vst v0  }
0x63: {  	v0 =	vld.msk [tilespmem:$0x680], $0xff;
	_ =	sdelay $0x3  }
0x64: {  	v59 =	vld [tilespmem:$0x1FFE0]  }
0x65: {  	v58 =	vshrl.u32 v0, $0x3  }
0x66: {  	v60 =	vld [tilespmem:$0x1FFF0];
	v1 =	vmul.u32 $0x30, v58  }
0x67: {  	v0 =	vand.u32 $0x7, v0  }
0x68: {  	v0 =	vor.u32 v0, v1  }
0x69: {  	v0 =	vperm.xlane v0, v59;
	_ =	sdelay $0x1  }
0x6a: {  	v0 =	vadd.s32 v60, v0;
	_ =	sdelay $0x3  }
0x6b: {  	s4 =	simm.s32 $0x0;
	s19 =	rddreg [dreg:$0x1];
	s1 =	simm.s32 $0xAC80  }
0x6c: {  	[tilespmem:s1], [sflag:$0x3] =	stream.indirect_vreg.gather [hbm4b:s19+s4], $0x80, v0, vm0, $0xb8;
	[tilespmem:$0x10F80] =	vst v63  }
0x6d: {  	s20 =	rddreg [dreg:$0xc];
	s2 =	simm.s32 $0xB480  }
0x6e: {  	[tilespmem:s2], [sflag:$0x3] =	stream.indirect_vreg.gather [hbm4b:s20+s4], $0x80, v0, vm0, $0xb8;
	[tilespmem:$0x10F80] =	vst v63  }
0x6f: {  	s21 =	rddreg [dreg:$0xd];
	s3 =	simm.s32 $0xBC80  }
0x70: {  	[tilespmem:s3], [sflag:$0x3] =	stream.indirect_vreg.gather [hbm4b:s21+s4], $0x80, v0, vm0, $0xb8;
	[tilespmem:$0x10F80] =	vst v63  }
0x71: {  	v0 =	vld.msk [tilespmem:$0x688], $0xff;
	_ =	sdelay $0x4  }
0x72: {  	v61 =	vshrl.u32 v0, $0x3  }
0x73: {  	v1 =	vmul.u32 $0x30, v61  }
0x74: {  	v0 =	vand.u32 $0x7, v0  }
0x75: {  	v0 =	vor.u32 v0, v1  }
0x76: {  	v0 =	vperm.xlane v0, v59;
	_ =	sdelay $0x1  }
0x77: {  	v0 =	vadd.s32 v60, v0;
	_ =	sdelay $0x3  }
0x78: {  	s22 =	simm.s32 $0xC480  }
0x79: {  	[tilespmem:s22], [sflag:$0x3] =	stream.indirect_vreg.gather [hbm4b:s19+s4], $0x80, v0, vm0, $0xb8;
	[tilespmem:$0x10F80] =	vst v63  }
0x7a: {  	s23 =	simm.s32 $0xCC80  }
0x7b: {  	[tilespmem:s23], [sflag:$0x3] =	stream.indirect_vreg.gather [hbm4b:s20+s4], $0x80, v0, vm0, $0xb8;
	[tilespmem:$0x10F80] =	vst v63  }
0x7c: {  	s24 =	simm.s32 $0xD480  }
0x7d: {  	[tilespmem:s24], [sflag:$0x3] =	stream.indirect_vreg.gather [hbm4b:s21+s4], $0x80, v0, vm0, $0xb8;
	[tilespmem:$0x10F80] =	vst v63  }
0x7e: {  	v0 =	vld.msk [tilespmem:$0x690], $0xff;
	_ =	sdelay $0x4  }
0x7f: {  	v62 =	vshrl.u32 v0, $0x3  }
0x80: {  	v1 =	vmul.u32 $0x30, v62  }
0x81: {  	v0 =	vand.u32 $0x7, v0  }
0x82: {  	v0 =	vor.u32 v0, v1  }
0x83: {  	v0 =	vperm.xlane v0, v59;
	_ =	sdelay $0x1  }
0x84: {  	v0 =	vadd.s32 v60, v0;
	_ =	sdelay $0x3  }
0x85: {  	s25 =	simm.s32 $0xDC80  }
0x86: {  	[tilespmem:s25], [sflag:$0x4] =	stream.indirect_vreg.gather [hbm4b:s19+s4], $0x80, v0, vm0, $0xb8;
	[tilespmem:$0x10F80] =	vst v63  }
0x87: {  	s26 =	simm.s32 $0xE480  }
0x88: {  	[tilespmem:s26], [sflag:$0x4] =	stream.indirect_vreg.gather [hbm4b:s20+s4], $0x80, v0, vm0, $0xb8;
	[tilespmem:$0x10F80] =	vst v63  }
0x89: {  	s28 =	simm.s32 $0xEC80  }
0x8a: {  	[tilespmem:s28], [sflag:$0x4] =	stream.indirect_vreg.gather [hbm4b:s21+s4], $0x80, v0, vm0, $0xb8;
	[tilespmem:$0x10F80] =	vst v63  }
0x8b: {  	v0 =	vld.msk [tilespmem:$0x698], $0xff;
	_ =	sdelay $0x4  }
0x8c: {  	v63 =	vshrl.u32 v0, $0x3  }
0x8d: {  	v1 =	vmul.u32 $0x30, v63  }
0x8e: {  	v0 =	vand.u32 $0x7, v0  }
0x8f: {  	v0 =	vor.u32 v0, v1  }
0x90: {  	v0 =	vperm.xlane v0, v59;
	_ =	sdelay $0x1  }
0x91: {  	v0 =	vadd.s32 v60, v0;
	_ =	sdelay $0x3  }
0x92: {  	s29 =	simm.s32 $0xF480  }
0x93: {  	[tilespmem:s29], [sflag:$0x4] =	stream.indirect_vreg.gather [hbm4b:s19+s4], $0x80, v0, vm0, $0xb8;
	[tilespmem:$0x10F80] =	vst v63  }
0x94: {  	s30 =	simm.s32 $0xFC80  }
0x95: {  	[tilespmem:s30], [sflag:$0x4] =	stream.indirect_vreg.gather [hbm4b:s20+s4], $0x80, v0, vm0, $0xb8;
	[tilespmem:$0x10F80] =	vst v63  }
0x96: {  	s31 =	simm.s32 $0x10480;
	s26 =	simm.s32 $0x0  }
0x97: {  	[tilespmem:s31], [sflag:$0x4] =	stream.indirect_vreg.gather [hbm4b:s21+s4], $0x80, v0, vm0, $0xb8;
	[tilespmem:$0x10F80] =	vst v63  }
.LBB2_4:
0x98: {  	s28 =	sshll.u32 s26, $0x7  }
0x99: {  	s0 =	sshrl.u32 s28, $0x2  }
0x9a: {  	v0 =	vld [tilespmem:s0+$0x9E80];
	_ =	sdelay $0x4  }
0x9b: {  	v0 =	vcvt.s32.f32 v0  }
0x9c: {  	p1 =	seq.s32 s26, $0x0  }
0x9d: {  	s0 =	simm.s32 @!p1 $0x1;
	[tilespmem:$0x610] =	vst v0  }
0x9e: {  	_ =	swait.ge @!p1 [sflag:s0], $0x3000  }
0x9f: {  	v0 =	vimm.s32 $0x10;
	[sflag:s0] =	ssyncset.done @!p1 $0x0  }
0xa0: {  	[sflag:s0] =	ssyncadd.s32 @!p1 $0xFFFFD000  }
0xa1: {  	_ =	swait.ge [sflag:s10], $0x1800  }
0xa2: {  	[sflag:s10] =	ssyncset.done $0x0  }
0xa3: {  	[sflag:s10] =	ssyncadd.s32 $0xFFFFE800  }
0xa4: {  	v24 =	vld.idx.msk [tilespmem:v0+s5+$0x0], $0xffff;
	v0 =	vimm.s32 $0x11;
	_ =	sdelay $0x4  }
0xa5: {  	v25 =	vld.idx.msk [tilespmem:v0+s5+$0x0], $0xffff;
	v0 =	vimm.s32 $0x12;
	_ =	sdelay $0x4  }
0xa6: {  	v26 =	vld.idx.msk [tilespmem:v0+s5+$0x0], $0xffff;
	v0 =	vimm.s32 $0x13;
	_ =	sdelay $0x4  }
0xa7: {  	v23 =	vld.idx.msk [tilespmem:v0+s5+$0x0], $0xffff;
	v0 =	vimm.s32 $0x14;
	_ =	sdelay $0x4  }
0xa8: {  	v22 =	vld.idx.msk [tilespmem:v0+s5+$0x0], $0xffff;
	v0 =	vimm.s32 $0x15  }
0xa9: {  	s6 =	simm.s32 $0x0  }
0xaa: {  	s24 =	simm.s32 $0x300;
	s1 =	sand.u32 $0x70, s6;
	s2 =	sand.u32 $0x1C00, s6  }
0xab: {  	s25 =	sor.u32 s1, s2;
	v3 =	vld [tilespmem:s24+$0x0]  }
0xac: {  	v1 =	vld [tilespmem:s25+$0xAD00]  }
0xad: {  	v21 =	vld.idx.msk [tilespmem:v0+s5+$0x0], $0xffff;
	v0 =	vimm.s32 $0x16  }
0xae: {  	v2 =	vld [tilespmem:s25+$0xAD80]  }
0xaf: {  	v4 =	vld [tilespmem:s25+$0xAE00]  }
0xb0: {  	v5 =	vld [tilespmem:s25+$0x6E80]  }
0xb1: {  	v6 =	vld [tilespmem:s25+$0x6F00]  }
0xb2: {  	v20 =	vld.idx.msk [tilespmem:v0+s5+$0x0], $0xffff;
	v0 =	vimm.s32 $0x17  }
0xb3: {  	v7 =	vld [tilespmem:s25+$0x6F80]  }
0xb4: {  	v8 =	vld [tilespmem:s25+$0x7000]  }
0xb5: {  	v27 =	vld [tilespmem:s25+$0x7080]  }
0xb6: {  	v29 =	vld [tilespmem:s25+$0x7100]  }
0xb7: {  	v28 =	vmul.f32 v3, v25;
	v18 =	vld.idx.msk [tilespmem:v0+s5+$0x0], $0xffff  }
0xb8: {  	v9 =	vmul.f32 v3, v24;
	v30 =	vmul.f32 v3, v26;
	v0 =	vld [tilespmem:s25+$0xAC80]  }
0xb9: {  	v31 =	vld [tilespmem:s25+$0x7180];
	v6 =	vadd.f32 v6, v28  }
0xba: {  	v5 =	vadd.f32 v5, v9;
	v9 =	vld [tilespmem:s25+$0xAE80];
	v7 =	vadd.f32 v7, v30;
	v28 =	vmul.f32 v3, v23  }
0xbb: {  	v1 =	vadd.f32 v6, v1;
	v6 =	vld [tilespmem:s25+$0xAF80];
	v30 =	vmul.f32 v3, v22  }
0xbc: {  	s4 =	simm.s32 $0x80;
	s1 =	simm.s32 $0x10;
	v7 =	vadd.f32 v7, v2;
	v8 =	vadd.f32 v8, v28;
	v2 =	vmul.f32 v3, v20  }
0xbd: {  	s7 =	simm.s32 $0x310;
	s3 =	sand.u32 $0x1C00, s4;
	s29 =	sand.u32 $0x70, s1;
	v27 =	vadd.f32 v27, v30;
	v5 =	vadd.f32 v5, v0;
	v0 =	vld [tilespmem:s25+$0xAF00]  }
0xbe: {  	s2 =	sor.u32 s29, s3;
	v39 =	vld [tilespmem:s7+$0x0];
	v8 =	vadd.f32 v8, v4;
	v28 =	vmul.f32 v3, v21;
	[tilespmem:s25+$0xF00] =	vst v1;
	v2 =	vadd.f32 v31, v2  }
0xbf: {  	v45 =	vld [tilespmem:s2+$0xAC80];
	v9 =	vadd.f32 v27, v9;
	[tilespmem:s25+$0xF80] =	vst v7  }
0xc0: {  	v19 =	vimm.f32 $0.0e+00;
	v44 =	vld [tilespmem:s2+$0xAD00];
	v28 =	vadd.f32 v29, v28;
	[tilespmem:s25+$0x1000] =	vst v8;
	v41 =	vadd.f32 v2, v6  }
0xc1: {  	v42 =	vld [tilespmem:s2+$0xAD80];
	v34 =	vadd.f32 v1, v19;
	[tilespmem:s25+$0x1080] =	vst v9  }
0xc2: {  	v43 =	vld [tilespmem:s2+$0xAE00];
	v35 =	vadd.f32 v7, v19;
	v4 =	vmul.f32 v1, v1;
	[tilespmem:s25+$0x1180] =	vst v41;
	v40 =	vadd.f32 v28, v0  }
0xc3: {  	s30 =	sor.u32 s6, s6;
	v36 =	vadd.f32 v8, v19;
	v30 =	vmul.f32 v7, v7;
	v2 =	vld [tilespmem:s2+$0x6F00];
	[tilespmem:s25+$0xE80] =	vst v5;
	v29 =	vmul.f32 v5, v5  }
0xc4: {  	s3 =	sor.u32 $0x380, s30;
	v32 =	vmul.f32 v9, v9;
	v38 =	vadd.f32 v9, v19;
	v31 =	vmul.f32 v8, v8;
	v0 =	vld [tilespmem:s2+$0x6E80];
	[tilespmem:s25+$0x1100] =	vst v40  }
0xc5: {  	v27 =	vadd.f32 v29, v19;
	v28 =	vadd.f32 v4, v19;
	v4 =	vmul.f32 v40, v40;
	v46 =	vld [tilespmem:s3+$0x6E80]  }
0xc6: {  	v47 =	vmul.f32 v39, v24;
	v29 =	vadd.f32 v30, v19;
	v30 =	vadd.f32 v31, v19;
	v1 =	vld [tilespmem:s3+$0xAC80]  }
0xc7: {  	v6 =	vmul.f32 v41, v41;
	v31 =	vadd.f32 v32, v19;
	v32 =	vadd.f32 v4, v19;
	v4 =	vld [tilespmem:s2+$0x6F80]  }
0xc8: {  	s31 =	sshll.u32 s26, $0x1;
	v9 =	vmul.f32 v39, v26;
	v7 =	vmul.f32 v3, v18;
	v33 =	vadd.f32 v5, v19;
	v5 =	vld [tilespmem:s2+$0x7000]  }
0xc9: {  	v8 =	vmul.f32 v39, v25;
	v41 =	vadd.f32 v41, v19;
	v37 =	vadd.f32 v6, v19;
	v6 =	vld [tilespmem:s2+$0x7080];
	[dreg:$0x12] =	wrdreg s31  }
0xca: {  	s6 =	simm.s32 $0x20;
	s0 =	simm.s32 $0x80;
	v40 =	vadd.f32 v40, v19;
	v3 =	vld [tilespmem:s2+$0x7100];
	v7 =	vadd.f32 v46, v7;
	v46 =	vimm.f32 $0.0e+00  }
.LBB2_5:
0xcb: {  	p0 =	sne.s32 s6, $0x2F0;
	v0 =	vadd.f32 v0, v47;
	v2 =	vadd.f32 v2, v8;
	v8 =	vmul.f32 v39, v23;
	v47 =	vld [tilespmem:s2+$0xAE80]  }
0xcc: {  	v4 =	vadd.f32 v4, v9;
	v9 =	vmul.f32 v39, v22;
	v48 =	vld [tilespmem:s2+$0x7180];
	v1 =	vadd.f32 v7, v1  }
0xcd: {  	s4 =	sadd.s32 $0x80, s4;
	v7 =	vadd.f32 v0, v45;
	v0 =	vadd.f32 v5, v8;
	v5 =	vld [tilespmem:s2+$0xAF00];
	v8 =	vmul.f32 v39, v21  }
0xce: {  	s8 =	sand.u32 $0x70, s6;
	s7 =	sadd.s32 $0x10, s7;
	s9 =	sand.u32 $0x1C00, s4;
	v49 =	vadd.f32 v2, v44;
	v2 =	vadd.f32 v6, v9;
	v6 =	vld [tilespmem:s2+$0xAF80];
	[tilespmem:s3+$0xE80] =	vst v1;
	v9 =	vmul.f32 v1, v1  }
0xcf: {  	s8 =	sor.u32 s8, s9;
	v51 =	vadd.f32 v4, v42;
	v4 =	vmul.f32 v39, v20;
	v50 =	vld [tilespmem:s7+$0x0];
	[tilespmem:s2+$0xE80] =	vst v7;
	v3 =	vadd.f32 v3, v8  }
0xd0: {  	v8 =	vmul.f32 v7, v7;
	v52 =	vadd.f32 v0, v43;
	v45 =	vld [tilespmem:s8+$0xAC80];
	[tilespmem:s2+$0xF00] =	vst v49;
	v19 =	vadd.f32 v9, v19  }
0xd1: {  	v9 =	vmul.f32 v49, v49;
	v47 =	vadd.f32 v2, v47;
	v44 =	vld [tilespmem:s8+$0xAD00];
	[tilespmem:s2+$0xF80] =	vst v51;
	v0 =	vadd.f32 v48, v4  }
0xd2: {  	v4 =	vmul.f32 v51, v51;
	v48 =	vmul.f32 v52, v52;
	v42 =	vld [tilespmem:s8+$0xAD80];
	[tilespmem:s2+$0x1000] =	vst v52;
	v3 =	vadd.f32 v3, v5  }
0xd3: {  	v46 =	vadd.f32 v1, v46;
	v5 =	vmul.f32 v47, v47;
	v43 =	vld [tilespmem:s8+$0xAE00];
	[tilespmem:s2+$0x1080] =	vst v47;
	v53 =	vadd.f32 v0, v6  }
0xd4: {  	s3 =	sor.u32 s0, s1;
	s0 =	smov.u32 s4;
	s1 =	smov.u32 s6;
	v27 =	vadd.f32 v8, v27;
	v28 =	vadd.f32 v9, v28;
	v0 =	vld [tilespmem:s8+$0x6E80];
	[tilespmem:s2+$0x1100] =	vst v3;
	v1 =	vmul.f32 v3, v3  }
0xd5: {  	s3 =	sor.u32 $0x380, s3;
	v29 =	vadd.f32 v4, v29;
	v30 =	vadd.f32 v48, v30;
	v2 =	vld [tilespmem:s8+$0x6F00];
	[tilespmem:s2+$0x1180] =	vst v53;
	v6 =	vmul.f32 v53, v53;
	s2 =	smov.u32 s8  }
0xd6: {  	v31 =	vadd.f32 v5, v31;
	v32 =	vadd.f32 v1, v32;
	v48 =	vld [tilespmem:s3+$0x6E80]  }
.Ltmp1:
0xd7: {  	v33 =	vadd.f32 v7, v33;
	v4 =	vld [tilespmem:s2+$0x6F80];
	v37 =	vadd.f32 v6, v37;
	(pc) =	sbr.rel @p0 .LBB2_5-.Ltmp1, $4  }
0xd8: {  	v34 =	vadd.f32 v49, v34;
	v35 =	vadd.f32 v51, v35;
	v1 =	vld [tilespmem:s3+$0xAC80]  }
0xd9: {  	v7 =	vmul.f32 v39, v18;
	v36 =	vadd.f32 v52, v36;
	v38 =	vadd.f32 v47, v38;
	v39 =	vmovc v50;
	v5 =	vld [tilespmem:s2+$0x7000]  }
0xda: {  	v40 =	vadd.f32 v3, v40;
	v47 =	vmul.f32 v39, v24;
	v8 =	vmul.f32 v39, v25;
	v6 =	vld [tilespmem:s2+$0x7080]  }
0xdb: {  	s6 =	sadd.s32 $0x10, s6;
	v9 =	vmul.f32 v39, v26;
	v41 =	vadd.f32 v53, v41;
	v3 =	vld [tilespmem:s2+$0x7100];
	v7 =	vadd.f32 v48, v7  }
0xdc: {  	v0 =	vadd.f32 v0, v47;
	v24 =	vld [tilespmem:s2+$0xAE80]  }
0xdd: {  	v2 =	vadd.f32 v2, v8;
	v8 =	vmul.f32 v39, v23;
	v23 =	vld [tilespmem:s2+$0x7180]  }
0xde: {  	v4 =	vadd.f32 v4, v9;
	v9 =	vmul.f32 v39, v22;
	v22 =	vld [tilespmem:s2+$0xAF00];
	v0 =	vadd.f32 v0, v45  }
0xdf: {  	v5 =	vadd.f32 v5, v8;
	v8 =	vmul.f32 v39, v21;
	v2 =	vadd.f32 v2, v44;
	v21 =	vld [tilespmem:s2+$0xAF80]  }
0xe0: {  	v6 =	vadd.f32 v6, v9;
	v4 =	vadd.f32 v4, v42;
	v9 =	vmul.f32 v39, v20;
	[tilespmem:s2+$0xE80] =	vst v0  }
0xe1: {  	v3 =	vadd.f32 v3, v8;
	[tilespmem:s2+$0xF00] =	vst v2;
	v5 =	vadd.f32 v5, v43  }
0xe2: {  	[tilespmem:s2+$0xF80] =	vst v4;
	v6 =	vadd.f32 v6, v24;
	v8 =	vadd.f32 v23, v9  }
0xe3: {  	[tilespmem:s2+$0x1000] =	vst v5;
	v3 =	vadd.f32 v3, v22  }
0xe4: {  	[tilespmem:s2+$0x1080] =	vst v6;
	v8 =	vadd.f32 v8, v21  }
0xe5: {  	s0 =	sor.u32 s0, s1;
	[tilespmem:s2+$0x1100] =	vst v3  }
0xe6: {  	s0 =	sor.u32 $0x380, s0;
	[tilespmem:s2+$0x1180] =	vst v8  }
0xe7: {  	v9 =	vld [tilespmem:s0+$0x6E80];
	_ =	sdelay $0x1  }
0xe8: {  	v20 =	vld [tilespmem:s0+$0xAC80]  }
0xe9: {  	v18 =	vmul.f32 v39, v18;
	_ =	sdelay $0x1  }
0xea: {  	v9 =	vadd.f32 v9, v18  }
0xeb: {  	v1 =	vadd.f32 v7, v1  }
0xec: {  	v7 =	vadd.f32 v9, v20  }
0xed: {  	[tilespmem:s3+$0xE80] =	vst v1;
	v9 =	vimm.s32 $0x18  }
0xee: {  	[tilespmem:s0+$0xE80] =	vst v7  }
0xef: {  	_ =	swait.ge [sflag:s10], $0x1800  }
0xf0: {  	[sflag:s10] =	ssyncset.done $0x0  }
0xf1: {  	[sflag:s10] =	ssyncadd.s32 $0xFFFFE800  }
0xf2: {  	v39 =	vld.idx.msk [tilespmem:v9+s5+$0x0], $0xffff;
	v9 =	vimm.s32 $0x19;
	_ =	sdelay $0x4  }
0xf3: {  	v42 =	vld.idx.msk [tilespmem:v9+s5+$0x0], $0xffff;
	v9 =	vimm.s32 $0x1A  }
0xf4: {  	v44 =	vld.idx.msk [tilespmem:v14+s5+$0x0], $0xffff  }
0xf5: {  	v18 =	vmul.f32 v0, v0;
	v45 =	vld.idx.msk [tilespmem:v15+s5+$0x0], $0xffff  }
0xf6: {  	s29 =	simm.s32 $0x0;
	v54 =	vadd.f32 v0, v33;
	v56 =	vadd.f32 v2, v34;
	v47 =	vld.idx.msk [tilespmem:v16+s5+$0x0], $0xffff  }
0xf7: {  	s31 =	sand.u32 $0x70, s29;
	v33 =	vimm.f32 $0.0e+00;
	v50 =	vadd.f32 v18, v27;
	v18 =	vmul.f32 v3, v3;
	s0 =	sand.u32 $0x1C00, s29;
	v48 =	vld.idx.msk [tilespmem:v17+s5+$0x0], $0xffff  }
0xf8: {  	v34 =	vimm.f32 $0.0e+00;
	v55 =	vadd.f32 v4, v35;
	s1 =	sor.u32 s31, s0;
	v43 =	vld.idx.msk [tilespmem:v9+s5+$0x0], $0xffff;
	v9 =	vmul.f32 v1, v1  }
0xf9: {  	v53 =	vadd.f32 v5, v36;
	v20 =	vmul.f32 v4, v4;
	v25 =	vadd.f32 v18, v32;
	v18 =	vld [tilespmem:s1+$0x8880]  }
0xfa: {  	v22 =	vmul.f32 v6, v6;
	v0 =	vld [tilespmem:s1+$0x8780];
	v9 =	vadd.f32 v9, v19;
	v19 =	vmul.f32 v2, v2  }
0xfb: {  	s30 =	simm.s32 $0x300;
	v21 =	vmul.f32 v5, v5;
	v51 =	vadd.f32 v20, v29;
	v5 =	vld [tilespmem:s1+$0xC500];
	v1 =	vadd.f32 v1, v46  }
0xfc: {  	v35 =	vimm.f32 $0.0e+00;
	v29 =	vadd.f32 v22, v31;
	v49 =	vadd.f32 v19, v28;
	v19 =	vld [tilespmem:s30+$0x0]  }
0xfd: {  	v31 =	vadd.f32 v3, v40;
	v3 =	vld [tilespmem:s1+$0xC580];
	v26 =	vadd.f32 v7, v1;
	v1 =	vimm.s32 $0x1B  }
0xfe: {  	v36 =	vimm.f32 $0.0e+00;
	v52 =	vadd.f32 v6, v38;
	v46 =	vadd.f32 v21, v30;
	v21 =	vld [tilespmem:s1+$0x8700]  }
0xff: {  	v38 =	vimm.f32 $0.0e+00;
	v27 =	vimm.f32 $0.0e+00;
	v20 =	vmul.f32 v8, v8;
	v58 =	vld [tilespmem:s1+$0xC700]  }
0x100: {  	v4 =	vmul.f32 v7, v7;
	v32 =	vimm.f32 $0.0e+00;
	v40 =	vimm.f32 $0.0e+00;
	v59 =	vld [tilespmem:s1+$0x8900]  }
0x101: {  	v22 =	vimm.f32 $0.0e+00;
	v23 =	vadd.f32 v20, v37;
	v2 =	vld [tilespmem:s1+$0x8A00];
	v6 =	vmul.f32 v19, v42  }
0x102: {  	v37 =	vimm.f32 $0.0e+00;
	v20 =	vimm.f32 $0.0e+00;
	v30 =	vadd.f32 v8, v41;
	v57 =	vld.idx.msk [tilespmem:v1+s5+$0x0], $0xffff  }
0x103: {  	v8 =	vld [tilespmem:s1+$0x8980];
	v41 =	vimm.f32 $0.0e+00;
	v1 =	vmul.f32 v19, v43;
	v6 =	vadd.f32 v21, v6  }
0x104: {  	v63 =	vld [tilespmem:s1+$0xC800];
	v24 =	vadd.f32 v4, v9;
	v4 =	vmul.f32 v19, v48;
	v7 =	vmul.f32 v19, v44  }
0x105: {  	v60 =	vmul.f32 v19, v45;
	v0 =	vadd.f32 v0, v1;
	v21 =	vadd.f32 v6, v5;
	v6 =	vld [tilespmem:s1+$0x8800]  }
0x106: {  	v62 =	vadd.f32 v2, v4;
	v4 =	vmul.f32 v19, v47;
	v5 =	vadd.f32 v18, v7;
	v7 =	vld [tilespmem:s1+$0xC680]  }
0x107: {  	v2 =	vmul.f32 v19, v39;
	v9 =	vmul.f32 v19, v57;
	v1 =	vadd.f32 v0, v3;
	v3 =	vld [tilespmem:s1+$0xC600]  }
0x108: {  	v19 =	vimm.f32 $0.0e+00;
	v61 =	vadd.f32 v8, v4;
	v18 =	vimm.f32 $0.0e+00;
	v8 =	vld [tilespmem:s1+$0x8680]  }
0x109: {  	s4 =	simm.s32 $0x10;
	s2 =	simm.s32 $0x310;
	s0 =	simm.s32 $0x80;
	v4 =	vld [tilespmem:s1+$0xC480];
	v28 =	vadd.f32 v21, v27;
	v0 =	vmul.f32 v21, v21;
	[tilespmem:s1+$0x2700] =	vst v21;
	v21 =	vimm.f32 $0.0e+00  }
.LBB2_7:
0x10a: {  	s3 =	smov.u32 s4  }
0x10b: {  	s6 =	sand.u32 $0x70, s4;
	s7 =	sand.u32 $0x1C00, s0;
	[tilespmem:s1+$0x2780] =	vst v1;
	v27 =	vadd.f32 v1, v27;
	v1 =	vmul.f32 v1, v1;
	v6 =	vadd.f32 v6, v9;
	v9 =	vld [tilespmem:s1+$0xC780];
	s3 =	sadd.s32 $0x10, s4  }
0x10c: {  	p0 =	sne.s32 s4, $0x2F0;
	s6 =	sor.u32 s6, s7;
	v33 =	vadd.f32 v0, v33;
	v0 =	vadd.f32 v5, v7;
	v10 =	vld [tilespmem:s2+$0x0]  }
0x10d: {  	v34 =	vadd.f32 v1, v34;
	v1 =	vadd.f32 v59, v60;
	v5 =	vld [tilespmem:s6+$0x8700]  }
0x10e: {  	v59 =	vadd.f32 v62, v63;
	v2 =	vadd.f32 v8, v2;
	v8 =	vmul.f32 v0, v0;
	v7 =	vld [tilespmem:s6+$0xC700];
	[tilespmem:s1+$0x2880] =	vst v0  }
0x10f: {  	v3 =	vadd.f32 v6, v3;
	v1 =	vadd.f32 v1, v58;
	v11 =	vld [tilespmem:s6+$0x8880]  }
0x110: {  	v18 =	vadd.f32 v59, v18;
	v2 =	vadd.f32 v2, v4;
	v4 =	vmul.f32 v59, v59;
	v12 =	vld [tilespmem:s6+$0x8780];
	[tilespmem:s1+$0x2A00] =	vst v59  }
0x111: {  	v35 =	vadd.f32 v0, v35;
	v13 =	vmul.f32 v3, v3;
	v36 =	vadd.f32 v8, v36;
	v6 =	vld [tilespmem:s6+$0x8A00];
	[tilespmem:s1+$0x2800] =	vst v3  }
0x112: {  	v37 =	vadd.f32 v1, v37;
	v41 =	vadd.f32 v2, v41;
	v0 =	vmul.f32 v2, v2;
	v59 =	vld [tilespmem:s6+$0x8900];
	[tilespmem:s1+$0x2680] =	vst v2  }
0x113: {  	v32 =	vadd.f32 v13, v32;
	v2 =	vadd.f32 v61, v9;
	v8 =	vld [tilespmem:s6+$0xC500];
	[tilespmem:s1+$0x2900] =	vst v1;
	v1 =	vmul.f32 v1, v1  }
0x114: {  	v60 =	vmul.f32 v10, v45;
	v61 =	vmul.f32 v10, v48;
	v40 =	vadd.f32 v0, v40;
	v58 =	vmovc v7;
	v9 =	vld [tilespmem:s6+$0xC580]  }
0x115: {  	v0 =	vmul.f32 v10, v42;
	v20 =	vadd.f32 v2, v20;
	v13 =	vld [tilespmem:s6+$0x8980];
	v22 =	vadd.f32 v1, v22;
	[tilespmem:s1+$0x2980] =	vst v2;
	s1 =	smov.u32 s6  }
0x116: {  	v38 =	vadd.f32 v3, v38;
	v1 =	vmul.f32 v10, v43;
	v63 =	vld [tilespmem:s1+$0xC800];
	v62 =	vadd.f32 v6, v61  }
.Ltmp2:
0x117: {  	v0 =	vadd.f32 v5, v0;
	v5 =	vmul.f32 v10, v44;
	v61 =	vmul.f32 v2, v2;
	v6 =	vld [tilespmem:s1+$0x8800];
	(pc) =	sbr.rel @p0 .LBB2_7-.Ltmp2, $4  }
0x118: {  	v19 =	vadd.f32 v4, v19;
	v2 =	vmul.f32 v10, v39;
	v1 =	vadd.f32 v12, v1;
	v7 =	vld [tilespmem:s1+$0xC680]  }
0x119: {  	v5 =	vadd.f32 v11, v5;
	v11 =	vmul.f32 v10, v47;
	v0 =	vadd.f32 v0, v8;
	v3 =	vld [tilespmem:s1+$0xC600]  }
0x11a: {  	v21 =	vadd.f32 v61, v21;
	v1 =	vadd.f32 v1, v9;
	v9 =	vmul.f32 v10, v57;
	v8 =	vld [tilespmem:s1+$0x8680]  }
0x11b: {  	s0 =	sadd.s32 $0x80, s0;
	s2 =	sadd.s32 $0x10, s2;
	s4 =	smov.u32 s3;
	v28 =	vadd.f32 v0, v28;
	v61 =	vadd.f32 v13, v11;
	v4 =	vld [tilespmem:s1+$0xC480];
	[tilespmem:s1+$0x2700] =	vst v0;
	v0 =	vmul.f32 v0, v0  }
0x11c: {  	(xrf2) =	vadd.scan.msk.f32 $0xffff, v54  }
0x11d: {  	(xrf2) =	vadd.scan.msk.f32 $0xffff, v50;
	_ =	sdelay $0x1  }
0x11e: {  	(xrf2) =	vadd.scan.msk.f32 $0xffff, v56  }
0x11f: {  	(xrf2) =	vadd.scan.msk.f32 $0xffff, v49;
	_ =	sdelay $0x1  }
0x120: {  	(xrf2) =	vadd.scan.msk.f32 $0xffff, v55;
	_ =	sdelay $0x1  }
0x121: {  	(xrf2) =	vadd.scan.msk.f32 $0xffff, v51  }
0x122: {  	v6 =	vadd.f32 v6, v9  }
0x123: {  	v5 =	vadd.f32 v5, v7;
	(xrf2) =	vadd.scan.msk.f32 $0xffff, v53;
	v7, _, _ =	vpop (xrf2)  }
0x124: {  	v9 =	vld [tilespmem:s1+$0xC780];
	v2 =	vadd.f32 v8, v2;
	(v2sf) =	vpush v7, $0xF;
	v7, _, _ =	vpop (xrf2)  }
0x125: {  	v3 =	vadd.f32 v6, v3;
	(xrf2) =	vadd.scan.msk.f32 $0xffff, v46;
	(v2sf) =	vpush v7, $0xF  }
0x126: {  	[tilespmem:s1+$0x2780] =	vst v1;
	v8 =	vadd.f32 v62, v63;
	v2 =	vadd.f32 v2, v4;
	(xrf2) =	vadd.scan.msk.f32 $0xffff, v52;
	v6, _, _ =	vpop (xrf2)  }
0x127: {  	[tilespmem:s1+$0x2880] =	vst v5;
	v7 =	vadd.f32 v59, v60;
	(xrf2) =	vadd.scan.msk.f32 $0xffff, v29;
	(v2sf) =	vpush v6, $0xF;
	v4, _, _ =	vpop (xrf2)  }
0x128: {  	[tilespmem:s1+$0x2800] =	vst v3;
	(xrf2) =	vadd.scan.msk.f32 $0xffff, v31;
	(v2sf) =	vpush v4, $0xF  }
0x129: {  	[tilespmem:s1+$0x2A00] =	vst v8;
	v6 =	vadd.f32 v7, v58;
	v7 =	vadd.f32 v61, v9;
	v9, _, _ =	vpop (xrf2);
	(xrf2) =	vadd.scan.msk.f32 $0xffff, v25  }
0x12a: {  	[tilespmem:s1+$0x2680] =	vst v2;
	(v2sf) =	vpush v9, $0xF;
	(xrf2) =	vadd.scan.msk.f32 $0xffff, v30  }
0x12b: {  	p0 =	seq.s32 s26, $0x3F;
	v10 =	vmul.f32 v2, v2;
	v9, _, _ =	vpop (xrf2);
	[tilespmem:s1+$0x2900] =	vst v6;
	(xrf2) =	vadd.scan.msk.f32 $0xffff, v23  }
0x12c: {  	s11 =	sshrl.u32 @!p0 s28, $0x2;
	v2 =	vadd.f32 v2, v41;
	[tilespmem:s1+$0x2980] =	vst v7;
	(v2sf) =	vpush v9, $0xF;
	(xrf2) =	vadd.scan.msk.f32 $0xffff, v26  }
0x12d: {  	v10 =	vadd.f32 v10, v40;
	v4 =	vmul.f32 v1, v1;
	v12, _, _ =	vpop (xrf2);
	v11 =	vld.msk @!p0 [tilespmem:s11+$0x6A0], $0xff;
	(xrf2) =	vadd.scan.msk.f32 $0xffff, v24  }
0x12e: {  	v0 =	vadd.f32 v0, v33;
	v9 =	vmul.f32 v5, v5;
	(v2sf) =	vpush v12, $0xF;
	(xrf2) =	vadd.scan.msk.f32 $0xffff, v2  }
0x12f: {  	v1 =	vadd.f32 v1, v27;
	v4 =	vadd.f32 v4, v34;
	(xrf2) =	vadd.scan.msk.f32 $0xffff, v10  }
0x130: {  	v5 =	vadd.f32 v5, v35;
	v9 =	vadd.f32 v9, v36;
	(xrf2) =	vadd.scan.msk.f32 $0xffff, v28  }
0x131: {  	v2 =	vmul.f32 v3, v3;
	v10 =	vadd.f32 v6, v37;
	v12, _, _ =	vpop (xrf2);
	v6 =	vmul.f32 v6, v6;
	(xrf2) =	vadd.scan.msk.f32 $0xffff, v0  }
0x132: {  	(v2sf) =	vpush v12, $0xF;
	v12, _, _ =	vpop (xrf2);
	v0 =	vadd.f32 v3, v38;
	(xrf2) =	vadd.scan.msk.f32 $0xffff, v1;
	v1 =	vshrl.u32 @!p0 v11, $0x3  }
0x133: {  	v2 =	vadd.f32 v2, v32;
	(v2sf) =	vpush v12, $0xF;
	v3, _, _ =	vpop (xrf2);
	(xrf2) =	vadd.scan.msk.f32 $0xffff, v4;
	v1 =	vmul.u32 @!p0 $0x30, v1;
	s0 =	spop (v2sf)  }
0x134: {  	(v2sf) =	vpush v3, $0xF;
	v3, _, _ =	vpop (xrf2);
	v4 =	vlaneseq.u32 @!p0;
	(xrf2) =	vadd.scan.msk.f32 $0xffff, v0;
	v0 =	vand.u32 @!p0 $0x7, v11;
	s4 =	smul.f32 $1.302083370e-03, s0;
	s9 =	spop (v2sf)  }
0x135: {  	s18 =	rddreg [dreg:$0xc];
	(v2sf) =	vpush v3, $0xF;
	v3, _, _ =	vpop (xrf2);
	v24 =	vand.u32 @!p0 $0x7, v4;
	v0 =	vor.u32 @!p0 v0, v1;
	s3 =	smul.f32 $1.302083370e-03, s9  }
0x136: {  	v11, _, _ =	vpop (xrf2);
	(xrf2) =	vadd.scan.msk.f32 $0xffff, v2;
	v1 =	vshrl.u32 @!p0 v4, $0x3;
	(v2sf) =	vpush v3, $0xF;
	v3 =	vmul.f32 v7, v7;
	s10 =	spop (v2sf);
	s6 =	smul.f32 s4, s4  }
0x137: {  	v2, _, _ =	vpop (xrf2);
	(xrf2) =	vadd.scan.msk.f32 $0xffff, v5;
	v0 =	vperm.xlane @!p0 v0, v24;
	v23 =	vmul.u32 @!p0 $0x8, v1;
	v1 =	vadd.f32 v6, v22;
	s0 =	smul.f32 $1.302083370e-03, s10;
	s12 =	spop (v2sf)  }
0x138: {  	s19 =	rddreg [dreg:$0xd];
	(v2sf) =	vpush v11, $0xF;
	v5 =	vadd.f32 v7, v20;
	v4, _, _ =	vpop (xrf2);
	(xrf2) =	vadd.scan.msk.f32 $0xffff, v9;
	s7 =	smul.f32 $1.302083370e-03, s12  }
0x139: {  	(v2sf) =	vpush v2, $0xF;
	v3 =	vadd.f32 v3, v21;
	v2, _, _ =	vpop (xrf2);
	(xrf2) =	vadd.scan.msk.f32 $0xffff, v10;
	v0 =	vadd.s32 @!p0 v23, v0;
	s13 =	spop (v2sf);
	s8 =	smul.f32 s0, s0  }
0x13a: {  	(v2sf) =	vpush v4, $0xF;
	v4, _, _ =	vpop (xrf2);
	(xrf2) =	vadd.scan.msk.f32 $0xffff, v1;
	v1 =	vadd.f32 v8, v18;
	s2 =	smul.f32 $1.302083370e-03, s13;
	s3 =	ssub.f32 s3, s6  }
0x13b: {  	v6 =	vmul.f32 v8, v8;
	(v2sf) =	vpush v2, $0xF;
	s14 =	spop (v2sf);
	s13 =	rddreg [dreg:$0x1];
	(xrf2) =	vadd.scan.msk.f32 $0xffff, v5  }
0x13c: {  	s1 =	simm.s32 @!p0 $0x0;
	v2, _, _ =	vpop (xrf2);
	(v2sf) =	vpush v4, $0xF;
	s9 =	smul.f32 $1.302083370e-03, s14;
	(xrf2) =	vadd.scan.msk.f32 $0xffff, v3;
	s3 =	sadd.f32 $9.999999960e-13, s3  }
0x13d: {  	vm1 =	vmmov @!p0 $0xffff;
	s10 =	simm.s32 @!p0 $0xAC80;
	s16 =	spop (v2sf);
	v4, _, _ =	vpop (xrf2);
	v3 =	vadd.f32 v6, v19;
	(v2sf) =	vpush v2, $0xF;
	s7 =	ssub.f32 s7, s8;
	(xrf2) =	vadd.scan.msk.f32 $0xffff, v1  }
0x13e: {  	(v2sf) =	vpush v4, $0xF;
	v1, _, _ =	vpop (xrf2);
	[tilespmem:s10], [sflag:$0x3] =	stream.indirect_vreg.gather @!p0 [hbm4b:s13+s1], $0x80, v0, vm1, $0xb8;
	[tilespmem:$0x10F80] =	vst v63  }
0x13f: {  	s6 =	simm.s32 @!p0 $0xB480;
	s15 =	smul.f32 s2, s2;
	s7 =	sadd.f32 $9.999999960e-13, s7;
	(v2sf) =	vpush v1, $0xF;
	v1, _, _ =	vpop (xrf2);
	(xrf2) =	vadd.scan.msk.f32 $0xffff, v3  }
0x140: {  	v2, _, _ =	vpop (xrf2);
	(v2sf) =	vpush v1, $0xF;
	[tilespmem:s6], [sflag:$0x3] =	stream.indirect_vreg.gather @!p0 [hbm4b:s18+s1], $0x80, v0, vm1, $0xb8;
	[tilespmem:$0x10F80] =	vst v63  }
0x141: {  	s8 =	simm.s32 @!p0 $0xBC80;
	s6 =	smul.f32 $1.302083370e-03, s16;
	s17 =	spop (v2sf);
	v1, _, _ =	vpop (xrf2);
	(v2sf) =	vpush v2, $0xF  }
0x142: {  	v2, _, _ =	vpop (xrf2);
	(v2sf) =	vpush v1, $0xF;
	[tilespmem:s8], [sflag:$0x3] =	stream.indirect_vreg.gather @!p0 [hbm4b:s19+s1], $0x80, v0, vm1, $0xb8;
	v0 =	vmov s3;
	[tilespmem:$0x10F80] =	vst v63  }
0x143: {  	s9 =	ssub.f32 s9, s15;
	s3 =	smul.f32 $1.302083370e-03, s17;
	v1, _, _ =	vpop (xrf2);
	(v2sf) =	vpush v2, $0xF;
	v3 =	vshra.s32 v0, $0x1  }
0x144: {  	s21 =	spop (v2sf);
	s20 =	smul.f32 s6, s6;
	v0 =	vmul.f32 $5.000000000e-01, v0;
	v2, _, _ =	vpop (xrf2);
	(v2sf) =	vpush v1, $0xF;
	v1 =	vld.msk @!p0 [tilespmem:s11+$0x6A8], $0xff  }
0x145: {  	v5 =	vmov s7;
	s7 =	smul.f32 $1.302083370e-03, s21;
	s22 =	spop (v2sf);
	v4, _, _ =	vpop (xrf2);
	(v2sf) =	vpush v2, $0xF;
	v2 =	vsub.s32 $0x5F3759DF, v3  }
0x146: {  	s9 =	sadd.f32 $9.999999960e-13, s9;
	s23 =	smul.f32 $1.302083370e-03, s22;
	v3, _, _ =	vpop (xrf2);
	(v2sf) =	vpush v4, $0xF;
	v4 =	vmul.f32 v2, v0  }
0x147: {  	s12 =	spop (v2sf);
	s3 =	ssub.f32 s3, s20;
	v6, _, _ =	vpop (xrf2);
	(v2sf) =	vpush v3, $0xF;
	v3 =	vshra.s32 v5, $0x1  }
0x148: {  	s24 =	smul.f32 s7, s7;
	s14 =	spop (v2sf);
	v5 =	vmul.f32 $5.000000000e-01, v5;
	v7, _, _ =	vpop (xrf2);
	(v2sf) =	vpush v6, $0xF;
	v4 =	vmul.f32 v2, v4  }
0x149: {  	s25 =	spop (v2sf);
	s15 =	sadd.f32 $9.999999960e-13, s3;
	v3 =	vsub.s32 $0x5F3759DF, v3;
	v6, _, _ =	vpop (xrf2);
	(v2sf) =	vpush v7, $0xF;
	v7 =	vshrl.u32 @!p0 v1, $0x3  }
0x14a: {  	s16 =	spop (v2sf);
	s3 =	smul.f32 $1.302083370e-03, s25;
	v8 =	vmul.f32 v3, v5;
	(v2sf) =	vpush v6, $0xF;
	v6, _, _ =	vpop (xrf2);
	v7 =	vmul.u32 @!p0 $0x30, v7  }
0x14b: {  	s29 =	spop (v2sf);
	s16 =	smul.f32 $1.302083370e-03, s16;
	v1 =	vand.u32 @!p0 $0x7, v1;
	v4 =	vsub.f32 $1.500000000e+00, v4;
	(v2sf) =	vpush v6, $0xF  }
0x14c: {  	s20 =	spop (v2sf);
	s10 =	smul.f32 $1.302083370e-03, s29;
	v6 =	vmul.f32 v3, v8;
	v8 =	vmov s15;
	v1 =	vor.u32 @!p0 v1, v7  }
0x14d: {  	s21 =	smul.f32 $1.302083370e-03, s20;
	v2 =	vmul.f32 v2, v4;
	v4 =	vmov s9;
	v9 =	vshra.s32 v8, $0x1  }
0x14e: {  	[dreg:$0x11] =	wrdreg s11;
	s22 =	smul.f32 s10, s10;
	v6 =	vsub.f32 $1.500000000e+00, v6;
	v7 =	vshra.s32 v4, $0x1;
	v4 =	vmul.f32 $5.000000000e-01, v4  }
0x14f: {  	s11 =	ssub.f32 s23, s24;
	s17 =	smul.f32 s3, s3;
	v8 =	vmul.f32 $5.000000000e-01, v8;
	v0 =	vmul.f32 v2, v0;
	v7 =	vsub.s32 $0x5F3759DF, v7  }
0x150: {  	s25 =	ssub.f32 s21, s22;
	v3 =	vmul.f32 v3, v6;
	v6 =	vmul.f32 v7, v4  }
0x151: {  	v20 =	vmov s0;
	s24 =	ssub.f32 s16, s17;
	v1 =	vperm.xlane @!p0 v1, v24;
	v0 =	vmul.f32 v0, v2  }
0x152: {  	s8 =	smul.f32 $1.302083370e-03, s12;
	v9 =	vsub.s32 $0x5F3759DF, v9;
	s0 =	sadd.f32 $9.999999960e-13, s25;
	v5 =	vmul.f32 v3, v5;
	v6 =	vmul.f32 v7, v6  }
0x153: {  	s14 =	smul.f32 $1.302083370e-03, s14;
	v10 =	vmul.f32 v9, v8;
	v1 =	vadd.s32 @!p0 v23, v1;
	v0 =	vsub.f32 $1.500000000e+00, v0  }
0x154: {  	s28 =	smul.f32 s8, s8;
	s29 =	sadd.f32 $9.999999960e-13, s24;
	v13 =	vmov s0;
	v5 =	vmul.f32 v5, v3;
	v6 =	vsub.f32 $1.500000000e+00, v6  }
0x155: {  	s23 =	sadd.f32 $9.999999960e-13, s11;
	v23 =	vshra.s32 v13, $0x1;
	v21 =	vmul.f32 v0, v2;
	v0 =	vmul.f32 v9, v10  }
0x156: {  	s9 =	ssub.f32 s14, s28;
	v10 =	vmov s29;
	v2 =	vsub.f32 $1.500000000e+00, v5;
	v5 =	vmul.f32 v7, v6  }
0x157: {  	v6 =	vmov s23;
	v11 =	vshra.s32 v10, $0x1;
	v10 =	vmul.f32 $5.000000000e-01, v10  }
0x158: {  	s28 =	sadd.f32 $9.999999960e-13, s9;
	v0 =	vsub.f32 $1.500000000e+00, v0;
	v7 =	vshra.s32 v6, $0x1;
	v6 =	vmul.f32 $5.000000000e-01, v6  }
0x159: {  	v11 =	vsub.s32 $0x5F3759DF, v11;
	v22 =	vmul.f32 v2, v3;
	v2 =	vmul.f32 v5, v4  }
0x15a: {  	v3 =	vsub.s32 $0x5F3759DF, v7;
	v7 =	vmov s28;
	v18 =	vmul.f32 v11, v10  }
0x15b: {  	s0 =	simm.s32 @!p0 $0xC480;
	v0 =	vmul.f32 v9, v0;
	v9 =	vshra.s32 v7, $0x1;
	v7 =	vmul.f32 $5.000000000e-01, v7  }
0x15c: {  	[tilespmem:s0], [sflag:$0x3] =	stream.indirect_vreg.gather @!p0 [hbm4b:s13+s1], $0x80, v1, vm1, $0xb8;
	v4 =	vmul.f32 v3, v6;
	v9 =	vsub.s32 $0x5F3759DF, v9;
	v18 =	vmul.f32 v11, v18;
	[tilespmem:$0x10F80] =	vst v63  }
0x15d: {  	v13 =	vmul.f32 $5.000000000e-01, v13;
	v23 =	vsub.s32 $0x5F3759DF, v23;
	s0 =	simm.s32 @!p0 $0xCC80;
	v12 =	vmul.f32 v9, v7  }
0x15e: {  	[tilespmem:s0], [sflag:$0x3] =	stream.indirect_vreg.gather @!p0 [hbm4b:s18+s1], $0x80, v1, vm1, $0xb8;
	v4 =	vmul.f32 v3, v4;
	v8 =	vmul.f32 v0, v8;
	v18 =	vsub.f32 $1.500000000e+00, v18;
	[tilespmem:$0x10F80] =	vst v63  }
0x15f: {  	v19 =	vmov s4;
	v25 =	vmul.f32 v23, v13;
	s0 =	simm.s32 @!p0 $0xD480;
	v12 =	vmul.f32 v9, v12  }
0x160: {  	[tilespmem:s0], [sflag:$0x3] =	stream.indirect_vreg.gather @!p0 [hbm4b:s19+s1], $0x80, v1, vm1, $0xb8;
	v4 =	vsub.f32 $1.500000000e+00, v4;
	v1 =	vmul.f32 v8, v0;
	v8 =	vmul.f32 v11, v18;
	[tilespmem:$0x10F80] =	vst v63  }
0x161: {  	v27 =	vmov s7;
	v26 =	vmul.f32 v23, v25;
	v12 =	vsub.f32 $1.500000000e+00, v12  }
0x162: {  	v25 =	vmov s6;
	v3 =	vmul.f32 v3, v4;
	v10 =	vmul.f32 v8, v10  }
0x163: {  	s0 =	simm.s32 $0x0;
	v2 =	vmul.f32 v2, v5;
	v4 =	vmul.f32 v9, v12;
	v9 =	vsub.f32 $1.500000000e+00, v26  }
0x164: {  	s11 =	simm.s32 $0x10C80;
	s12 =	sand.u32 $0x70, s0;
	s13 =	sand.u32 $0x1C00, s0;
	v18 =	vld [tilespmem:s0+$0x0];
	v1 =	vsub.f32 $1.500000000e+00, v1;
	v6 =	vmul.f32 v3, v6;
	v10 =	vmul.f32 v10, v8  }
0x165: {  	s6 =	sor.u32 s12, s13;
	v2 =	vsub.f32 $1.500000000e+00, v2;
	v11 =	vld [tilespmem:s11+$0x0];
	v7 =	vmul.f32 v4, v7;
	v9 =	vmul.f32 v23, v9  }
0x166: {  	s9 =	spop (v2sf);
	v31 =	vmul.f32 v1, v0;
	v6 =	vmul.f32 v6, v3;
	v0 =	vsub.f32 $1.500000000e+00, v10;
	v10 =	vld [tilespmem:s6+$0x1100]  }
0x167: {  	v28 =	vmov s3;
	s14 =	spop (v2sf);
	v7 =	vmul.f32 v7, v4;
	v12 =	vmul.f32 v9, v13;
	v13 =	vld [tilespmem:s6+$0xE80]  }
0x168: {  	v24 =	vmov s2;
	s30 =	smul.f32 $1.302083370e-03, s9;
	s15 =	spop (v2sf);
	v29 =	vmul.f32 v2, v5;
	v2 =	vsub.f32 $1.500000000e+00, v6;
	v6 =	vld [tilespmem:s6+$0xF00]  }
0x169: {  	s31 =	smul.f32 $1.302083370e-03, s15;
	v34 =	vmul.f32 v0, v8;
	v5 =	vsub.f32 $1.500000000e+00, v7;
	v1 =	vmul.f32 v12, v9;
	v7 =	vld [tilespmem:s6+$0xF80]  }
0x16a: {  	s7 =	smul.f32 $1.302083370e-03, s14;
	s16 =	spop (v2sf);
	v26 =	vmov s8;
	v8 =	vmul.f32 v11, v29;
	v35 =	vmul.f32 v2, v3;
	v2 =	vld [tilespmem:s6+$0x1000]  }
0x16b: {  	s15 =	simm.s32 $0x80;
	s17 =	spop (v2sf);
	s3 =	smul.f32 s31, s31;
	v3 =	vld [tilespmem:s6+$0x1080];
	v12 =	vmul.f32 v11, v31;
	v33 =	vmul.f32 v5, v4;
	v0 =	vsub.f32 $1.500000000e+00, v1  }
0x16c: {  	s24 =	sand.u32 $0x1C00, s15;
	s4 =	smul.f32 $1.302083370e-03, s17;
	s18 =	spop (v2sf);
	v1 =	vmul.f32 v11, v21;
	v4 =	vmul.f32 v11, v22;
	v5 =	vsub.f32 v13, v19  }
0x16d: {  	s23 =	simm.s32 $0x10;
	s14 =	smul.f32 $1.302083370e-03, s18;
	s19 =	spop (v2sf);
	v30 =	vld [tilespmem:s6+$0x1180];
	v10 =	vsub.f32 v10, v26;
	v6 =	vsub.f32 v6, v20;
	v13 =	vmul.f32 v11, v35  }
0x16e: {  	s22 =	sand.u32 $0x70, s23;
	s20 =	spop (v2sf);
	s1 =	smul.f32 $1.302083370e-03, s19;
	v36 =	vmul.f32 v0, v9;
	v1 =	vmul.f32 v5, v1;
	v5 =	vsub.f32 v7, v24  }
0x16f: {  	s24 =	sor.u32 s22, s24;
	s12 =	smul.f32 $1.302083370e-03, s20;
	v7 =	vmul.f32 v11, v33;
	v4 =	vmul.f32 v6, v4;
	v2 =	vsub.f32 v2, v25  }
0x170: {  	s25 =	simm.s32 $0x10C90;
	s21 =	spop (v2sf);
	s17 =	smul.f32 s1, s1;
	v0 =	vld [tilespmem:s24+$0xF80];
	v3 =	vsub.f32 v3, v27;
	v1 =	vadd.f32 v1, v18;
	v5 =	vmul.f32 v5, v8  }
0x171: {  	s28 =	spop (v2sf);
	s2 =	smul.f32 $1.302083370e-03, s21;
	v6 =	vmul.f32 v11, v34;
	v8 =	vld [tilespmem:s25+$0x0];
	v4 =	vadd.f32 v4, v18;
	v2 =	vmul.f32 v2, v12  }
0x172: {  	s19 =	smul.f32 $1.302083370e-03, s28;
	v12 =	vld [tilespmem:s24+$0xE80];
	v3 =	vmul.f32 v3, v13;
	[tilespmem:s6+$0xE80] =	vst v1;
	v1 =	vadd.f32 v5, v18;
	v5 =	vsub.f32 v30, v28  }
0x173: {  	s29 =	spop (v2sf);
	s11 =	smul.f32 $1.302083370e-03, s16;
	v13 =	vld [tilespmem:s24+$0xF00];
	[tilespmem:s6+$0xF00] =	vst v4;
	v2 =	vadd.f32 v2, v18;
	v4 =	vmul.f32 v10, v7  }
0x174: {  	s16 =	smul.f32 s4, s4;
	s13 =	spop (v2sf);
	v23 =	vld [tilespmem:s23+$0x0];
	[tilespmem:s6+$0xF80] =	vst v1;
	v1 =	vadd.f32 v3, v18;
	v3 =	vmul.f32 v5, v6  }
0x175: {  	s9 =	smul.f32 $1.302083370e-03, s29;
	s20 =	spop (v2sf);
	v7 =	vld [tilespmem:s24+$0x1080];
	v0 =	vsub.f32 v0, v24;
	[tilespmem:s6+$0x1000] =	vst v2;
	v2 =	vadd.f32 v4, v18  }
0x176: {  	s18 =	sor.u32 s0, s0;
	s13 =	smul.f32 $1.302083370e-03, s13;
	s21 =	spop (v2sf);
	v5 =	vld [tilespmem:s24+$0x1000];
	v6 =	vmul.f32 v11, v36;
	v4 =	vmul.f32 v8, v21;
	[tilespmem:s6+$0x1080] =	vst v1;
	v1 =	vadd.f32 v3, v18  }
0x177: {  	s22 =	sor.u32 $0x380, s18;
	s0 =	ssub.f32 s11, s3;
	s8 =	smul.f32 s30, s30;
	v11 =	vld [tilespmem:s24+$0x1100];
	v9 =	vsub.f32 v12, v19;
	v10 =	vmul.f32 v8, v29;
	v12 =	vmul.f32 v8, v31;
	[tilespmem:s6+$0x1100] =	vst v2  }
0x178: {  	v63 =	vld [tilespmem:s24+$0x1180];
	s18 =	simm.s32 $0x100;
	s29 =	smul.f32 $1.302083370e-03, s21;
	s25 =	spop (v2sf);
	v3 =	vmul.f32 v8, v22;
	v2 =	vsub.f32 v13, v20;
	v13 =	vmul.f32 v8, v35;
	[tilespmem:s6+$0x1180] =	vst v1  }
0x179: {  	s3 =	simm.s32 $0x10CA0;
	v30 =	vmov s10;
	s10 =	smul.f32 $1.302083370e-03, s20;
	s20 =	spop (v2sf);
	v1 =	vmul.f32 v9, v4;
	v9 =	vmul.f32 v8, v33;
	v39 =	vld [tilespmem:s22+$0xE80]  }
0x17a: {  	s8 =	ssub.f32 s7, s8;
	s28 =	smul.f32 $1.302083370e-03, s20;
	s20 =	simm.s32 $0x20;
	v7 =	vsub.f32 v7, v27;
	v2 =	vmul.f32 v2, v3;
	v4 =	vmul.f32 v0, v10  }
0x17b: {  	v37 =	vld [tilespmem:s3+$0x0];
	s11 =	smul.f32 $1.302083370e-03, s25;
	s25 =	sand.u32 $0x1C00, s18;
	s21 =	sand.u32 $0x70, s20;
	v3 =	vsub.f32 v5, v25;
	v5 =	vmul.f32 v8, v34;
	v1 =	vadd.f32 v1, v23  }
0x17c: {  	s7 =	ssub.f32 s14, s16;
	v32 =	vld [tilespmem:s20+$0x0];
	s14 =	sor.u32 s21, s25;
	s21 =	smul.f32 s2, s2;
	v10 =	vsub.f32 v11, v26;
	v7 =	vmul.f32 v7, v13;
	v2 =	vadd.f32 v2, v23  }
0x17d: {  	s16 =	smul.f32 s9, s9;
	s25 =	ssub.f32 s12, s17;
	v0 =	vld [tilespmem:s14+$0xE80];
	v11 =	vadd.f32 v4, v23;
	v3 =	vmul.f32 v3, v12;
	v12 =	vsub.f32 v63, v28;
	[tilespmem:s24+$0xE80] =	vst v1  }
0x17e: {  	s17 =	smul.f32 s10, s10;
	s6 =	ssub.f32 s19, s21;
	v4 =	vld [tilespmem:s14+$0xF00];
	v9 =	vmul.f32 v10, v9;
	v7 =	vadd.f32 v7, v23;
	[tilespmem:s24+$0xF00] =	vst v2;
	v10 =	vsub.f32 v39, v30  }
0x17f: {  	s21 =	ssub.f32 s13, s16;
	s19 =	smul.f32 s11, s11;
	v1 =	vld [tilespmem:s14+$0xF80];
	[tilespmem:s24+$0xF80] =	vst v11;
	v3 =	vadd.f32 v3, v23;
	v11 =	vmul.f32 v12, v5  }
0x180: {  	v38 =	vmul.f32 v8, v36;
	s16 =	ssub.f32 s29, s17;
	v2 =	vld [tilespmem:s14+$0x1000];
	v5 =	vadd.f32 v9, v23;
	[tilespmem:s24+$0x1080] =	vst v7;
	v39 =	vmul.f32 v10, v6  }
0x181: {  	s12 =	simm.s32 $0x20;
	v8 =	vmul.f32 v37, v21;
	s17 =	ssub.f32 s28, s19;
	s19 =	simm.s32 $0x30;
	[tilespmem:s24+$0x1000] =	vst v3;
	v3 =	vld [tilespmem:s14+$0x1080];
	v7 =	vadd.f32 v11, v23;
	v6 =	vmul.f32 v37, v22  }
.LBB2_9:
0x182: {  	p2 =	sne.s32 s19, $0x2F0;
	v0 =	vsub.f32 v0, v19;
	v9 =	vmul.f32 v37, v29;
	v10 =	vld [tilespmem:s14+$0x1100];
	[tilespmem:s24+$0x1100] =	vst v5;
	s13 =	sor.u32 s15, s23;
	v5 =	vadd.f32 v39, v18;
	s15 =	smov.u32 s18  }
0x183: {  	v11 =	vmul.f32 v37, v31;
	v12 =	vmul.f32 v37, v35;
	s23 =	smov.u32 s20;
	v4 =	vsub.f32 v4, v20;
	v13 =	vld [tilespmem:s14+$0x1180];
	[tilespmem:s24+$0x1180] =	vst v7;
	s13 =	sor.u32 $0x380, s13;
	s24 =	smov.u32 s14  }
0x184: {  	s20 =	smov.u32 s19;
	v7 =	vmul.f32 v37, v33;
	v0 =	vmul.f32 v0, v8;
	v1 =	vsub.f32 v1, v24;
	v8 =	vld [tilespmem:s13+$0xE80];
	[tilespmem:s22+$0xE80] =	vst v5;
	s22 =	smov.u32 s13  }
0x185: {  	s18 =	sadd.s32 $0x80, s18;
	s12 =	sadd.s32 $0x10, s12;
	v18 =	vmovc v23;
	v5 =	vmul.f32 v37, v34;
	v4 =	vmul.f32 v4, v6;
	v2 =	vsub.f32 v2, v25  }
0x186: {  	s3 =	sadd.s32 $0x10, s3;
	v23 =	vmovc v32;
	s14 =	sand.u32 $0x1C00, s18;
	s13 =	sand.u32 $0x70, s19;
	v6 =	vadd.f32 v0, v32;
	v1 =	vmul.f32 v1, v9;
	v3 =	vsub.f32 v3, v27;
	v32 =	vld [tilespmem:s12+$0x0]  }
0x187: {  	s14 =	sor.u32 s13, s14;
	v9 =	vadd.f32 v4, v23;
	v2 =	vmul.f32 v2, v11;
	v10 =	vsub.f32 v10, v26;
	v11 =	vmovc v37;
	v37 =	vld [tilespmem:s3+$0x0]  }
.Ltmp3:
0x188: {  	v0 =	vld [tilespmem:s14+$0xE80];
	[tilespmem:s24+$0xE80] =	vst v6;
	v6 =	vadd.f32 v1, v23;
	v3 =	vmul.f32 v3, v12;
	v12 =	vsub.f32 v13, v28;
	(pc) =	sbr.rel @p2 .LBB2_9-.Ltmp3, $4  }
0x189: {  	v4 =	vld [tilespmem:s14+$0xF00];
	[tilespmem:s24+$0xF00] =	vst v9;
	v9 =	vadd.f32 v2, v23;
	v7 =	vmul.f32 v10, v7;
	v8 =	vsub.f32 v8, v30  }
0x18a: {  	v1 =	vld [tilespmem:s14+$0xF80];
	[tilespmem:s24+$0xF80] =	vst v6;
	v10 =	vadd.f32 v3, v23;
	v12 =	vmul.f32 v12, v5  }
0x18b: {  	v2 =	vld [tilespmem:s14+$0x1000];
	[tilespmem:s24+$0x1000] =	vst v9;
	v5 =	vadd.f32 v7, v23;
	v39 =	vmul.f32 v8, v38;
	v38 =	vmul.f32 v11, v36  }
0x18c: {  	s19 =	sadd.s32 $0x10, s19;
	v8 =	vmul.f32 v37, v21;
	v6 =	vmul.f32 v37, v22;
	v3 =	vld [tilespmem:s14+$0x1080];
	[tilespmem:s24+$0x1080] =	vst v10;
	v7 =	vadd.f32 v12, v23  }
0x18d: {  	s3 =	sadd.f32 $9.999999960e-13, s8;
	v11 =	vmul.f32 v37, v29  }
0x18e: {  	s0 =	sadd.f32 $9.999999960e-13, s0;
	v0 =	vsub.f32 v0, v19;
	v12 =	vmul.f32 v37, v31;
	v19 =	vmul.f32 v37, v35  }
0x18f: {  	v18 =	vadd.f32 v39, v18;
	v4 =	vsub.f32 v4, v20;
	v20 =	vmul.f32 v37, v34  }
0x190: {  	v13 =	vld [tilespmem:s14+$0x1100];
	v9 =	vmov s3;
	v10 =	vmov s0;
	v0 =	vmul.f32 v0, v8  }
0x191: {  	v1 =	vsub.f32 v1, v24;
	v8 =	vmul.f32 v37, v33;
	v4 =	vmul.f32 v4, v6  }
0x192: {  	[tilespmem:s24+$0x1180] =	vst v7;
	v2 =	vsub.f32 v2, v25;
	v7 =	vshra.s32 v10, $0x1;
	v10 =	vmul.f32 $5.000000000e-01, v10  }
0x193: {  	v6 =	vld [tilespmem:s14+$0x1180];
	v0 =	vadd.f32 v0, v32;
	v1 =	vmul.f32 v1, v11;
	v3 =	vsub.f32 v3, v27  }
0x194: {  	v11 =	vshra.s32 v9, $0x1;
	v9 =	vmul.f32 $5.000000000e-01, v9;
	v4 =	vadd.f32 v4, v32  }
0x195: {  	[tilespmem:s24+$0x1100] =	vst v5;
	v2 =	vmul.f32 v2, v12;
	v11 =	vsub.s32 $0x5F3759DF, v11;
	v5 =	vsub.f32 v13, v26  }
0x196: {  	v7 =	vsub.s32 $0x5F3759DF, v7;
	v1 =	vadd.f32 v1, v32;
	v12 =	vmul.f32 v11, v9  }
0x197: {  	s8 =	sor.u32 s15, s23;
	s15 =	sadd.f32 $9.999999960e-13, s21;
	[tilespmem:s14+$0xF00] =	vst v4;
	v2 =	vadd.f32 v2, v32;
	v4 =	vmul.f32 v5, v8;
	v5 =	vmul.f32 v7, v10  }
0x198: {  	s3 =	sadd.f32 $9.999999960e-13, s7;
	v3 =	vmul.f32 v3, v19;
	[tilespmem:s14+$0xE80] =	vst v0;
	v0 =	vsub.f32 v6, v28;
	v6 =	vmul.f32 v11, v12  }
0x199: {  	s7 =	sadd.f32 $9.999999960e-13, s25;
	v33 =	vmov s11;
	[tilespmem:s14+$0x1000] =	vst v2;
	v2 =	vadd.f32 v4, v32;
	v4 =	vmul.f32 v7, v5  }
0x19a: {  	[tilespmem:s14+$0xF80] =	vst v1;
	v1 =	vadd.f32 v3, v32;
	v0 =	vmul.f32 v0, v20;
	v3 =	vsub.f32 $1.500000000e+00, v6  }
0x19b: {  	s13 =	sor.u32 $0x380, s8;
	v13 =	vmov s15;
	v5 =	vmov s7;
	[tilespmem:s14+$0x1100] =	vst v2;
	v2 =	vsub.f32 $1.500000000e+00, v4  }
0x19c: {  	[tilespmem:s14+$0x1080] =	vst v1;
	v6 =	vmul.f32 v37, v36;
	v4 =	vld [tilespmem:s13+$0xE80];
	v0 =	vadd.f32 v0, v32;
	v1 =	vmul.f32 v11, v3  }
0x19d: {  	s12 =	sor.u32 s18, s20;
	v3 =	vmov s3;
	v11 =	vshra.s32 v5, $0x1;
	v2 =	vmul.f32 v7, v2  }
0x19e: {  	v7 =	vshra.s32 v3, $0x1;
	v3 =	vmul.f32 $5.000000000e-01, v3;
	[tilespmem:s14+$0x1180] =	vst v0;
	s14 =	sor.u32 $0x380, s12;
	v8 =	vmul.f32 v1, v9  }
0x19f: {  	v5 =	vmul.f32 $5.000000000e-01, v5;
	v7 =	vsub.s32 $0x5F3759DF, v7;
	v9 =	vld [tilespmem:s14+$0xE80];
	v10 =	vmul.f32 v2, v10  }
0x1a0: {  	s6 =	sadd.f32 $9.999999960e-13, s6;
	v11 =	vsub.s32 $0x5F3759DF, v11;
	v12 =	vmul.f32 v7, v3;
	v8 =	vmul.f32 v8, v1  }
0x1a1: {  	v19 =	vmul.f32 v11, v5;
	v4 =	vsub.f32 v4, v30;
	v10 =	vmul.f32 v10, v2  }
0x1a2: {  	v0 =	vmov s6;
	v12 =	vmul.f32 v7, v12;
	v8 =	vsub.f32 $1.500000000e+00, v8  }
0x1a3: {  	s16 =	sadd.f32 $9.999999960e-13, s16;
	v19 =	vmul.f32 v11, v19;
	v4 =	vmul.f32 v4, v38;
	v10 =	vsub.f32 $1.500000000e+00, v10  }
0x1a4: {  	v12 =	vsub.f32 $1.500000000e+00, v12;
	v9 =	vsub.f32 v9, v30;
	v20 =	vmul.f32 v8, v1  }
0x1a5: {  	v1 =	vsub.f32 $1.500000000e+00, v19;
	v8 =	vmov s16;
	v19 =	vmul.f32 v10, v2  }
0x1a6: {  	v2 =	vmul.f32 v7, v12;
	v7 =	vshra.s32 v0, $0x1;
	v0 =	vmul.f32 $5.000000000e-01, v0  }
0x1a7: {  	s18 =	sadd.f32 $9.999999960e-13, s17;
	v12 =	vshra.s32 v8, $0x1;
	v8 =	vmul.f32 $5.000000000e-01, v8;
	v6 =	vmul.f32 v9, v6  }
0x1a8: {  	v1 =	vmul.f32 v11, v1;
	v7 =	vsub.s32 $0x5F3759DF, v7;
	v9 =	vshra.s32 v13, $0x1  }
0x1a9: {  	v11 =	vmul.f32 $5.000000000e-01, v13;
	v13 =	vmov s18;
	v12 =	vsub.s32 $0x5F3759DF, v12  }
0x1aa: {  	v3 =	vmul.f32 v2, v3;
	v10 =	vmul.f32 v7, v0;
	v9 =	vsub.s32 $0x5F3759DF, v9  }
0x1ab: {  	v21 =	vshra.s32 v13, $0x1;
	v13 =	vmul.f32 $5.000000000e-01, v13;
	v5 =	vmul.f32 v1, v5  }
0x1ac: {  	v22 =	vmul.f32 v9, v11;
	v24 =	vsub.s32 $0x5F3759DF, v21;
	v21 =	vmul.f32 v12, v8  }
0x1ad: {  	v4 =	vadd.f32 v4, v23;
	v25 =	vmul.f32 v24, v13;
	v10 =	vmul.f32 v7, v10  }
0x1ae: {  	[tilespmem:s22+$0xE80] =	vst v18;
	s15 =	smul.u32 $0xC0000, s26;
	v6 =	vadd.f32 v6, v32;
	v3 =	vmul.f32 v3, v2;
	v22 =	vmul.f32 v9, v22  }
0x1af: {  	s19 =	rddreg [dreg:$0x8];
	v21 =	vmul.f32 v12, v21;
	v23 =	vmul.f32 v24, v25;
	v10 =	vsub.f32 $1.500000000e+00, v10  }
0x1b0: {  	s6 =	sadd.s32 s19, s15;
	v5 =	vmul.f32 v5, v1;
	v3 =	vsub.f32 $1.500000000e+00, v3;
	v22 =	vsub.f32 $1.500000000e+00, v22  }
0x1b1: {  	s21 =	simm.s32 $0x0;
	s12 =	rddreg [dreg:$0x6];
	s20 =	sshrl.u32 s6, $0x3;
	[tilespmem:s13+$0xE80] =	vst v4;
	v18 =	vsub.f32 $1.500000000e+00, v21;
	v25 =	vsub.f32 $1.500000000e+00, v23;
	v4 =	vmul.f32 v7, v10  }
0x1b2: {  	s23 =	simm.s32 $0x10C80;
	s22 =	simm.s32 $0xE80;
	v26 =	vmov s2;
	s0 =	sadd.s32 s12, s20;
	[tilespmem:s14+$0xE80] =	vst v6;
	v29 =	vmul.f32 v3, v2;
	v7 =	vmul.f32 v9, v22  }
0x1b3: {  	[hbm4b:s0+s21] =	stream.linear.scatter [tilespmem:s22], [sflag:$0x1], $0x1800, $0x38;
	v21 =	vmov s30;
	v6 =	vmul.f32 v12, v18;
	v9 =	vmul.f32 v24, v25;
	[tilespmem:$0x10F80] =	vst v63  }
0x1b4: {  	v5 =	vsub.f32 $1.500000000e+00, v5;
	v12 =	vld [tilespmem:s23+$0x0];
	v0 =	vmul.f32 v4, v0;
	v10 =	vmul.f32 v7, v11  }
0x1b5: {  	s24 =	sand.u32 $0x70, s21;
	s25 =	sand.u32 $0x1C00, s21;
	v23 =	vmov s31;
	v8 =	vmul.f32 v6, v8;
	v11 =	vmul.f32 v9, v13  }
0x1b6: {  	v35 =	vld [tilespmem:s21+$0x0];
	v18 =	vmov s1;
	s1 =	sor.u32 s24, s25;
	v0 =	vmul.f32 v0, v4;
	v10 =	vmul.f32 v10, v7  }
0x1b7: {  	v22 =	vmov s4;
	v30 =	vmul.f32 v5, v1;
	v3 =	vld [tilespmem:s1+$0x2680];
	v8 =	vmul.f32 v8, v6  }
0x1b8: {  	v13 =	vld [tilespmem:s1+$0x2A00];
	v11 =	vmul.f32 v11, v9;
	v0 =	vsub.f32 $1.500000000e+00, v0;
	v2 =	vsub.f32 $1.500000000e+00, v10  }
0x1b9: {  	v25 =	vmov s9;
	v1 =	vsub.f32 $1.500000000e+00, v8;
	v8 =	vld [tilespmem:s1+$0x2700];
	v10 =	vmul.f32 v12, v30  }
0x1ba: {  	v5 =	vsub.f32 $1.500000000e+00, v11;
	v31 =	vmul.f32 v0, v4;
	v0 =	vld [tilespmem:s1+$0x2780];
	v28 =	vmul.f32 v2, v7  }
0x1bb: {  	v24 =	vmov s10;
	v4 =	vld [tilespmem:s1+$0x2800];
	v27 =	vmul.f32 v1, v6;
	v1 =	vmul.f32 v12, v20  }
0x1bc: {  	v3 =	vsub.f32 v3, v21;
	v2 =	vmul.f32 v12, v19;
	v7 =	vld [tilespmem:s1+$0x2880];
	v32 =	vmul.f32 v5, v9  }
0x1bd: {  	v11 =	vld [tilespmem:s1+$0x2900];
	v5 =	vmul.f32 v12, v29;
	v9 =	vsub.f32 v13, v33;
	v13 =	vmul.f32 v12, v31  }
0x1be: {  	s28 =	simm.s32 $0x80;
	s4 =	simm.s32 $0x10;
	v1 =	vmul.f32 v3, v1;
	v3 =	vld [tilespmem:s1+$0x2980];
	v6 =	vmul.f32 v12, v32;
	v8 =	vsub.f32 v8, v23  }
0x1bf: {  	s29 =	simm.s32 $0x10C90;
	s0 =	sand.u32 $0x1C00, s28;
	s30 =	sand.u32 $0x70, s4;
	v60 =	vmul.f32 v12, v28;
	v12 =	vmul.f32 v12, v27;
	v0 =	vsub.f32 v0, v22  }
0x1c0: {  	s2 =	sor.u32 s30, s0;
	v4 =	vsub.f32 v4, v18;
	v6 =	vmul.f32 v9, v6;
	v2 =	vmul.f32 v8, v2;
	v8 =	vld [tilespmem:s29+$0x0]  }
0x1c1: {  	v1 =	vadd.f32 v1, v35;
	v7 =	vsub.f32 v7, v26;
	v0 =	vmul.f32 v0, v5;
	v5 =	vld [tilespmem:s2+$0x2A00]  }
0x1c2: {  	v9 =	vld [tilespmem:s2+$0x2680];
	v4 =	vmul.f32 v4, v10;
	v10 =	vsub.f32 v11, v25;
	v6 =	vadd.f32 v6, v35  }
0x1c3: {  	v11 =	vld [tilespmem:s2+$0x2700];
	v2 =	vadd.f32 v2, v35;
	v7 =	vmul.f32 v7, v13;
	v13 =	vsub.f32 v3, v24  }
0x1c4: {  	v61 =	vld [tilespmem:s2+$0x2780];
	v0 =	vadd.f32 v0, v35;
	v62 =	vadd.f32 v4, v35;
	v36 =	vmul.f32 v10, v60  }
0x1c5: {  	v34 =	vld [tilespmem:s4+$0x0];
	[tilespmem:s1+$0x2680] =	vst v1;
	v40 =	vadd.f32 v7, v35;
	v10 =	vmul.f32 v8, v20;
	v63 =	vmul.f32 v8, v19  }
0x1c6: {  	[tilespmem:s1+$0x2A00] =	vst v6;
	v4 =	vmul.f32 v8, v29;
	v1 =	vmul.f32 v8, v32;
	v7 =	vsub.f32 v5, v33;
	v5 =	vld [tilespmem:s2+$0x2800]  }
0x1c7: {  	[tilespmem:s1+$0x2700] =	vst v2;
	v6 =	vld [tilespmem:s2+$0x2880];
	v9 =	vsub.f32 v9, v21;
	v3 =	vmul.f32 v8, v30;
	v2 =	vmul.f32 v8, v31  }
0x1c8: {  	s3 =	simm.s32 $0x100;
	[tilespmem:s1+$0x2780] =	vst v0;
	v0 =	vmul.f32 v8, v27;
	v11 =	vsub.f32 v11, v23;
	v41 =	vmul.f32 v7, v1;
	v7 =	vld [tilespmem:s2+$0x2900]  }
0x1c9: {  	s8 =	sand.u32 $0x1C00, s3;
	s31 =	simm.s32 $0x20;
	v38 =	vsub.f32 v61, v22;
	[tilespmem:s1+$0x2800] =	vst v62;
	v9 =	vmul.f32 v9, v10;
	v1 =	vmul.f32 v8, v28;
	v8 =	vld [tilespmem:s2+$0x2980]  }
0x1ca: {  	s6 =	simm.s32 $0x30;
	s7 =	sand.u32 $0x70, s31;
	s0 =	simm.s32 $0x10CA0;
	v37 =	vmul.f32 v13, v12;
	[tilespmem:s1+$0x2880] =	vst v40;
	v40 =	vmul.f32 v11, v63;
	v39 =	vadd.f32 v41, v34  }
.LBB2_11:
0x1cb: {  	p2 =	sne.s32 s6, $0x2F0;
	v10 =	vld [tilespmem:s0+$0x0];
	s7 =	sor.u32 s7, s8;
	v9 =	vadd.f32 v9, v34;
	v4 =	vmul.f32 v38, v4;
	v5 =	vsub.f32 v5, v18;
	v11 =	vmovc v0  }
0x1cc: {  	v0 =	vld [tilespmem:s7+$0x2A00];
	v12 =	vadd.f32 v40, v34;
	v6 =	vsub.f32 v6, v26;
	[tilespmem:s2+$0x2A00] =	vst v39  }
0x1cd: {  	v13 =	vld [tilespmem:s7+$0x2680];
	[tilespmem:s2+$0x2680] =	vst v9;
	v4 =	vadd.f32 v4, v34;
	v3 =	vmul.f32 v5, v3;
	v5 =	vsub.f32 v7, v25  }
0x1ce: {  	v7 =	vld [tilespmem:s7+$0x2700];
	[tilespmem:s2+$0x2700] =	vst v12;
	v2 =	vmul.f32 v6, v2;
	v12 =	vsub.f32 v8, v24;
	v6 =	vadd.f32 v36, v35  }
0x1cf: {  	s4 =	sadd.s32 $0x10, s4;
	v9 =	vadd.f32 v37, v35;
	v8 =	vld [tilespmem:s7+$0x2780];
	[tilespmem:s2+$0x2780] =	vst v4;
	v3 =	vadd.f32 v3, v34;
	v36 =	vmul.f32 v5, v1  }
0x1d0: {  	v41 =	vld [tilespmem:s4+$0x0];
	v35 =	vmul.f32 v10, v20;
	v37 =	vmul.f32 v10, v19;
	v1 =	vadd.f32 v2, v34;
	[tilespmem:s1+$0x2900] =	vst v6  }
.Ltmp4:
0x1d1: {  	v4 =	vmul.f32 v10, v29;
	v38 =	vmul.f32 v10, v32;
	v5 =	vld [tilespmem:s7+$0x2800];
	v0 =	vsub.f32 v0, v33;
	[tilespmem:s2+$0x2800] =	vst v3;
	(pc) =	sbr.rel @p2 .LBB2_11-.Ltmp4, $4  }
0x1d2: {  	v2 =	vmul.f32 v10, v31;
	v3 =	vmul.f32 v10, v30;
	v13 =	vsub.f32 v13, v21;
	v6 =	vld [tilespmem:s7+$0x2880];
	[tilespmem:s2+$0x2880] =	vst v1  }
0x1d3: {  	v1 =	vmul.f32 v10, v28;
	v39 =	vsub.f32 v7, v23;
	v7 =	vld [tilespmem:s7+$0x2900];
	v42 =	vmul.f32 v0, v38;
	[tilespmem:s1+$0x2980] =	vst v9;
	s1 =	smov.u32 s2;
	s2 =	smov.u32 s7  }
0x1d4: {  	s3 =	sadd.s32 $0x80, s3;
	s0 =	sadd.s32 $0x10, s0;
	v0 =	vmul.f32 v10, v27;
	v9 =	vmul.f32 v13, v35;
	v38 =	vsub.f32 v8, v22;
	v8 =	vld [tilespmem:s2+$0x2980];
	v35 =	vmovc v34  }
0x1d5: {  	s8 =	sand.u32 $0x1C00, s3;
	s7 =	sand.u32 $0x70, s6;
	s6 =	sadd.s32 $0x10, s6;
	v40 =	vmul.f32 v39, v37;
	v39 =	vadd.f32 v42, v41;
	v37 =	vmul.f32 v12, v11;
	v34 =	vmovc v41  }
0x1d6: {  	v10 =	vld [tilespmem:s0+$0x0]  }
0x1d7: {  	s19 =	sor.u32 s7, s8;
	v9 =	vadd.f32 v9, v34;
	v4 =	vmul.f32 v38, v4;
	v5 =	vsub.f32 v5, v18  }
0x1d8: {  	v11 =	vld [tilespmem:s19+$0x2A00];
	v12 =	vadd.f32 v40, v34;
	v6 =	vsub.f32 v6, v26  }
0x1d9: {  	v13 =	vld [tilespmem:s19+$0x2680];
	v4 =	vadd.f32 v4, v34;
	v3 =	vmul.f32 v5, v3;
	v5 =	vsub.f32 v7, v25  }
0x1da: {  	v7 =	vld [tilespmem:s19+$0x2700];
	[tilespmem:s2+$0x2680] =	vst v9;
	v2 =	vmul.f32 v6, v2;
	v6 =	vsub.f32 v8, v24;
	v8 =	vadd.f32 v36, v35  }
0x1db: {  	s3 =	sadd.s32 $0x10, s4;
	v63 =	vld [tilespmem:s19+$0x2780];
	[tilespmem:s2+$0x2700] =	vst v12;
	v3 =	vadd.f32 v3, v34;
	v1 =	vmul.f32 v5, v1;
	v12 =	vmul.f32 v10, v20  }
0x1dc: {  	v9 =	vld [tilespmem:s3+$0x0];
	v5 =	vadd.f32 v37, v35;
	[tilespmem:s2+$0x2780] =	vst v4;
	v32 =	vmul.f32 v10, v32;
	v4 =	vmul.f32 v10, v19  }
0x1dd: {  	v20 =	vld [tilespmem:s19+$0x2800];
	v2 =	vadd.f32 v2, v34;
	[tilespmem:s1+$0x2900] =	vst v8;
	v8 =	vmul.f32 v10, v29;
	v11 =	vsub.f32 v11, v33  }
0x1de: {  	v19 =	vld [tilespmem:s19+$0x2880];
	v0 =	vmul.f32 v6, v0;
	v13 =	vsub.f32 v13, v21;
	[tilespmem:s2+$0x2800] =	vst v3;
	v3 =	vmul.f32 v10, v30  }
0x1df: {  	[tilespmem:s2+$0x2A00] =	vst v39;
	v21 =	vld [tilespmem:s19+$0x2900];
	v1 =	vadd.f32 v1, v34;
	v7 =	vsub.f32 v7, v23;
	v11 =	vmul.f32 v11, v32  }
0x1e0: {  	[tilespmem:s2+$0x2880] =	vst v2;
	v2 =	vld [tilespmem:s19+$0x2980];
	v0 =	vadd.f32 v0, v34;
	v12 =	vmul.f32 v13, v12;
	v13 =	vsub.f32 v63, v22  }
0x1e1: {  	[tilespmem:s1+$0x2980] =	vst v5;
	v22 =	vmul.f32 v10, v31;
	v4 =	vmul.f32 v7, v4;
	v7 =	vadd.f32 v11, v9  }
0x1e2: {  	[tilespmem:s2+$0x2900] =	vst v1;
	v5 =	vadd.f32 v12, v9;
	v8 =	vmul.f32 v13, v8;
	v11 =	vsub.f32 v20, v18  }
0x1e3: {  	v12 =	vmul.f32 v10, v28;
	v13 =	vsub.f32 v19, v26;
	v4 =	vadd.f32 v4, v9;
	[tilespmem:s19+$0x2A00] =	vst v7  }
0x1e4: {  	[tilespmem:s19+$0x2680] =	vst v5;
	v5 =	vadd.f32 v8, v9;
	v3 =	vmul.f32 v11, v3;
	v8 =	vsub.f32 v21, v25  }
0x1e5: {  	v7 =	vmul.f32 v10, v27;
	v2 =	vsub.f32 v2, v24;
	[tilespmem:s19+$0x2700] =	vst v4;
	v4 =	vmul.f32 v13, v22  }
0x1e6: {  	[tilespmem:s19+$0x2780] =	vst v5;
	v3 =	vadd.f32 v3, v9;
	v5 =	vmul.f32 v8, v12  }
0x1e7: {  	[tilespmem:s2+$0x2980] =	vst v0;
	v1 =	vmul.f32 v2, v7;
	v4 =	vadd.f32 v4, v9  }
0x1e8: {  	[tilespmem:s19+$0x2800] =	vst v3;
	v2 =	vadd.f32 v5, v9  }
0x1e9: {  	v0 =	vadd.f32 v1, v9;
	[tilespmem:s19+$0x2880] =	vst v4  }
0x1ea: {  	s1 =	rddreg [dreg:$0xe];
	[tilespmem:s19+$0x2900] =	vst v2  }
0x1eb: {  	[tilespmem:s19+$0x2980] =	vst v0  }
0x1ec: {  	s21 =	simm.s32 $0x0;
	s1 =	sadd.s32 s1, s15;
	s23 =	rddreg [dreg:$0x12]  }
0x1ed: {  	s22 =	simm.s32 $0x2680;
	s1 =	sshrl.u32 s1, $0x3;
	s0 =	sor.u32 $0x1, s23  }
0x1ee: {  	s20 =	sadd.s32 s12, s1;
	[dreg:$0x13] =	wrdreg s0;
	s0 =	sshll.u32 s0, $0x4  }
0x1ef: {  	[hbm4b:s20+s21] =	stream.linear.scatter [tilespmem:s22], [sflag:$0x1], $0x1800, $0x38;
	[tilespmem:$0x10F80] =	vst v63  }
0x1f0: {  	s0 =	sand.u32 $0x3FFFFFF0, s0  }
0x1f1: {  	v0 =	vld [tilespmem:s0+$0x9E80];
	_ =	sdelay $0x4  }
0x1f2: {  	v0 =	vcvt.s32.f32 v0;
	_ =	sdelay $0x1  }
0x1f3: {  	s0 =	simm.s32 @!p1 $0x2;
	[tilespmem:$0x610] =	vst v0  }
0x1f4: {  	_ =	swait.ge @!p1 [sflag:s0], $0x3000  }
0x1f5: {  	v0 =	vimm.s32 $0x10;
	[sflag:s0] =	ssyncset.done @!p1 $0x0  }
0x1f6: {  	s24 =	simm.s32 $0x4;
	[sflag:s0] =	ssyncadd.s32 @!p1 $0xFFFFD000  }
0x1f7: {  	_ =	swait.ge [sflag:s24], $0x1800  }
0x1f8: {  	[sflag:s24] =	ssyncset.done $0x0  }
0x1f9: {  	[sflag:s24] =	ssyncadd.s32 $0xFFFFE800  }
0x1fa: {  	v24 =	vld.idx.msk [tilespmem:v0+s5+$0x0], $0xffff;
	v0 =	vimm.s32 $0x11;
	_ =	sdelay $0x4  }
0x1fb: {  	v25 =	vld.idx.msk [tilespmem:v0+s5+$0x0], $0xffff;
	v0 =	vimm.s32 $0x12;
	_ =	sdelay $0x4  }
0x1fc: {  	v26 =	vld.idx.msk [tilespmem:v0+s5+$0x0], $0xffff;
	v0 =	vimm.s32 $0x13;
	_ =	sdelay $0x4  }
0x1fd: {  	v23 =	vld.idx.msk [tilespmem:v0+s5+$0x0], $0xffff;
	v0 =	vimm.s32 $0x14;
	_ =	sdelay $0x4  }
0x1fe: {  	v22 =	vld.idx.msk [tilespmem:v0+s5+$0x0], $0xffff;
	v0 =	vimm.s32 $0x15  }
0x1ff: {  	s25 =	simm.s32 $0x0  }
0x200: {  	s28 =	simm.s32 $0x300;
	s29 =	sand.u32 $0x70, s25;
	s30 =	sand.u32 $0x1C00, s25  }
0x201: {  	s3 =	sor.u32 s29, s30;
	v3 =	vld [tilespmem:s28+$0x0]  }
0x202: {  	v1 =	vld [tilespmem:s3+$0xDD00]  }
0x203: {  	v21 =	vld.idx.msk [tilespmem:v0+s5+$0x0], $0xffff;
	v0 =	vimm.s32 $0x16  }
0x204: {  	v2 =	vld [tilespmem:s3+$0xDD80]  }
0x205: {  	v4 =	vld [tilespmem:s3+$0xDE00]  }
0x206: {  	v5 =	vld [tilespmem:s3+$0x6E80]  }
0x207: {  	v6 =	vld [tilespmem:s3+$0x6F00]  }
0x208: {  	v20 =	vld.idx.msk [tilespmem:v0+s5+$0x0], $0xffff;
	v0 =	vimm.s32 $0x17  }
0x209: {  	v7 =	vld [tilespmem:s3+$0x6F80]  }
0x20a: {  	v8 =	vld [tilespmem:s3+$0x7000]  }
0x20b: {  	v10 =	vld [tilespmem:s3+$0x7080]  }
0x20c: {  	v12 =	vld [tilespmem:s3+$0x7100]  }
0x20d: {  	v11 =	vmul.f32 v3, v25;
	v18 =	vld.idx.msk [tilespmem:v0+s5+$0x0], $0xffff  }
0x20e: {  	v9 =	vmul.f32 v3, v24;
	v13 =	vmul.f32 v3, v26;
	v0 =	vld [tilespmem:s3+$0xDC80]  }
0x20f: {  	v27 =	vld [tilespmem:s3+$0x7180];
	v6 =	vadd.f32 v6, v11  }
0x210: {  	v5 =	vadd.f32 v5, v9;
	v9 =	vld [tilespmem:s3+$0xDE80];
	v7 =	vadd.f32 v7, v13;
	v11 =	vmul.f32 v3, v23  }
0x211: {  	v1 =	vadd.f32 v6, v1;
	v6 =	vld [tilespmem:s3+$0xDF80];
	v13 =	vmul.f32 v3, v22  }
0x212: {  	s4 =	simm.s32 $0x80;
	s1 =	simm.s32 $0x10;
	v7 =	vadd.f32 v7, v2;
	v8 =	vadd.f32 v8, v11;
	v2 =	vmul.f32 v3, v20  }
0x213: {  	s7 =	simm.s32 $0x310;
	s6 =	sand.u32 $0x1C00, s4;
	s31 =	sand.u32 $0x70, s1;
	v10 =	vadd.f32 v10, v13;
	v5 =	vadd.f32 v5, v0;
	v0 =	vld [tilespmem:s3+$0xDF00]  }
0x214: {  	s2 =	sor.u32 s31, s6;
	v39 =	vld [tilespmem:s7+$0x0];
	v8 =	vadd.f32 v8, v4;
	v11 =	vmul.f32 v3, v21;
	[tilespmem:s3+$0x3F00] =	vst v1;
	v2 =	vadd.f32 v27, v2  }
0x215: {  	v45 =	vld [tilespmem:s2+$0xDC80];
	v9 =	vadd.f32 v10, v9;
	[tilespmem:s3+$0x3F80] =	vst v7  }
0x216: {  	v44 =	vld [tilespmem:s2+$0xDD00];
	v11 =	vadd.f32 v12, v11;
	[tilespmem:s3+$0x4000] =	vst v8;
	v41 =	vadd.f32 v2, v6  }
0x217: {  	v46 =	vimm.f32 $0.0e+00;
	v19 =	vimm.f32 $0.0e+00;
	v42 =	vld [tilespmem:s2+$0xDD80];
	[tilespmem:s3+$0x4080] =	vst v9  }
0x218: {  	v43 =	vld [tilespmem:s2+$0xDE00];
	v34 =	vadd.f32 v1, v19;
	v4 =	vmul.f32 v1, v1;
	[tilespmem:s3+$0x4180] =	vst v41;
	v11 =	vadd.f32 v11, v0  }
0x219: {  	s0 =	sor.u32 s25, s25;
	v35 =	vadd.f32 v7, v19;
	v13 =	vmul.f32 v8, v8;
	v10 =	vmul.f32 v7, v7;
	v2 =	vld [tilespmem:s2+$0x6F00];
	[tilespmem:s3+$0x3E80] =	vst v5  }
0x21a: {  	v28 =	vadd.f32 v4, v19;
	v36 =	vadd.f32 v8, v19;
	v31 =	vmul.f32 v9, v9;
	v0 =	vld [tilespmem:s2+$0x6E80];
	[tilespmem:s3+$0x4100] =	vst v11;
	s3 =	sor.u32 $0x380, s0  }
0x21b: {  	v30 =	vadd.f32 v13, v19;
	v29 =	vadd.f32 v10, v19;
	v4 =	vmul.f32 v11, v11;
	v10 =	vld [tilespmem:s3+$0x6E80]  }
0x21c: {  	v47 =	vmul.f32 v39, v24;
	v38 =	vadd.f32 v9, v19;
	v31 =	vadd.f32 v31, v19;
	v1 =	vld [tilespmem:s3+$0xDC80]  }
0x21d: {  	v6 =	vmul.f32 v41, v41;
	v12 =	vmul.f32 v5, v5;
	v32 =	vadd.f32 v4, v19;
	v4 =	vld [tilespmem:s2+$0x6F80]  }
0x21e: {  	v7 =	vmul.f32 v3, v18;
	v41 =	vadd.f32 v41, v19;
	v33 =	vadd.f32 v5, v19;
	v5 =	vld [tilespmem:s2+$0x7000]  }
0x21f: {  	v8 =	vmul.f32 v39, v25;
	v37 =	vadd.f32 v6, v19;
	v6 =	vld [tilespmem:s2+$0x7080];
	v27 =	vadd.f32 v12, v19  }
0x220: {  	s6 =	simm.s32 $0x20;
	v9 =	vmul.f32 v39, v26;
	v3 =	vld [tilespmem:s2+$0x7100];
	v40 =	vadd.f32 v11, v19;
	s0 =	simm.s32 $0x80;
	v7 =	vadd.f32 v10, v7  }
.LBB2_13:
0x221: {  	p1 =	sne.s32 s6, $0x2F0;
	v0 =	vadd.f32 v0, v47;
	v2 =	vadd.f32 v2, v8;
	v8 =	vmul.f32 v39, v23;
	v10 =	vld [tilespmem:s2+$0xDE80]  }
0x222: {  	v4 =	vadd.f32 v4, v9;
	v9 =	vmul.f32 v39, v22;
	v11 =	vld [tilespmem:s2+$0x7180];
	v1 =	vadd.f32 v7, v1  }
0x223: {  	s4 =	sadd.s32 $0x80, s4;
	v7 =	vadd.f32 v0, v45;
	v0 =	vadd.f32 v5, v8;
	v5 =	vld [tilespmem:s2+$0xDF00];
	v8 =	vmul.f32 v39, v21  }
0x224: {  	s8 =	sand.u32 $0x70, s6;
	s7 =	sadd.s32 $0x10, s7;
	s9 =	sand.u32 $0x1C00, s4;
	v12 =	vadd.f32 v2, v44;
	v2 =	vadd.f32 v6, v9;
	v6 =	vld [tilespmem:s2+$0xDF80];
	[tilespmem:s3+$0x3E80] =	vst v1;
	v9 =	vmul.f32 v1, v1  }
0x225: {  	s8 =	sor.u32 s8, s9;
	v47 =	vadd.f32 v4, v42;
	v4 =	vmul.f32 v39, v20;
	v13 =	vld [tilespmem:s7+$0x0];
	[tilespmem:s2+$0x3E80] =	vst v7;
	v3 =	vadd.f32 v3, v8  }
0x226: {  	v8 =	vmul.f32 v7, v7;
	v48 =	vadd.f32 v0, v43;
	v45 =	vld [tilespmem:s8+$0xDC80];
	[tilespmem:s2+$0x3F00] =	vst v12;
	v19 =	vadd.f32 v9, v19  }
0x227: {  	v9 =	vmul.f32 v12, v12;
	v10 =	vadd.f32 v2, v10;
	v44 =	vld [tilespmem:s8+$0xDD00];
	[tilespmem:s2+$0x3F80] =	vst v47;
	v0 =	vadd.f32 v11, v4  }
0x228: {  	v4 =	vmul.f32 v47, v47;
	v11 =	vmul.f32 v48, v48;
	v42 =	vld [tilespmem:s8+$0xDD80];
	[tilespmem:s2+$0x4000] =	vst v48;
	v3 =	vadd.f32 v3, v5  }
0x229: {  	v46 =	vadd.f32 v1, v46;
	v5 =	vmul.f32 v10, v10;
	v43 =	vld [tilespmem:s8+$0xDE00];
	[tilespmem:s2+$0x4080] =	vst v10;
	v49 =	vadd.f32 v0, v6  }
0x22a: {  	s3 =	sor.u32 s0, s1;
	s0 =	smov.u32 s4;
	s1 =	smov.u32 s6;
	v27 =	vadd.f32 v8, v27;
	v28 =	vadd.f32 v9, v28;
	v0 =	vld [tilespmem:s8+$0x6E80];
	[tilespmem:s2+$0x4100] =	vst v3;
	v1 =	vmul.f32 v3, v3  }
0x22b: {  	s3 =	sor.u32 $0x380, s3;
	v29 =	vadd.f32 v4, v29;
	v30 =	vadd.f32 v11, v30;
	v2 =	vld [tilespmem:s8+$0x6F00];
	[tilespmem:s2+$0x4180] =	vst v49;
	v6 =	vmul.f32 v49, v49;
	s2 =	smov.u32 s8  }
0x22c: {  	v31 =	vadd.f32 v5, v31;
	v32 =	vadd.f32 v1, v32;
	v11 =	vld [tilespmem:s3+$0x6E80]  }
.Ltmp5:
0x22d: {  	v33 =	vadd.f32 v7, v33;
	v4 =	vld [tilespmem:s2+$0x6F80];
	v37 =	vadd.f32 v6, v37;
	(pc) =	sbr.rel @p1 .LBB2_13-.Ltmp5, $4  }
0x22e: {  	v34 =	vadd.f32 v12, v34;
	v35 =	vadd.f32 v47, v35;
	v1 =	vld [tilespmem:s3+$0xDC80]  }
0x22f: {  	v7 =	vmul.f32 v39, v18;
	v36 =	vadd.f32 v48, v36;
	v38 =	vadd.f32 v10, v38;
	v39 =	vmovc v13;
	v5 =	vld [tilespmem:s2+$0x7000]  }
0x230: {  	v40 =	vadd.f32 v3, v40;
	v47 =	vmul.f32 v39, v24;
	v8 =	vmul.f32 v39, v25;
	v6 =	vld [tilespmem:s2+$0x7080]  }
0x231: {  	s6 =	sadd.s32 $0x10, s6;
	v9 =	vmul.f32 v39, v26;
	v41 =	vadd.f32 v49, v41;
	v3 =	vld [tilespmem:s2+$0x7100];
	v7 =	vadd.f32 v11, v7  }
0x232: {  	v0 =	vadd.f32 v0, v47;
	v10 =	vld [tilespmem:s2+$0xDE80]  }
0x233: {  	v2 =	vadd.f32 v2, v8;
	v8 =	vmul.f32 v39, v23;
	v11 =	vld [tilespmem:s2+$0x7180]  }
0x234: {  	v12 =	vld [tilespmem:s2+$0xDF00];
	v4 =	vadd.f32 v4, v9;
	v9 =	vmul.f32 v39, v22;
	v0 =	vadd.f32 v0, v45  }
0x235: {  	v13 =	vld [tilespmem:s2+$0xDF80];
	v5 =	vadd.f32 v5, v8;
	v8 =	vmul.f32 v39, v21;
	v2 =	vadd.f32 v2, v44  }
0x236: {  	v6 =	vadd.f32 v6, v9;
	v4 =	vadd.f32 v4, v42;
	v9 =	vmul.f32 v39, v20;
	[tilespmem:s2+$0x3E80] =	vst v0  }
0x237: {  	v3 =	vadd.f32 v3, v8;
	[tilespmem:s2+$0x3F00] =	vst v2;
	v5 =	vadd.f32 v5, v43  }
0x238: {  	[tilespmem:s2+$0x3F80] =	vst v4;
	v6 =	vadd.f32 v6, v10;
	v8 =	vadd.f32 v11, v9  }
0x239: {  	[tilespmem:s2+$0x4000] =	vst v5;
	v3 =	vadd.f32 v3, v12  }
0x23a: {  	[tilespmem:s2+$0x4080] =	vst v6;
	v8 =	vadd.f32 v8, v13  }
0x23b: {  	s0 =	sor.u32 s0, s1;
	[tilespmem:s2+$0x4100] =	vst v3  }
0x23c: {  	s0 =	sor.u32 $0x380, s0;
	[tilespmem:s2+$0x4180] =	vst v8  }
0x23d: {  	v9 =	vld [tilespmem:s0+$0x6E80];
	_ =	sdelay $0x1  }
0x23e: {  	v10 =	vld [tilespmem:s0+$0xDC80]  }
0x23f: {  	v11 =	vmul.f32 v39, v18;
	_ =	sdelay $0x1  }
0x240: {  	v9 =	vadd.f32 v9, v11  }
0x241: {  	v1 =	vadd.f32 v7, v1  }
0x242: {  	v7 =	vadd.f32 v9, v10  }
0x243: {  	[tilespmem:s3+$0x3E80] =	vst v1;
	v9 =	vimm.s32 $0x18  }
0x244: {  	s28 =	simm.s32 $0x4;
	[tilespmem:s0+$0x3E80] =	vst v7  }
0x245: {  	_ =	swait.ge [sflag:s28], $0x1800  }
0x246: {  	[sflag:s28] =	ssyncset.done $0x0  }
0x247: {  	[sflag:s28] =	ssyncadd.s32 $0xFFFFE800  }
0x248: {  	v39 =	vld.idx.msk [tilespmem:v9+s5+$0x0], $0xffff  }
0x249: {  	v9 =	vimm.s32 $0x19;
	v44 =	vld.idx.msk [tilespmem:v14+s5+$0x0], $0xffff  }
0x24a: {  	v45 =	vld.idx.msk [tilespmem:v15+s5+$0x0], $0xffff  }
0x24b: {  	v11 =	vmul.f32 v2, v2;
	v10 =	vmul.f32 v0, v0;
	v47 =	vld.idx.msk [tilespmem:v16+s5+$0x0], $0xffff  }
0x24c: {  	s29 =	simm.s32 $0x0;
	s30 =	simm.s32 $0x300;
	v56 =	vimm.f32 $0.0e+00;
	v22 =	vimm.f32 $0.0e+00;
	v48 =	vld.idx.msk [tilespmem:v17+s5+$0x0], $0xffff  }
0x24d: {  	s31 =	sand.u32 $0x70, s29;
	v49 =	vadd.f32 v11, v28;
	s0 =	sand.u32 $0x1C00, s29;
	v50 =	vadd.f32 v10, v27;
	v10 =	vmul.f32 v3, v3;
	v11 =	vld [tilespmem:s30+$0x0]  }
0x24e: {  	v21 =	vimm.f32 $0.0e+00;
	v53 =	vadd.f32 v0, v33;
	s1 =	sor.u32 s31, s0;
	v42 =	vld.idx.msk [tilespmem:v9+s5+$0x0], $0xffff;
	v9 =	vimm.s32 $0x1A  }
0x24f: {  	v20 =	vimm.f32 $0.0e+00;
	v55 =	vadd.f32 v2, v34;
	v25 =	vadd.f32 v10, v32;
	v10 =	vld [tilespmem:s1+$0x8880]  }
0x250: {  	v33 =	vimm.f32 $0.0e+00;
	v34 =	vimm.f32 $0.0e+00;
	v54 =	vadd.f32 v4, v35;
	v0 =	vld [tilespmem:s1+$0x8780]  }
0x251: {  	v35 =	vimm.f32 $0.0e+00;
	v12 =	vmul.f32 v4, v4;
	v52 =	vadd.f32 v5, v36;
	v2 =	vld [tilespmem:s1+$0x8A00]  }
0x252: {  	v13 =	vmul.f32 v5, v5;
	v18 =	vmul.f32 v6, v6;
	v38 =	vadd.f32 v6, v38;
	v5 =	vld [tilespmem:s1+$0xF500]  }
0x253: {  	v51 =	vadd.f32 v12, v29;
	v43 =	vld.idx.msk [tilespmem:v9+s5+$0x0], $0xffff;
	v9 =	vmul.f32 v1, v1;
	v1 =	vadd.f32 v1, v46  }
0x254: {  	v36 =	vimm.f32 $0.0e+00;
	v29 =	vadd.f32 v18, v31;
	v46 =	vadd.f32 v13, v30;
	v13 =	vld [tilespmem:s1+$0x8700]  }
0x255: {  	v31 =	vadd.f32 v3, v40;
	v3 =	vld [tilespmem:s1+$0xF580];
	v26 =	vadd.f32 v7, v1;
	v1 =	vimm.s32 $0x1B  }
0x256: {  	v12 =	vmul.f32 v8, v8;
	v4 =	vmul.f32 v7, v7;
	v58 =	vld [tilespmem:s1+$0xF700];
	v9 =	vadd.f32 v9, v19  }
0x257: {  	v18 =	vimm.f32 $0.0e+00;
	v40 =	vimm.f32 $0.0e+00;
	v59 =	vld [tilespmem:s1+$0x8900];
	v6 =	vmul.f32 v11, v42  }
0x258: {  	v30 =	vadd.f32 v8, v41;
	v8 =	vld [tilespmem:s1+$0x8980];
	v24 =	vadd.f32 v4, v9;
	v4 =	vmul.f32 v11, v48  }
0x259: {  	v23 =	vadd.f32 v12, v37;
	v37 =	vimm.f32 $0.0e+00;
	v63 =	vld [tilespmem:s1+$0xF800];
	v6 =	vadd.f32 v13, v6  }
0x25a: {  	v27 =	vimm.f32 $0.0e+00;
	v7 =	vmul.f32 v11, v44;
	v62 =	vadd.f32 v2, v4;
	v57 =	vld.idx.msk [tilespmem:v1+s5+$0x0], $0xffff  }
0x25b: {  	v4 =	vmul.f32 v11, v47;
	v1 =	vmul.f32 v11, v43;
	v12 =	vadd.f32 v6, v5;
	v6 =	vld [tilespmem:s1+$0x8800]  }
0x25c: {  	v32 =	vimm.f32 $0.0e+00;
	v60 =	vmul.f32 v11, v45;
	v5 =	vadd.f32 v10, v7;
	v7 =	vld [tilespmem:s1+$0xF680]  }
0x25d: {  	v41 =	vimm.f32 $0.0e+00;
	v61 =	vadd.f32 v8, v4;
	v8 =	vld [tilespmem:s1+$0x8680];
	v0 =	vadd.f32 v0, v1  }
0x25e: {  	v19 =	vimm.f32 $0.0e+00;
	v2 =	vmul.f32 v11, v39;
	v4 =	vld [tilespmem:s1+$0xF480];
	v28 =	vadd.f32 v12, v27  }
0x25f: {  	s4 =	simm.s32 $0x10;
	s2 =	simm.s32 $0x310;
	s0 =	simm.s32 $0x80;
	[tilespmem:s1+$0x5700] =	vst v12;
	v1 =	vadd.f32 v0, v3;
	v0 =	vmul.f32 v12, v12;
	v3 =	vld [tilespmem:s1+$0xF600];
	v9 =	vmul.f32 v11, v57  }
.LBB2_15:
0x260: {  	s3 =	smov.u32 s4  }
0x261: {  	s6 =	sand.u32 $0x70, s4;
	s7 =	sand.u32 $0x1C00, s0;
	[tilespmem:s1+$0x5780] =	vst v1;
	v27 =	vadd.f32 v1, v27;
	v1 =	vmul.f32 v1, v1;
	v6 =	vadd.f32 v6, v9;
	v9 =	vld [tilespmem:s1+$0xF780];
	s3 =	sadd.s32 $0x10, s4  }
0x262: {  	p1 =	sne.s32 s4, $0x2F0;
	s6 =	sor.u32 s6, s7;
	v33 =	vadd.f32 v0, v33;
	v0 =	vadd.f32 v5, v7;
	v10 =	vld [tilespmem:s2+$0x0]  }
0x263: {  	v34 =	vadd.f32 v1, v34;
	v1 =	vadd.f32 v59, v60;
	v5 =	vld [tilespmem:s6+$0x8700]  }
0x264: {  	v11 =	vadd.f32 v62, v63;
	v2 =	vadd.f32 v8, v2;
	v8 =	vmul.f32 v0, v0;
	v7 =	vld [tilespmem:s6+$0xF700];
	[tilespmem:s1+$0x5880] =	vst v0  }
0x265: {  	v3 =	vadd.f32 v6, v3;
	v1 =	vadd.f32 v1, v58;
	v12 =	vld [tilespmem:s6+$0x8880]  }
0x266: {  	v18 =	vadd.f32 v11, v18;
	v2 =	vadd.f32 v2, v4;
	v4 =	vmul.f32 v11, v11;
	v13 =	vld [tilespmem:s6+$0x8780];
	[tilespmem:s1+$0x5A00] =	vst v11  }
0x267: {  	v35 =	vadd.f32 v0, v35;
	v36 =	vadd.f32 v8, v36;
	v11 =	vmul.f32 v3, v3;
	v6 =	vld [tilespmem:s6+$0x8A00];
	[tilespmem:s1+$0x5800] =	vst v3  }
0x268: {  	v37 =	vadd.f32 v1, v37;
	v56 =	vadd.f32 v2, v56;
	v0 =	vmul.f32 v2, v2;
	v59 =	vld [tilespmem:s6+$0x8900];
	[tilespmem:s1+$0x5680] =	vst v2  }
0x269: {  	v32 =	vadd.f32 v11, v32;
	v2 =	vadd.f32 v61, v9;
	v8 =	vld [tilespmem:s6+$0xF500];
	[tilespmem:s1+$0x5900] =	vst v1;
	v1 =	vmul.f32 v1, v1  }
0x26a: {  	v60 =	vmul.f32 v10, v45;
	v11 =	vmul.f32 v10, v48;
	v41 =	vadd.f32 v0, v41;
	v58 =	vmovc v7;
	v9 =	vld [tilespmem:s6+$0xF580]  }
0x26b: {  	v0 =	vmul.f32 v10, v42;
	v20 =	vadd.f32 v2, v20;
	v61 =	vld [tilespmem:s6+$0x8980];
	v22 =	vadd.f32 v1, v22;
	[tilespmem:s1+$0x5980] =	vst v2;
	s1 =	smov.u32 s6  }
0x26c: {  	v40 =	vadd.f32 v3, v40;
	v1 =	vmul.f32 v10, v43;
	v63 =	vld [tilespmem:s1+$0xF800];
	v62 =	vadd.f32 v6, v11  }
.Ltmp6:
0x26d: {  	v0 =	vadd.f32 v5, v0;
	v5 =	vmul.f32 v10, v44;
	v11 =	vmul.f32 v2, v2;
	v6 =	vld [tilespmem:s1+$0x8800];
	(pc) =	sbr.rel @p1 .LBB2_15-.Ltmp6, $4  }
0x26e: {  	v19 =	vadd.f32 v4, v19;
	v2 =	vmul.f32 v10, v39;
	v1 =	vadd.f32 v13, v1;
	v7 =	vld [tilespmem:s1+$0xF680]  }
0x26f: {  	v5 =	vadd.f32 v12, v5;
	v12 =	vmul.f32 v10, v47;
	v0 =	vadd.f32 v0, v8;
	v3 =	vld [tilespmem:s1+$0xF600]  }
0x270: {  	v21 =	vadd.f32 v11, v21;
	v1 =	vadd.f32 v1, v9;
	v9 =	vmul.f32 v10, v57;
	v8 =	vld [tilespmem:s1+$0x8680]  }
0x271: {  	s0 =	sadd.s32 $0x80, s0;
	s2 =	sadd.s32 $0x10, s2;
	s4 =	smov.u32 s3;
	v28 =	vadd.f32 v0, v28;
	v61 =	vadd.f32 v61, v12;
	v4 =	vld [tilespmem:s1+$0xF480];
	[tilespmem:s1+$0x5700] =	vst v0;
	v0 =	vmul.f32 v0, v0  }
0x272: {  	(xrf2) =	vadd.scan.msk.f32 $0xffff, v53  }
0x273: {  	(xrf2) =	vadd.scan.msk.f32 $0xffff, v50;
	_ =	sdelay $0x1  }
0x274: {  	(xrf2) =	vadd.scan.msk.f32 $0xffff, v55  }
0x275: {  	(xrf2) =	vadd.scan.msk.f32 $0xffff, v49  }
0x276: {  	(xrf2) =	vadd.scan.msk.f32 $0xffff, v54;
	_ =	sdelay $0x2  }
0x277: {  	v6 =	vadd.f32 v6, v9;
	(xrf2) =	vadd.scan.msk.f32 $0xffff, v51;
	_ =	sdelay $0x1  }
0x278: {  	v9 =	vld [tilespmem:s1+$0xF780];
	v5 =	vadd.f32 v5, v7;
	v3 =	vadd.f32 v6, v3;
	v7, _, _ =	vpop (xrf2)  }
0x279: {  	v2 =	vadd.f32 v8, v2;
	(v2sf) =	vpush v7, $0xF;
	v7, _, _ =	vpop (xrf2)  }
0x27a: {  	(v2sf) =	vpush v7, $0xF;
	v7 =	vadd.f32 v59, v60  }
0x27b: {  	v8 =	vadd.f32 v62, v63;
	v2 =	vadd.f32 v2, v4;
	(xrf2) =	vadd.scan.msk.f32 $0xffff, v52;
	v6, _, _ =	vpop (xrf2)  }
0x27c: {  	[tilespmem:s1+$0x5780] =	vst v1;
	(xrf2) =	vadd.scan.msk.f32 $0xffff, v46;
	(v2sf) =	vpush v6, $0xF;
	v4, _, _ =	vpop (xrf2);
	v6 =	vadd.f32 v7, v58  }
0x27d: {  	[tilespmem:s1+$0x5880] =	vst v5;
	(xrf2) =	vadd.scan.msk.f32 $0xffff, v38;
	(v2sf) =	vpush v4, $0xF;
	v7 =	vadd.f32 v61, v9;
	v9, _, _ =	vpop (xrf2)  }
0x27e: {  	[tilespmem:s1+$0x5800] =	vst v3;
	(xrf2) =	vadd.scan.msk.f32 $0xffff, v29;
	(v2sf) =	vpush v9, $0xF  }
0x27f: {  	[tilespmem:s1+$0x5A00] =	vst v8;
	(xrf2) =	vadd.scan.msk.f32 $0xffff, v31  }
0x280: {  	[tilespmem:s1+$0x5680] =	vst v2;
	(xrf2) =	vadd.scan.msk.f32 $0xffff, v25;
	v9, _, _ =	vpop (xrf2)  }
0x281: {  	(xrf2) =	vadd.scan.msk.f32 $0xffff, v30;
	[tilespmem:s1+$0x5900] =	vst v6;
	(v2sf) =	vpush v9, $0xF  }
0x282: {  	v10 =	vmul.f32 v2, v2;
	[tilespmem:s1+$0x5980] =	vst v7;
	(xrf2) =	vadd.scan.msk.f32 $0xffff, v23  }
0x283: {  	v2 =	vadd.f32 v2, v56;
	s12 =	rddreg [dreg:$0x11];
	(xrf2) =	vadd.scan.msk.f32 $0xffff, v26  }
0x284: {  	v10 =	vadd.f32 v10, v41;
	v11 =	vld.msk @!p0 [tilespmem:s12+$0x6B0], $0xff;
	(xrf2) =	vadd.scan.msk.f32 $0xffff, v24  }
0x285: {  	v4 =	vmul.f32 v1, v1;
	v12, _, _ =	vpop (xrf2);
	(xrf2) =	vadd.scan.msk.f32 $0xffff, v2  }
0x286: {  	v0 =	vadd.f32 v0, v33;
	(v2sf) =	vpush v12, $0xF;
	(xrf2) =	vadd.scan.msk.f32 $0xffff, v10  }
0x287: {  	v1 =	vadd.f32 v1, v27;
	v9 =	vmul.f32 v5, v5;
	v4 =	vadd.f32 v4, v34;
	v12, _, _ =	vpop (xrf2);
	(xrf2) =	vadd.scan.msk.f32 $0xffff, v28  }
0x288: {  	v5 =	vadd.f32 v5, v35;
	v2 =	vmul.f32 v3, v3;
	(v2sf) =	vpush v12, $0xF;
	v12, _, _ =	vpop (xrf2);
	(xrf2) =	vadd.scan.msk.f32 $0xffff, v0;
	s0 =	spop (v2sf)  }
0x289: {  	v0 =	vadd.f32 v3, v40;
	(v2sf) =	vpush v12, $0xF;
	v3, _, _ =	vpop (xrf2);
	(xrf2) =	vadd.scan.msk.f32 $0xffff, v1;
	v1 =	vshrl.u32 @!p0 v11, $0x3;
	s4 =	smul.f32 $1.302083370e-03, s0;
	s15 =	spop (v2sf)  }
0x28a: {  	v2 =	vadd.f32 v2, v32;
	(v2sf) =	vpush v3, $0xF;
	v3, _, _ =	vpop (xrf2);
	(xrf2) =	vadd.scan.msk.f32 $0xffff, v4;
	v1 =	vmul.u32 @!p0 $0x30, v1;
	s0 =	smul.f32 $1.302083370e-03, s15  }
0x28b: {  	v4 =	vlaneseq.u32 @!p0;
	(v2sf) =	vpush v3, $0xF;
	(xrf2) =	vadd.scan.msk.f32 $0xffff, v0;
	v0 =	vand.u32 @!p0 $0x7, v11;
	s16 =	spop (v2sf);
	s3 =	smul.f32 s4, s4  }
0x28c: {  	v3, _, _ =	vpop (xrf2);
	(xrf2) =	vadd.scan.msk.f32 $0xffff, v2;
	v0 =	vor.u32 @!p0 v0, v1;
	v1 =	vand.u32 @!p0 $0x7, v4;
	v2 =	vshrl.u32 @!p0 v4, $0x3;
	s6 =	smul.f32 $1.302083370e-03, s16;
	s17 =	spop (v2sf)  }
0x28d: {  	v0 =	vperm.xlane @!p0 v0, v1;
	v23 =	vmul.u32 @!p0 $0x8, v2;
	s7 =	smul.f32 $1.302083370e-03, s17;
	s18 =	spop (v2sf)  }
0x28e: {  	v9 =	vadd.f32 v9, v36;
	v10 =	vadd.f32 v6, v37;
	v6 =	vmul.f32 v6, v6;
	v11, _, _ =	vpop (xrf2);
	s17 =	rddreg [dreg:$0x1];
	s8 =	smul.f32 s6, s6  }
0x28f: {  	(v2sf) =	vpush v3, $0xF;
	v3, _, _ =	vpop (xrf2);
	(xrf2) =	vadd.scan.msk.f32 $0xffff, v5;
	v0 =	vadd.s32 @!p0 v23, v0;
	s2 =	smul.f32 $1.302083370e-03, s18;
	s0 =	ssub.f32 s0, s3  }
0x290: {  	v2 =	vadd.f32 v6, v22;
	(v2sf) =	vpush v11, $0xF;
	v5, _, _ =	vpop (xrf2);
	(xrf2) =	vadd.scan.msk.f32 $0xffff, v9;
	s19 =	spop (v2sf);
	s18 =	rddreg [dreg:$0xc]  }
0x291: {  	v4 =	vmul.f32 v7, v7;
	v6 =	vadd.f32 v7, v20;
	(v2sf) =	vpush v3, $0xF;
	v3, _, _ =	vpop (xrf2);
	(xrf2) =	vadd.scan.msk.f32 $0xffff, v10;
	s9 =	smul.f32 $1.302083370e-03, s19;
	s19 =	rddreg [dreg:$0xd]  }
0x292: {  	s10 =	simm.s32 @!p0 $0xDC80;
	(v2sf) =	vpush v5, $0xF;
	v5, _, _ =	vpop (xrf2);
	(xrf2) =	vadd.scan.msk.f32 $0xffff, v2;
	v2 =	vadd.f32 v8, v18;
	s11 =	sadd.f32 $9.999999960e-13, s0  }
0x293: {  	s1 =	simm.s32 @!p0 $0x0;
	v4 =	vadd.f32 v4, v21;
	(v2sf) =	vpush v3, $0xF;
	(xrf2) =	vadd.scan.msk.f32 $0xffff, v6;
	s20 =	smul.f32 s2, s2;
	s7 =	ssub.f32 s7, s8  }
0x294: {  	v7 =	vmul.f32 v8, v8;
	v3, _, _ =	vpop (xrf2);
	(v2sf) =	vpush v5, $0xF;
	[tilespmem:s10], [sflag:$0x4] =	stream.indirect_vreg.gather @!p0 [hbm4b:s17+s1], $0x80, v0, vm1, $0xb8;
	[tilespmem:$0x10F80] =	vst v63  }
0x295: {  	s21 =	spop (v2sf);
	v5, _, _ =	vpop (xrf2);
	(xrf2) =	vadd.scan.msk.f32 $0xffff, v4;
	(v2sf) =	vpush v3, $0xF;
	s7 =	sadd.f32 $9.999999960e-13, s7  }
0x296: {  	v4 =	vadd.f32 v7, v19;
	s0 =	smul.f32 $1.302083370e-03, s21;
	(xrf2) =	vadd.scan.msk.f32 $0xffff, v2;
	(v2sf) =	vpush v5, $0xF;
	v2, _, _ =	vpop (xrf2);
	s10 =	simm.s32 @!p0 $0xE480;
	s3 =	ssub.f32 s9, s20  }
0x297: {  	(v2sf) =	vpush v2, $0xF;
	v2, _, _ =	vpop (xrf2);
	[tilespmem:s10], [sflag:$0x4] =	stream.indirect_vreg.gather @!p0 [hbm4b:s18+s1], $0x80, v0, vm1, $0xb8;
	[tilespmem:$0x10F80] =	vst v63  }
0x298: {  	s8 =	simm.s32 @!p0 $0xEC80;
	(xrf2) =	vadd.scan.msk.f32 $0xffff, v4;
	v3, _, _ =	vpop (xrf2);
	(v2sf) =	vpush v2, $0xF;
	s22 =	spop (v2sf);
	s10 =	smul.f32 s0, s0  }
0x299: {  	v2, _, _ =	vpop (xrf2);
	(v2sf) =	vpush v3, $0xF;
	[tilespmem:s8], [sflag:$0x4] =	stream.indirect_vreg.gather @!p0 [hbm4b:s19+s1], $0x80, v0, vm1, $0xb8;
	[tilespmem:$0x10F80] =	vst v63  }
0x29a: {  	s23 =	spop (v2sf);
	v3, _, _ =	vpop (xrf2);
	(v2sf) =	vpush v2, $0xF;
	v0 =	vmov s11;
	s8 =	smul.f32 $1.302083370e-03, s22  }
0x29b: {  	v6 =	vmov s7;
	s7 =	smul.f32 $1.302083370e-03, s23;
	s24 =	spop (v2sf);
	v2, _, _ =	vpop (xrf2);
	(v2sf) =	vpush v3, $0xF;
	v4 =	vshra.s32 v0, $0x1  }
0x29c: {  	v0 =	vmul.f32 $5.000000000e-01, v0;
	s25 =	smul.f32 $1.302083370e-03, s24;
	v3, _, _ =	vpop (xrf2);
	(v2sf) =	vpush v2, $0xF;
	v2 =	vld.msk @!p0 [tilespmem:s12+$0x6B8], $0xff  }
0x29d: {  	s3 =	sadd.f32 $9.999999960e-13, s3;
	s29 =	smul.f32 s7, s7;
	v5, _, _ =	vpop (xrf2);
	(v2sf) =	vpush v3, $0xF;
	v3 =	vsub.s32 $0x5F3759DF, v4  }
0x29e: {  	s15 =	spop (v2sf);
	s10 =	ssub.f32 s8, s10;
	v4, _, _ =	vpop (xrf2);
	(v2sf) =	vpush v5, $0xF;
	v5 =	vmul.f32 v3, v0  }
0x29f: {  	s13 =	spop (v2sf);
	s8 =	smul.f32 $1.302083370e-03, s15;
	v7, _, _ =	vpop (xrf2);
	(v2sf) =	vpush v4, $0xF;
	v4 =	vshra.s32 v6, $0x1;
	v6 =	vmul.f32 $5.000000000e-01, v6  }
0x2a0: {  	s16 =	spop (v2sf);
	s13 =	smul.f32 $1.302083370e-03, s13;
	v8, _, _ =	vpop (xrf2);
	(v2sf) =	vpush v7, $0xF;
	v5 =	vmul.f32 v3, v5;
	v4 =	vsub.s32 $0x5F3759DF, v4  }
0x2a1: {  	s14 =	smul.f32 s8, s8;
	s15 =	spop (v2sf);
	v7, _, _ =	vpop (xrf2);
	(v2sf) =	vpush v8, $0xF;
	v8 =	vshrl.u32 @!p0 v2, $0x3;
	v9 =	vmul.f32 v4, v6  }
0x2a2: {  	s20 =	spop (v2sf);
	s15 =	smul.f32 $1.302083370e-03, s15;
	(v2sf) =	vpush v7, $0xF;
	v7, _, _ =	vpop (xrf2);
	v8 =	vmul.u32 @!p0 $0x30, v8;
	v5 =	vsub.f32 $1.500000000e+00, v5  }
0x2a3: {  	v2 =	vand.u32 @!p0 $0x7, v2;
	s9 =	smul.f32 $1.302083370e-03, s20;
	(v2sf) =	vpush v7, $0xF;
	v7 =	vmul.f32 v4, v9  }
0x2a4: {  	s10 =	sadd.f32 $9.999999960e-13, s10;
	v2 =	vor.u32 @!p0 v2, v8;
	v3 =	vmul.f32 v3, v5;
	v5 =	vmov s3;
	s3 =	smul.f32 $1.302083370e-03, s16  }
0x2a5: {  	s11 =	ssub.f32 s25, s29;
	s23 =	smul.f32 s9, s9;
	v7 =	vsub.f32 $1.500000000e+00, v7;
	v8 =	vshra.s32 v5, $0x1;
	v5 =	vmul.f32 $5.000000000e-01, v5  }
0x2a6: {  	s21 =	spop (v2sf);
	v1 =	vperm.xlane @!p0 v2, v1;
	v0 =	vmul.f32 v3, v0;
	v2 =	vsub.s32 $0x5F3759DF, v8;
	s16 =	smul.f32 s3, s3  }
0x2a7: {  	s22 =	ssub.f32 s13, s14;
	v8 =	vmov s10;
	s10 =	smul.f32 $1.302083370e-03, s21;
	v4 =	vmul.f32 v4, v7;
	v7 =	vmul.f32 v2, v5  }
0x2a8: {  	v9 =	vshra.s32 v8, $0x1;
	v8 =	vmul.f32 $5.000000000e-01, v8;
	v0 =	vmul.f32 v0, v3;
	s25 =	ssub.f32 s15, s16  }
0x2a9: {  	v9 =	vsub.s32 $0x5F3759DF, v9;
	s29 =	ssub.f32 s10, s23;
	v6 =	vmul.f32 v4, v6;
	v7 =	vmul.f32 v2, v7  }
0x2aa: {  	v19 =	vmov s4;
	v10 =	vmul.f32 v9, v8;
	v0 =	vsub.f32 $1.500000000e+00, v0;
	s13 =	sadd.f32 $9.999999960e-13, s25  }
0x2ab: {  	v1 =	vadd.s32 @!p0 v23, v1;
	s14 =	sadd.f32 $9.999999960e-13, s29;
	v6 =	vmul.f32 v6, v4;
	v7 =	vsub.f32 $1.500000000e+00, v7  }
0x2ac: {  	s24 =	sadd.f32 $9.999999960e-13, s11;
	v21 =	vmul.f32 v0, v3;
	v0 =	vmul.f32 v9, v10;
	v10 =	vmov s13  }
0x2ad: {  	v13 =	vmov s14;
	v3 =	vsub.f32 $1.500000000e+00, v6;
	v2 =	vmul.f32 v2, v7  }
0x2ae: {  	v6 =	vmov s24;
	v11 =	vshra.s32 v10, $0x1;
	v10 =	vmul.f32 $5.000000000e-01, v10  }
0x2af: {  	v23 =	vshra.s32 v13, $0x1;
	v13 =	vmul.f32 $5.000000000e-01, v13;
	v0 =	vsub.f32 $1.500000000e+00, v0  }
0x2b0: {  	s12 =	sadd.f32 $9.999999960e-13, s22;
	v7 =	vshra.s32 v6, $0x1;
	v6 =	vmul.f32 $5.000000000e-01, v6;
	v11 =	vsub.s32 $0x5F3759DF, v11  }
0x2b1: {  	v23 =	vsub.s32 $0x5F3759DF, v23;
	v22 =	vmul.f32 v3, v4;
	v3 =	vmul.f32 v2, v5  }
0x2b2: {  	v4 =	vsub.s32 $0x5F3759DF, v7;
	v7 =	vmov s12;
	v18 =	vmul.f32 v11, v10  }
0x2b3: {  	s4 =	simm.s32 @!p0 $0xF480;
	v0 =	vmul.f32 v9, v0;
	v9 =	vshra.s32 v7, $0x1;
	v7 =	vmul.f32 $5.000000000e-01, v7  }
0x2b4: {  	[tilespmem:s4], [sflag:$0x4] =	stream.indirect_vreg.gather @!p0 [hbm4b:s17+s1], $0x80, v1, vm1, $0xb8;
	v5 =	vmul.f32 v4, v6;
	v9 =	vsub.s32 $0x5F3759DF, v9;
	v18 =	vmul.f32 v11, v18;
	[tilespmem:$0x10F80] =	vst v63  }
0x2b5: {  	v24 =	vmov s2;
	s2 =	simm.s32 @!p0 $0xFC80;
	v25 =	vmul.f32 v23, v13;
	v12 =	vmul.f32 v9, v7  }
0x2b6: {  	[tilespmem:s2], [sflag:$0x4] =	stream.indirect_vreg.gather @!p0 [hbm4b:s18+s1], $0x80, v1, vm1, $0xb8;
	v5 =	vmul.f32 v4, v5;
	v8 =	vmul.f32 v0, v8;
	v18 =	vsub.f32 $1.500000000e+00, v18;
	[tilespmem:$0x10F80] =	vst v63  }
0x2b7: {  	s2 =	simm.s32 @!p0 $0x10480;
	v3 =	vmul.f32 v3, v2;
	v12 =	vmul.f32 v9, v12  }
0x2b8: {  	[tilespmem:s2], [sflag:$0x4] =	stream.indirect_vreg.gather @!p0 [hbm4b:s19+s1], $0x80, v1, vm1, $0xb8;
	v5 =	vsub.f32 $1.500000000e+00, v5;
	v1 =	vmul.f32 v8, v0;
	v8 =	vmul.f32 v11, v18;
	[tilespmem:$0x10F80] =	vst v63  }
0x2b9: {  	v26 =	vmul.f32 v23, v25;
	v3 =	vsub.f32 $1.500000000e+00, v3;
	v12 =	vsub.f32 $1.500000000e+00, v12  }
0x2ba: {  	v25 =	vmov s0;
	v4 =	vmul.f32 v4, v5;
	v10 =	vmul.f32 v8, v10  }
0x2bb: {  	s16 =	simm.s32 $0x10C80;
	s0 =	simm.s32 $0x0;
	v31 =	vmul.f32 v3, v2;
	v5 =	vmul.f32 v9, v12;
	v9 =	vsub.f32 $1.500000000e+00, v26  }
0x2bc: {  	s17 =	sand.u32 $0x70, s0;
	s18 =	sand.u32 $0x1C00, s0;
	v11 =	vld [tilespmem:s16+$0x0];
	v1 =	vsub.f32 $1.500000000e+00, v1;
	v6 =	vmul.f32 v4, v6;
	v10 =	vmul.f32 v10, v8  }
0x2bd: {  	v27 =	vmov s7;
	s15 =	spop (v2sf);
	s7 =	sor.u32 s17, s18;
	v18 =	vld [tilespmem:s0+$0x0];
	v7 =	vmul.f32 v5, v7;
	v9 =	vmul.f32 v23, v9  }
0x2be: {  	s28 =	smul.f32 $1.302083370e-03, s15;
	s19 =	spop (v2sf);
	v32 =	vmul.f32 v1, v0;
	v6 =	vmul.f32 v6, v4;
	v0 =	vsub.f32 $1.500000000e+00, v10;
	v10 =	vld [tilespmem:s7+$0x4100]  }
0x2bf: {  	v20 =	vmov s6;
	s6 =	smul.f32 $1.302083370e-03, s19;
	s20 =	spop (v2sf);
	v7 =	vmul.f32 v7, v5;
	v12 =	vmul.f32 v9, v13;
	v13 =	vld [tilespmem:s7+$0x3E80]  }
0x2c0: {  	s21 =	spop (v2sf);
	s30 =	smul.f32 $1.302083370e-03, s20;
	v2 =	vsub.f32 $1.500000000e+00, v6;
	v6 =	vld [tilespmem:s7+$0x3F00]  }
0x2c1: {  	s10 =	smul.f32 $1.302083370e-03, s21;
	v35 =	vmul.f32 v0, v8;
	v8 =	vmul.f32 v11, v31;
	v3 =	vsub.f32 $1.500000000e+00, v7;
	v7 =	vld [tilespmem:s7+$0x3F80]  }
0x2c2: {  	v28 =	vmov s3;
	s22 =	spop (v2sf);
	s3 =	smul.f32 s30, s30;
	v1 =	vmul.f32 v12, v9;
	v36 =	vmul.f32 v2, v4;
	v2 =	vld [tilespmem:s7+$0x4000]  }
0x2c3: {  	s23 =	spop (v2sf);
	s4 =	smul.f32 $1.302083370e-03, s22;
	v26 =	vmov s8;
	v4 =	vmul.f32 v11, v22;
	v34 =	vmul.f32 v3, v5;
	v3 =	vld [tilespmem:s7+$0x4080]  }
0x2c4: {  	s11 =	smul.f32 $1.302083370e-03, s23;
	v0 =	vsub.f32 $1.500000000e+00, v1;
	v1 =	vmul.f32 v11, v21;
	v5 =	vsub.f32 v13, v19  }
0x2c5: {  	v29 =	vld [tilespmem:s7+$0x4180];
	s24 =	spop (v2sf);
	s14 =	smul.f32 s4, s4;
	v12 =	vmul.f32 v11, v32;
	v10 =	vsub.f32 v10, v26;
	v6 =	vsub.f32 v6, v20  }
0x2c6: {  	s31 =	simm.s32 $0x10;
	s25 =	spop (v2sf);
	s1 =	smul.f32 $1.302083370e-03, s24;
	v13 =	vmul.f32 v11, v36;
	v1 =	vmul.f32 v5, v1;
	v5 =	vsub.f32 v7, v24  }
0x2c7: {  	s15 =	simm.s32 $0x80;
	s19 =	simm.s32 $0x10C90;
	s13 =	smul.f32 $1.302083370e-03, s25;
	v7 =	vmul.f32 v11, v34;
	v4 =	vmul.f32 v6, v4;
	v2 =	vsub.f32 v2, v25  }
0x2c8: {  	s18 =	sand.u32 $0x1C00, s15;
	s16 =	sand.u32 $0x70, s31;
	s8 =	smul.f32 s28, s28;
	v23 =	vld [tilespmem:s31+$0x0];
	v1 =	vadd.f32 v1, v18;
	v5 =	vmul.f32 v5, v8;
	v3 =	vsub.f32 v3, v27  }
0x2c9: {  	s23 =	sor.u32 s16, s18;
	s29 =	spop (v2sf);
	s17 =	smul.f32 s1, s1;
	v6 =	vmul.f32 v11, v35;
	v8 =	vld [tilespmem:s19+$0x0];
	v4 =	vadd.f32 v4, v18;
	v2 =	vmul.f32 v2, v12  }
0x2ca: {  	s20 =	spop (v2sf);
	s2 =	smul.f32 $1.302083370e-03, s29;
	v12 =	vld [tilespmem:s23+$0x3E80];
	[tilespmem:s7+$0x3E80] =	vst v1;
	v1 =	vadd.f32 v5, v18;
	v3 =	vmul.f32 v3, v13;
	v5 =	vsub.f32 v29, v28  }
0x2cb: {  	s16 =	ssub.f32 s11, s14;
	s22 =	spop (v2sf);
	v13 =	vld [tilespmem:s23+$0x3F00];
	[tilespmem:s7+$0x3F00] =	vst v4;
	v2 =	vadd.f32 v2, v18;
	v4 =	vmul.f32 v10, v7  }
0x2cc: {  	s0 =	sor.u32 s0, s0;
	s12 =	smul.f32 $1.302083370e-03, s20;
	s24 =	spop (v2sf);
	v29 =	vmul.f32 v0, v9;
	v0 =	vld [tilespmem:s23+$0x3F80];
	[tilespmem:s7+$0x3F80] =	vst v1;
	v1 =	vadd.f32 v3, v18;
	v3 =	vmul.f32 v5, v6  }
0x2cd: {  	v30 =	vmov s9;
	s18 =	simm.s32 $0x20;
	s25 =	smul.f32 s2, s2;
	s20 =	ssub.f32 s6, s8;
	v5 =	vld [tilespmem:s23+$0x4000];
	[tilespmem:s7+$0x4000] =	vst v2;
	v2 =	vadd.f32 v4, v18  }
0x2ce: {  	s11 =	sand.u32 $0x70, s18;
	s9 =	smul.f32 $1.302083370e-03, s22;
	s6 =	ssub.f32 s10, s3;
	v7 =	vmul.f32 v11, v29;
	v6 =	vld [tilespmem:s23+$0x4080];
	v4 =	vmul.f32 v8, v21;
	[tilespmem:s7+$0x4080] =	vst v1;
	v1 =	vadd.f32 v3, v18  }
0x2cf: {  	s22 =	sor.u32 $0x380, s0;
	s21 =	spop (v2sf);
	s3 =	smul.f32 $1.302083370e-03, s24;
	v11 =	vld [tilespmem:s23+$0x4100];
	v9 =	vsub.f32 v12, v19;
	v10 =	vmul.f32 v8, v31;
	v12 =	vmul.f32 v8, v32;
	[tilespmem:s7+$0x4100] =	vst v2  }
0x2d0: {  	v63 =	vld [tilespmem:s23+$0x4180];
	s24 =	ssub.f32 s13, s17;
	s17 =	simm.s32 $0x100;
	s29 =	spop (v2sf);
	v3 =	vmul.f32 v8, v22;
	v2 =	vsub.f32 v13, v20;
	v13 =	vmul.f32 v8, v36;
	[tilespmem:s7+$0x4180] =	vst v1  }
0x2d1: {  	s10 =	smul.f32 $1.302083370e-03, s21;
	s13 =	sand.u32 $0x1C00, s17;
	s14 =	spop (v2sf);
	v0 =	vsub.f32 v0, v24;
	v1 =	vmul.f32 v9, v4;
	v9 =	vmul.f32 v8, v34;
	v39 =	vld [tilespmem:s22+$0x3E80]  }
0x2d2: {  	s8 =	sor.u32 s11, s13;
	s11 =	smul.f32 $1.302083370e-03, s14;
	s21 =	spop (v2sf);
	v2 =	vmul.f32 v2, v3;
	v3 =	vsub.f32 v5, v25;
	v5 =	vmul.f32 v8, v35  }
0x2d3: {  	v33 =	vld [tilespmem:s18+$0x0];
	s0 =	simm.s32 $0x10CA0;
	s13 =	smul.f32 $1.302083370e-03, s21;
	v0 =	vmul.f32 v0, v10;
	v4 =	vsub.f32 v6, v27;
	v1 =	vadd.f32 v1, v23  }
0x2d4: {  	v37 =	vld [tilespmem:s0+$0x0];
	s19 =	smul.f32 s9, s9;
	v10 =	vsub.f32 v11, v26;
	v2 =	vadd.f32 v2, v23;
	v6 =	vmul.f32 v3, v12  }
0x2d5: {  	s7 =	smul.f32 $1.302083370e-03, s29;
	v11 =	vsub.f32 v63, v28;
	v3 =	vld [tilespmem:s8+$0x3E80];
	v0 =	vadd.f32 v0, v23;
	[tilespmem:s23+$0x3E80] =	vst v1;
	v1 =	vmul.f32 v4, v13  }
0x2d6: {  	s14 =	ssub.f32 s12, s25;
	s29 =	smul.f32 s10, s10;
	v9 =	vmul.f32 v10, v9;
	v4 =	vld [tilespmem:s8+$0x3F00];
	[tilespmem:s23+$0x3F00] =	vst v2;
	v6 =	vadd.f32 v6, v23;
	v10 =	vsub.f32 v39, v30  }
0x2d7: {  	s21 =	ssub.f32 s3, s19;
	s19 =	smul.f32 s11, s11;
	v11 =	vmul.f32 v11, v5;
	v2 =	vld [tilespmem:s8+$0x3F80];
	[tilespmem:s23+$0x3F80] =	vst v0;
	v12 =	vadd.f32 v1, v23  }
0x2d8: {  	v38 =	vmul.f32 v8, v29;
	s25 =	ssub.f32 s7, s29;
	v0 =	vld [tilespmem:s8+$0x4000];
	[tilespmem:s23+$0x4000] =	vst v6;
	v6 =	vadd.f32 v9, v23;
	v39 =	vmul.f32 v10, v7  }
0x2d9: {  	s12 =	simm.s32 $0x20;
	s3 =	simm.s32 $0x30;
	v8 =	vmul.f32 v37, v21;
	s7 =	ssub.f32 s13, s19;
	v5 =	vmul.f32 v37, v22;
	v1 =	vld [tilespmem:s8+$0x4080];
	[tilespmem:s23+$0x4080] =	vst v12;
	v7 =	vadd.f32 v11, v23  }
.LBB2_17:
0x2da: {  	p0 =	sne.s32 s3, $0x2F0;
	v3 =	vsub.f32 v3, v19;
	v9 =	vmul.f32 v37, v31;
	v10 =	vld [tilespmem:s8+$0x4100];
	[tilespmem:s23+$0x4100] =	vst v6;
	s13 =	sor.u32 s15, s31;
	v6 =	vadd.f32 v39, v18;
	s15 =	smov.u32 s17  }
0x2db: {  	v11 =	vmul.f32 v37, v32;
	v12 =	vmul.f32 v37, v36;
	s31 =	smov.u32 s18;
	v4 =	vsub.f32 v4, v20;
	v13 =	vld [tilespmem:s8+$0x4180];
	[tilespmem:s23+$0x4180] =	vst v7;
	s13 =	sor.u32 $0x380, s13;
	s23 =	smov.u32 s8  }
0x2dc: {  	s18 =	smov.u32 s3;
	v7 =	vmul.f32 v37, v34;
	v3 =	vmul.f32 v3, v8;
	v2 =	vsub.f32 v2, v24;
	v8 =	vld [tilespmem:s13+$0x3E80];
	[tilespmem:s22+$0x3E80] =	vst v6;
	s22 =	smov.u32 s13  }
0x2dd: {  	s17 =	sadd.s32 $0x80, s17;
	s12 =	sadd.s32 $0x10, s12;
	v18 =	vmovc v23;
	v4 =	vmul.f32 v4, v5;
	v0 =	vsub.f32 v0, v25;
	v5 =	vmul.f32 v37, v35  }
0x2de: {  	s0 =	sadd.s32 $0x10, s0;
	v23 =	vmovc v33;
	s8 =	sand.u32 $0x70, s3;
	s13 =	sand.u32 $0x1C00, s17;
	v6 =	vadd.f32 v3, v33;
	v2 =	vmul.f32 v2, v9;
	v1 =	vsub.f32 v1, v27;
	v33 =	vld [tilespmem:s12+$0x0]  }
0x2df: {  	s8 =	sor.u32 s8, s13;
	v9 =	vadd.f32 v4, v23;
	v0 =	vmul.f32 v0, v11;
	v10 =	vsub.f32 v10, v26;
	v11 =	vmovc v37;
	v37 =	vld [tilespmem:s0+$0x0]  }
.Ltmp7:
0x2e0: {  	v3 =	vld [tilespmem:s8+$0x3E80];
	[tilespmem:s23+$0x3E80] =	vst v6;
	v6 =	vadd.f32 v2, v23;
	v1 =	vmul.f32 v1, v12;
	v12 =	vsub.f32 v13, v28;
	(pc) =	sbr.rel @p0 .LBB2_17-.Ltmp7, $4  }
0x2e1: {  	v4 =	vld [tilespmem:s8+$0x3F00];
	[tilespmem:s23+$0x3F00] =	vst v9;
	v9 =	vadd.f32 v0, v23;
	v7 =	vmul.f32 v10, v7;
	v8 =	vsub.f32 v8, v30  }
0x2e2: {  	v2 =	vld [tilespmem:s8+$0x3F80];
	[tilespmem:s23+$0x3F80] =	vst v6;
	v10 =	vadd.f32 v1, v23;
	v12 =	vmul.f32 v12, v5  }
0x2e3: {  	v0 =	vld [tilespmem:s8+$0x4000];
	[tilespmem:s23+$0x4000] =	vst v9;
	v6 =	vadd.f32 v7, v23;
	v39 =	vmul.f32 v8, v38;
	v38 =	vmul.f32 v11, v29  }
0x2e4: {  	s3 =	sadd.s32 $0x10, s3;
	v8 =	vmul.f32 v37, v21;
	v5 =	vmul.f32 v37, v22;
	v1 =	vld [tilespmem:s8+$0x4080];
	[tilespmem:s23+$0x4080] =	vst v10;
	v7 =	vadd.f32 v12, v23  }
0x2e5: {  	v10 =	vmul.f32 v37, v31  }
0x2e6: {  	s0 =	sadd.f32 $9.999999960e-13, s20;
	v3 =	vsub.f32 v3, v19;
	v11 =	vmul.f32 v37, v32;
	v19 =	vmul.f32 v37, v36  }
0x2e7: {  	s20 =	sadd.f32 $9.999999960e-13, s6;
	v18 =	vadd.f32 v39, v18;
	v4 =	vsub.f32 v4, v20;
	v20 =	vmul.f32 v37, v34  }
0x2e8: {  	v13 =	vld [tilespmem:s8+$0x4100];
	v9 =	vmov s0;
	v3 =	vmul.f32 v3, v8;
	v2 =	vsub.f32 v2, v24  }
0x2e9: {  	v12 =	vmov s20;
	v4 =	vmul.f32 v4, v5;
	v0 =	vsub.f32 v0, v25  }
0x2ea: {  	v8 =	vld [tilespmem:s8+$0x4180];
	s0 =	sor.u32 s17, s18;
	s17 =	sadd.f32 $9.999999960e-13, s7;
	v5 =	vmul.f32 v37, v35;
	v3 =	vadd.f32 v3, v33;
	v2 =	vmul.f32 v2, v10  }
0x2eb: {  	v10 =	vshra.s32 v9, $0x1;
	v9 =	vmul.f32 $5.000000000e-01, v9;
	v1 =	vsub.f32 v1, v27  }
0x2ec: {  	v21 =	vmov s17;
	v4 =	vadd.f32 v4, v33;
	v10 =	vsub.s32 $0x5F3759DF, v10  }
0x2ed: {  	[tilespmem:s23+$0x4100] =	vst v6;
	v0 =	vmul.f32 v0, v11;
	v6 =	vsub.f32 v13, v26;
	v24 =	vmul.f32 $5.000000000e-01, v21  }
0x2ee: {  	[tilespmem:s23+$0x4180] =	vst v7;
	v11 =	vmul.f32 v10, v9;
	v2 =	vadd.f32 v2, v33;
	v1 =	vmul.f32 v1, v19  }
0x2ef: {  	[tilespmem:s8+$0x3E80] =	vst v3;
	v7 =	vsub.f32 v8, v28;
	v0 =	vadd.f32 v0, v33;
	v3 =	vmul.f32 v6, v20  }
0x2f0: {  	[tilespmem:s8+$0x3F00] =	vst v4;
	v4 =	vshra.s32 v12, $0x1;
	v8 =	vmul.f32 $5.000000000e-01, v12;
	v6 =	vmul.f32 v10, v11  }
0x2f1: {  	s29 =	sadd.f32 $9.999999960e-13, s14;
	v1 =	vadd.f32 v1, v33;
	[tilespmem:s8+$0x3F80] =	vst v2;
	v4 =	vsub.s32 $0x5F3759DF, v4;
	v2 =	vmul.f32 v7, v5  }
0x2f2: {  	s23 =	sadd.f32 $9.999999960e-13, s16;
	v26 =	vmov s2;
	[tilespmem:s8+$0x4000] =	vst v0;
	v0 =	vadd.f32 v3, v33;
	v3 =	vmul.f32 v4, v8  }
0x2f3: {  	s13 =	sor.u32 s15, s31;
	v20 =	vmul.f32 v37, v29;
	v5 =	vsub.f32 $1.500000000e+00, v6;
	[tilespmem:s8+$0x4080] =	vst v1;
	v1 =	vadd.f32 v2, v33  }
0x2f4: {  	s3 =	sadd.f32 $9.999999960e-13, s24;
	s13 =	sor.u32 $0x380, s13;
	v7 =	vmov s29;
	v6 =	vmov s23;
	[tilespmem:s8+$0x4100] =	vst v0;
	v0 =	vmul.f32 v4, v3  }
0x2f5: {  	s16 =	sor.u32 $0x380, s0;
	v12 =	vshra.s32 v6, $0x1;
	v6 =	vmul.f32 $5.000000000e-01, v6;
	v2 =	vmul.f32 v10, v5;
	v10 =	vld [tilespmem:s13+$0x3E80];
	[tilespmem:s8+$0x4180] =	vst v1  }
0x2f6: {  	v5 =	vmov s3;
	v12 =	vsub.s32 $0x5F3759DF, v12;
	v0 =	vsub.f32 $1.500000000e+00, v0;
	v11 =	vld [tilespmem:s16+$0x3E80]  }
0x2f7: {  	s31 =	sadd.f32 $9.999999960e-13, s25;
	v13 =	vshra.s32 v5, $0x1;
	v5 =	vmul.f32 $5.000000000e-01, v5;
	v9 =	vmul.f32 v2, v9  }
0x2f8: {  	s12 =	sadd.f32 $9.999999960e-13, s21;
	v13 =	vsub.s32 $0x5F3759DF, v13;
	v0 =	vmul.f32 v4, v0;
	v4 =	vmul.f32 v12, v6  }
0x2f9: {  	v3 =	vmov s31;
	v19 =	vmul.f32 v13, v5;
	v9 =	vmul.f32 v9, v2  }
0x2fa: {  	v1 =	vmov s12;
	v8 =	vmul.f32 v0, v8;
	v4 =	vmul.f32 v12, v4  }
0x2fb: {  	v10 =	vsub.f32 v10, v30;
	v19 =	vmul.f32 v13, v19;
	v11 =	vsub.f32 v11, v30  }
0x2fc: {  	v9 =	vsub.f32 $1.500000000e+00, v9;
	v8 =	vmul.f32 v8, v0;
	v4 =	vsub.f32 $1.500000000e+00, v4  }
0x2fd: {  	v10 =	vmul.f32 v10, v38;
	v11 =	vmul.f32 v11, v20;
	v20 =	vsub.f32 $1.500000000e+00, v19  }
0x2fe: {  	v19 =	vmul.f32 v9, v2;
	v2 =	vsub.f32 $1.500000000e+00, v8;
	v4 =	vmul.f32 v12, v4  }
0x2ff: {  	v9 =	vshra.s32 v7, $0x1;
	v7 =	vmul.f32 $5.000000000e-01, v7;
	v12 =	vshra.s32 v3, $0x1  }
0x300: {  	v3 =	vmul.f32 $5.000000000e-01, v3;
	v12 =	vsub.s32 $0x5F3759DF, v12;
	v8 =	vmul.f32 v13, v20  }
0x301: {  	v20 =	vmul.f32 v2, v0;
	v0 =	vmul.f32 v4, v6;
	v2 =	vsub.s32 $0x5F3759DF, v9  }
0x302: {  	v9 =	vshra.s32 v1, $0x1;
	v1 =	vmul.f32 $5.000000000e-01, v1;
	v13 =	vshra.s32 v21, $0x1  }
0x303: {  	v22 =	vmul.f32 v12, v3;
	v6 =	vmul.f32 v2, v7;
	v9 =	vsub.s32 $0x5F3759DF, v9  }
0x304: {  	v13 =	vsub.s32 $0x5F3759DF, v13;
	v5 =	vmul.f32 v8, v5;
	v21 =	vmul.f32 v9, v1  }
0x305: {  	s18 =	rddreg [dreg:$0x13];
	v10 =	vadd.f32 v10, v23;
	v25 =	vmul.f32 v13, v24;
	v0 =	vmul.f32 v0, v4  }
0x306: {  	[tilespmem:s22+$0x3E80] =	vst v18;
	s15 =	smul.u32 $0x60000, s18;
	v11 =	vadd.f32 v11, v33;
	v6 =	vmul.f32 v2, v6;
	v21 =	vmul.f32 v9, v21  }
0x307: {  	s19 =	rddreg [dreg:$0x8];
	v22 =	vmul.f32 v12, v22;
	v23 =	vmul.f32 v13, v25;
	v0 =	vsub.f32 $1.500000000e+00, v0  }
0x308: {  	s6 =	sadd.s32 s19, s15;
	v5 =	vmul.f32 v5, v8;
	v6 =	vsub.f32 $1.500000000e+00, v6;
	v25 =	vsub.f32 $1.500000000e+00, v21  }
0x309: {  	s21 =	simm.s32 $0x0;
	s12 =	rddreg [dreg:$0x6];
	s20 =	sshrl.u32 s6, $0x3;
	[tilespmem:s13+$0x3E80] =	vst v10;
	v18 =	vsub.f32 $1.500000000e+00, v22;
	v22 =	vsub.f32 $1.500000000e+00, v23;
	v29 =	vmul.f32 v0, v4  }
0x30a: {  	s29 =	simm.s32 $0x10C90;
	s22 =	simm.s32 $0x3E80;
	s0 =	sadd.s32 s12, s20;
	[tilespmem:s16+$0x3E80] =	vst v11;
	v5 =	vsub.f32 $1.500000000e+00, v5;
	v2 =	vmul.f32 v2, v6;
	v6 =	vmul.f32 v9, v25  }
0x30b: {  	v33 =	vmov s11;
	[hbm4b:s0+s21] =	stream.linear.scatter [tilespmem:s22], [sflag:$0x2], $0x1800, $0x38;
	v9 =	vmul.f32 v12, v18;
	v10 =	vmul.f32 v13, v22;
	[tilespmem:$0x10F80] =	vst v63  }
0x30c: {  	s24 =	sand.u32 $0x70, s21;
	s25 =	sand.u32 $0x1C00, s21;
	s23 =	simm.s32 $0x10C80;
	v61 =	vld [tilespmem:s29+$0x0];
	v21 =	vmov s28;
	v30 =	vmul.f32 v5, v8;
	v7 =	vmul.f32 v2, v7  }
0x30d: {  	v18 =	vmov s1;
	v12 =	vld [tilespmem:s23+$0x0];
	s1 =	sor.u32 s24, s25;
	v1 =	vmul.f32 v6, v1;
	v3 =	vmul.f32 v9, v3  }
0x30e: {  	v23 =	vmov s30;
	v13 =	vld [tilespmem:s1+$0x5A00];
	v11 =	vmul.f32 v10, v24;
	v7 =	vmul.f32 v7, v2  }
0x30f: {  	v22 =	vmov s4;
	v4 =	vld [tilespmem:s1+$0x5680];
	v1 =	vmul.f32 v1, v6;
	v3 =	vmul.f32 v3, v9  }
0x310: {  	v25 =	vmov s9;
	v8 =	vld [tilespmem:s1+$0x5880];
	v11 =	vmul.f32 v11, v10;
	v0 =	vsub.f32 $1.500000000e+00, v7  }
0x311: {  	v63 =	vmul.f32 v61, v20;
	v7 =	vld [tilespmem:s1+$0x5700];
	v1 =	vsub.f32 $1.500000000e+00, v1;
	v3 =	vsub.f32 $1.500000000e+00, v3  }
0x312: {  	v5 =	vsub.f32 $1.500000000e+00, v11;
	v31 =	vmul.f32 v0, v2;
	v0 =	vld [tilespmem:s1+$0x5780];
	v2 =	vmul.f32 v12, v20  }
0x313: {  	v24 =	vmov s10;
	v11 =	vld [tilespmem:s1+$0x5900];
	v28 =	vmul.f32 v1, v6;
	v27 =	vmul.f32 v3, v9  }
0x314: {  	v4 =	vsub.f32 v4, v21;
	v32 =	vmul.f32 v5, v10;
	v1 =	vmul.f32 v12, v19;
	v3 =	vld [tilespmem:s1+$0x5800]  }
0x315: {  	v35 =	vld [tilespmem:s21+$0x0];
	v5 =	vmul.f32 v12, v29;
	v9 =	vsub.f32 v13, v33;
	v10 =	vmul.f32 v12, v30  }
0x316: {  	s28 =	simm.s32 $0x80;
	s4 =	simm.s32 $0x10;
	v13 =	vmul.f32 v12, v31;
	v6 =	vmul.f32 v12, v32;
	v7 =	vsub.f32 v7, v23  }
0x317: {  	s0 =	sand.u32 $0x1C00, s28;
	s30 =	sand.u32 $0x70, s4;
	v60 =	vmul.f32 v12, v28;
	v1 =	vmul.f32 v4, v1;
	v0 =	vsub.f32 v0, v22  }
0x318: {  	s2 =	sor.u32 s30, s0;
	v4 =	vld [tilespmem:s1+$0x5980];
	v6 =	vmul.f32 v9, v6;
	v2 =	vmul.f32 v7, v2;
	v7 =	vsub.f32 v8, v26  }
0x319: {  	v9 =	vsub.f32 v11, v25;
	v3 =	vsub.f32 v3, v18;
	v0 =	vmul.f32 v0, v5;
	v5 =	vld [tilespmem:s2+$0x5A00]  }
0x31a: {  	v12 =	vmul.f32 v12, v27;
	v1 =	vadd.f32 v1, v35;
	v8 =	vld [tilespmem:s2+$0x5680];
	v7 =	vmul.f32 v7, v13  }
0x31b: {  	v6 =	vadd.f32 v6, v35;
	v36 =	vmul.f32 v9, v60;
	v3 =	vmul.f32 v3, v10;
	v10 =	vld [tilespmem:s2+$0x5700]  }
0x31c: {  	v2 =	vadd.f32 v2, v35;
	v13 =	vld [tilespmem:s2+$0x5780];
	v9 =	vmul.f32 v61, v19;
	[tilespmem:s1+$0x5680] =	vst v1;
	v1 =	vmul.f32 v61, v32  }
0x31d: {  	v34 =	vld [tilespmem:s4+$0x0];
	v11 =	vsub.f32 v4, v24;
	v4 =	vmul.f32 v61, v29;
	v0 =	vadd.f32 v0, v35  }
0x31e: {  	v40 =	vadd.f32 v7, v35;
	[tilespmem:s1+$0x5700] =	vst v2;
	v2 =	vmul.f32 v61, v31;
	v7 =	vsub.f32 v5, v33;
	v5 =	vld [tilespmem:s2+$0x5800]  }
0x31f: {  	[tilespmem:s1+$0x5A00] =	vst v6;
	v6 =	vld [tilespmem:s2+$0x5880];
	v62 =	vadd.f32 v3, v35;
	v8 =	vsub.f32 v8, v21;
	v3 =	vmul.f32 v61, v30  }
0x320: {  	s31 =	simm.s32 $0x20;
	v37 =	vmul.f32 v11, v12;
	[tilespmem:s1+$0x5780] =	vst v0;
	v10 =	vsub.f32 v10, v23;
	v41 =	vmul.f32 v7, v1;
	v7 =	vld [tilespmem:s2+$0x5900]  }
0x321: {  	s3 =	simm.s32 $0x100;
	s7 =	sand.u32 $0x70, s31;
	v0 =	vmul.f32 v61, v27;
	[tilespmem:s1+$0x5880] =	vst v40;
	v9 =	vmul.f32 v8, v9;
	v38 =	vsub.f32 v13, v22;
	v8 =	vld [tilespmem:s2+$0x5980]  }
0x322: {  	s8 =	sand.u32 $0x1C00, s3;
	s6 =	simm.s32 $0x30;
	s0 =	simm.s32 $0x10CA0;
	[tilespmem:s1+$0x5800] =	vst v62;
	v1 =	vmul.f32 v61, v28;
	v40 =	vmul.f32 v10, v63;
	v39 =	vadd.f32 v41, v34  }
.LBB2_19:
0x323: {  	p0 =	sne.s32 s6, $0x2F0;
	v10 =	vld [tilespmem:s0+$0x0];
	s7 =	sor.u32 s7, s8;
	v9 =	vadd.f32 v9, v34;
	v4 =	vmul.f32 v38, v4;
	v5 =	vsub.f32 v5, v18;
	v11 =	vmovc v0  }
0x324: {  	v0 =	vld [tilespmem:s7+$0x5A00];
	v12 =	vadd.f32 v40, v34;
	v6 =	vsub.f32 v6, v26;
	[tilespmem:s2+$0x5A00] =	vst v39  }
0x325: {  	v13 =	vld [tilespmem:s7+$0x5680];
	[tilespmem:s2+$0x5680] =	vst v9;
	v4 =	vadd.f32 v4, v34;
	v3 =	vmul.f32 v5, v3;
	v5 =	vsub.f32 v7, v25  }
0x326: {  	v7 =	vld [tilespmem:s7+$0x5700];
	[tilespmem:s2+$0x5700] =	vst v12;
	v2 =	vmul.f32 v6, v2;
	v12 =	vsub.f32 v8, v24;
	v6 =	vadd.f32 v36, v35  }
0x327: {  	s4 =	sadd.s32 $0x10, s4;
	v9 =	vadd.f32 v37, v35;
	v8 =	vld [tilespmem:s7+$0x5780];
	[tilespmem:s2+$0x5780] =	vst v4;
	v3 =	vadd.f32 v3, v34;
	v36 =	vmul.f32 v5, v1  }
0x328: {  	v41 =	vld [tilespmem:s4+$0x0];
	v35 =	vmul.f32 v10, v19;
	v37 =	vmul.f32 v10, v20;
	v1 =	vadd.f32 v2, v34;
	[tilespmem:s1+$0x5900] =	vst v6  }
.Ltmp8:
0x329: {  	v4 =	vmul.f32 v10, v29;
	v38 =	vmul.f32 v10, v32;
	v5 =	vld [tilespmem:s7+$0x5800];
	v0 =	vsub.f32 v0, v33;
	[tilespmem:s2+$0x5800] =	vst v3;
	(pc) =	sbr.rel @p0 .LBB2_19-.Ltmp8, $4  }
0x32a: {  	v2 =	vmul.f32 v10, v31;
	v3 =	vmul.f32 v10, v30;
	v13 =	vsub.f32 v13, v21;
	v6 =	vld [tilespmem:s7+$0x5880];
	[tilespmem:s2+$0x5880] =	vst v1  }
0x32b: {  	v1 =	vmul.f32 v10, v28;
	v39 =	vsub.f32 v7, v23;
	v7 =	vld [tilespmem:s7+$0x5900];
	v42 =	vmul.f32 v0, v38;
	[tilespmem:s1+$0x5980] =	vst v9;
	s1 =	smov.u32 s2;
	s2 =	smov.u32 s7  }
0x32c: {  	s3 =	sadd.s32 $0x80, s3;
	s0 =	sadd.s32 $0x10, s0;
	v0 =	vmul.f32 v10, v27;
	v9 =	vmul.f32 v13, v35;
	v38 =	vsub.f32 v8, v22;
	v8 =	vld [tilespmem:s2+$0x5980];
	v35 =	vmovc v34  }
0x32d: {  	s8 =	sand.u32 $0x1C00, s3;
	s7 =	sand.u32 $0x70, s6;
	s6 =	sadd.s32 $0x10, s6;
	v40 =	vmul.f32 v39, v37;
	v39 =	vadd.f32 v42, v41;
	v37 =	vmul.f32 v12, v11;
	v34 =	vmovc v41  }
0x32e: {  	v10 =	vld [tilespmem:s0+$0x0];
	s28 =	sor.u32 s7, s8;
	v9 =	vadd.f32 v9, v34  }
0x32f: {  	v5 =	vsub.f32 v5, v18;
	v42 =	vadd.f32 v36, v35;
	v11 =	vld [tilespmem:s28+$0x5A00]  }
0x330: {  	v4 =	vmul.f32 v38, v4;
	v12 =	vadd.f32 v40, v34;
	v6 =	vsub.f32 v6, v26;
	v13 =	vld [tilespmem:s28+$0x5680]  }
0x331: {  	v40 =	vld [tilespmem:s28+$0x5700];
	[tilespmem:s2+$0x5A00] =	vst v39;
	v44 =	vadd.f32 v37, v35;
	v3 =	vmul.f32 v5, v3;
	v63 =	vsub.f32 v7, v25  }
0x332: {  	s3 =	sadd.s32 $0x10, s4;
	v43 =	vld [tilespmem:s28+$0x5780];
	v4 =	vadd.f32 v4, v34;
	[tilespmem:s2+$0x5680] =	vst v9;
	v2 =	vmul.f32 v6, v2;
	v41 =	vsub.f32 v8, v24  }
0x333: {  	v45 =	vld [tilespmem:s3+$0x0];
	[tilespmem:s2+$0x5700] =	vst v12;
	v3 =	vadd.f32 v3, v34;
	v1 =	vmul.f32 v63, v1;
	v12 =	vmul.f32 v10, v19  }
0x334: {  	[tilespmem:s1+$0x5900] =	vst v42;
	v19 =	vld [tilespmem:s28+$0x5800];
	v32 =	vmul.f32 v10, v32;
	v46 =	vmul.f32 v10, v20;
	v2 =	vadd.f32 v2, v34  }
0x335: {  	v47 =	vld [tilespmem:s28+$0x5880];
	[tilespmem:s1+$0x5980] =	vst v44;
	v48 =	vmul.f32 v10, v29;
	v49 =	vmul.f32 v10, v30;
	v11 =	vsub.f32 v11, v33  }
0x336: {  	[tilespmem:s2+$0x5780] =	vst v4;
	v51 =	vmul.f32 v10, v31;
	v0 =	vmul.f32 v41, v0;
	v13 =	vsub.f32 v13, v21  }
0x337: {  	v7 =	vsub.f32 v40, v23;
	[tilespmem:s2+$0x5800] =	vst v3;
	v1 =	vadd.f32 v1, v34;
	v11 =	vmul.f32 v11, v32  }
0x338: {  	v50 =	vld [tilespmem:s28+$0x5900];
	[tilespmem:s2+$0x5880] =	vst v2;
	v0 =	vadd.f32 v0, v34;
	v12 =	vmul.f32 v13, v12;
	v13 =	vsub.f32 v43, v22  }
0x339: {  	v52 =	vld [tilespmem:s28+$0x5980];
	v4 =	vmul.f32 v7, v46;
	[tilespmem:s2+$0x5900] =	vst v1;
	v53 =	vadd.f32 v11, v45;
	v55 =	vsub.f32 v19, v18  }
0x33a: {  	[tilespmem:s2+$0x5980] =	vst v0;
	v54 =	vadd.f32 v12, v45;
	v8 =	vmul.f32 v13, v48;
	v13 =	vsub.f32 v47, v26  }
0x33b: {  	v4 =	vadd.f32 v4, v45;
	[tilespmem:s28+$0x5A00] =	vst v53;
	v3 =	vmul.f32 v55, v49  }
0x33c: {  	[tilespmem:s28+$0x5680] =	vst v54;
	v57 =	vadd.f32 v8, v45;
	v59 =	vmul.f32 v13, v51  }
0x33d: {  	v58 =	vsub.f32 v50, v25;
	v12 =	vmul.f32 v10, v28;
	[tilespmem:s28+$0x5700] =	vst v4;
	v3 =	vadd.f32 v3, v45  }
0x33e: {  	v56 =	vmul.f32 v10, v27;
	v2 =	vsub.f32 v52, v24;
	[tilespmem:s28+$0x5780] =	vst v57;
	v4 =	vadd.f32 v59, v45  }
0x33f: {  	s26 =	sadd.s32 $0x1, s26;
	v60 =	vmul.f32 v58, v12;
	[tilespmem:s28+$0x5800] =	vst v3  }
0x340: {  	p0 =	sne.s32 s26, $0x40;
	v61 =	vmul.f32 v2, v56;
	[tilespmem:s28+$0x5880] =	vst v4  }
.Ltmp9:
0x341: {  	v62 =	vadd.f32 v60, v45;
	s1 =	rddreg [dreg:$0xe];
	(pc) =	sbr.rel @p0 .LBB2_4-.Ltmp9, $4  }
0x342: {  	v63 =	vadd.f32 v61, v45;
	s1 =	sadd.s32 s1, s15  }
0x343: {  	s30 =	simm.s32 $0x0;
	[tilespmem:s28+$0x5900] =	vst v62;
	s1 =	sshrl.u32 s1, $0x3  }
0x344: {  	s31 =	simm.s32 $0x5680;
	s10 =	simm.s32 $0x3;
	[tilespmem:s28+$0x5980] =	vst v63;
	s29 =	sadd.s32 s12, s1  }
0x345: {  	[hbm4b:s29+s30] =	stream.linear.scatter [tilespmem:s31], [sflag:$0x2], $0x1800, $0x38;
	[tilespmem:$0x10F80] =	vst v63  }
0x346: {  	s0 =	simm.s32 $0x1  }
0x347: {  	_ =	swait.ge [sflag:s0], $0x3000  }
0x348: {  	[sflag:s0] =	ssyncset.done $0x0  }
0x349: {  	s1 =	simm.s32 $0x2;
	[sflag:s0] =	ssyncadd.s32 $0xFFFFD000  }
0x34a: {  	_ =	swait.ge [sflag:s1], $0x3000  }
0x34b: {  	s2 =	rddreg [dreg:$0x10]  }
0x34c: {  	s31 =	rddreg [dreg:$0xf];
	s2 =	sadd.s32 $0x1, s2  }
0x34d: {  	p0 =	sne.s32 s2, s31  }
.Ltmp10:
0x34e: {  	_ = 	snop;
	(pc) =	sbr.rel @p0 .LBB2_1-.Ltmp10, $3  }
0x34f: {  	_ =	sdelay $0x1  }
0x350: {  	[sflag:s1] =	ssyncset.done $0x0  }
0x351: {  	[sflag:s1] =	ssyncadd.s32 $0xFFFFD000  }
0x352: {  	_ =	sfence.sel $0x180000  }
0x353: {  	[bflag:$0x0] =	sbarrier.arrive $0xFFFF  }
0x354: {  	_ =	strace $0x90000047  }
0x355: {  	s0 =	stileid.u32;
	[bflag:$0x2] =	sbarrier.arrive $0xFFFF  }
0x356: {  	p0 =	sne.s32 s0, $0x0;
	s0 =	rddreg [dreg:$0x7]  }
0x357: {  	s0 =	sadd.s32 @!p0 $0x100000, s0  }
0x358: {  	[sflag:s0] =	ssyncadd.tile.s32 @!p0 $0x1;
	_ =	shalt  }
.Lfunc_end2:
_tile_overlayer_lowered:
.L_overlay_start_2:
0x359: {  	(tag) =	ssettag $0x2  }
0x35a: {  	s0 =	rddreg [dreg:$0x0];
	s2 =	stileid.u32  }
0x35b: {  	s1 =	rddreg [dreg:$0x1];
	p0 =	sne.s32 s2, $0x0  }
0x35c: {  	s3 =	rddreg [dreg:$0x2];
	[bflag:$0x3] =	sbarrier.arrive $0xFFFF;
	s2 =	simm.s32 @!p0 $0x1C05  }
0x35d: {  	[timem:s3], [sflag:s2] =	dma.local @!p0 [hbm:s0], s1  }
0x35e: {  	s0 =	simm.s32 @!p0 $0x5  }
0x35f: {  	_ =	swait.ge @!p0 [sflag:s0], s1  }
0x360: {  	s1 =	ssub.s32 @!p0 $0x0, s1;
	[sflag:s0] =	ssyncset.done @!p0 $0x0  }
0x361: {  	[sflag:s0] =	ssyncadd.s32 @!p0 s1  }
0x362: {  	[bflag:$0x3] =	sbarrier.arrive $0xFFFF  }
0x363: {  	_ =	shalt  }

</sc_bundles>
